<compile_context>
chip_gen: v7x
topology: tpu7x:2x2x1
jax: 0.10.2.dev20260603
libtpu: 0.0.44.dev20260713+nightly
codegen_flags: <defaults>
</compile_context>

<pallas_src>
import jax
import jax.numpy as jnp
from jax import lax
from jax.experimental import pallas as pl
from jax.experimental.pallas import tpu as pltpu
from jax.experimental.pallas import tpu_sc as plsc

N = 100000
E = 3200000
C = 10
PW = 16
NC, NS = 2, 16
NW = NC * NS

GSZ = 128
NG = E // GSZ
CG = 4
CE = CG * GSZ
NP = NG // (2 * CG)
BASE_P = NP // NW
EXTRA_P = NP % NW
QMAX = ((BASE_P + 1) * 2) // 4

ZBLK = (N // 8) // NS
ZEXTRA = (N // 8) % NS

GRP = N // 16
BASE_R = GRP // NW
EXTRA_R = GRP % NW
CGR = 40
FULL2 = BASE_R // CGR
TAIL2 = BASE_R - FULL2 * CGR

_mesh = plsc.VectorSubcoreMesh(
    core_axis_name="c", subcore_axis_name="s", num_cores=NC, num_subcores=NS
)
_params = pltpu.CompilerParams(
    needs_layout_passes=False,
    use_tc_tiling_on_sc=False,
)


def _scatter_body(
    vt_hbm, w_hbm, src_hbm, part_hbm,
    idx0, idx1, vt0, vt1, w0, w1, val_v,
    table,
    sidx0, sidx1, sin0, sin1, sout,
):
    idx_v = [idx0, idx1]
    vt_v = [vt0, vt1]
    w_v = [w0, w1]
    sidx = [sidx0, sidx1]
    sin = [sin0, sin1]

    cid = lax.axis_index("c")
    sid = lax.axis_index("s")
    wid = sid * NC + cid
    iota = lax.iota(jnp.int32, 16)
    cols = [jnp.full((16,), j, jnp.int32) for j in range(C + 1)]
    zeros16 = jnp.zeros((16,), jnp.float32)

    def _zero_row(i, carry):
        val_v[i, :] = zeros16
        return carry

    lax.fori_loop(0, CE, _zero_row, 0)

    r0 = (ZBLK * sid + jnp.minimum(sid, ZEXTRA)) * 8
    zrows = ZBLK * 8
    zfull = zrows // CE
    zrem = zrows - zfull * CE
    for t in range(zfull):
        pltpu.sync_copy(val_v, table.at[pl.ds(r0 + t * CE, CE)])
    pltpu.sync_copy(
        val_v.at[pl.ds(0, zrem)], table.at[pl.ds(r0 + zfull * CE, zrem)]
    )

    @pl.when(sid < ZEXTRA)
    def _():
        pltpu.sync_copy(val_v.at[pl.ds(0, 8)], table.at[pl.ds(r0 + zrows, 8)])

    plsc.subcore_barrier()

    my_p = BASE_P + jnp.where(wid < EXTRA_P, 1, 0)
    my_n = 2 * my_p
    ch0 = (BASE_P * wid + jnp.minimum(wid, EXTRA_P)) * 2

    def start_vt(cc, b):
        eb = (ch0 + cc) * CE
        pltpu.async_copy(vt_hbm.at[:, pl.ds(eb, CE)], vt_v[b], sin[b])
        pltpu.async_copy(w_hbm.at[pl.ds(eb, CE)], w_v[b], sin[b])

    def drain_vt(cc, b):
        eb = (ch0 + cc) * CE
        pltpu.make_async_copy(
            vt_hbm.at[:, pl.ds(eb, CE)], vt_v[b], sin[b]
        ).wait()
        pltpu.make_async_copy(
            w_hbm.at[pl.ds(eb, CE)], w_v[b], sin[b]
        ).wait()

    def start_idx(p, pb):
        gp = ch0 * CG + p * 2 * CG
        pltpu.async_copy(src_hbm.at[pl.ds(gp, 2 * CG)], idx_v[pb], sidx[pb])

    def drain_idx(p, pb):
        gp = ch0 * CG + p * 2 * CG
        pltpu.make_async_copy(
            src_hbm.at[pl.ds(gp, 2 * CG)], idx_v[pb], sidx[pb]
        ).wait()

    def drain_out():
        pltpu.make_async_copy(
            part_hbm.at[0, pl.ds(0, CE)], val_v, sout
        ).wait()

    def compute(b):
        def body(k, row_idx):
            wv = w_v[b][pl.ds(k * 16, 16)]
            for j in range(C):
                v = vt_v[b][j, pl.ds(k * 16, 16)]
                plsc.store_scatter(val_v, [row_idx, cols[j]], v * wv)
            plsc.store_scatter(val_v, [row_idx, cols[C]], wv)
            return row_idx + 16

        lax.fori_loop(0, CE // 16, body, iota)

    def scatter(pb, half):
        for j in range(CG):
            pltpu.async_copy(
                val_v.at[pl.ds(j * GSZ, GSZ)],
                table.at[idx_v[pb].at[half * CG + j]],
                sout,
                add=True,
            )

    start_idx(0, 0)
    start_vt(0, 0)

    def qbody(q, carry):
        for k in range(4):
            cc = 4 * q + k
            b = k & 1
            p = 2 * q + (k >> 1)
            pb = (k >> 1) & 1

            @pl.when(cc < my_n)
            def _(k=k, cc=cc, b=b, p=p, pb=pb):
                if k % 2 == 0:
                    drain_idx(p, pb)

                if k % 2 == 1:
                    @pl.when(cc + 1 < my_n)
                    def _():
                        start_idx(p + 1, 1 - pb)

                drain_vt(cc, b)

                @pl.when(cc + 1 < my_n)
                def _():
                    start_vt(cc + 1, 1 - b)

                @pl.when(cc >= 1)
                def _():
                    drain_out()

                compute(b)
                scatter(pb, k & 1)
        return carry

    lax.fori_loop(0, QMAX, qbody, 0)

    drain_out()

    plsc.subcore_barrier()

    def dump(rbase, nrows):
        pltpu.sync_copy(
            table.at[pl.ds(rbase, nrows)], val_v.at[pl.ds(0, nrows)]
        )
        pltpu.sync_copy(
            val_v.at[pl.ds(0, nrows)], part_hbm.at[cid, pl.ds(rbase, nrows)]
        )

    for t in range(zfull):
        dump(r0 + t * CE, CE)
    dump(r0 + zfull * CE, zrem)

    @pl.when(sid < ZEXTRA)
    def _():
        dump(r0 + zrows, 8)


_scatter = pl.kernel(
    _scatter_body,
    out_type=jax.ShapeDtypeStruct((NC, N, PW), jnp.float32),
    mesh=_mesh,
    compiler_params=_params,
    scratch_types=[
        pltpu.VMEM((2 * CG, GSZ), jnp.int32),
        pltpu.VMEM((2 * CG, GSZ), jnp.int32),
        pltpu.VMEM((C, CE), jnp.float32),
        pltpu.VMEM((C, CE), jnp.float32),
        pltpu.VMEM((CE,), jnp.float32),
        pltpu.VMEM((CE,), jnp.float32),
        pltpu.VMEM((CE, PW), jnp.float32),
        pltpu.VMEM_SHARED((N, PW), jnp.float32),
        pltpu.SemaphoreType.DMA,
        pltpu.SemaphoreType.DMA,
        pltpu.SemaphoreType.DMA,
        pltpu.SemaphoreType.DMA,
        pltpu.SemaphoreType.DMA,
    ],
)


def _finish_body(part_hbm, out_hbm, p0_v, p1_v, o_v):
    cid = lax.axis_index("c")
    sid = lax.axis_index("s")
    wid = sid * NC + cid
    iota = lax.iota(jnp.int32, 16)
    cols = [jnp.full((16,), j, jnp.int32) for j in range(C + 1)]

    gr0 = BASE_R * wid + jnp.minimum(wid, EXTRA_R)

    def process(grb, ng):
        rb = grb * 16
        nr = ng * 16
        pltpu.sync_copy(part_hbm.at[0, pl.ds(rb, nr)], p0_v.at[pl.ds(0, nr)])
        pltpu.sync_copy(part_hbm.at[1, pl.ds(rb, nr)], p1_v.at[pl.ds(0, nr)])

        def gbody(g, row_idx):
            den = jnp.maximum(
                plsc.load_gather(p0_v, [row_idx, cols[C]])
                + plsc.load_gather(p1_v, [row_idx, cols[C]]),
                1e-12,
            )
            for j in range(C):
                s = plsc.load_gather(p0_v, [row_idx, cols[j]]) + plsc.load_gather(
                    p1_v, [row_idx, cols[j]]
                )
                plsc.store_scatter(o_v, [row_idx, cols[j]], s / den)
            return row_idx + 16

        lax.fori_loop(0, ng, gbody, iota)
        pltpu.sync_copy(o_v.at[pl.ds(0, nr)], out_hbm.at[pl.ds(rb, nr)])

    def chunk(cc, carry):
        process(gr0 + cc * CGR, CGR)
        return carry

    lax.fori_loop(0, FULL2, chunk, 0)
    process(gr0 + FULL2 * CGR, TAIL2)

    @pl.when(wid < EXTRA_R)
    def _():
        process(gr0 + BASE_R, 1)


_finish = pl.kernel(
    _finish_body,
    out_type=jax.ShapeDtypeStruct((N, PW), jnp.float32),
    mesh=_mesh,
    compiler_params=_params,
    scratch_types=[
        pltpu.VMEM((CGR * 16, PW), jnp.float32),
        pltpu.VMEM((CGR * 16, PW), jnp.float32),
        pltpu.VMEM((CGR * 16, PW), jnp.float32),
    ],
)


def kernel(poss_edge, weights, edges):
    pet = poss_edge.T
    src2d = edges[:, 0].reshape(NG, GSZ)
    pet, src2d, weights = lax.optimization_barrier((pet, src2d, weights))
    part = _scatter(pet, weights, src2d)
    out = _finish(part)
    return out[:, :C], poss_edge

# --- scband reference (transcript-rebuilt; emitter-appended) ---
"""Pipeline reference for scband-basic-model-37031208026271 (READ-ONLY COPY).

The authoritative reference and input builder live on the scoring server;
editing this copy changes nothing except your own understanding.
"""

import jax, jax.numpy as jnp
import numpy as np

N_NODES = 100000
NUM_CLASS = 9
N_EDGES = 3200000


def setup_inputs(seed: int = 0) -> dict:
    key = jax.random.key(seed)
    k1, k2, k3 = jax.random.split(key, 3)
    # edges: [E, 2] int, values in [0, N_NODES)
    edges = jax.random.randint(k1, (N_EDGES, 2), 0, N_NODES, dtype=jnp.int32)
    # per-edge weights (G.edges_tensor() weights)
    weights = jax.random.uniform(k2, (N_EDGES,), dtype=jnp.float32)
    # poss_edge: output of the (abstract) predict_edges(src, dst) -> [E, num_class+1]
    poss_edge = jax.random.uniform(k3, (N_EDGES, NUM_CLASS + 1), dtype=jnp.float32)
    return {"poss_edge": poss_edge, "weights": weights, "edges": edges}


def reference(poss_edge, weights, edges):
    # value = poss_edge * weights.unsqueeze(1)
    src = edges[:, 0]
    value = poss_edge * weights[:, None]
    # poss_node.scatter_add_(0, index, value) with index = src broadcast over columns
    poss_node = jax.ops.segment_sum(value, src, num_segments=N_NODES)
    # poss_node /= G.neighbours_sum()  (per-node sum of incident edge weights)
    neigh = jax.ops.segment_sum(weights, src, num_segments=N_NODES)
    poss_node = poss_node / jnp.maximum(neigh, 1e-12)[:, None]
    return (poss_node, poss_edge)

if __name__ == "__main__":
    import jax
    _d = setup_inputs()
    print(jax.jit(kernel)(*tuple(_d.values())))

</pallas_src>

<mosaic_0001>
#map = affine_map<(d0, d1) -> (0, 0)>
#map1 = affine_map<(d0, d1) -> (0)>
#map2 = affine_map<(d0, d1) -> (0, 0, 0)>
module attributes {stable_mosaic.version = 14 : i64} {
  func.func @_scatter_body(%arg0: i32, %arg1: i32, %arg2: memref<10x3200000xf32, #tpu.memory_space<hbm>>, %arg3: memref<3200000xf32, #tpu.memory_space<hbm>>, %arg4: memref<25000x128xi32, #tpu.memory_space<hbm>>, %arg5: memref<2x100000x16xf32, #tpu.memory_space<hbm>>, %arg6: memref<8x128xi32, #tpu.memory_space<vmem>>, %arg7: memref<8x128xi32, #tpu.memory_space<vmem>>, %arg8: memref<10x512xf32, #tpu.memory_space<vmem>>, %arg9: memref<10x512xf32, #tpu.memory_space<vmem>>, %arg10: memref<512xf32, #tpu.memory_space<vmem>>, %arg11: memref<512xf32, #tpu.memory_space<vmem>>, %arg12: memref<512x16xf32, #tpu.memory_space<vmem>>, %arg13: memref<100000x16xf32, #tpu.memory_space<vmem_shared>>, %arg14: memref<!tpu.dma_semaphore, #tpu.memory_space<semaphore_mem>>, %arg15: memref<!tpu.dma_semaphore, #tpu.memory_space<semaphore_mem>>, %arg16: memref<!tpu.dma_semaphore, #tpu.memory_space<semaphore_mem>>, %arg17: memref<!tpu.dma_semaphore, #tpu.memory_space<semaphore_mem>>, %arg18: memref<!tpu.dma_semaphore, #tpu.memory_space<semaphore_mem>>) attributes {dimension_semantics = [#tpu.dimension_semantics<core_parallel>, #tpu.dimension_semantics<subcore_parallel>], iteration_bounds = array<i64: 2, 16>, scalar_prefetch = 0 : i64, scratch_operands = 13 : i64, tpu.core_type = #tpu.core_type<sc_vector_subcore>, window_params = [{transform_indices = #map}, {transform_indices = #map1}, {transform_indices = #map}, {transform_indices = #map2}]} {
    %mul3A = arith.constant 2 : i32
    %mul3A_0 = arith.muli %arg1, %mul3A : i32
    %add3A = arith.addi %mul3A_0, %arg0 : i32
    %iota3A = tpu.iota {dimensions = array<i32: 0>} : vector<16xi32>
    %broadcast_in_dim3A = arith.constant 0 : i32
    %broadcast_in_dim3A_1 = vector.broadcast %broadcast_in_dim3A : i32 to vector<16xi32>
    %broadcast_in_dim3A_2 = arith.constant 1 : i32
    %broadcast_in_dim3A_3 = vector.broadcast %broadcast_in_dim3A_2 : i32 to vector<16xi32>
    %broadcast_in_dim3A_4 = arith.constant 2 : i32
    %broadcast_in_dim3A_5 = vector.broadcast %broadcast_in_dim3A_4 : i32 to vector<16xi32>
    %broadcast_in_dim3A_6 = arith.constant 3 : i32
    %broadcast_in_dim3A_7 = vector.broadcast %broadcast_in_dim3A_6 : i32 to vector<16xi32>
    %broadcast_in_dim3A_8 = arith.constant 4 : i32
    %broadcast_in_dim3A_9 = vector.broadcast %broadcast_in_dim3A_8 : i32 to vector<16xi32>
    %broadcast_in_dim3A_10 = arith.constant 5 : i32
    %broadcast_in_dim3A_11 = vector.broadcast %broadcast_in_dim3A_10 : i32 to vector<16xi32>
    %broadcast_in_dim3A_12 = arith.constant 6 : i32
    %broadcast_in_dim3A_13 = vector.broadcast %broadcast_in_dim3A_12 : i32 to vector<16xi32>
    %broadcast_in_dim3A_14 = arith.constant 7 : i32
    %broadcast_in_dim3A_15 = vector.broadcast %broadcast_in_dim3A_14 : i32 to vector<16xi32>
    %broadcast_in_dim3A_16 = arith.constant 8 : i32
    %broadcast_in_dim3A_17 = vector.broadcast %broadcast_in_dim3A_16 : i32 to vector<16xi32>
    %broadcast_in_dim3A_18 = arith.constant 9 : i32
    %broadcast_in_dim3A_19 = vector.broadcast %broadcast_in_dim3A_18 : i32 to vector<16xi32>
    %broadcast_in_dim3A_20 = arith.constant 10 : i32
    %broadcast_in_dim3A_21 = vector.broadcast %broadcast_in_dim3A_20 : i32 to vector<16xi32>
    %broadcast_in_dim3A_22 = arith.constant 0.000000e+00 : f32
    %broadcast_in_dim3A_23 = vector.broadcast %broadcast_in_dim3A_22 : f32 to vector<16xf32>
    %scan3A = arith.constant 0 : i32
    %scan3A_24 = arith.constant 0 : i32
    %scan3A_25 = arith.constant 512 : i32
    %scan3A_26 = arith.addi %scan3A_24, %scan3A_25 : i32
    %scan3A_27 = arith.constant 1 : i32
    scf.for %scan3A_140 = %scan3A_24 to %scan3A_26 step %scan3A_27  : i32 {
      %swap3A = arith.index_cast %scan3A_140 : i32 to index
      %swap3A_141 = arith.constant 0 : index
      %swap3A_142 = tpu.vector_load %arg12[%swap3A, %swap3A_141] {strides = array<i32>} : memref<512x16xf32, #tpu.memory_space<vmem>>, vector<16xf32>,
      tpu.vector_store %arg12[%swap3A, %swap3A_141], %broadcast_in_dim3A_23 {strides = array<i32>} : memref<512x16xf32, #tpu.memory_space<vmem>>, vector<16xf32>,
    }
    %scan3A_28 = arith.constant 512 : i32
    %mul3A_29 = arith.constant 781 : i32
    %mul3A_30 = arith.muli %mul3A_29, %arg1 : i32
    %min3A = arith.constant 4 : i32
    %min3A_31 = arith.minsi %arg1, %min3A : i32
    %add3A_32 = arith.addi %mul3A_30, %min3A_31 : i32
    %mul3A_33 = arith.constant 8 : i32
    %mul3A_34 = arith.muli %add3A_32, %mul3A_33 : i32
    %add3A_35 = arith.constant 0 : i32
    %add3A_36 = arith.addi %mul3A_34, %add3A_35 : i32
    "tpu.region"() ({
      %run_scoped3A = tpu.sem_alloc : memref<!tpu.dma_semaphore, #tpu.memory_space<semaphore_mem>>
      %dma_start3A_140 = arith.constant 0 : i32
      %dma_start3A_141 = tpu.memref_slice %arg13[%add3A_36, %dma_start3A_140] : memref<100000x16xf32, #tpu.memory_space<vmem_shared>> -> memref<512x16xf32, #tpu.memory_space<vmem_shared>>
      %dma_start3A_142 = arith.constant 0 : i32
      %dma_start3A_143 = tpu.memref_slice %arg13[%add3A_36, %dma_start3A_142] : memref<100000x16xf32, #tpu.memory_space<vmem_shared>> -> memref<512x16xf32, #tpu.memory_space<vmem_shared>>
      tpu.enqueue_dma source(%arg12 : memref<512x16xf32, #tpu.memory_space<vmem>>) target(%dma_start3A_143 : memref<512x16xf32, #tpu.memory_space<vmem_shared>>) target_semaphore(%run_scoped3A : memref<!tpu.dma_semaphore, #tpu.memory_space<semaphore_mem>>)
      %dma_wait3A_144 = arith.constant 0 : i32
      %dma_wait3A_145 = tpu.memref_slice %arg13[%add3A_36, %dma_wait3A_144] : memref<100000x16xf32, #tpu.memory_space<vmem_shared>> -> memref<512x16xf32, #tpu.memory_space<vmem_shared>>
      %dma_wait3A_146 = arith.constant 0 : i32
      %dma_wait3A_147 = tpu.memref_slice %arg13[%add3A_36, %dma_wait3A_146] : memref<100000x16xf32, #tpu.memory_space<vmem_shared>> -> memref<512x16xf32, #tpu.memory_space<vmem_shared>>
      tpu.wait_dma2 semaphore(%run_scoped3A : memref<!tpu.dma_semaphore, #tpu.memory_space<semaphore_mem>>) src(%arg12 : memref<512x16xf32, #tpu.memory_space<vmem>>) dst(%dma_wait3A_147 : memref<512x16xf32, #tpu.memory_space<vmem_shared>>)
      tpu.yield
    }) : () -> ()
    %add3A_37 = arith.constant 512 : i32
    %add3A_38 = arith.addi %mul3A_34, %add3A_37 : i32
    "tpu.region"() ({
      %run_scoped3A = tpu.sem_alloc : memref<!tpu.dma_semaphore, #tpu.memory_space<semaphore_mem>>
      %dma_start3A_140 = arith.constant 0 : i32
      %dma_start3A_141 = tpu.memref_slice %arg13[%add3A_38, %dma_start3A_140] : memref<100000x16xf32, #tpu.memory_space<vmem_shared>> -> memref<512x16xf32, #tpu.memory_space<vmem_shared>>
      %dma_start3A_142 = arith.constant 0 : i32
      %dma_start3A_143 = tpu.memref_slice %arg13[%add3A_38, %dma_start3A_142] : memref<100000x16xf32, #tpu.memory_space<vmem_shared>> -> memref<512x16xf32, #tpu.memory_space<vmem_shared>>
      tpu.enqueue_dma source(%arg12 : memref<512x16xf32, #tpu.memory_space<vmem>>) target(%dma_start3A_143 : memref<512x16xf32, #tpu.memory_space<vmem_shared>>) target_semaphore(%run_scoped3A : memref<!tpu.dma_semaphore, #tpu.memory_space<semaphore_mem>>)
      %dma_wait3A_144 = arith.constant 0 : i32
      %dma_wait3A_145 = tpu.memref_slice %arg13[%add3A_38, %dma_wait3A_144] : memref<100000x16xf32, #tpu.memory_space<vmem_shared>> -> memref<512x16xf32, #tpu.memory_space<vmem_shared>>
      %dma_wait3A_146 = arith.constant 0 : i32
      %dma_wait3A_147 = tpu.memref_slice %arg13[%add3A_38, %dma_wait3A_146] : memref<100000x16xf32, #tpu.memory_space<vmem_shared>> -> memref<512x16xf32, #tpu.memory_space<vmem_shared>>
      tpu.wait_dma2 semaphore(%run_scoped3A : memref<!tpu.dma_semaphore, #tpu.memory_space<semaphore_mem>>) src(%arg12 : memref<512x16xf32, #tpu.memory_space<vmem>>) dst(%dma_wait3A_147 : memref<512x16xf32, #tpu.memory_space<vmem_shared>>)
      tpu.yield
    }) : () -> ()
    %add3A_39 = arith.constant 1024 : i32
    %add3A_40 = arith.addi %mul3A_34, %add3A_39 : i32
    "tpu.region"() ({
      %run_scoped3A = tpu.sem_alloc : memref<!tpu.dma_semaphore, #tpu.memory_space<semaphore_mem>>
      %dma_start3A_140 = arith.constant 0 : i32
      %dma_start3A_141 = tpu.memref_slice %arg13[%add3A_40, %dma_start3A_140] : memref<100000x16xf32, #tpu.memory_space<vmem_shared>> -> memref<512x16xf32, #tpu.memory_space<vmem_shared>>
      %dma_start3A_142 = arith.constant 0 : i32
      %dma_start3A_143 = tpu.memref_slice %arg13[%add3A_40, %dma_start3A_142] : memref<100000x16xf32, #tpu.memory_space<vmem_shared>> -> memref<512x16xf32, #tpu.memory_space<vmem_shared>>
      tpu.enqueue_dma source(%arg12 : memref<512x16xf32, #tpu.memory_space<vmem>>) target(%dma_start3A_143 : memref<512x16xf32, #tpu.memory_space<vmem_shared>>) target_semaphore(%run_scoped3A : memref<!tpu.dma_semaphore, #tpu.memory_space<semaphore_mem>>)
      %dma_wait3A_144 = arith.constant 0 : i32
      %dma_wait3A_145 = tpu.memref_slice %arg13[%add3A_40, %dma_wait3A_144] : memref<100000x16xf32, #tpu.memory_space<vmem_shared>> -> memref<512x16xf32, #tpu.memory_space<vmem_shared>>
      %dma_wait3A_146 = arith.constant 0 : i32
      %dma_wait3A_147 = tpu.memref_slice %arg13[%add3A_40, %dma_wait3A_146] : memref<100000x16xf32, #tpu.memory_space<vmem_shared>> -> memref<512x16xf32, #tpu.memory_space<vmem_shared>>
      tpu.wait_dma2 semaphore(%run_scoped3A : memref<!tpu.dma_semaphore, #tpu.memory_space<semaphore_mem>>) src(%arg12 : memref<512x16xf32, #tpu.memory_space<vmem>>) dst(%dma_wait3A_147 : memref<512x16xf32, #tpu.memory_space<vmem_shared>>)
      tpu.yield
    }) : () -> ()
    %add3A_41 = arith.constant 1536 : i32
    %add3A_42 = arith.addi %mul3A_34, %add3A_41 : i32
    "tpu.region"() ({
      %run_scoped3A = tpu.sem_alloc : memref<!tpu.dma_semaphore, #tpu.memory_space<semaphore_mem>>
      %dma_start3A_140 = arith.constant 0 : i32
      %dma_start3A_141 = tpu.memref_slice %arg13[%add3A_42, %dma_start3A_140] : memref<100000x16xf32, #tpu.memory_space<vmem_shared>> -> memref<512x16xf32, #tpu.memory_space<vmem_shared>>
      %dma_start3A_142 = arith.constant 0 : i32
      %dma_start3A_143 = tpu.memref_slice %arg13[%add3A_42, %dma_start3A_142] : memref<100000x16xf32, #tpu.memory_space<vmem_shared>> -> memref<512x16xf32, #tpu.memory_space<vmem_shared>>
      tpu.enqueue_dma source(%arg12 : memref<512x16xf32, #tpu.memory_space<vmem>>) target(%dma_start3A_143 : memref<512x16xf32, #tpu.memory_space<vmem_shared>>) target_semaphore(%run_scoped3A : memref<!tpu.dma_semaphore, #tpu.memory_space<semaphore_mem>>)
      %dma_wait3A_144 = arith.constant 0 : i32
      %dma_wait3A_145 = tpu.memref_slice %arg13[%add3A_42, %dma_wait3A_144] : memref<100000x16xf32, #tpu.memory_space<vmem_shared>> -> memref<512x16xf32, #tpu.memory_space<vmem_shared>>
      %dma_wait3A_146 = arith.constant 0 : i32
      %dma_wait3A_147 = tpu.memref_slice %arg13[%add3A_42, %dma_wait3A_146] : memref<100000x16xf32, #tpu.memory_space<vmem_shared>> -> memref<512x16xf32, #tpu.memory_space<vmem_shared>>
      tpu.wait_dma2 semaphore(%run_scoped3A : memref<!tpu.dma_semaphore, #tpu.memory_space<semaphore_mem>>) src(%arg12 : memref<512x16xf32, #tpu.memory_space<vmem>>) dst(%dma_wait3A_147 : memref<512x16xf32, #tpu.memory_space<vmem_shared>>)
      tpu.yield
    }) : () -> ()
    %add3A_43 = arith.constant 2048 : i32
    %add3A_44 = arith.addi %mul3A_34, %add3A_43 : i32
    "tpu.region"() ({
      %run_scoped3A = tpu.sem_alloc : memref<!tpu.dma_semaphore, #tpu.memory_space<semaphore_mem>>
      %dma_start3A_140 = arith.constant 0 : i32
      %dma_start3A_141 = tpu.memref_slice %arg13[%add3A_44, %dma_start3A_140] : memref<100000x16xf32, #tpu.memory_space<vmem_shared>> -> memref<512x16xf32, #tpu.memory_space<vmem_shared>>
      %dma_start3A_142 = arith.constant 0 : i32
      %dma_start3A_143 = tpu.memref_slice %arg13[%add3A_44, %dma_start3A_142] : memref<100000x16xf32, #tpu.memory_space<vmem_shared>> -> memref<512x16xf32, #tpu.memory_space<vmem_shared>>
      tpu.enqueue_dma source(%arg12 : memref<512x16xf32, #tpu.memory_space<vmem>>) target(%dma_start3A_143 : memref<512x16xf32, #tpu.memory_space<vmem_shared>>) target_semaphore(%run_scoped3A : memref<!tpu.dma_semaphore, #tpu.memory_space<semaphore_mem>>)
      %dma_wait3A_144 = arith.constant 0 : i32
      %dma_wait3A_145 = tpu.memref_slice %arg13[%add3A_44, %dma_wait3A_144] : memref<100000x16xf32, #tpu.memory_space<vmem_shared>> -> memref<512x16xf32, #tpu.memory_space<vmem_shared>>
      %dma_wait3A_146 = arith.constant 0 : i32
      %dma_wait3A_147 = tpu.memref_slice %arg13[%add3A_44, %dma_wait3A_146] : memref<100000x16xf32, #tpu.memory_space<vmem_shared>> -> memref<512x16xf32, #tpu.memory_space<vmem_shared>>
      tpu.wait_dma2 semaphore(%run_scoped3A : memref<!tpu.dma_semaphore, #tpu.memory_space<semaphore_mem>>) src(%arg12 : memref<512x16xf32, #tpu.memory_space<vmem>>) dst(%dma_wait3A_147 : memref<512x16xf32, #tpu.memory_space<vmem_shared>>)
      tpu.yield
    }) : () -> ()
    %add3A_45 = arith.constant 2560 : i32
    %add3A_46 = arith.addi %mul3A_34, %add3A_45 : i32
    "tpu.region"() ({
      %run_scoped3A = tpu.sem_alloc : memref<!tpu.dma_semaphore, #tpu.memory_space<semaphore_mem>>
      %dma_start3A_140 = arith.constant 0 : i32
      %dma_start3A_141 = tpu.memref_slice %arg13[%add3A_46, %dma_start3A_140] : memref<100000x16xf32, #tpu.memory_space<vmem_shared>> -> memref<512x16xf32, #tpu.memory_space<vmem_shared>>
      %dma_start3A_142 = arith.constant 0 : i32
      %dma_start3A_143 = tpu.memref_slice %arg13[%add3A_46, %dma_start3A_142] : memref<100000x16xf32, #tpu.memory_space<vmem_shared>> -> memref<512x16xf32, #tpu.memory_space<vmem_shared>>
      tpu.enqueue_dma source(%arg12 : memref<512x16xf32, #tpu.memory_space<vmem>>) target(%dma_start3A_143 : memref<512x16xf32, #tpu.memory_space<vmem_shared>>) target_semaphore(%run_scoped3A : memref<!tpu.dma_semaphore, #tpu.memory_space<semaphore_mem>>)
      %dma_wait3A_144 = arith.constant 0 : i32
      %dma_wait3A_145 = tpu.memref_slice %arg13[%add3A_46, %dma_wait3A_144] : memref<100000x16xf32, #tpu.memory_space<vmem_shared>> -> memref<512x16xf32, #tpu.memory_space<vmem_shared>>
      %dma_wait3A_146 = arith.constant 0 : i32
      %dma_wait3A_147 = tpu.memref_slice %arg13[%add3A_46, %dma_wait3A_146] : memref<100000x16xf32, #tpu.memory_space<vmem_shared>> -> memref<512x16xf32, #tpu.memory_space<vmem_shared>>
      tpu.wait_dma2 semaphore(%run_scoped3A : memref<!tpu.dma_semaphore, #tpu.memory_space<semaphore_mem>>) src(%arg12 : memref<512x16xf32, #tpu.memory_space<vmem>>) dst(%dma_wait3A_147 : memref<512x16xf32, #tpu.memory_space<vmem_shared>>)
      tpu.yield
    }) : () -> ()
    %add3A_47 = arith.constant 3072 : i32
    %add3A_48 = arith.addi %mul3A_34, %add3A_47 : i32
    "tpu.region"() ({
      %run_scoped3A = tpu.sem_alloc : memref<!tpu.dma_semaphore, #tpu.memory_space<semaphore_mem>>
      %dma_start3A_140 = arith.constant 0 : i32
      %dma_start3A_141 = tpu.memref_slice %arg13[%add3A_48, %dma_start3A_140] : memref<100000x16xf32, #tpu.memory_space<vmem_shared>> -> memref<512x16xf32, #tpu.memory_space<vmem_shared>>
      %dma_start3A_142 = arith.constant 0 : i32
      %dma_start3A_143 = tpu.memref_slice %arg13[%add3A_48, %dma_start3A_142] : memref<100000x16xf32, #tpu.memory_space<vmem_shared>> -> memref<512x16xf32, #tpu.memory_space<vmem_shared>>
      tpu.enqueue_dma source(%arg12 : memref<512x16xf32, #tpu.memory_space<vmem>>) target(%dma_start3A_143 : memref<512x16xf32, #tpu.memory_space<vmem_shared>>) target_semaphore(%run_scoped3A : memref<!tpu.dma_semaphore, #tpu.memory_space<semaphore_mem>>)
      %dma_wait3A_144 = arith.constant 0 : i32
      %dma_wait3A_145 = tpu.memref_slice %arg13[%add3A_48, %dma_wait3A_144] : memref<100000x16xf32, #tpu.memory_space<vmem_shared>> -> memref<512x16xf32, #tpu.memory_space<vmem_shared>>
      %dma_wait3A_146 = arith.constant 0 : i32
      %dma_wait3A_147 = tpu.memref_slice %arg13[%add3A_48, %dma_wait3A_146] : memref<100000x16xf32, #tpu.memory_space<vmem_shared>> -> memref<512x16xf32, #tpu.memory_space<vmem_shared>>
      tpu.wait_dma2 semaphore(%run_scoped3A : memref<!tpu.dma_semaphore, #tpu.memory_space<semaphore_mem>>) src(%arg12 : memref<512x16xf32, #tpu.memory_space<vmem>>) dst(%dma_wait3A_147 : memref<512x16xf32, #tpu.memory_space<vmem_shared>>)
      tpu.yield
    }) : () -> ()
    %add3A_49 = arith.constant 3584 : i32
    %add3A_50 = arith.addi %mul3A_34, %add3A_49 : i32
    "tpu.region"() ({
      %run_scoped3A = tpu.sem_alloc : memref<!tpu.dma_semaphore, #tpu.memory_space<semaphore_mem>>
      %dma_start3A_140 = arith.constant 0 : i32
      %dma_start3A_141 = tpu.memref_slice %arg13[%add3A_50, %dma_start3A_140] : memref<100000x16xf32, #tpu.memory_space<vmem_shared>> -> memref<512x16xf32, #tpu.memory_space<vmem_shared>>
      %dma_start3A_142 = arith.constant 0 : i32
      %dma_start3A_143 = tpu.memref_slice %arg13[%add3A_50, %dma_start3A_142] : memref<100000x16xf32, #tpu.memory_space<vmem_shared>> -> memref<512x16xf32, #tpu.memory_space<vmem_shared>>
      tpu.enqueue_dma source(%arg12 : memref<512x16xf32, #tpu.memory_space<vmem>>) target(%dma_start3A_143 : memref<512x16xf32, #tpu.memory_space<vmem_shared>>) target_semaphore(%run_scoped3A : memref<!tpu.dma_semaphore, #tpu.memory_space<semaphore_mem>>)
      %dma_wait3A_144 = arith.constant 0 : i32
      %dma_wait3A_145 = tpu.memref_slice %arg13[%add3A_50, %dma_wait3A_144] : memref<100000x16xf32, #tpu.memory_space<vmem_shared>> -> memref<512x16xf32, #tpu.memory_space<vmem_shared>>
      %dma_wait3A_146 = arith.constant 0 : i32
      %dma_wait3A_147 = tpu.memref_slice %arg13[%add3A_50, %dma_wait3A_146] : memref<100000x16xf32, #tpu.memory_space<vmem_shared>> -> memref<512x16xf32, #tpu.memory_space<vmem_shared>>
      tpu.wait_dma2 semaphore(%run_scoped3A : memref<!tpu.dma_semaphore, #tpu.memory_space<semaphore_mem>>) src(%arg12 : memref<512x16xf32, #tpu.memory_space<vmem>>) dst(%dma_wait3A_147 : memref<512x16xf32, #tpu.memory_space<vmem_shared>>)
      tpu.yield
    }) : () -> ()
    %add3A_51 = arith.constant 4096 : i32
    %add3A_52 = arith.addi %mul3A_34, %add3A_51 : i32
    "tpu.region"() ({
      %run_scoped3A = tpu.sem_alloc : memref<!tpu.dma_semaphore, #tpu.memory_space<semaphore_mem>>
      %dma_start3A_140 = arith.constant 0 : i32
      %dma_start3A_141 = tpu.memref_slice %arg13[%add3A_52, %dma_start3A_140] : memref<100000x16xf32, #tpu.memory_space<vmem_shared>> -> memref<512x16xf32, #tpu.memory_space<vmem_shared>>
      %dma_start3A_142 = arith.constant 0 : i32
      %dma_start3A_143 = tpu.memref_slice %arg13[%add3A_52, %dma_start3A_142] : memref<100000x16xf32, #tpu.memory_space<vmem_shared>> -> memref<512x16xf32, #tpu.memory_space<vmem_shared>>
      tpu.enqueue_dma source(%arg12 : memref<512x16xf32, #tpu.memory_space<vmem>>) target(%dma_start3A_143 : memref<512x16xf32, #tpu.memory_space<vmem_shared>>) target_semaphore(%run_scoped3A : memref<!tpu.dma_semaphore, #tpu.memory_space<semaphore_mem>>)
      %dma_wait3A_144 = arith.constant 0 : i32
      %dma_wait3A_145 = tpu.memref_slice %arg13[%add3A_52, %dma_wait3A_144] : memref<100000x16xf32, #tpu.memory_space<vmem_shared>> -> memref<512x16xf32, #tpu.memory_space<vmem_shared>>
      %dma_wait3A_146 = arith.constant 0 : i32
      %dma_wait3A_147 = tpu.memref_slice %arg13[%add3A_52, %dma_wait3A_146] : memref<100000x16xf32, #tpu.memory_space<vmem_shared>> -> memref<512x16xf32, #tpu.memory_space<vmem_shared>>
      tpu.wait_dma2 semaphore(%run_scoped3A : memref<!tpu.dma_semaphore, #tpu.memory_space<semaphore_mem>>) src(%arg12 : memref<512x16xf32, #tpu.memory_space<vmem>>) dst(%dma_wait3A_147 : memref<512x16xf32, #tpu.memory_space<vmem_shared>>)
      tpu.yield
    }) : () -> ()
    %add3A_53 = arith.constant 4608 : i32
    %add3A_54 = arith.addi %mul3A_34, %add3A_53 : i32
    "tpu.region"() ({
      %run_scoped3A = tpu.sem_alloc : memref<!tpu.dma_semaphore, #tpu.memory_space<semaphore_mem>>
      %dma_start3A_140 = arith.constant 0 : i32
      %dma_start3A_141 = tpu.memref_slice %arg13[%add3A_54, %dma_start3A_140] : memref<100000x16xf32, #tpu.memory_space<vmem_shared>> -> memref<512x16xf32, #tpu.memory_space<vmem_shared>>
      %dma_start3A_142 = arith.constant 0 : i32
      %dma_start3A_143 = tpu.memref_slice %arg13[%add3A_54, %dma_start3A_142] : memref<100000x16xf32, #tpu.memory_space<vmem_shared>> -> memref<512x16xf32, #tpu.memory_space<vmem_shared>>
      tpu.enqueue_dma source(%arg12 : memref<512x16xf32, #tpu.memory_space<vmem>>) target(%dma_start3A_143 : memref<512x16xf32, #tpu.memory_space<vmem_shared>>) target_semaphore(%run_scoped3A : memref<!tpu.dma_semaphore, #tpu.memory_space<semaphore_mem>>)
      %dma_wait3A_144 = arith.constant 0 : i32
      %dma_wait3A_145 = tpu.memref_slice %arg13[%add3A_54, %dma_wait3A_144] : memref<100000x16xf32, #tpu.memory_space<vmem_shared>> -> memref<512x16xf32, #tpu.memory_space<vmem_shared>>
      %dma_wait3A_146 = arith.constant 0 : i32
      %dma_wait3A_147 = tpu.memref_slice %arg13[%add3A_54, %dma_wait3A_146] : memref<100000x16xf32, #tpu.memory_space<vmem_shared>> -> memref<512x16xf32, #tpu.memory_space<vmem_shared>>
      tpu.wait_dma2 semaphore(%run_scoped3A : memref<!tpu.dma_semaphore, #tpu.memory_space<semaphore_mem>>) src(%arg12 : memref<512x16xf32, #tpu.memory_space<vmem>>) dst(%dma_wait3A_147 : memref<512x16xf32, #tpu.memory_space<vmem_shared>>)
      tpu.yield
    }) : () -> ()
    %add3A_55 = arith.constant 5120 : i32
    %add3A_56 = arith.addi %mul3A_34, %add3A_55 : i32
    "tpu.region"() ({
      %run_scoped3A = tpu.sem_alloc : memref<!tpu.dma_semaphore, #tpu.memory_space<semaphore_mem>>
      %dma_start3A_140 = arith.constant 0 : i32
      %dma_start3A_141 = tpu.memref_slice %arg13[%add3A_56, %dma_start3A_140] : memref<100000x16xf32, #tpu.memory_space<vmem_shared>> -> memref<512x16xf32, #tpu.memory_space<vmem_shared>>
      %dma_start3A_142 = arith.constant 0 : i32
      %dma_start3A_143 = tpu.memref_slice %arg13[%add3A_56, %dma_start3A_142] : memref<100000x16xf32, #tpu.memory_space<vmem_shared>> -> memref<512x16xf32, #tpu.memory_space<vmem_shared>>
      tpu.enqueue_dma source(%arg12 : memref<512x16xf32, #tpu.memory_space<vmem>>) target(%dma_start3A_143 : memref<512x16xf32, #tpu.memory_space<vmem_shared>>) target_semaphore(%run_scoped3A : memref<!tpu.dma_semaphore, #tpu.memory_space<semaphore_mem>>)
      %dma_wait3A_144 = arith.constant 0 : i32
      %dma_wait3A_145 = tpu.memref_slice %arg13[%add3A_56, %dma_wait3A_144] : memref<100000x16xf32, #tpu.memory_space<vmem_shared>> -> memref<512x16xf32, #tpu.memory_space<vmem_shared>>
      %dma_wait3A_146 = arith.constant 0 : i32
      %dma_wait3A_147 = tpu.memref_slice %arg13[%add3A_56, %dma_wait3A_146] : memref<100000x16xf32, #tpu.memory_space<vmem_shared>> -> memref<512x16xf32, #tpu.memory_space<vmem_shared>>
      tpu.wait_dma2 semaphore(%run_scoped3A : memref<!tpu.dma_semaphore, #tpu.memory_space<semaphore_mem>>) src(%arg12 : memref<512x16xf32, #tpu.memory_space<vmem>>) dst(%dma_wait3A_147 : memref<512x16xf32, #tpu.memory_space<vmem_shared>>)
      tpu.yield
    }) : () -> ()
    %add3A_57 = arith.constant 5632 : i32
    %add3A_58 = arith.addi %mul3A_34, %add3A_57 : i32
    "tpu.region"() ({
      %run_scoped3A = tpu.sem_alloc : memref<!tpu.dma_semaphore, #tpu.memory_space<semaphore_mem>>
      %dma_start3A_140 = arith.constant 0 : i32
      %dma_start3A_141 = tpu.memref_slice %arg13[%add3A_58, %dma_start3A_140] : memref<100000x16xf32, #tpu.memory_space<vmem_shared>> -> memref<512x16xf32, #tpu.memory_space<vmem_shared>>
      %dma_start3A_142 = arith.constant 0 : i32
      %dma_start3A_143 = tpu.memref_slice %arg13[%add3A_58, %dma_start3A_142] : memref<100000x16xf32, #tpu.memory_space<vmem_shared>> -> memref<512x16xf32, #tpu.memory_space<vmem_shared>>
      tpu.enqueue_dma source(%arg12 : memref<512x16xf32, #tpu.memory_space<vmem>>) target(%dma_start3A_143 : memref<512x16xf32, #tpu.memory_space<vmem_shared>>) target_semaphore(%run_scoped3A : memref<!tpu.dma_semaphore, #tpu.memory_space<semaphore_mem>>)
      %dma_wait3A_144 = arith.constant 0 : i32
      %dma_wait3A_145 = tpu.memref_slice %arg13[%add3A_58, %dma_wait3A_144] : memref<100000x16xf32, #tpu.memory_space<vmem_shared>> -> memref<512x16xf32, #tpu.memory_space<vmem_shared>>
      %dma_wait3A_146 = arith.constant 0 : i32
      %dma_wait3A_147 = tpu.memref_slice %arg13[%add3A_58, %dma_wait3A_146] : memref<100000x16xf32, #tpu.memory_space<vmem_shared>> -> memref<512x16xf32, #tpu.memory_space<vmem_shared>>
      tpu.wait_dma2 semaphore(%run_scoped3A : memref<!tpu.dma_semaphore, #tpu.memory_space<semaphore_mem>>) src(%arg12 : memref<512x16xf32, #tpu.memory_space<vmem>>) dst(%dma_wait3A_147 : memref<512x16xf32, #tpu.memory_space<vmem_shared>>)
      tpu.yield
    }) : () -> ()
    %add3A_59 = arith.constant 6144 : i32
    %add3A_60 = arith.addi %mul3A_34, %add3A_59 : i32
    "tpu.region"() ({
      %run_scoped3A = tpu.sem_alloc : memref<!tpu.dma_semaphore, #tpu.memory_space<semaphore_mem>>
      %dma_start3A_140 = arith.constant 0 : i32
      %dma_start3A_141 = arith.constant 0 : i32
      %dma_start3A_142 = tpu.memref_slice %arg12[%dma_start3A_140, %dma_start3A_141] : memref<512x16xf32, #tpu.memory_space<vmem>> -> memref<104x16xf32, #tpu.memory_space<vmem>>
      %dma_start3A_143 = arith.constant 0 : i32
      %dma_start3A_144 = tpu.memref_slice %arg13[%add3A_60, %dma_start3A_143] : memref<100000x16xf32, #tpu.memory_space<vmem_shared>> -> memref<104x16xf32, #tpu.memory_space<vmem_shared>>
      %dma_start3A_145 = arith.constant 0 : i32
      %dma_start3A_146 = tpu.memref_slice %arg13[%add3A_60, %dma_start3A_145] : memref<100000x16xf32, #tpu.memory_space<vmem_shared>> -> memref<104x16xf32, #tpu.memory_space<vmem_shared>>
      %dma_start3A_147 = arith.constant 0 : i32
      %dma_start3A_148 = arith.constant 0 : i32
      %dma_start3A_149 = tpu.memref_slice %arg12[%dma_start3A_147, %dma_start3A_148] : memref<512x16xf32, #tpu.memory_space<vmem>> -> memref<104x16xf32, #tpu.memory_space<vmem>>
      tpu.enqueue_dma source(%dma_start3A_149 : memref<104x16xf32, #tpu.memory_space<vmem>>) target(%dma_start3A_146 : memref<104x16xf32, #tpu.memory_space<vmem_shared>>) target_semaphore(%run_scoped3A : memref<!tpu.dma_semaphore, #tpu.memory_space<semaphore_mem>>)
      %dma_wait3A_150 = arith.constant 0 : i32
      %dma_wait3A_151 = arith.constant 0 : i32
      %dma_wait3A_152 = tpu.memref_slice %arg12[%dma_wait3A_150, %dma_wait3A_151] : memref<512x16xf32, #tpu.memory_space<vmem>> -> memref<104x16xf32, #tpu.memory_space<vmem>>
      %dma_wait3A_153 = arith.constant 0 : i32
      %dma_wait3A_154 = tpu.memref_slice %arg13[%add3A_60, %dma_wait3A_153] : memref<100000x16xf32, #tpu.memory_space<vmem_shared>> -> memref<104x16xf32, #tpu.memory_space<vmem_shared>>
      %dma_wait3A_155 = arith.constant 0 : i32
      %dma_wait3A_156 = tpu.memref_slice %arg13[%add3A_60, %dma_wait3A_155] : memref<100000x16xf32, #tpu.memory_space<vmem_shared>> -> memref<104x16xf32, #tpu.memory_space<vmem_shared>>
      %dma_wait3A_157 = arith.constant 0 : i32
      %dma_wait3A_158 = arith.constant 0 : i32
      %dma_wait3A_159 = tpu.memref_slice %arg12[%dma_wait3A_157, %dma_wait3A_158] : memref<512x16xf32, #tpu.memory_space<vmem>> -> memref<104x16xf32, #tpu.memory_space<vmem>>
      tpu.wait_dma2 semaphore(%run_scoped3A : memref<!tpu.dma_semaphore, #tpu.memory_space<semaphore_mem>>) src(%dma_wait3A_159 : memref<104x16xf32, #tpu.memory_space<vmem>>) dst(%dma_wait3A_156 : memref<104x16xf32, #tpu.memory_space<vmem_shared>>)
      tpu.yield
    }) : () -> ()
    %lt3A = arith.constant 4 : i32
    %lt3A_61 = arith.cmpi slt, %arg1, %lt3A : i32
    %convert_element_type3A = arith.extui %lt3A_61 : i1 to i32
    %cond3A = arith.constant 0 : i32
    %cond3A_62 = arith.cmpi ne, %convert_element_type3A, %cond3A : i32
    scf.if %cond3A_62 {
      %add3A_140 = arith.constant 6248 : i32
      %add3A_141 = arith.addi %mul3A_34, %add3A_140 : i32
      "tpu.region"() ({
        %run_scoped3A = tpu.sem_alloc : memref<!tpu.dma_semaphore, #tpu.memory_space<semaphore_mem>>
        %dma_start3A_142 = arith.constant 0 : i32
        %dma_start3A_143 = arith.constant 0 : i32
        %dma_start3A_144 = tpu.memref_slice %arg12[%dma_start3A_142, %dma_start3A_143] : memref<512x16xf32, #tpu.memory_space<vmem>> -> memref<8x16xf32, #tpu.memory_space<vmem>>
        %dma_start3A_145 = arith.constant 0 : i32
        %dma_start3A_146 = tpu.memref_slice %arg13[%add3A_141, %dma_start3A_145] : memref<100000x16xf32, #tpu.memory_space<vmem_shared>> -> memref<8x16xf32, #tpu.memory_space<vmem_shared>>
        %dma_start3A_147 = arith.constant 0 : i32
        %dma_start3A_148 = tpu.memref_slice %arg13[%add3A_141, %dma_start3A_147] : memref<100000x16xf32, #tpu.memory_space<vmem_shared>> -> memref<8x16xf32, #tpu.memory_space<vmem_shared>>
        %dma_start3A_149 = arith.constant 0 : i32
        %dma_start3A_150 = arith.constant 0 : i32
        %dma_start3A_151 = tpu.memref_slice %arg12[%dma_start3A_149, %dma_start3A_150] : memref<512x16xf32, #tpu.memory_space<vmem>> -> memref<8x16xf32, #tpu.memory_space<vmem>>
        tpu.enqueue_dma source(%dma_start3A_151 : memref<8x16xf32, #tpu.memory_space<vmem>>) target(%dma_start3A_148 : memref<8x16xf32, #tpu.memory_space<vmem_shared>>) target_semaphore(%run_scoped3A : memref<!tpu.dma_semaphore, #tpu.memory_space<semaphore_mem>>)
        %dma_wait3A_152 = arith.constant 0 : i32
        %dma_wait3A_153 = arith.constant 0 : i32
        %dma_wait3A_154 = tpu.memref_slice %arg12[%dma_wait3A_152, %dma_wait3A_153] : memref<512x16xf32, #tpu.memory_space<vmem>> -> memref<8x16xf32, #tpu.memory_space<vmem>>
        %dma_wait3A_155 = arith.constant 0 : i32
        %dma_wait3A_156 = tpu.memref_slice %arg13[%add3A_141, %dma_wait3A_155] : memref<100000x16xf32, #tpu.memory_space<vmem_shared>> -> memref<8x16xf32, #tpu.memory_space<vmem_shared>>
        %dma_wait3A_157 = arith.constant 0 : i32
        %dma_wait3A_158 = tpu.memref_slice %arg13[%add3A_141, %dma_wait3A_157] : memref<100000x16xf32, #tpu.memory_space<vmem_shared>> -> memref<8x16xf32, #tpu.memory_space<vmem_shared>>
        %dma_wait3A_159 = arith.constant 0 : i32
        %dma_wait3A_160 = arith.constant 0 : i32
        %dma_wait3A_161 = tpu.memref_slice %arg12[%dma_wait3A_159, %dma_wait3A_160] : memref<512x16xf32, #tpu.memory_space<vmem>> -> memref<8x16xf32, #tpu.memory_space<vmem>>
        tpu.wait_dma2 semaphore(%run_scoped3A : memref<!tpu.dma_semaphore, #tpu.memory_space<semaphore_mem>>) src(%dma_wait3A_161 : memref<8x16xf32, #tpu.memory_space<vmem>>) dst(%dma_wait3A_158 : memref<8x16xf32, #tpu.memory_space<vmem_shared>>)
        tpu.yield
      }) : () -> ()
    } else {
    }
    %barrier3A = arith.constant 0 : index
    tpu.barrier barrier_id(%barrier3A)
    %lt3A_63 = arith.constant 21 : i32
    %lt3A_64 = arith.cmpi slt, %add3A, %lt3A_63 : i32
    %jit3A = arith.constant 1 : i32
    %jit3A_65 = arith.constant 0 : i32
    %select_n3A = arith.select %lt3A_64, %jit3A, %jit3A_65 : i32
    %add3A_66 = arith.constant 97 : i32
    %add3A_67 = arith.addi %add3A_66, %select_n3A : i32
    %mul3A_68 = arith.constant 2 : i32
    %mul3A_69 = arith.muli %mul3A_68, %add3A_67 : i32
    %mul3A_70 = arith.constant 97 : i32
    %mul3A_71 = arith.muli %mul3A_70, %add3A : i32
    %min3A_72 = arith.constant 21 : i32
    %min3A_73 = arith.minsi %add3A, %min3A_72 : i32
    %add3A_74 = arith.addi %mul3A_71, %min3A_73 : i32
    %mul3A_75 = arith.constant 2 : i32
    %mul3A_76 = arith.muli %add3A_74, %mul3A_75 : i32
    %mul3A_77 = arith.constant 4 : i32
    %mul3A_78 = arith.muli %mul3A_76, %mul3A_77 : i32
    %add3A_79 = arith.constant 0 : i32
    %add3A_80 = arith.addi %mul3A_78, %add3A_79 : i32
    %dma_start3A = arith.constant 0 : i32
    %dma_start3A_81 = tpu.memref_slice %arg4[%add3A_80, %dma_start3A] : memref<25000x128xi32, #tpu.memory_space<hbm>> -> memref<8x128xi32, #tpu.memory_space<hbm>>
    %dma_start3A_82 = arith.constant 0 : i32
    %dma_start3A_83 = tpu.memref_slice %arg4[%add3A_80, %dma_start3A_82] : memref<25000x128xi32, #tpu.memory_space<hbm>> -> memref<8x128xi32, #tpu.memory_space<hbm>>
    tpu.enqueue_dma source(%dma_start3A_83 : memref<8x128xi32, #tpu.memory_space<hbm>>) target(%arg6 : memref<8x128xi32, #tpu.memory_space<vmem>>) target_semaphore(%arg14 : memref<!tpu.dma_semaphore, #tpu.memory_space<semaphore_mem>>)
    %add3A_84 = arith.constant 0 : i32
    %add3A_85 = arith.addi %mul3A_76, %add3A_84 : i32
    %mul3A_86 = arith.constant 512 : i32
    %mul3A_87 = arith.muli %add3A_85, %mul3A_86 : i32
    %dma_start3A_88 = arith.constant 0 : i32
    %dma_start3A_89 = tpu.memref_slice %arg2[%dma_start3A_88, %mul3A_87] : memref<10x3200000xf32, #tpu.memory_space<hbm>> -> memref<10x512xf32, #tpu.memory_space<hbm>>
    %dma_start3A_90 = arith.constant 0 : i32
    %dma_start3A_91 = tpu.memref_slice %arg2[%dma_start3A_90, %mul3A_87] : memref<10x3200000xf32, #tpu.memory_space<hbm>> -> memref<10x512xf32, #tpu.memory_space<hbm>>
    tpu.enqueue_dma source(%dma_start3A_91 : memref<10x512xf32, #tpu.memory_space<hbm>>) target(%arg8 : memref<10x512xf32, #tpu.memory_space<vmem>>) target_semaphore(%arg16 : memref<!tpu.dma_semaphore, #tpu.memory_space<semaphore_mem>>)
    %dma_start3A_92 = tpu.memref_slice %arg3[%mul3A_87] : memref<3200000xf32, #tpu.memory_space<hbm>> -> memref<512xf32, #tpu.memory_space<hbm>>
    %dma_start3A_93 = tpu.memref_slice %arg3[%mul3A_87] : memref<3200000xf32, #tpu.memory_space<hbm>> -> memref<512xf32, #tpu.memory_space<hbm>>
    tpu.enqueue_dma source(%dma_start3A_93 : memref<512xf32, #tpu.memory_space<hbm>>) target(%arg10 : memref<512xf32, #tpu.memory_space<vmem>>) target_semaphore(%arg16 : memref<!tpu.dma_semaphore, #tpu.memory_space<semaphore_mem>>)
    %scan3A_94 = arith.constant 0 : i32
    %scan3A_95 = arith.constant 0 : i32
    %scan3A_96 = arith.constant 49 : i32
    %scan3A_97 = arith.addi %scan3A_95, %scan3A_96 : i32
    %scan3A_98 = arith.constant 1 : i32
    scf.for %scan3A_140 = %scan3A_95 to %scan3A_97 step %scan3A_98  : i32 {
      %mul3A_141 = arith.constant 4 : i32
      %mul3A_142 = arith.muli %mul3A_141, %scan3A_140 : i32
      %add3A_143 = arith.constant 0 : i32
      %add3A_144 = arith.addi %mul3A_142, %add3A_143 : i32
      %mul3A_145 = arith.constant 2 : i32
      %mul3A_146 = arith.muli %mul3A_145, %scan3A_140 : i32
      %add3A_147 = arith.constant 0 : i32
      %add3A_148 = arith.addi %mul3A_146, %add3A_147 : i32
      %lt3A_149 = arith.cmpi slt, %add3A_144, %mul3A_69 : i32
      %convert_element_type3A_150 = arith.extui %lt3A_149 : i1 to i32
      %cond3A_151 = arith.constant 0 : i32
      %cond3A_152 = arith.cmpi ne, %convert_element_type3A_150, %cond3A_151 : i32
      scf.if %cond3A_152 {
        %mul3A_189 = arith.constant 4 : i32
        %mul3A_190 = arith.muli %mul3A_76, %mul3A_189 : i32
        %mul3A_191 = arith.constant 2 : i32
        %mul3A_192 = arith.muli %add3A_148, %mul3A_191 : i32
        %mul3A_193 = arith.constant 4 : i32
        %mul3A_194 = arith.muli %mul3A_192, %mul3A_193 : i32
        %add3A_195 = arith.addi %mul3A_190, %mul3A_194 : i32
        %dma_wait3A_196 = arith.constant 0 : i32
        %dma_wait3A_197 = tpu.memref_slice %arg4[%add3A_195, %dma_wait3A_196] : memref<25000x128xi32, #tpu.memory_space<hbm>> -> memref<8x128xi32, #tpu.memory_space<hbm>>
        %dma_wait3A_198 = arith.constant 0 : i32
        %dma_wait3A_199 = tpu.memref_slice %arg4[%add3A_195, %dma_wait3A_198] : memref<25000x128xi32, #tpu.memory_space<hbm>> -> memref<8x128xi32, #tpu.memory_space<hbm>>
        tpu.wait_dma2 semaphore(%arg14 : memref<!tpu.dma_semaphore, #tpu.memory_space<semaphore_mem>>) src(%dma_wait3A_199 : memref<8x128xi32, #tpu.memory_space<hbm>>) dst(%arg6 : memref<8x128xi32, #tpu.memory_space<vmem>>)
        %add3A_200 = arith.addi %mul3A_76, %add3A_144 : i32
        %mul3A_201 = arith.constant 512 : i32
        %mul3A_202 = arith.muli %add3A_200, %mul3A_201 : i32
        %dma_wait3A_203 = arith.constant 0 : i32
        %dma_wait3A_204 = tpu.memref_slice %arg2[%dma_wait3A_203, %mul3A_202] : memref<10x3200000xf32, #tpu.memory_space<hbm>> -> memref<10x512xf32, #tpu.memory_space<hbm>>
        %dma_wait3A_205 = arith.constant 0 : i32
        %dma_wait3A_206 = tpu.memref_slice %arg2[%dma_wait3A_205, %mul3A_202] : memref<10x3200000xf32, #tpu.memory_space<hbm>> -> memref<10x512xf32, #tpu.memory_space<hbm>>
        tpu.wait_dma2 semaphore(%arg16 : memref<!tpu.dma_semaphore, #tpu.memory_space<semaphore_mem>>) src(%dma_wait3A_206 : memref<10x512xf32, #tpu.memory_space<hbm>>) dst(%arg8 : memref<10x512xf32, #tpu.memory_space<vmem>>)
        %dma_wait3A_207 = tpu.memref_slice %arg3[%mul3A_202] : memref<3200000xf32, #tpu.memory_space<hbm>> -> memref<512xf32, #tpu.memory_space<hbm>>
        %dma_wait3A_208 = tpu.memref_slice %arg3[%mul3A_202] : memref<3200000xf32, #tpu.memory_space<hbm>> -> memref<512xf32, #tpu.memory_space<hbm>>
        tpu.wait_dma2 semaphore(%arg16 : memref<!tpu.dma_semaphore, #tpu.memory_space<semaphore_mem>>) src(%dma_wait3A_208 : memref<512xf32, #tpu.memory_space<hbm>>) dst(%arg10 : memref<512xf32, #tpu.memory_space<vmem>>)
        %add3A_209 = arith.constant 1 : i32
        %add3A_210 = arith.addi %add3A_144, %add3A_209 : i32
        %lt3A_211 = arith.cmpi slt, %add3A_210, %mul3A_69 : i32
        %convert_element_type3A_212 = arith.extui %lt3A_211 : i1 to i32
        %cond3A_213 = arith.constant 0 : i32
        %cond3A_214 = arith.cmpi ne, %convert_element_type3A_212, %cond3A_213 : i32
        scf.if %cond3A_214 {
          %add3A_265 = arith.constant 1 : i32
          %add3A_266 = arith.addi %add3A_144, %add3A_265 : i32
          %add3A_267 = arith.addi %mul3A_76, %add3A_266 : i32
          %mul3A_268 = arith.constant 512 : i32
          %mul3A_269 = arith.muli %add3A_267, %mul3A_268 : i32
          %dma_start3A_270 = arith.constant 0 : i32
          %dma_start3A_271 = tpu.memref_slice %arg2[%dma_start3A_270, %mul3A_269] : memref<10x3200000xf32, #tpu.memory_space<hbm>> -> memref<10x512xf32, #tpu.memory_space<hbm>>
          %dma_start3A_272 = arith.constant 0 : i32
          %dma_start3A_273 = tpu.memref_slice %arg2[%dma_start3A_272, %mul3A_269] : memref<10x3200000xf32, #tpu.memory_space<hbm>> -> memref<10x512xf32, #tpu.memory_space<hbm>>
          tpu.enqueue_dma source(%dma_start3A_273 : memref<10x512xf32, #tpu.memory_space<hbm>>) target(%arg9 : memref<10x512xf32, #tpu.memory_space<vmem>>) target_semaphore(%arg17 : memref<!tpu.dma_semaphore, #tpu.memory_space<semaphore_mem>>)
          %dma_start3A_274 = tpu.memref_slice %arg3[%mul3A_269] : memref<3200000xf32, #tpu.memory_space<hbm>> -> memref<512xf32, #tpu.memory_space<hbm>>
          %dma_start3A_275 = tpu.memref_slice %arg3[%mul3A_269] : memref<3200000xf32, #tpu.memory_space<hbm>> -> memref<512xf32, #tpu.memory_space<hbm>>
          tpu.enqueue_dma source(%dma_start3A_275 : memref<512xf32, #tpu.memory_space<hbm>>) target(%arg11 : memref<512xf32, #tpu.memory_space<vmem>>) target_semaphore(%arg17 : memref<!tpu.dma_semaphore, #tpu.memory_space<semaphore_mem>>)
        } else {
        }
        %ge3A = arith.constant 1 : i32
        %ge3A_215 = arith.cmpi sge, %add3A_144, %ge3A : i32
        %convert_element_type3A_216 = arith.extui %ge3A_215 : i1 to i32
        %cond3A_217 = arith.constant 0 : i32
        %cond3A_218 = arith.cmpi ne, %convert_element_type3A_216, %cond3A_217 : i32
        scf.if %cond3A_218 {
          %dma_wait3A_265 = arith.constant 0 : i32
          %dma_wait3A_266 = arith.constant 0 : i32
          %dma_wait3A_267 = arith.constant 0 : i32
          %dma_wait3A_268 = tpu.memref_slice %arg5[%dma_wait3A_265, %dma_wait3A_266, %dma_wait3A_267] : memref<2x100000x16xf32, #tpu.memory_space<hbm>> -> memref<1x512x16xf32, #tpu.memory_space<hbm>>
          %dma_wait3A_269 = tpu.memref_squeeze %dma_wait3A_268 : memref<1x512x16xf32, #tpu.memory_space<hbm>> -> memref<512x16xf32, #tpu.memory_space<hbm>>
          %dma_wait3A_270 = arith.constant 0 : i32
          %dma_wait3A_271 = arith.constant 0 : i32
          %dma_wait3A_272 = tpu.memref_slice %arg5[%dma_wait3A_265, %dma_wait3A_270, %dma_wait3A_271] : memref<2x100000x16xf32, #tpu.memory_space<hbm>> -> memref<1x512x16xf32, #tpu.memory_space<hbm>>
          %dma_wait3A_273 = tpu.memref_squeeze %dma_wait3A_272 : memref<1x512x16xf32, #tpu.memory_space<hbm>> -> memref<512x16xf32, #tpu.memory_space<hbm>>
          tpu.wait_dma2 semaphore(%arg18 : memref<!tpu.dma_semaphore, #tpu.memory_space<semaphore_mem>>) src(%dma_wait3A_273 : memref<512x16xf32, #tpu.memory_space<hbm>>) dst(%arg12 : memref<512x16xf32, #tpu.memory_space<vmem>>)
        } else {
        }
        %scan3A_219 = arith.constant 0 : i32
        %scan3A_220 = arith.constant 32 : i32
        %scan3A_221 = arith.addi %scan3A_219, %scan3A_220 : i32
        %scan3A_222 = arith.constant 1 : i32
        %scan3A_223 = scf.for %scan3A_265 = %scan3A_219 to %scan3A_221 step %scan3A_222 iter_args(%scan3A_266 = %iota3A) -> (vector<16xi32>)  : i32 {
          %mul3A_267 = arith.constant 16 : i32
          %mul3A_268 = arith.muli %scan3A_265, %mul3A_267 : i32
          %get3A = arith.index_cast %mul3A_268 : i32 to index
          %get3A_269 = tpu.vector_load %arg10[%get3A] {strides = array<i32>} : memref<512xf32, #tpu.memory_space<vmem>>, vector<16xf32>,
          %mul3A_270 = arith.constant 16 : i32
          %mul3A_271 = arith.muli %scan3A_265, %mul3A_270 : i32
          %get3A_272 = arith.constant 0 : i32
          %get3A_273 = arith.index_cast %get3A_272 : i32 to index
          %get3A_274 = arith.index_cast %mul3A_271 : i32 to index
          %get3A_275 = tpu.vector_load %arg8[%get3A_273, %get3A_274] {strides = array<i32>} : memref<10x512xf32, #tpu.memory_space<vmem>>, vector<16xf32>,
          %mul3A_276 = arith.mulf %get3A_275, %get3A_269 : vector<16xf32>
          tpu.vector_store_idx %arg12[%scan3A_266, %broadcast_in_dim3A_1], %mul3A_276 : memref<512x16xf32, #tpu.memory_space<vmem>>[vector<16xi32>, vector<16xi32>], vector<16xf32>,
          %mul3A_277 = arith.constant 16 : i32
          %mul3A_278 = arith.muli %scan3A_265, %mul3A_277 : i32
          %get3A_279 = arith.constant 1 : i32
          %get3A_280 = arith.index_cast %get3A_279 : i32 to index
          %get3A_281 = arith.index_cast %mul3A_278 : i32 to index
          %get3A_282 = tpu.vector_load %arg8[%get3A_280, %get3A_281] {strides = array<i32>} : memref<10x512xf32, #tpu.memory_space<vmem>>, vector<16xf32>,
          %mul3A_283 = arith.mulf %get3A_282, %get3A_269 : vector<16xf32>
          tpu.vector_store_idx %arg12[%scan3A_266, %broadcast_in_dim3A_3], %mul3A_283 : memref<512x16xf32, #tpu.memory_space<vmem>>[vector<16xi32>, vector<16xi32>], vector<16xf32>,
          %mul3A_284 = arith.constant 16 : i32
          %mul3A_285 = arith.muli %scan3A_265, %mul3A_284 : i32
          %get3A_286 = arith.constant 2 : i32
          %get3A_287 = arith.index_cast %get3A_286 : i32 to index
          %get3A_288 = arith.index_cast %mul3A_285 : i32 to index
          %get3A_289 = tpu.vector_load %arg8[%get3A_287, %get3A_288] {strides = array<i32>} : memref<10x512xf32, #tpu.memory_space<vmem>>, vector<16xf32>,
          %mul3A_290 = arith.mulf %get3A_289, %get3A_269 : vector<16xf32>
          tpu.vector_store_idx %arg12[%scan3A_266, %broadcast_in_dim3A_5], %mul3A_290 : memref<512x16xf32, #tpu.memory_space<vmem>>[vector<16xi32>, vector<16xi32>], vector<16xf32>,
          %mul3A_291 = arith.constant 16 : i32
          %mul3A_292 = arith.muli %scan3A_265, %mul3A_291 : i32
          %get3A_293 = arith.constant 3 : i32
          %get3A_294 = arith.index_cast %get3A_293 : i32 to index
          %get3A_295 = arith.index_cast %mul3A_292 : i32 to index
          %get3A_296 = tpu.vector_load %arg8[%get3A_294, %get3A_295] {strides = array<i32>} : memref<10x512xf32, #tpu.memory_space<vmem>>, vector<16xf32>,
          %mul3A_297 = arith.mulf %get3A_296, %get3A_269 : vector<16xf32>
          tpu.vector_store_idx %arg12[%scan3A_266, %broadcast_in_dim3A_7], %mul3A_297 : memref<512x16xf32, #tpu.memory_space<vmem>>[vector<16xi32>, vector<16xi32>], vector<16xf32>,
          %mul3A_298 = arith.constant 16 : i32
          %mul3A_299 = arith.muli %scan3A_265, %mul3A_298 : i32
          %get3A_300 = arith.constant 4 : i32
          %get3A_301 = arith.index_cast %get3A_300 : i32 to index
          %get3A_302 = arith.index_cast %mul3A_299 : i32 to index
          %get3A_303 = tpu.vector_load %arg8[%get3A_301, %get3A_302] {strides = array<i32>} : memref<10x512xf32, #tpu.memory_space<vmem>>, vector<16xf32>,
          %mul3A_304 = arith.mulf %get3A_303, %get3A_269 : vector<16xf32>
          tpu.vector_store_idx %arg12[%scan3A_266, %broadcast_in_dim3A_9], %mul3A_304 : memref<512x16xf32, #tpu.memory_space<vmem>>[vector<16xi32>, vector<16xi32>], vector<16xf32>,
          %mul3A_305 = arith.constant 16 : i32
          %mul3A_306 = arith.muli %scan3A_265, %mul3A_305 : i32
          %get3A_307 = arith.constant 5 : i32
          %get3A_308 = arith.index_cast %get3A_307 : i32 to index
          %get3A_309 = arith.index_cast %mul3A_306 : i32 to index
          %get3A_310 = tpu.vector_load %arg8[%get3A_308, %get3A_309] {strides = array<i32>} : memref<10x512xf32, #tpu.memory_space<vmem>>, vector<16xf32>,
          %mul3A_311 = arith.mulf %get3A_310, %get3A_269 : vector<16xf32>
          tpu.vector_store_idx %arg12[%scan3A_266, %broadcast_in_dim3A_11], %mul3A_311 : memref<512x16xf32, #tpu.memory_space<vmem>>[vector<16xi32>, vector<16xi32>], vector<16xf32>,
          %mul3A_312 = arith.constant 16 : i32
          %mul3A_313 = arith.muli %scan3A_265, %mul3A_312 : i32
          %get3A_314 = arith.constant 6 : i32
          %get3A_315 = arith.index_cast %get3A_314 : i32 to index
          %get3A_316 = arith.index_cast %mul3A_313 : i32 to index
          %get3A_317 = tpu.vector_load %arg8[%get3A_315, %get3A_316] {strides = array<i32>} : memref<10x512xf32, #tpu.memory_space<vmem>>, vector<16xf32>,
          %mul3A_318 = arith.mulf %get3A_317, %get3A_269 : vector<16xf32>
          tpu.vector_store_idx %arg12[%scan3A_266, %broadcast_in_dim3A_13], %mul3A_318 : memref<512x16xf32, #tpu.memory_space<vmem>>[vector<16xi32>, vector<16xi32>], vector<16xf32>,
          %mul3A_319 = arith.constant 16 : i32
          %mul3A_320 = arith.muli %scan3A_265, %mul3A_319 : i32
          %get3A_321 = arith.constant 7 : i32
          %get3A_322 = arith.index_cast %get3A_321 : i32 to index
          %get3A_323 = arith.index_cast %mul3A_320 : i32 to index
          %get3A_324 = tpu.vector_load %arg8[%get3A_322, %get3A_323] {strides = array<i32>} : memref<10x512xf32, #tpu.memory_space<vmem>>, vector<16xf32>,
          %mul3A_325 = arith.mulf %get3A_324, %get3A_269 : vector<16xf32>
          tpu.vector_store_idx %arg12[%scan3A_266, %broadcast_in_dim3A_15], %mul3A_325 : memref<512x16xf32, #tpu.memory_space<vmem>>[vector<16xi32>, vector<16xi32>], vector<16xf32>,
          %mul3A_326 = arith.constant 16 : i32
          %mul3A_327 = arith.muli %scan3A_265, %mul3A_326 : i32
          %get3A_328 = arith.constant 8 : i32
          %get3A_329 = arith.index_cast %get3A_328 : i32 to index
          %get3A_330 = arith.index_cast %mul3A_327 : i32 to index
          %get3A_331 = tpu.vector_load %arg8[%get3A_329, %get3A_330] {strides = array<i32>} : memref<10x512xf32, #tpu.memory_space<vmem>>, vector<16xf32>,
          %mul3A_332 = arith.mulf %get3A_331, %get3A_269 : vector<16xf32>
          tpu.vector_store_idx %arg12[%scan3A_266, %broadcast_in_dim3A_17], %mul3A_332 : memref<512x16xf32, #tpu.memory_space<vmem>>[vector<16xi32>, vector<16xi32>], vector<16xf32>,
          %mul3A_333 = arith.constant 16 : i32
          %mul3A_334 = arith.muli %scan3A_265, %mul3A_333 : i32
          %get3A_335 = arith.constant 9 : i32
          %get3A_336 = arith.index_cast %get3A_335 : i32 to index
          %get3A_337 = arith.index_cast %mul3A_334 : i32 to index
          %get3A_338 = tpu.vector_load %arg8[%get3A_336, %get3A_337] {strides = array<i32>} : memref<10x512xf32, #tpu.memory_space<vmem>>, vector<16xf32>,
          %mul3A_339 = arith.mulf %get3A_338, %get3A_269 : vector<16xf32>
          tpu.vector_store_idx %arg12[%scan3A_266, %broadcast_in_dim3A_19], %mul3A_339 : memref<512x16xf32, #tpu.memory_space<vmem>>[vector<16xi32>, vector<16xi32>], vector<16xf32>,
          tpu.vector_store_idx %arg12[%scan3A_266, %broadcast_in_dim3A_21], %get3A_269 : memref<512x16xf32, #tpu.memory_space<vmem>>[vector<16xi32>, vector<16xi32>], vector<16xf32>,
          %add3A_340 = arith.constant 16 : i32
          %add3A_341 = vector.broadcast %add3A_340 : i32 to vector<16xi32>
          %add3A_342 = arith.addi %scan3A_266, %add3A_341 : vector<16xi32>
          scf.yield %add3A_342 : vector<16xi32>
        }
        %scan3A_224 = arith.constant 32 : i32
        %dma_start3A_225 = arith.constant 0 : i32
        %dma_start3A_226 = arith.constant 0 : i32
        %dma_start3A_227 = arith.constant 0 : i32
        %dma_start3A_228 = tpu.memref_slice %arg12[%dma_start3A_226, %dma_start3A_227] : memref<512x16xf32, #tpu.memory_space<vmem>> -> memref<128x16xf32, #tpu.memory_space<vmem>>
        %dma_start3A_229 = arith.constant 0 : i32
        %dma_start3A_230 = tpu.memref_slice %arg6[%dma_start3A_225, %dma_start3A_229] : memref<8x128xi32, #tpu.memory_space<vmem>> -> memref<1x128xi32, #tpu.memory_space<vmem>>
        %dma_start3A_231 = tpu.memref_squeeze %dma_start3A_230 : memref<1x128xi32, #tpu.memory_space<vmem>> -> memref<128xi32, #tpu.memory_space<vmem>>
        %dma_start3A_232 = arith.constant 0 : i32
        %dma_start3A_233 = arith.constant 0 : i32
        %dma_start3A_234 = tpu.memref_slice %arg13[%dma_start3A_232, %dma_start3A_233] : memref<100000x16xf32, #tpu.memory_space<vmem_shared>> -> memref<100000x16xf32, #tpu.memory_space<vmem_shared>>
        tpu.enqueue_indirect_dma source(%dma_start3A_228 : memref<128x16xf32, #tpu.memory_space<vmem>>) target(%dma_start3A_234 : memref<100000x16xf32, #tpu.memory_space<vmem_shared>>) offsets(%dma_start3A_231 : memref<128xi32, #tpu.memory_space<vmem>>) semaphore(%arg18 : memref<!tpu.dma_semaphore, #tpu.memory_space<semaphore_mem>>) {add = true}
        %dma_start3A_235 = arith.constant 1 : i32
        %dma_start3A_236 = arith.constant 128 : i32
        %dma_start3A_237 = arith.constant 0 : i32
        %dma_start3A_238 = tpu.memref_slice %arg12[%dma_start3A_236, %dma_start3A_237] : memref<512x16xf32, #tpu.memory_space<vmem>> -> memref<128x16xf32, #tpu.memory_space<vmem>>
        %dma_start3A_239 = arith.constant 0 : i32
        %dma_start3A_240 = tpu.memref_slice %arg6[%dma_start3A_235, %dma_start3A_239] : memref<8x128xi32, #tpu.memory_space<vmem>> -> memref<1x128xi32, #tpu.memory_space<vmem>>
        %dma_start3A_241 = tpu.memref_squeeze %dma_start3A_240 : memref<1x128xi32, #tpu.memory_space<vmem>> -> memref<128xi32, #tpu.memory_space<vmem>>
        %dma_start3A_242 = arith.constant 0 : i32
        %dma_start3A_243 = arith.constant 0 : i32
        %dma_start3A_244 = tpu.memref_slice %arg13[%dma_start3A_242, %dma_start3A_243] : memref<100000x16xf32, #tpu.memory_space<vmem_shared>> -> memref<100000x16xf32, #tpu.memory_space<vmem_shared>>
        tpu.enqueue_indirect_dma source(%dma_start3A_238 : memref<128x16xf32, #tpu.memory_space<vmem>>) target(%dma_start3A_244 : memref<100000x16xf32, #tpu.memory_space<vmem_shared>>) offsets(%dma_start3A_241 : memref<128xi32, #tpu.memory_space<vmem>>) semaphore(%arg18 : memref<!tpu.dma_semaphore, #tpu.memory_space<semaphore_mem>>) {add = true}
        %dma_start3A_245 = arith.constant 2 : i32
        %dma_start3A_246 = arith.constant 256 : i32
        %dma_start3A_247 = arith.constant 0 : i32
        %dma_start3A_248 = tpu.memref_slice %arg12[%dma_start3A_246, %dma_start3A_247] : memref<512x16xf32, #tpu.memory_space<vmem>> -> memref<128x16xf32, #tpu.memory_space<vmem>>
        %dma_start3A_249 = arith.constant 0 : i32
        %dma_start3A_250 = tpu.memref_slice %arg6[%dma_start3A_245, %dma_start3A_249] : memref<8x128xi32, #tpu.memory_space<vmem>> -> memref<1x128xi32, #tpu.memory_space<vmem>>
        %dma_start3A_251 = tpu.memref_squeeze %dma_start3A_250 : memref<1x128xi32, #tpu.memory_space<vmem>> -> memref<128xi32, #tpu.memory_space<vmem>>
        %dma_start3A_252 = arith.constant 0 : i32
        %dma_start3A_253 = arith.constant 0 : i32
        %dma_start3A_254 = tpu.memref_slice %arg13[%dma_start3A_252, %dma_start3A_253] : memref<100000x16xf32, #tpu.memory_space<vmem_shared>> -> memref<100000x16xf32, #tpu.memory_space<vmem_shared>>
        tpu.enqueue_indirect_dma source(%dma_start3A_248 : memref<128x16xf32, #tpu.memory_space<vmem>>) target(%dma_start3A_254 : memref<100000x16xf32, #tpu.memory_space<vmem_shared>>) offsets(%dma_start3A_251 : memref<128xi32, #tpu.memory_space<vmem>>) semaphore(%arg18 : memref<!tpu.dma_semaphore, #tpu.memory_space<semaphore_mem>>) {add = true}
        %dma_start3A_255 = arith.constant 3 : i32
        %dma_start3A_256 = arith.constant 384 : i32
        %dma_start3A_257 = arith.constant 0 : i32
        %dma_start3A_258 = tpu.memref_slice %arg12[%dma_start3A_256, %dma_start3A_257] : memref<512x16xf32, #tpu.memory_space<vmem>> -> memref<128x16xf32, #tpu.memory_space<vmem>>
        %dma_start3A_259 = arith.constant 0 : i32
        %dma_start3A_260 = tpu.memref_slice %arg6[%dma_start3A_255, %dma_start3A_259] : memref<8x128xi32, #tpu.memory_space<vmem>> -> memref<1x128xi32, #tpu.memory_space<vmem>>
        %dma_start3A_261 = tpu.memref_squeeze %dma_start3A_260 : memref<1x128xi32, #tpu.memory_space<vmem>> -> memref<128xi32, #tpu.memory_space<vmem>>
        %dma_start3A_262 = arith.constant 0 : i32
        %dma_start3A_263 = arith.constant 0 : i32
        %dma_start3A_264 = tpu.memref_slice %arg13[%dma_start3A_262, %dma_start3A_263] : memref<100000x16xf32, #tpu.memory_space<vmem_shared>> -> memref<100000x16xf32, #tpu.memory_space<vmem_shared>>
        tpu.enqueue_indirect_dma source(%dma_start3A_258 : memref<128x16xf32, #tpu.memory_space<vmem>>) target(%dma_start3A_264 : memref<100000x16xf32, #tpu.memory_space<vmem_shared>>) offsets(%dma_start3A_261 : memref<128xi32, #tpu.memory_space<vmem>>) semaphore(%arg18 : memref<!tpu.dma_semaphore, #tpu.memory_space<semaphore_mem>>) {add = true}
      } else {
      }
      %mul3A_153 = arith.constant 4 : i32
      %mul3A_154 = arith.muli %mul3A_153, %scan3A_140 : i32
      %add3A_155 = arith.constant 1 : i32
      %add3A_156 = arith.addi %mul3A_154, %add3A_155 : i32
      %mul3A_157 = arith.constant 2 : i32
      %mul3A_158 = arith.muli %mul3A_157, %scan3A_140 : i32
      %add3A_159 = arith.constant 0 : i32
      %add3A_160 = arith.addi %mul3A_158, %add3A_159 : i32
      %lt3A_161 = arith.cmpi slt, %add3A_156, %mul3A_69 : i32
      %convert_element_type3A_162 = arith.extui %lt3A_161 : i1 to i32
      %cond3A_163 = arith.constant 0 : i32
      %cond3A_164 = arith.cmpi ne, %convert_element_type3A_162, %cond3A_163 : i32
      scf.if %cond3A_164 {
        %add3A_189 = arith.constant 1 : i32
        %add3A_190 = arith.addi %add3A_156, %add3A_189 : i32
        %lt3A_191 = arith.cmpi slt, %add3A_190, %mul3A_69 : i32
        %convert_element_type3A_192 = arith.extui %lt3A_191 : i1 to i32
        %cond3A_193 = arith.constant 0 : i32
        %cond3A_194 = arith.cmpi ne, %convert_element_type3A_192, %cond3A_193 : i32
        scf.if %cond3A_194 {
          %add3A_260 = arith.constant 1 : i32
          %add3A_261 = arith.addi %add3A_160, %add3A_260 : i32
          %mul3A_262 = arith.constant 4 : i32
          %mul3A_263 = arith.muli %mul3A_76, %mul3A_262 : i32
          %mul3A_264 = arith.constant 2 : i32
          %mul3A_265 = arith.muli %add3A_261, %mul3A_264 : i32
          %mul3A_266 = arith.constant 4 : i32
          %mul3A_267 = arith.muli %mul3A_265, %mul3A_266 : i32
          %add3A_268 = arith.addi %mul3A_263, %mul3A_267 : i32
          %dma_start3A_269 = arith.constant 0 : i32
          %dma_start3A_270 = tpu.memref_slice %arg4[%add3A_268, %dma_start3A_269] : memref<25000x128xi32, #tpu.memory_space<hbm>> -> memref<8x128xi32, #tpu.memory_space<hbm>>
          %dma_start3A_271 = arith.constant 0 : i32
          %dma_start3A_272 = tpu.memref_slice %arg4[%add3A_268, %dma_start3A_271] : memref<25000x128xi32, #tpu.memory_space<hbm>> -> memref<8x128xi32, #tpu.memory_space<hbm>>
          tpu.enqueue_dma source(%dma_start3A_272 : memref<8x128xi32, #tpu.memory_space<hbm>>) target(%arg7 : memref<8x128xi32, #tpu.memory_space<vmem>>) target_semaphore(%arg15 : memref<!tpu.dma_semaphore, #tpu.memory_space<semaphore_mem>>)
        } else {
        }
        %add3A_195 = arith.addi %mul3A_76, %add3A_156 : i32
        %mul3A_196 = arith.constant 512 : i32
        %mul3A_197 = arith.muli %add3A_195, %mul3A_196 : i32
        %dma_wait3A_198 = arith.constant 0 : i32
        %dma_wait3A_199 = tpu.memref_slice %arg2[%dma_wait3A_198, %mul3A_197] : memref<10x3200000xf32, #tpu.memory_space<hbm>> -> memref<10x512xf32, #tpu.memory_space<hbm>>
        %dma_wait3A_200 = arith.constant 0 : i32
        %dma_wait3A_201 = tpu.memref_slice %arg2[%dma_wait3A_200, %mul3A_197] : memref<10x3200000xf32, #tpu.memory_space<hbm>> -> memref<10x512xf32, #tpu.memory_space<hbm>>
        tpu.wait_dma2 semaphore(%arg17 : memref<!tpu.dma_semaphore, #tpu.memory_space<semaphore_mem>>) src(%dma_wait3A_201 : memref<10x512xf32, #tpu.memory_space<hbm>>) dst(%arg9 : memref<10x512xf32, #tpu.memory_space<vmem>>)
        %dma_wait3A_202 = tpu.memref_slice %arg3[%mul3A_197] : memref<3200000xf32, #tpu.memory_space<hbm>> -> memref<512xf32, #tpu.memory_space<hbm>>
        %dma_wait3A_203 = tpu.memref_slice %arg3[%mul3A_197] : memref<3200000xf32, #tpu.memory_space<hbm>> -> memref<512xf32, #tpu.memory_space<hbm>>
        tpu.wait_dma2 semaphore(%arg17 : memref<!tpu.dma_semaphore, #tpu.memory_space<semaphore_mem>>) src(%dma_wait3A_203 : memref<512xf32, #tpu.memory_space<hbm>>) dst(%arg11 : memref<512xf32, #tpu.memory_space<vmem>>)
        %add3A_204 = arith.constant 1 : i32
        %add3A_205 = arith.addi %add3A_156, %add3A_204 : i32
        %lt3A_206 = arith.cmpi slt, %add3A_205, %mul3A_69 : i32
        %convert_element_type3A_207 = arith.extui %lt3A_206 : i1 to i32
        %cond3A_208 = arith.constant 0 : i32
        %cond3A_209 = arith.cmpi ne, %convert_element_type3A_207, %cond3A_208 : i32
        scf.if %cond3A_209 {
          %add3A_260 = arith.constant 1 : i32
          %add3A_261 = arith.addi %add3A_156, %add3A_260 : i32
          %add3A_262 = arith.addi %mul3A_76, %add3A_261 : i32
          %mul3A_263 = arith.constant 512 : i32
          %mul3A_264 = arith.muli %add3A_262, %mul3A_263 : i32
          %dma_start3A_265 = arith.constant 0 : i32
          %dma_start3A_266 = tpu.memref_slice %arg2[%dma_start3A_265, %mul3A_264] : memref<10x3200000xf32, #tpu.memory_space<hbm>> -> memref<10x512xf32, #tpu.memory_space<hbm>>
          %dma_start3A_267 = arith.constant 0 : i32
          %dma_start3A_268 = tpu.memref_slice %arg2[%dma_start3A_267, %mul3A_264] : memref<10x3200000xf32, #tpu.memory_space<hbm>> -> memref<10x512xf32, #tpu.memory_space<hbm>>
          tpu.enqueue_dma source(%dma_start3A_268 : memref<10x512xf32, #tpu.memory_space<hbm>>) target(%arg8 : memref<10x512xf32, #tpu.memory_space<vmem>>) target_semaphore(%arg16 : memref<!tpu.dma_semaphore, #tpu.memory_space<semaphore_mem>>)
          %dma_start3A_269 = tpu.memref_slice %arg3[%mul3A_264] : memref<3200000xf32, #tpu.memory_space<hbm>> -> memref<512xf32, #tpu.memory_space<hbm>>
          %dma_start3A_270 = tpu.memref_slice %arg3[%mul3A_264] : memref<3200000xf32, #tpu.memory_space<hbm>> -> memref<512xf32, #tpu.memory_space<hbm>>
          tpu.enqueue_dma source(%dma_start3A_270 : memref<512xf32, #tpu.memory_space<hbm>>) target(%arg10 : memref<512xf32, #tpu.memory_space<vmem>>) target_semaphore(%arg16 : memref<!tpu.dma_semaphore, #tpu.memory_space<semaphore_mem>>)
        } else {
        }
        %ge3A = arith.constant 1 : i32
        %ge3A_210 = arith.cmpi sge, %add3A_156, %ge3A : i32
        %convert_element_type3A_211 = arith.extui %ge3A_210 : i1 to i32
        %cond3A_212 = arith.constant 0 : i32
        %cond3A_213 = arith.cmpi ne, %convert_element_type3A_211, %cond3A_212 : i32
        scf.if %cond3A_213 {
          %dma_wait3A_260 = arith.constant 0 : i32
          %dma_wait3A_261 = arith.constant 0 : i32
          %dma_wait3A_262 = arith.constant 0 : i32
          %dma_wait3A_263 = tpu.memref_slice %arg5[%dma_wait3A_260, %dma_wait3A_261, %dma_wait3A_262] : memref<2x100000x16xf32, #tpu.memory_space<hbm>> -> memref<1x512x16xf32, #tpu.memory_space<hbm>>
          %dma_wait3A_264 = tpu.memref_squeeze %dma_wait3A_263 : memref<1x512x16xf32, #tpu.memory_space<hbm>> -> memref<512x16xf32, #tpu.memory_space<hbm>>
          %dma_wait3A_265 = arith.constant 0 : i32
          %dma_wait3A_266 = arith.constant 0 : i32
          %dma_wait3A_267 = tpu.memref_slice %arg5[%dma_wait3A_260, %dma_wait3A_265, %dma_wait3A_266] : memref<2x100000x16xf32, #tpu.memory_space<hbm>> -> memref<1x512x16xf32, #tpu.memory_space<hbm>>
          %dma_wait3A_268 = tpu.memref_squeeze %dma_wait3A_267 : memref<1x512x16xf32, #tpu.memory_space<hbm>> -> memref<512x16xf32, #tpu.memory_space<hbm>>
          tpu.wait_dma2 semaphore(%arg18 : memref<!tpu.dma_semaphore, #tpu.memory_space<semaphore_mem>>) src(%dma_wait3A_268 : memref<512x16xf32, #tpu.memory_space<hbm>>) dst(%arg12 : memref<512x16xf32, #tpu.memory_space<vmem>>)
        } else {
        }
        %scan3A_214 = arith.constant 0 : i32
        %scan3A_215 = arith.constant 32 : i32
        %scan3A_216 = arith.addi %scan3A_214, %scan3A_215 : i32
        %scan3A_217 = arith.constant 1 : i32
        %scan3A_218 = scf.for %scan3A_260 = %scan3A_214 to %scan3A_216 step %scan3A_217 iter_args(%scan3A_261 = %iota3A) -> (vector<16xi32>)  : i32 {
          %mul3A_262 = arith.constant 16 : i32
          %mul3A_263 = arith.muli %scan3A_260, %mul3A_262 : i32
          %get3A = arith.index_cast %mul3A_263 : i32 to index
          %get3A_264 = tpu.vector_load %arg11[%get3A] {strides = array<i32>} : memref<512xf32, #tpu.memory_space<vmem>>, vector<16xf32>,
          %mul3A_265 = arith.constant 16 : i32
          %mul3A_266 = arith.muli %scan3A_260, %mul3A_265 : i32
          %get3A_267 = arith.constant 0 : i32
          %get3A_268 = arith.index_cast %get3A_267 : i32 to index
          %get3A_269 = arith.index_cast %mul3A_266 : i32 to index
          %get3A_270 = tpu.vector_load %arg9[%get3A_268, %get3A_269] {strides = array<i32>} : memref<10x512xf32, #tpu.memory_space<vmem>>, vector<16xf32>,
          %mul3A_271 = arith.mulf %get3A_270, %get3A_264 : vector<16xf32>
          tpu.vector_store_idx %arg12[%scan3A_261, %broadcast_in_dim3A_1], %mul3A_271 : memref<512x16xf32, #tpu.memory_space<vmem>>[vector<16xi32>, vector<16xi32>], vector<16xf32>,
          %mul3A_272 = arith.constant 16 : i32
          %mul3A_273 = arith.muli %scan3A_260, %mul3A_272 : i32
          %get3A_274 = arith.constant 1 : i32
          %get3A_275 = arith.index_cast %get3A_274 : i32 to index
          %get3A_276 = arith.index_cast %mul3A_273 : i32 to index
          %get3A_277 = tpu.vector_load %arg9[%get3A_275, %get3A_276] {strides = array<i32>} : memref<10x512xf32, #tpu.memory_space<vmem>>, vector<16xf32>,
          %mul3A_278 = arith.mulf %get3A_277, %get3A_264 : vector<16xf32>
          tpu.vector_store_idx %arg12[%scan3A_261, %broadcast_in_dim3A_3], %mul3A_278 : memref<512x16xf32, #tpu.memory_space<vmem>>[vector<16xi32>, vector<16xi32>], vector<16xf32>,
          %mul3A_279 = arith.constant 16 : i32
          %mul3A_280 = arith.muli %scan3A_260, %mul3A_279 : i32
          %get3A_281 = arith.constant 2 : i32
          %get3A_282 = arith.index_cast %get3A_281 : i32 to index
          %get3A_283 = arith.index_cast %mul3A_280 : i32 to index
          %get3A_284 = tpu.vector_load %arg9[%get3A_282, %get3A_283] {strides = array<i32>} : memref<10x512xf32, #tpu.memory_space<vmem>>, vector<16xf32>,
          %mul3A_285 = arith.mulf %get3A_284, %get3A_264 : vector<16xf32>
          tpu.vector_store_idx %arg12[%scan3A_261, %broadcast_in_dim3A_5], %mul3A_285 : memref<512x16xf32, #tpu.memory_space<vmem>>[vector<16xi32>, vector<16xi32>], vector<16xf32>,
          %mul3A_286 = arith.constant 16 : i32
          %mul3A_287 = arith.muli %scan3A_260, %mul3A_286 : i32
          %get3A_288 = arith.constant 3 : i32
          %get3A_289 = arith.index_cast %get3A_288 : i32 to index
          %get3A_290 = arith.index_cast %mul3A_287 : i32 to index
          %get3A_291 = tpu.vector_load %arg9[%get3A_289, %get3A_290] {strides = array<i32>} : memref<10x512xf32, #tpu.memory_space<vmem>>, vector<16xf32>,
          %mul3A_292 = arith.mulf %get3A_291, %get3A_264 : vector<16xf32>
          tpu.vector_store_idx %arg12[%scan3A_261, %broadcast_in_dim3A_7], %mul3A_292 : memref<512x16xf32, #tpu.memory_space<vmem>>[vector<16xi32>, vector<16xi32>], vector<16xf32>,
          %mul3A_293 = arith.constant 16 : i32
          %mul3A_294 = arith.muli %scan3A_260, %mul3A_293 : i32
          %get3A_295 = arith.constant 4 : i32
          %get3A_296 = arith.index_cast %get3A_295 : i32 to index
          %get3A_297 = arith.index_cast %mul3A_294 : i32 to index
          %get3A_298 = tpu.vector_load %arg9[%get3A_296, %get3A_297] {strides = array<i32>} : memref<10x512xf32, #tpu.memory_space<vmem>>, vector<16xf32>,
          %mul3A_299 = arith.mulf %get3A_298, %get3A_264 : vector<16xf32>
          tpu.vector_store_idx %arg12[%scan3A_261, %broadcast_in_dim3A_9], %mul3A_299 : memref<512x16xf32, #tpu.memory_space<vmem>>[vector<16xi32>, vector<16xi32>], vector<16xf32>,
          %mul3A_300 = arith.constant 16 : i32
          %mul3A_301 = arith.muli %scan3A_260, %mul3A_300 : i32
          %get3A_302 = arith.constant 5 : i32
          %get3A_303 = arith.index_cast %get3A_302 : i32 to index
          %get3A_304 = arith.index_cast %mul3A_301 : i32 to index
          %get3A_305 = tpu.vector_load %arg9[%get3A_303, %get3A_304] {strides = array<i32>} : memref<10x512xf32, #tpu.memory_space<vmem>>, vector<16xf32>,
          %mul3A_306 = arith.mulf %get3A_305, %get3A_264 : vector<16xf32>
          tpu.vector_store_idx %arg12[%scan3A_261, %broadcast_in_dim3A_11], %mul3A_306 : memref<512x16xf32, #tpu.memory_space<vmem>>[vector<16xi32>, vector<16xi32>], vector<16xf32>,
          %mul3A_307 = arith.constant 16 : i32
          %mul3A_308 = arith.muli %scan3A_260, %mul3A_307 : i32
          %get3A_309 = arith.constant 6 : i32
          %get3A_310 = arith.index_cast %get3A_309 : i32 to index
          %get3A_311 = arith.index_cast %mul3A_308 : i32 to index
          %get3A_312 = tpu.vector_load %arg9[%get3A_310, %get3A_311] {strides = array<i32>} : memref<10x512xf32, #tpu.memory_space<vmem>>, vector<16xf32>,
          %mul3A_313 = arith.mulf %get3A_312, %get3A_264 : vector<16xf32>
          tpu.vector_store_idx %arg12[%scan3A_261, %broadcast_in_dim3A_13], %mul3A_313 : memref<512x16xf32, #tpu.memory_space<vmem>>[vector<16xi32>, vector<16xi32>], vector<16xf32>,
          %mul3A_314 = arith.constant 16 : i32
          %mul3A_315 = arith.muli %scan3A_260, %mul3A_314 : i32
          %get3A_316 = arith.constant 7 : i32
          %get3A_317 = arith.index_cast %get3A_316 : i32 to index
          %get3A_318 = arith.index_cast %mul3A_315 : i32 to index
          %get3A_319 = tpu.vector_load %arg9[%get3A_317, %get3A_318] {strides = array<i32>} : memref<10x512xf32, #tpu.memory_space<vmem>>, vector<16xf32>,
          %mul3A_320 = arith.mulf %get3A_319, %get3A_264 : vector<16xf32>
          tpu.vector_store_idx %arg12[%scan3A_261, %broadcast_in_dim3A_15], %mul3A_320 : memref<512x16xf32, #tpu.memory_space<vmem>>[vector<16xi32>, vector<16xi32>], vector<16xf32>,
          %mul3A_321 = arith.constant 16 : i32
          %mul3A_322 = arith.muli %scan3A_260, %mul3A_321 : i32
          %get3A_323 = arith.constant 8 : i32
          %get3A_324 = arith.index_cast %get3A_323 : i32 to index
          %get3A_325 = arith.index_cast %mul3A_322 : i32 to index
          %get3A_326 = tpu.vector_load %arg9[%get3A_324, %get3A_325] {strides = array<i32>} : memref<10x512xf32, #tpu.memory_space<vmem>>, vector<16xf32>,
          %mul3A_327 = arith.mulf %get3A_326, %get3A_264 : vector<16xf32>
          tpu.vector_store_idx %arg12[%scan3A_261, %broadcast_in_dim3A_17], %mul3A_327 : memref<512x16xf32, #tpu.memory_space<vmem>>[vector<16xi32>, vector<16xi32>], vector<16xf32>,
          %mul3A_328 = arith.constant 16 : i32
          %mul3A_329 = arith.muli %scan3A_260, %mul3A_328 : i32
          %get3A_330 = arith.constant 9 : i32
          %get3A_331 = arith.index_cast %get3A_330 : i32 to index
          %get3A_332 = arith.index_cast %mul3A_329 : i32 to index
          %get3A_333 = tpu.vector_load %arg9[%get3A_331, %get3A_332] {strides = array<i32>} : memref<10x512xf32, #tpu.memory_space<vmem>>, vector<16xf32>,
          %mul3A_334 = arith.mulf %get3A_333, %get3A_264 : vector<16xf32>
          tpu.vector_store_idx %arg12[%scan3A_261, %broadcast_in_dim3A_19], %mul3A_334 : memref<512x16xf32, #tpu.memory_space<vmem>>[vector<16xi32>, vector<16xi32>], vector<16xf32>,
          tpu.vector_store_idx %arg12[%scan3A_261, %broadcast_in_dim3A_21], %get3A_264 : memref<512x16xf32, #tpu.memory_space<vmem>>[vector<16xi32>, vector<16xi32>], vector<16xf32>,
          %add3A_335 = arith.constant 16 : i32
          %add3A_336 = vector.broadcast %add3A_335 : i32 to vector<16xi32>
          %add3A_337 = arith.addi %scan3A_261, %add3A_336 : vector<16xi32>
          scf.yield %add3A_337 : vector<16xi32>
        }
        %scan3A_219 = arith.constant 32 : i32
        %dma_start3A_220 = arith.constant 4 : i32
        %dma_start3A_221 = arith.constant 0 : i32
        %dma_start3A_222 = arith.constant 0 : i32
        %dma_start3A_223 = tpu.memref_slice %arg12[%dma_start3A_221, %dma_start3A_222] : memref<512x16xf32, #tpu.memory_space<vmem>> -> memref<128x16xf32, #tpu.memory_space<vmem>>
        %dma_start3A_224 = arith.constant 0 : i32
        %dma_start3A_225 = tpu.memref_slice %arg6[%dma_start3A_220, %dma_start3A_224] : memref<8x128xi32, #tpu.memory_space<vmem>> -> memref<1x128xi32, #tpu.memory_space<vmem>>
        %dma_start3A_226 = tpu.memref_squeeze %dma_start3A_225 : memref<1x128xi32, #tpu.memory_space<vmem>> -> memref<128xi32, #tpu.memory_space<vmem>>
        %dma_start3A_227 = arith.constant 0 : i32
        %dma_start3A_228 = arith.constant 0 : i32
        %dma_start3A_229 = tpu.memref_slice %arg13[%dma_start3A_227, %dma_start3A_228] : memref<100000x16xf32, #tpu.memory_space<vmem_shared>> -> memref<100000x16xf32, #tpu.memory_space<vmem_shared>>
        tpu.enqueue_indirect_dma source(%dma_start3A_223 : memref<128x16xf32, #tpu.memory_space<vmem>>) target(%dma_start3A_229 : memref<100000x16xf32, #tpu.memory_space<vmem_shared>>) offsets(%dma_start3A_226 : memref<128xi32, #tpu.memory_space<vmem>>) semaphore(%arg18 : memref<!tpu.dma_semaphore, #tpu.memory_space<semaphore_mem>>) {add = true}
        %dma_start3A_230 = arith.constant 5 : i32
        %dma_start3A_231 = arith.constant 128 : i32
        %dma_start3A_232 = arith.constant 0 : i32
        %dma_start3A_233 = tpu.memref_slice %arg12[%dma_start3A_231, %dma_start3A_232] : memref<512x16xf32, #tpu.memory_space<vmem>> -> memref<128x16xf32, #tpu.memory_space<vmem>>
        %dma_start3A_234 = arith.constant 0 : i32
        %dma_start3A_235 = tpu.memref_slice %arg6[%dma_start3A_230, %dma_start3A_234] : memref<8x128xi32, #tpu.memory_space<vmem>> -> memref<1x128xi32, #tpu.memory_space<vmem>>
        %dma_start3A_236 = tpu.memref_squeeze %dma_start3A_235 : memref<1x128xi32, #tpu.memory_space<vmem>> -> memref<128xi32, #tpu.memory_space<vmem>>
        %dma_start3A_237 = arith.constant 0 : i32
        %dma_start3A_238 = arith.constant 0 : i32
        %dma_start3A_239 = tpu.memref_slice %arg13[%dma_start3A_237, %dma_start3A_238] : memref<100000x16xf32, #tpu.memory_space<vmem_shared>> -> memref<100000x16xf32, #tpu.memory_space<vmem_shared>>
        tpu.enqueue_indirect_dma source(%dma_start3A_233 : memref<128x16xf32, #tpu.memory_space<vmem>>) target(%dma_start3A_239 : memref<100000x16xf32, #tpu.memory_space<vmem_shared>>) offsets(%dma_start3A_236 : memref<128xi32, #tpu.memory_space<vmem>>) semaphore(%arg18 : memref<!tpu.dma_semaphore, #tpu.memory_space<semaphore_mem>>) {add = true}
        %dma_start3A_240 = arith.constant 6 : i32
        %dma_start3A_241 = arith.constant 256 : i32
        %dma_start3A_242 = arith.constant 0 : i32
        %dma_start3A_243 = tpu.memref_slice %arg12[%dma_start3A_241, %dma_start3A_242] : memref<512x16xf32, #tpu.memory_space<vmem>> -> memref<128x16xf32, #tpu.memory_space<vmem>>
        %dma_start3A_244 = arith.constant 0 : i32
        %dma_start3A_245 = tpu.memref_slice %arg6[%dma_start3A_240, %dma_start3A_244] : memref<8x128xi32, #tpu.memory_space<vmem>> -> memref<1x128xi32, #tpu.memory_space<vmem>>
        %dma_start3A_246 = tpu.memref_squeeze %dma_start3A_245 : memref<1x128xi32, #tpu.memory_space<vmem>> -> memref<128xi32, #tpu.memory_space<vmem>>
        %dma_start3A_247 = arith.constant 0 : i32
        %dma_start3A_248 = arith.constant 0 : i32
        %dma_start3A_249 = tpu.memref_slice %arg13[%dma_start3A_247, %dma_start3A_248] : memref<100000x16xf32, #tpu.memory_space<vmem_shared>> -> memref<100000x16xf32, #tpu.memory_space<vmem_shared>>
        tpu.enqueue_indirect_dma source(%dma_start3A_243 : memref<128x16xf32, #tpu.memory_space<vmem>>) target(%dma_start3A_249 : memref<100000x16xf32, #tpu.memory_space<vmem_shared>>) offsets(%dma_start3A_246 : memref<128xi32, #tpu.memory_space<vmem>>) semaphore(%arg18 : memref<!tpu.dma_semaphore, #tpu.memory_space<semaphore_mem>>) {add = true}
        %dma_start3A_250 = arith.constant 7 : i32
        %dma_start3A_251 = arith.constant 384 : i32
        %dma_start3A_252 = arith.constant 0 : i32
        %dma_start3A_253 = tpu.memref_slice %arg12[%dma_start3A_251, %dma_start3A_252] : memref<512x16xf32, #tpu.memory_space<vmem>> -> memref<128x16xf32, #tpu.memory_space<vmem>>
        %dma_start3A_254 = arith.constant 0 : i32
        %dma_start3A_255 = tpu.memref_slice %arg6[%dma_start3A_250, %dma_start3A_254] : memref<8x128xi32, #tpu.memory_space<vmem>> -> memref<1x128xi32, #tpu.memory_space<vmem>>
        %dma_start3A_256 = tpu.memref_squeeze %dma_start3A_255 : memref<1x128xi32, #tpu.memory_space<vmem>> -> memref<128xi32, #tpu.memory_space<vmem>>
        %dma_start3A_257 = arith.constant 0 : i32
        %dma_start3A_258 = arith.constant 0 : i32
        %dma_start3A_259 = tpu.memref_slice %arg13[%dma_start3A_257, %dma_start3A_258] : memref<100000x16xf32, #tpu.memory_space<vmem_shared>> -> memref<100000x16xf32, #tpu.memory_space<vmem_shared>>
        tpu.enqueue_indirect_dma source(%dma_start3A_253 : memref<128x16xf32, #tpu.memory_space<vmem>>) target(%dma_start3A_259 : memref<100000x16xf32, #tpu.memory_space<vmem_shared>>) offsets(%dma_start3A_256 : memref<128xi32, #tpu.memory_space<vmem>>) semaphore(%arg18 : memref<!tpu.dma_semaphore, #tpu.memory_space<semaphore_mem>>) {add = true}
      } else {
      }
      %mul3A_165 = arith.constant 4 : i32
      %mul3A_166 = arith.muli %mul3A_165, %scan3A_140 : i32
      %add3A_167 = arith.constant 2 : i32
      %add3A_168 = arith.addi %mul3A_166, %add3A_167 : i32
      %mul3A_169 = arith.constant 2 : i32
      %mul3A_170 = arith.muli %mul3A_169, %scan3A_140 : i32
      %add3A_171 = arith.constant 1 : i32
      %add3A_172 = arith.addi %mul3A_170, %add3A_171 : i32
      %lt3A_173 = arith.cmpi slt, %add3A_168, %mul3A_69 : i32
      %convert_element_type3A_174 = arith.extui %lt3A_173 : i1 to i32
      %cond3A_175 = arith.constant 0 : i32
      %cond3A_176 = arith.cmpi ne, %convert_element_type3A_174, %cond3A_175 : i32
      scf.if %cond3A_176 {
        %mul3A_189 = arith.constant 4 : i32
        %mul3A_190 = arith.muli %mul3A_76, %mul3A_189 : i32
        %mul3A_191 = arith.constant 2 : i32
        %mul3A_192 = arith.muli %add3A_172, %mul3A_191 : i32
        %mul3A_193 = arith.constant 4 : i32
        %mul3A_194 = arith.muli %mul3A_192, %mul3A_193 : i32
        %add3A_195 = arith.addi %mul3A_190, %mul3A_194 : i32
        %dma_wait3A_196 = arith.constant 0 : i32
        %dma_wait3A_197 = tpu.memref_slice %arg4[%add3A_195, %dma_wait3A_196] : memref<25000x128xi32, #tpu.memory_space<hbm>> -> memref<8x128xi32, #tpu.memory_space<hbm>>
        %dma_wait3A_198 = arith.constant 0 : i32
        %dma_wait3A_199 = tpu.memref_slice %arg4[%add3A_195, %dma_wait3A_198] : memref<25000x128xi32, #tpu.memory_space<hbm>> -> memref<8x128xi32, #tpu.memory_space<hbm>>
        tpu.wait_dma2 semaphore(%arg15 : memref<!tpu.dma_semaphore, #tpu.memory_space<semaphore_mem>>) src(%dma_wait3A_199 : memref<8x128xi32, #tpu.memory_space<hbm>>) dst(%arg7 : memref<8x128xi32, #tpu.memory_space<vmem>>)
        %add3A_200 = arith.addi %mul3A_76, %add3A_168 : i32
        %mul3A_201 = arith.constant 512 : i32
        %mul3A_202 = arith.muli %add3A_200, %mul3A_201 : i32
        %dma_wait3A_203 = arith.constant 0 : i32
        %dma_wait3A_204 = tpu.memref_slice %arg2[%dma_wait3A_203, %mul3A_202] : memref<10x3200000xf32, #tpu.memory_space<hbm>> -> memref<10x512xf32, #tpu.memory_space<hbm>>
        %dma_wait3A_205 = arith.constant 0 : i32
        %dma_wait3A_206 = tpu.memref_slice %arg2[%dma_wait3A_205, %mul3A_202] : memref<10x3200000xf32, #tpu.memory_space<hbm>> -> memref<10x512xf32, #tpu.memory_space<hbm>>
        tpu.wait_dma2 semaphore(%arg16 : memref<!tpu.dma_semaphore, #tpu.memory_space<semaphore_mem>>) src(%dma_wait3A_206 : memref<10x512xf32, #tpu.memory_space<hbm>>) dst(%arg8 : memref<10x512xf32, #tpu.memory_space<vmem>>)
        %dma_wait3A_207 = tpu.memref_slice %arg3[%mul3A_202] : memref<3200000xf32, #tpu.memory_space<hbm>> -> memref<512xf32, #tpu.memory_space<hbm>>
        %dma_wait3A_208 = tpu.memref_slice %arg3[%mul3A_202] : memref<3200000xf32, #tpu.memory_space<hbm>> -> memref<512xf32, #tpu.memory_space<hbm>>
        tpu.wait_dma2 semaphore(%arg16 : memref<!tpu.dma_semaphore, #tpu.memory_space<semaphore_mem>>) src(%dma_wait3A_208 : memref<512xf32, #tpu.memory_space<hbm>>) dst(%arg10 : memref<512xf32, #tpu.memory_space<vmem>>)
        %add3A_209 = arith.constant 1 : i32
        %add3A_210 = arith.addi %add3A_168, %add3A_209 : i32
        %lt3A_211 = arith.cmpi slt, %add3A_210, %mul3A_69 : i32
        %convert_element_type3A_212 = arith.extui %lt3A_211 : i1 to i32
        %cond3A_213 = arith.constant 0 : i32
        %cond3A_214 = arith.cmpi ne, %convert_element_type3A_212, %cond3A_213 : i32
        scf.if %cond3A_214 {
          %add3A_265 = arith.constant 1 : i32
          %add3A_266 = arith.addi %add3A_168, %add3A_265 : i32
          %add3A_267 = arith.addi %mul3A_76, %add3A_266 : i32
          %mul3A_268 = arith.constant 512 : i32
          %mul3A_269 = arith.muli %add3A_267, %mul3A_268 : i32
          %dma_start3A_270 = arith.constant 0 : i32
          %dma_start3A_271 = tpu.memref_slice %arg2[%dma_start3A_270, %mul3A_269] : memref<10x3200000xf32, #tpu.memory_space<hbm>> -> memref<10x512xf32, #tpu.memory_space<hbm>>
          %dma_start3A_272 = arith.constant 0 : i32
          %dma_start3A_273 = tpu.memref_slice %arg2[%dma_start3A_272, %mul3A_269] : memref<10x3200000xf32, #tpu.memory_space<hbm>> -> memref<10x512xf32, #tpu.memory_space<hbm>>
          tpu.enqueue_dma source(%dma_start3A_273 : memref<10x512xf32, #tpu.memory_space<hbm>>) target(%arg9 : memref<10x512xf32, #tpu.memory_space<vmem>>) target_semaphore(%arg17 : memref<!tpu.dma_semaphore, #tpu.memory_space<semaphore_mem>>)
          %dma_start3A_274 = tpu.memref_slice %arg3[%mul3A_269] : memref<3200000xf32, #tpu.memory_space<hbm>> -> memref<512xf32, #tpu.memory_space<hbm>>
          %dma_start3A_275 = tpu.memref_slice %arg3[%mul3A_269] : memref<3200000xf32, #tpu.memory_space<hbm>> -> memref<512xf32, #tpu.memory_space<hbm>>
          tpu.enqueue_dma source(%dma_start3A_275 : memref<512xf32, #tpu.memory_space<hbm>>) target(%arg11 : memref<512xf32, #tpu.memory_space<vmem>>) target_semaphore(%arg17 : memref<!tpu.dma_semaphore, #tpu.memory_space<semaphore_mem>>)
        } else {
        }
        %ge3A = arith.constant 1 : i32
        %ge3A_215 = arith.cmpi sge, %add3A_168, %ge3A : i32
        %convert_element_type3A_216 = arith.extui %ge3A_215 : i1 to i32
        %cond3A_217 = arith.constant 0 : i32
        %cond3A_218 = arith.cmpi ne, %convert_element_type3A_216, %cond3A_217 : i32
        scf.if %cond3A_218 {
          %dma_wait3A_265 = arith.constant 0 : i32
          %dma_wait3A_266 = arith.constant 0 : i32
          %dma_wait3A_267 = arith.constant 0 : i32
          %dma_wait3A_268 = tpu.memref_slice %arg5[%dma_wait3A_265, %dma_wait3A_266, %dma_wait3A_267] : memref<2x100000x16xf32, #tpu.memory_space<hbm>> -> memref<1x512x16xf32, #tpu.memory_space<hbm>>
          %dma_wait3A_269 = tpu.memref_squeeze %dma_wait3A_268 : memref<1x512x16xf32, #tpu.memory_space<hbm>> -> memref<512x16xf32, #tpu.memory_space<hbm>>
          %dma_wait3A_270 = arith.constant 0 : i32
          %dma_wait3A_271 = arith.constant 0 : i32
          %dma_wait3A_272 = tpu.memref_slice %arg5[%dma_wait3A_265, %dma_wait3A_270, %dma_wait3A_271] : memref<2x100000x16xf32, #tpu.memory_space<hbm>> -> memref<1x512x16xf32, #tpu.memory_space<hbm>>
          %dma_wait3A_273 = tpu.memref_squeeze %dma_wait3A_272 : memref<1x512x16xf32, #tpu.memory_space<hbm>> -> memref<512x16xf32, #tpu.memory_space<hbm>>
          tpu.wait_dma2 semaphore(%arg18 : memref<!tpu.dma_semaphore, #tpu.memory_space<semaphore_mem>>) src(%dma_wait3A_273 : memref<512x16xf32, #tpu.memory_space<hbm>>) dst(%arg12 : memref<512x16xf32, #tpu.memory_space<vmem>>)
        } else {
        }
        %scan3A_219 = arith.constant 0 : i32
        %scan3A_220 = arith.constant 32 : i32
        %scan3A_221 = arith.addi %scan3A_219, %scan3A_220 : i32
        %scan3A_222 = arith.constant 1 : i32
        %scan3A_223 = scf.for %scan3A_265 = %scan3A_219 to %scan3A_221 step %scan3A_222 iter_args(%scan3A_266 = %iota3A) -> (vector<16xi32>)  : i32 {
          %mul3A_267 = arith.constant 16 : i32
          %mul3A_268 = arith.muli %scan3A_265, %mul3A_267 : i32
          %get3A = arith.index_cast %mul3A_268 : i32 to index
          %get3A_269 = tpu.vector_load %arg10[%get3A] {strides = array<i32>} : memref<512xf32, #tpu.memory_space<vmem>>, vector<16xf32>,
          %mul3A_270 = arith.constant 16 : i32
          %mul3A_271 = arith.muli %scan3A_265, %mul3A_270 : i32
          %get3A_272 = arith.constant 0 : i32
          %get3A_273 = arith.index_cast %get3A_272 : i32 to index
          %get3A_274 = arith.index_cast %mul3A_271 : i32 to index
          %get3A_275 = tpu.vector_load %arg8[%get3A_273, %get3A_274] {strides = array<i32>} : memref<10x512xf32, #tpu.memory_space<vmem>>, vector<16xf32>,
          %mul3A_276 = arith.mulf %get3A_275, %get3A_269 : vector<16xf32>
          tpu.vector_store_idx %arg12[%scan3A_266, %broadcast_in_dim3A_1], %mul3A_276 : memref<512x16xf32, #tpu.memory_space<vmem>>[vector<16xi32>, vector<16xi32>], vector<16xf32>,
          %mul3A_277 = arith.constant 16 : i32
          %mul3A_278 = arith.muli %scan3A_265, %mul3A_277 : i32
          %get3A_279 = arith.constant 1 : i32
          %get3A_280 = arith.index_cast %get3A_279 : i32 to index
          %get3A_281 = arith.index_cast %mul3A_278 : i32 to index
          %get3A_282 = tpu.vector_load %arg8[%get3A_280, %get3A_281] {strides = array<i32>} : memref<10x512xf32, #tpu.memory_space<vmem>>, vector<16xf32>,
          %mul3A_283 = arith.mulf %get3A_282, %get3A_269 : vector<16xf32>
          tpu.vector_store_idx %arg12[%scan3A_266, %broadcast_in_dim3A_3], %mul3A_283 : memref<512x16xf32, #tpu.memory_space<vmem>>[vector<16xi32>, vector<16xi32>], vector<16xf32>,
          %mul3A_284 = arith.constant 16 : i32
          %mul3A_285 = arith.muli %scan3A_265, %mul3A_284 : i32
          %get3A_286 = arith.constant 2 : i32
          %get3A_287 = arith.index_cast %get3A_286 : i32 to index
          %get3A_288 = arith.index_cast %mul3A_285 : i32 to index
          %get3A_289 = tpu.vector_load %arg8[%get3A_287, %get3A_288] {strides = array<i32>} : memref<10x512xf32, #tpu.memory_space<vmem>>, vector<16xf32>,
          %mul3A_290 = arith.mulf %get3A_289, %get3A_269 : vector<16xf32>
          tpu.vector_store_idx %arg12[%scan3A_266, %broadcast_in_dim3A_5], %mul3A_290 : memref<512x16xf32, #tpu.memory_space<vmem>>[vector<16xi32>, vector<16xi32>], vector<16xf32>,
          %mul3A_291 = arith.constant 16 : i32
          %mul3A_292 = arith.muli %scan3A_265, %mul3A_291 : i32
          %get3A_293 = arith.constant 3 : i32
          %get3A_294 = arith.index_cast %get3A_293 : i32 to index
          %get3A_295 = arith.index_cast %mul3A_292 : i32 to index
          %get3A_296 = tpu.vector_load %arg8[%get3A_294, %get3A_295] {strides = array<i32>} : memref<10x512xf32, #tpu.memory_space<vmem>>, vector<16xf32>,
          %mul3A_297 = arith.mulf %get3A_296, %get3A_269 : vector<16xf32>
          tpu.vector_store_idx %arg12[%scan3A_266, %broadcast_in_dim3A_7], %mul3A_297 : memref<512x16xf32, #tpu.memory_space<vmem>>[vector<16xi32>, vector<16xi32>], vector<16xf32>,
          %mul3A_298 = arith.constant 16 : i32
          %mul3A_299 = arith.muli %scan3A_265, %mul3A_298 : i32
          %get3A_300 = arith.constant 4 : i32
          %get3A_301 = arith.index_cast %get3A_300 : i32 to index
          %get3A_302 = arith.index_cast %mul3A_299 : i32 to index
          %get3A_303 = tpu.vector_load %arg8[%get3A_301, %get3A_302] {strides = array<i32>} : memref<10x512xf32, #tpu.memory_space<vmem>>, vector<16xf32>,
          %mul3A_304 = arith.mulf %get3A_303, %get3A_269 : vector<16xf32>
          tpu.vector_store_idx %arg12[%scan3A_266, %broadcast_in_dim3A_9], %mul3A_304 : memref<512x16xf32, #tpu.memory_space<vmem>>[vector<16xi32>, vector<16xi32>], vector<16xf32>,
          %mul3A_305 = arith.constant 16 : i32
          %mul3A_306 = arith.muli %scan3A_265, %mul3A_305 : i32
          %get3A_307 = arith.constant 5 : i32
          %get3A_308 = arith.index_cast %get3A_307 : i32 to index
          %get3A_309 = arith.index_cast %mul3A_306 : i32 to index
          %get3A_310 = tpu.vector_load %arg8[%get3A_308, %get3A_309] {strides = array<i32>} : memref<10x512xf32, #tpu.memory_space<vmem>>, vector<16xf32>,
          %mul3A_311 = arith.mulf %get3A_310, %get3A_269 : vector<16xf32>
          tpu.vector_store_idx %arg12[%scan3A_266, %broadcast_in_dim3A_11], %mul3A_311 : memref<512x16xf32, #tpu.memory_space<vmem>>[vector<16xi32>, vector<16xi32>], vector<16xf32>,
          %mul3A_312 = arith.constant 16 : i32
          %mul3A_313 = arith.muli %scan3A_265, %mul3A_312 : i32
          %get3A_314 = arith.constant 6 : i32
          %get3A_315 = arith.index_cast %get3A_314 : i32 to index
          %get3A_316 = arith.index_cast %mul3A_313 : i32 to index
          %get3A_317 = tpu.vector_load %arg8[%get3A_315, %get3A_316] {strides = array<i32>} : memref<10x512xf32, #tpu.memory_space<vmem>>, vector<16xf32>,
          %mul3A_318 = arith.mulf %get3A_317, %get3A_269 : vector<16xf32>
          tpu.vector_store_idx %arg12[%scan3A_266, %broadcast_in_dim3A_13], %mul3A_318 : memref<512x16xf32, #tpu.memory_space<vmem>>[vector<16xi32>, vector<16xi32>], vector<16xf32>,
          %mul3A_319 = arith.constant 16 : i32
          %mul3A_320 = arith.muli %scan3A_265, %mul3A_319 : i32
          %get3A_321 = arith.constant 7 : i32
          %get3A_322 = arith.index_cast %get3A_321 : i32 to index
          %get3A_323 = arith.index_cast %mul3A_320 : i32 to index
          %get3A_324 = tpu.vector_load %arg8[%get3A_322, %get3A_323] {strides = array<i32>} : memref<10x512xf32, #tpu.memory_space<vmem>>, vector<16xf32>,
          %mul3A_325 = arith.mulf %get3A_324, %get3A_269 : vector<16xf32>
          tpu.vector_store_idx %arg12[%scan3A_266, %broadcast_in_dim3A_15], %mul3A_325 : memref<512x16xf32, #tpu.memory_space<vmem>>[vector<16xi32>, vector<16xi32>], vector<16xf32>,
          %mul3A_326 = arith.constant 16 : i32
          %mul3A_327 = arith.muli %scan3A_265, %mul3A_326 : i32
          %get3A_328 = arith.constant 8 : i32
          %get3A_329 = arith.index_cast %get3A_328 : i32 to index
          %get3A_330 = arith.index_cast %mul3A_327 : i32 to index
          %get3A_331 = tpu.vector_load %arg8[%get3A_329, %get3A_330] {strides = array<i32>} : memref<10x512xf32, #tpu.memory_space<vmem>>, vector<16xf32>,
          %mul3A_332 = arith.mulf %get3A_331, %get3A_269 : vector<16xf32>
          tpu.vector_store_idx %arg12[%scan3A_266, %broadcast_in_dim3A_17], %mul3A_332 : memref<512x16xf32, #tpu.memory_space<vmem>>[vector<16xi32>, vector<16xi32>], vector<16xf32>,
          %mul3A_333 = arith.constant 16 : i32
          %mul3A_334 = arith.muli %scan3A_265, %mul3A_333 : i32
          %get3A_335 = arith.constant 9 : i32
          %get3A_336 = arith.index_cast %get3A_335 : i32 to index
          %get3A_337 = arith.index_cast %mul3A_334 : i32 to index
          %get3A_338 = tpu.vector_load %arg8[%get3A_336, %get3A_337] {strides = array<i32>} : memref<10x512xf32, #tpu.memory_space<vmem>>, vector<16xf32>,
          %mul3A_339 = arith.mulf %get3A_338, %get3A_269 : vector<16xf32>
          tpu.vector_store_idx %arg12[%scan3A_266, %broadcast_in_dim3A_19], %mul3A_339 : memref<512x16xf32, #tpu.memory_space<vmem>>[vector<16xi32>, vector<16xi32>], vector<16xf32>,
          tpu.vector_store_idx %arg12[%scan3A_266, %broadcast_in_dim3A_21], %get3A_269 : memref<512x16xf32, #tpu.memory_space<vmem>>[vector<16xi32>, vector<16xi32>], vector<16xf32>,
          %add3A_340 = arith.constant 16 : i32
          %add3A_341 = vector.broadcast %add3A_340 : i32 to vector<16xi32>
          %add3A_342 = arith.addi %scan3A_266, %add3A_341 : vector<16xi32>
          scf.yield %add3A_342 : vector<16xi32>
        }
        %scan3A_224 = arith.constant 32 : i32
        %dma_start3A_225 = arith.constant 0 : i32
        %dma_start3A_226 = arith.constant 0 : i32
        %dma_start3A_227 = arith.constant 0 : i32
        %dma_start3A_228 = tpu.memref_slice %arg12[%dma_start3A_226, %dma_start3A_227] : memref<512x16xf32, #tpu.memory_space<vmem>> -> memref<128x16xf32, #tpu.memory_space<vmem>>
        %dma_start3A_229 = arith.constant 0 : i32
        %dma_start3A_230 = tpu.memref_slice %arg7[%dma_start3A_225, %dma_start3A_229] : memref<8x128xi32, #tpu.memory_space<vmem>> -> memref<1x128xi32, #tpu.memory_space<vmem>>
        %dma_start3A_231 = tpu.memref_squeeze %dma_start3A_230 : memref<1x128xi32, #tpu.memory_space<vmem>> -> memref<128xi32, #tpu.memory_space<vmem>>
        %dma_start3A_232 = arith.constant 0 : i32
        %dma_start3A_233 = arith.constant 0 : i32
        %dma_start3A_234 = tpu.memref_slice %arg13[%dma_start3A_232, %dma_start3A_233] : memref<100000x16xf32, #tpu.memory_space<vmem_shared>> -> memref<100000x16xf32, #tpu.memory_space<vmem_shared>>
        tpu.enqueue_indirect_dma source(%dma_start3A_228 : memref<128x16xf32, #tpu.memory_space<vmem>>) target(%dma_start3A_234 : memref<100000x16xf32, #tpu.memory_space<vmem_shared>>) offsets(%dma_start3A_231 : memref<128xi32, #tpu.memory_space<vmem>>) semaphore(%arg18 : memref<!tpu.dma_semaphore, #tpu.memory_space<semaphore_mem>>) {add = true}
        %dma_start3A_235 = arith.constant 1 : i32
        %dma_start3A_236 = arith.constant 128 : i32
        %dma_start3A_237 = arith.constant 0 : i32
        %dma_start3A_238 = tpu.memref_slice %arg12[%dma_start3A_236, %dma_start3A_237] : memref<512x16xf32, #tpu.memory_space<vmem>> -> memref<128x16xf32, #tpu.memory_space<vmem>>
        %dma_start3A_239 = arith.constant 0 : i32
        %dma_start3A_240 = tpu.memref_slice %arg7[%dma_start3A_235, %dma_start3A_239] : memref<8x128xi32, #tpu.memory_space<vmem>> -> memref<1x128xi32, #tpu.memory_space<vmem>>
        %dma_start3A_241 = tpu.memref_squeeze %dma_start3A_240 : memref<1x128xi32, #tpu.memory_space<vmem>> -> memref<128xi32, #tpu.memory_space<vmem>>
        %dma_start3A_242 = arith.constant 0 : i32
        %dma_start3A_243 = arith.constant 0 : i32
        %dma_start3A_244 = tpu.memref_slice %arg13[%dma_start3A_242, %dma_start3A_243] : memref<100000x16xf32, #tpu.memory_space<vmem_shared>> -> memref<100000x16xf32, #tpu.memory_space<vmem_shared>>
        tpu.enqueue_indirect_dma source(%dma_start3A_238 : memref<128x16xf32, #tpu.memory_space<vmem>>) target(%dma_start3A_244 : memref<100000x16xf32, #tpu.memory_space<vmem_shared>>) offsets(%dma_start3A_241 : memref<128xi32, #tpu.memory_space<vmem>>) semaphore(%arg18 : memref<!tpu.dma_semaphore, #tpu.memory_space<semaphore_mem>>) {add = true}
        %dma_start3A_245 = arith.constant 2 : i32
        %dma_start3A_246 = arith.constant 256 : i32
        %dma_start3A_247 = arith.constant 0 : i32
        %dma_start3A_248 = tpu.memref_slice %arg12[%dma_start3A_246, %dma_start3A_247] : memref<512x16xf32, #tpu.memory_space<vmem>> -> memref<128x16xf32, #tpu.memory_space<vmem>>
        %dma_start3A_249 = arith.constant 0 : i32
        %dma_start3A_250 = tpu.memref_slice %arg7[%dma_start3A_245, %dma_start3A_249] : memref<8x128xi32, #tpu.memory_space<vmem>> -> memref<1x128xi32, #tpu.memory_space<vmem>>
        %dma_start3A_251 = tpu.memref_squeeze %dma_start3A_250 : memref<1x128xi32, #tpu.memory_space<vmem>> -> memref<128xi32, #tpu.memory_space<vmem>>
        %dma_start3A_252 = arith.constant 0 : i32
        %dma_start3A_253 = arith.constant 0 : i32
        %dma_start3A_254 = tpu.memref_slice %arg13[%dma_start3A_252, %dma_start3A_253] : memref<100000x16xf32, #tpu.memory_space<vmem_shared>> -> memref<100000x16xf32, #tpu.memory_space<vmem_shared>>
        tpu.enqueue_indirect_dma source(%dma_start3A_248 : memref<128x16xf32, #tpu.memory_space<vmem>>) target(%dma_start3A_254 : memref<100000x16xf32, #tpu.memory_space<vmem_shared>>) offsets(%dma_start3A_251 : memref<128xi32, #tpu.memory_space<vmem>>) semaphore(%arg18 : memref<!tpu.dma_semaphore, #tpu.memory_space<semaphore_mem>>) {add = true}
        %dma_start3A_255 = arith.constant 3 : i32
        %dma_start3A_256 = arith.constant 384 : i32
        %dma_start3A_257 = arith.constant 0 : i32
        %dma_start3A_258 = tpu.memref_slice %arg12[%dma_start3A_256, %dma_start3A_257] : memref<512x16xf32, #tpu.memory_space<vmem>> -> memref<128x16xf32, #tpu.memory_space<vmem>>
        %dma_start3A_259 = arith.constant 0 : i32
        %dma_start3A_260 = tpu.memref_slice %arg7[%dma_start3A_255, %dma_start3A_259] : memref<8x128xi32, #tpu.memory_space<vmem>> -> memref<1x128xi32, #tpu.memory_space<vmem>>
        %dma_start3A_261 = tpu.memref_squeeze %dma_start3A_260 : memref<1x128xi32, #tpu.memory_space<vmem>> -> memref<128xi32, #tpu.memory_space<vmem>>
        %dma_start3A_262 = arith.constant 0 : i32
        %dma_start3A_263 = arith.constant 0 : i32
        %dma_start3A_264 = tpu.memref_slice %arg13[%dma_start3A_262, %dma_start3A_263] : memref<100000x16xf32, #tpu.memory_space<vmem_shared>> -> memref<100000x16xf32, #tpu.memory_space<vmem_shared>>
        tpu.enqueue_indirect_dma source(%dma_start3A_258 : memref<128x16xf32, #tpu.memory_space<vmem>>) target(%dma_start3A_264 : memref<100000x16xf32, #tpu.memory_space<vmem_shared>>) offsets(%dma_start3A_261 : memref<128xi32, #tpu.memory_space<vmem>>) semaphore(%arg18 : memref<!tpu.dma_semaphore, #tpu.memory_space<semaphore_mem>>) {add = true}
      } else {
      }
      %mul3A_177 = arith.constant 4 : i32
      %mul3A_178 = arith.muli %mul3A_177, %scan3A_140 : i32
      %add3A_179 = arith.constant 3 : i32
      %add3A_180 = arith.addi %mul3A_178, %add3A_179 : i32
      %mul3A_181 = arith.constant 2 : i32
      %mul3A_182 = arith.muli %mul3A_181, %scan3A_140 : i32
      %add3A_183 = arith.constant 1 : i32
      %add3A_184 = arith.addi %mul3A_182, %add3A_183 : i32
      %lt3A_185 = arith.cmpi slt, %add3A_180, %mul3A_69 : i32
      %convert_element_type3A_186 = arith.extui %lt3A_185 : i1 to i32
      %cond3A_187 = arith.constant 0 : i32
      %cond3A_188 = arith.cmpi ne, %convert_element_type3A_186, %cond3A_187 : i32
      scf.if %cond3A_188 {
        %add3A_189 = arith.constant 1 : i32
        %add3A_190 = arith.addi %add3A_180, %add3A_189 : i32
        %lt3A_191 = arith.cmpi slt, %add3A_190, %mul3A_69 : i32
        %convert_element_type3A_192 = arith.extui %lt3A_191 : i1 to i32
        %cond3A_193 = arith.constant 0 : i32
        %cond3A_194 = arith.cmpi ne, %convert_element_type3A_192, %cond3A_193 : i32
        scf.if %cond3A_194 {
          %add3A_260 = arith.constant 1 : i32
          %add3A_261 = arith.addi %add3A_184, %add3A_260 : i32
          %mul3A_262 = arith.constant 4 : i32
          %mul3A_263 = arith.muli %mul3A_76, %mul3A_262 : i32
          %mul3A_264 = arith.constant 2 : i32
          %mul3A_265 = arith.muli %add3A_261, %mul3A_264 : i32
          %mul3A_266 = arith.constant 4 : i32
          %mul3A_267 = arith.muli %mul3A_265, %mul3A_266 : i32
          %add3A_268 = arith.addi %mul3A_263, %mul3A_267 : i32
          %dma_start3A_269 = arith.constant 0 : i32
          %dma_start3A_270 = tpu.memref_slice %arg4[%add3A_268, %dma_start3A_269] : memref<25000x128xi32, #tpu.memory_space<hbm>> -> memref<8x128xi32, #tpu.memory_space<hbm>>
          %dma_start3A_271 = arith.constant 0 : i32
          %dma_start3A_272 = tpu.memref_slice %arg4[%add3A_268, %dma_start3A_271] : memref<25000x128xi32, #tpu.memory_space<hbm>> -> memref<8x128xi32, #tpu.memory_space<hbm>>
          tpu.enqueue_dma source(%dma_start3A_272 : memref<8x128xi32, #tpu.memory_space<hbm>>) target(%arg6 : memref<8x128xi32, #tpu.memory_space<vmem>>) target_semaphore(%arg14 : memref<!tpu.dma_semaphore, #tpu.memory_space<semaphore_mem>>)
        } else {
        }
        %add3A_195 = arith.addi %mul3A_76, %add3A_180 : i32
        %mul3A_196 = arith.constant 512 : i32
        %mul3A_197 = arith.muli %add3A_195, %mul3A_196 : i32
        %dma_wait3A_198 = arith.constant 0 : i32
        %dma_wait3A_199 = tpu.memref_slice %arg2[%dma_wait3A_198, %mul3A_197] : memref<10x3200000xf32, #tpu.memory_space<hbm>> -> memref<10x512xf32, #tpu.memory_space<hbm>>
        %dma_wait3A_200 = arith.constant 0 : i32
        %dma_wait3A_201 = tpu.memref_slice %arg2[%dma_wait3A_200, %mul3A_197] : memref<10x3200000xf32, #tpu.memory_space<hbm>> -> memref<10x512xf32, #tpu.memory_space<hbm>>
        tpu.wait_dma2 semaphore(%arg17 : memref<!tpu.dma_semaphore, #tpu.memory_space<semaphore_mem>>) src(%dma_wait3A_201 : memref<10x512xf32, #tpu.memory_space<hbm>>) dst(%arg9 : memref<10x512xf32, #tpu.memory_space<vmem>>)
        %dma_wait3A_202 = tpu.memref_slice %arg3[%mul3A_197] : memref<3200000xf32, #tpu.memory_space<hbm>> -> memref<512xf32, #tpu.memory_space<hbm>>
        %dma_wait3A_203 = tpu.memref_slice %arg3[%mul3A_197] : memref<3200000xf32, #tpu.memory_space<hbm>> -> memref<512xf32, #tpu.memory_space<hbm>>
        tpu.wait_dma2 semaphore(%arg17 : memref<!tpu.dma_semaphore, #tpu.memory_space<semaphore_mem>>) src(%dma_wait3A_203 : memref<512xf32, #tpu.memory_space<hbm>>) dst(%arg11 : memref<512xf32, #tpu.memory_space<vmem>>)
        %add3A_204 = arith.constant 1 : i32
        %add3A_205 = arith.addi %add3A_180, %add3A_204 : i32
        %lt3A_206 = arith.cmpi slt, %add3A_205, %mul3A_69 : i32
        %convert_element_type3A_207 = arith.extui %lt3A_206 : i1 to i32
        %cond3A_208 = arith.constant 0 : i32
        %cond3A_209 = arith.cmpi ne, %convert_element_type3A_207, %cond3A_208 : i32
        scf.if %cond3A_209 {
          %add3A_260 = arith.constant 1 : i32
          %add3A_261 = arith.addi %add3A_180, %add3A_260 : i32
          %add3A_262 = arith.addi %mul3A_76, %add3A_261 : i32
          %mul3A_263 = arith.constant 512 : i32
          %mul3A_264 = arith.muli %add3A_262, %mul3A_263 : i32
          %dma_start3A_265 = arith.constant 0 : i32
          %dma_start3A_266 = tpu.memref_slice %arg2[%dma_start3A_265, %mul3A_264] : memref<10x3200000xf32, #tpu.memory_space<hbm>> -> memref<10x512xf32, #tpu.memory_space<hbm>>
          %dma_start3A_267 = arith.constant 0 : i32
          %dma_start3A_268 = tpu.memref_slice %arg2[%dma_start3A_267, %mul3A_264] : memref<10x3200000xf32, #tpu.memory_space<hbm>> -> memref<10x512xf32, #tpu.memory_space<hbm>>
          tpu.enqueue_dma source(%dma_start3A_268 : memref<10x512xf32, #tpu.memory_space<hbm>>) target(%arg8 : memref<10x512xf32, #tpu.memory_space<vmem>>) target_semaphore(%arg16 : memref<!tpu.dma_semaphore, #tpu.memory_space<semaphore_mem>>)
          %dma_start3A_269 = tpu.memref_slice %arg3[%mul3A_264] : memref<3200000xf32, #tpu.memory_space<hbm>> -> memref<512xf32, #tpu.memory_space<hbm>>
          %dma_start3A_270 = tpu.memref_slice %arg3[%mul3A_264] : memref<3200000xf32, #tpu.memory_space<hbm>> -> memref<512xf32, #tpu.memory_space<hbm>>
          tpu.enqueue_dma source(%dma_start3A_270 : memref<512xf32, #tpu.memory_space<hbm>>) target(%arg10 : memref<512xf32, #tpu.memory_space<vmem>>) target_semaphore(%arg16 : memref<!tpu.dma_semaphore, #tpu.memory_space<semaphore_mem>>)
        } else {
        }
        %ge3A = arith.constant 1 : i32
        %ge3A_210 = arith.cmpi sge, %add3A_180, %ge3A : i32
        %convert_element_type3A_211 = arith.extui %ge3A_210 : i1 to i32
        %cond3A_212 = arith.constant 0 : i32
        %cond3A_213 = arith.cmpi ne, %convert_element_type3A_211, %cond3A_212 : i32
        scf.if %cond3A_213 {
          %dma_wait3A_260 = arith.constant 0 : i32
          %dma_wait3A_261 = arith.constant 0 : i32
          %dma_wait3A_262 = arith.constant 0 : i32
          %dma_wait3A_263 = tpu.memref_slice %arg5[%dma_wait3A_260, %dma_wait3A_261, %dma_wait3A_262] : memref<2x100000x16xf32, #tpu.memory_space<hbm>> -> memref<1x512x16xf32, #tpu.memory_space<hbm>>
          %dma_wait3A_264 = tpu.memref_squeeze %dma_wait3A_263 : memref<1x512x16xf32, #tpu.memory_space<hbm>> -> memref<512x16xf32, #tpu.memory_space<hbm>>
          %dma_wait3A_265 = arith.constant 0 : i32
          %dma_wait3A_266 = arith.constant 0 : i32
          %dma_wait3A_267 = tpu.memref_slice %arg5[%dma_wait3A_260, %dma_wait3A_265, %dma_wait3A_266] : memref<2x100000x16xf32, #tpu.memory_space<hbm>> -> memref<1x512x16xf32, #tpu.memory_space<hbm>>
          %dma_wait3A_268 = tpu.memref_squeeze %dma_wait3A_267 : memref<1x512x16xf32, #tpu.memory_space<hbm>> -> memref<512x16xf32, #tpu.memory_space<hbm>>
          tpu.wait_dma2 semaphore(%arg18 : memref<!tpu.dma_semaphore, #tpu.memory_space<semaphore_mem>>) src(%dma_wait3A_268 : memref<512x16xf32, #tpu.memory_space<hbm>>) dst(%arg12 : memref<512x16xf32, #tpu.memory_space<vmem>>)
        } else {
        }
        %scan3A_214 = arith.constant 0 : i32
        %scan3A_215 = arith.constant 32 : i32
        %scan3A_216 = arith.addi %scan3A_214, %scan3A_215 : i32
        %scan3A_217 = arith.constant 1 : i32
        %scan3A_218 = scf.for %scan3A_260 = %scan3A_214 to %scan3A_216 step %scan3A_217 iter_args(%scan3A_261 = %iota3A) -> (vector<16xi32>)  : i32 {
          %mul3A_262 = arith.constant 16 : i32
          %mul3A_263 = arith.muli %scan3A_260, %mul3A_262 : i32
          %get3A = arith.index_cast %mul3A_263 : i32 to index
          %get3A_264 = tpu.vector_load %arg11[%get3A] {strides = array<i32>} : memref<512xf32, #tpu.memory_space<vmem>>, vector<16xf32>,
          %mul3A_265 = arith.constant 16 : i32
          %mul3A_266 = arith.muli %scan3A_260, %mul3A_265 : i32
          %get3A_267 = arith.constant 0 : i32
          %get3A_268 = arith.index_cast %get3A_267 : i32 to index
          %get3A_269 = arith.index_cast %mul3A_266 : i32 to index
          %get3A_270 = tpu.vector_load %arg9[%get3A_268, %get3A_269] {strides = array<i32>} : memref<10x512xf32, #tpu.memory_space<vmem>>, vector<16xf32>,
          %mul3A_271 = arith.mulf %get3A_270, %get3A_264 : vector<16xf32>
          tpu.vector_store_idx %arg12[%scan3A_261, %broadcast_in_dim3A_1], %mul3A_271 : memref<512x16xf32, #tpu.memory_space<vmem>>[vector<16xi32>, vector<16xi32>], vector<16xf32>,
          %mul3A_272 = arith.constant 16 : i32
          %mul3A_273 = arith.muli %scan3A_260, %mul3A_272 : i32
          %get3A_274 = arith.constant 1 : i32
          %get3A_275 = arith.index_cast %get3A_274 : i32 to index
          %get3A_276 = arith.index_cast %mul3A_273 : i32 to index
          %get3A_277 = tpu.vector_load %arg9[%get3A_275, %get3A_276] {strides = array<i32>} : memref<10x512xf32, #tpu.memory_space<vmem>>, vector<16xf32>,
          %mul3A_278 = arith.mulf %get3A_277, %get3A_264 : vector<16xf32>
          tpu.vector_store_idx %arg12[%scan3A_261, %broadcast_in_dim3A_3], %mul3A_278 : memref<512x16xf32, #tpu.memory_space<vmem>>[vector<16xi32>, vector<16xi32>], vector<16xf32>,
          %mul3A_279 = arith.constant 16 : i32
          %mul3A_280 = arith.muli %scan3A_260, %mul3A_279 : i32
          %get3A_281 = arith.constant 2 : i32
          %get3A_282 = arith.index_cast %get3A_281 : i32 to index
          %get3A_283 = arith.index_cast %mul3A_280 : i32 to index
          %get3A_284 = tpu.vector_load %arg9[%get3A_282, %get3A_283] {strides = array<i32>} : memref<10x512xf32, #tpu.memory_space<vmem>>, vector<16xf32>,
          %mul3A_285 = arith.mulf %get3A_284, %get3A_264 : vector<16xf32>
          tpu.vector_store_idx %arg12[%scan3A_261, %broadcast_in_dim3A_5], %mul3A_285 : memref<512x16xf32, #tpu.memory_space<vmem>>[vector<16xi32>, vector<16xi32>], vector<16xf32>,
          %mul3A_286 = arith.constant 16 : i32
          %mul3A_287 = arith.muli %scan3A_260, %mul3A_286 : i32
          %get3A_288 = arith.constant 3 : i32
          %get3A_289 = arith.index_cast %get3A_288 : i32 to index
          %get3A_290 = arith.index_cast %mul3A_287 : i32 to index
          %get3A_291 = tpu.vector_load %arg9[%get3A_289, %get3A_290] {strides = array<i32>} : memref<10x512xf32, #tpu.memory_space<vmem>>, vector<16xf32>,
          %mul3A_292 = arith.mulf %get3A_291, %get3A_264 : vector<16xf32>
          tpu.vector_store_idx %arg12[%scan3A_261, %broadcast_in_dim3A_7], %mul3A_292 : memref<512x16xf32, #tpu.memory_space<vmem>>[vector<16xi32>, vector<16xi32>], vector<16xf32>,
          %mul3A_293 = arith.constant 16 : i32
          %mul3A_294 = arith.muli %scan3A_260, %mul3A_293 : i32
          %get3A_295 = arith.constant 4 : i32
          %get3A_296 = arith.index_cast %get3A_295 : i32 to index
          %get3A_297 = arith.index_cast %mul3A_294 : i32 to index
          %get3A_298 = tpu.vector_load %arg9[%get3A_296, %get3A_297] {strides = array<i32>} : memref<10x512xf32, #tpu.memory_space<vmem>>, vector<16xf32>,
          %mul3A_299 = arith.mulf %get3A_298, %get3A_264 : vector<16xf32>
          tpu.vector_store_idx %arg12[%scan3A_261, %broadcast_in_dim3A_9], %mul3A_299 : memref<512x16xf32, #tpu.memory_space<vmem>>[vector<16xi32>, vector<16xi32>], vector<16xf32>,
          %mul3A_300 = arith.constant 16 : i32
          %mul3A_301 = arith.muli %scan3A_260, %mul3A_300 : i32
          %get3A_302 = arith.constant 5 : i32
          %get3A_303 = arith.index_cast %get3A_302 : i32 to index
          %get3A_304 = arith.index_cast %mul3A_301 : i32 to index
          %get3A_305 = tpu.vector_load %arg9[%get3A_303, %get3A_304] {strides = array<i32>} : memref<10x512xf32, #tpu.memory_space<vmem>>, vector<16xf32>,
          %mul3A_306 = arith.mulf %get3A_305, %get3A_264 : vector<16xf32>
          tpu.vector_store_idx %arg12[%scan3A_261, %broadcast_in_dim3A_11], %mul3A_306 : memref<512x16xf32, #tpu.memory_space<vmem>>[vector<16xi32>, vector<16xi32>], vector<16xf32>,
          %mul3A_307 = arith.constant 16 : i32
          %mul3A_308 = arith.muli %scan3A_260, %mul3A_307 : i32
          %get3A_309 = arith.constant 6 : i32
          %get3A_310 = arith.index_cast %get3A_309 : i32 to index
          %get3A_311 = arith.index_cast %mul3A_308 : i32 to index
          %get3A_312 = tpu.vector_load %arg9[%get3A_310, %get3A_311] {strides = array<i32>} : memref<10x512xf32, #tpu.memory_space<vmem>>, vector<16xf32>,
          %mul3A_313 = arith.mulf %get3A_312, %get3A_264 : vector<16xf32>
          tpu.vector_store_idx %arg12[%scan3A_261, %broadcast_in_dim3A_13], %mul3A_313 : memref<512x16xf32, #tpu.memory_space<vmem>>[vector<16xi32>, vector<16xi32>], vector<16xf32>,
          %mul3A_314 = arith.constant 16 : i32
          %mul3A_315 = arith.muli %scan3A_260, %mul3A_314 : i32
          %get3A_316 = arith.constant 7 : i32
          %get3A_317 = arith.index_cast %get3A_316 : i32 to index
          %get3A_318 = arith.index_cast %mul3A_315 : i32 to index
          %get3A_319 = tpu.vector_load %arg9[%get3A_317, %get3A_318] {strides = array<i32>} : memref<10x512xf32, #tpu.memory_space<vmem>>, vector<16xf32>,
          %mul3A_320 = arith.mulf %get3A_319, %get3A_264 : vector<16xf32>
          tpu.vector_store_idx %arg12[%scan3A_261, %broadcast_in_dim3A_15], %mul3A_320 : memref<512x16xf32, #tpu.memory_space<vmem>>[vector<16xi32>, vector<16xi32>], vector<16xf32>,
          %mul3A_321 = arith.constant 16 : i32
          %mul3A_322 = arith.muli %scan3A_260, %mul3A_321 : i32
          %get3A_323 = arith.constant 8 : i32
          %get3A_324 = arith.index_cast %get3A_323 : i32 to index
          %get3A_325 = arith.index_cast %mul3A_322 : i32 to index
          %get3A_326 = tpu.vector_load %arg9[%get3A_324, %get3A_325] {strides = array<i32>} : memref<10x512xf32, #tpu.memory_space<vmem>>, vector<16xf32>,
          %mul3A_327 = arith.mulf %get3A_326, %get3A_264 : vector<16xf32>
          tpu.vector_store_idx %arg12[%scan3A_261, %broadcast_in_dim3A_17], %mul3A_327 : memref<512x16xf32, #tpu.memory_space<vmem>>[vector<16xi32>, vector<16xi32>], vector<16xf32>,
          %mul3A_328 = arith.constant 16 : i32
          %mul3A_329 = arith.muli %scan3A_260, %mul3A_328 : i32
          %get3A_330 = arith.constant 9 : i32
          %get3A_331 = arith.index_cast %get3A_330 : i32 to index
          %get3A_332 = arith.index_cast %mul3A_329 : i32 to index
          %get3A_333 = tpu.vector_load %arg9[%get3A_331, %get3A_332] {strides = array<i32>} : memref<10x512xf32, #tpu.memory_space<vmem>>, vector<16xf32>,
          %mul3A_334 = arith.mulf %get3A_333, %get3A_264 : vector<16xf32>
          tpu.vector_store_idx %arg12[%scan3A_261, %broadcast_in_dim3A_19], %mul3A_334 : memref<512x16xf32, #tpu.memory_space<vmem>>[vector<16xi32>, vector<16xi32>], vector<16xf32>,
          tpu.vector_store_idx %arg12[%scan3A_261, %broadcast_in_dim3A_21], %get3A_264 : memref<512x16xf32, #tpu.memory_space<vmem>>[vector<16xi32>, vector<16xi32>], vector<16xf32>,
          %add3A_335 = arith.constant 16 : i32
          %add3A_336 = vector.broadcast %add3A_335 : i32 to vector<16xi32>
          %add3A_337 = arith.addi %scan3A_261, %add3A_336 : vector<16xi32>
          scf.yield %add3A_337 : vector<16xi32>
        }
        %scan3A_219 = arith.constant 32 : i32
        %dma_start3A_220 = arith.constant 4 : i32
        %dma_start3A_221 = arith.constant 0 : i32
        %dma_start3A_222 = arith.constant 0 : i32
        %dma_start3A_223 = tpu.memref_slice %arg12[%dma_start3A_221, %dma_start3A_222] : memref<512x16xf32, #tpu.memory_space<vmem>> -> memref<128x16xf32, #tpu.memory_space<vmem>>
        %dma_start3A_224 = arith.constant 0 : i32
        %dma_start3A_225 = tpu.memref_slice %arg7[%dma_start3A_220, %dma_start3A_224] : memref<8x128xi32, #tpu.memory_space<vmem>> -> memref<1x128xi32, #tpu.memory_space<vmem>>
        %dma_start3A_226 = tpu.memref_squeeze %dma_start3A_225 : memref<1x128xi32, #tpu.memory_space<vmem>> -> memref<128xi32, #tpu.memory_space<vmem>>
        %dma_start3A_227 = arith.constant 0 : i32
        %dma_start3A_228 = arith.constant 0 : i32
        %dma_start3A_229 = tpu.memref_slice %arg13[%dma_start3A_227, %dma_start3A_228] : memref<100000x16xf32, #tpu.memory_space<vmem_shared>> -> memref<100000x16xf32, #tpu.memory_space<vmem_shared>>
        tpu.enqueue_indirect_dma source(%dma_start3A_223 : memref<128x16xf32, #tpu.memory_space<vmem>>) target(%dma_start3A_229 : memref<100000x16xf32, #tpu.memory_space<vmem_shared>>) offsets(%dma_start3A_226 : memref<128xi32, #tpu.memory_space<vmem>>) semaphore(%arg18 : memref<!tpu.dma_semaphore, #tpu.memory_space<semaphore_mem>>) {add = true}
        %dma_start3A_230 = arith.constant 5 : i32
        %dma_start3A_231 = arith.constant 128 : i32
        %dma_start3A_232 = arith.constant 0 : i32
        %dma_start3A_233 = tpu.memref_slice %arg12[%dma_start3A_231, %dma_start3A_232] : memref<512x16xf32, #tpu.memory_space<vmem>> -> memref<128x16xf32, #tpu.memory_space<vmem>>
        %dma_start3A_234 = arith.constant 0 : i32
        %dma_start3A_235 = tpu.memref_slice %arg7[%dma_start3A_230, %dma_start3A_234] : memref<8x128xi32, #tpu.memory_space<vmem>> -> memref<1x128xi32, #tpu.memory_space<vmem>>
        %dma_start3A_236 = tpu.memref_squeeze %dma_start3A_235 : memref<1x128xi32, #tpu.memory_space<vmem>> -> memref<128xi32, #tpu.memory_space<vmem>>
        %dma_start3A_237 = arith.constant 0 : i32
        %dma_start3A_238 = arith.constant 0 : i32
        %dma_start3A_239 = tpu.memref_slice %arg13[%dma_start3A_237, %dma_start3A_238] : memref<100000x16xf32, #tpu.memory_space<vmem_shared>> -> memref<100000x16xf32, #tpu.memory_space<vmem_shared>>
        tpu.enqueue_indirect_dma source(%dma_start3A_233 : memref<128x16xf32, #tpu.memory_space<vmem>>) target(%dma_start3A_239 : memref<100000x16xf32, #tpu.memory_space<vmem_shared>>) offsets(%dma_start3A_236 : memref<128xi32, #tpu.memory_space<vmem>>) semaphore(%arg18 : memref<!tpu.dma_semaphore, #tpu.memory_space<semaphore_mem>>) {add = true}
        %dma_start3A_240 = arith.constant 6 : i32
        %dma_start3A_241 = arith.constant 256 : i32
        %dma_start3A_242 = arith.constant 0 : i32
        %dma_start3A_243 = tpu.memref_slice %arg12[%dma_start3A_241, %dma_start3A_242] : memref<512x16xf32, #tpu.memory_space<vmem>> -> memref<128x16xf32, #tpu.memory_space<vmem>>
        %dma_start3A_244 = arith.constant 0 : i32
        %dma_start3A_245 = tpu.memref_slice %arg7[%dma_start3A_240, %dma_start3A_244] : memref<8x128xi32, #tpu.memory_space<vmem>> -> memref<1x128xi32, #tpu.memory_space<vmem>>
        %dma_start3A_246 = tpu.memref_squeeze %dma_start3A_245 : memref<1x128xi32, #tpu.memory_space<vmem>> -> memref<128xi32, #tpu.memory_space<vmem>>
        %dma_start3A_247 = arith.constant 0 : i32
        %dma_start3A_248 = arith.constant 0 : i32
        %dma_start3A_249 = tpu.memref_slice %arg13[%dma_start3A_247, %dma_start3A_248] : memref<100000x16xf32, #tpu.memory_space<vmem_shared>> -> memref<100000x16xf32, #tpu.memory_space<vmem_shared>>
        tpu.enqueue_indirect_dma source(%dma_start3A_243 : memref<128x16xf32, #tpu.memory_space<vmem>>) target(%dma_start3A_249 : memref<100000x16xf32, #tpu.memory_space<vmem_shared>>) offsets(%dma_start3A_246 : memref<128xi32, #tpu.memory_space<vmem>>) semaphore(%arg18 : memref<!tpu.dma_semaphore, #tpu.memory_space<semaphore_mem>>) {add = true}
        %dma_start3A_250 = arith.constant 7 : i32
        %dma_start3A_251 = arith.constant 384 : i32
        %dma_start3A_252 = arith.constant 0 : i32
        %dma_start3A_253 = tpu.memref_slice %arg12[%dma_start3A_251, %dma_start3A_252] : memref<512x16xf32, #tpu.memory_space<vmem>> -> memref<128x16xf32, #tpu.memory_space<vmem>>
        %dma_start3A_254 = arith.constant 0 : i32
        %dma_start3A_255 = tpu.memref_slice %arg7[%dma_start3A_250, %dma_start3A_254] : memref<8x128xi32, #tpu.memory_space<vmem>> -> memref<1x128xi32, #tpu.memory_space<vmem>>
        %dma_start3A_256 = tpu.memref_squeeze %dma_start3A_255 : memref<1x128xi32, #tpu.memory_space<vmem>> -> memref<128xi32, #tpu.memory_space<vmem>>
        %dma_start3A_257 = arith.constant 0 : i32
        %dma_start3A_258 = arith.constant 0 : i32
        %dma_start3A_259 = tpu.memref_slice %arg13[%dma_start3A_257, %dma_start3A_258] : memref<100000x16xf32, #tpu.memory_space<vmem_shared>> -> memref<100000x16xf32, #tpu.memory_space<vmem_shared>>
        tpu.enqueue_indirect_dma source(%dma_start3A_253 : memref<128x16xf32, #tpu.memory_space<vmem>>) target(%dma_start3A_259 : memref<100000x16xf32, #tpu.memory_space<vmem_shared>>) offsets(%dma_start3A_256 : memref<128xi32, #tpu.memory_space<vmem>>) semaphore(%arg18 : memref<!tpu.dma_semaphore, #tpu.memory_space<semaphore_mem>>) {add = true}
      } else {
      }
    }
    %scan3A_99 = arith.constant 49 : i32
    %dma_wait3A = arith.constant 0 : i32
    %dma_wait3A_100 = arith.constant 0 : i32
    %dma_wait3A_101 = arith.constant 0 : i32
    %dma_wait3A_102 = tpu.memref_slice %arg5[%dma_wait3A, %dma_wait3A_100, %dma_wait3A_101] : memref<2x100000x16xf32, #tpu.memory_space<hbm>> -> memref<1x512x16xf32, #tpu.memory_space<hbm>>
    %dma_wait3A_103 = tpu.memref_squeeze %dma_wait3A_102 : memref<1x512x16xf32, #tpu.memory_space<hbm>> -> memref<512x16xf32, #tpu.memory_space<hbm>>
    %dma_wait3A_104 = arith.constant 0 : i32
    %dma_wait3A_105 = arith.constant 0 : i32
    %dma_wait3A_106 = tpu.memref_slice %arg5[%dma_wait3A, %dma_wait3A_104, %dma_wait3A_105] : memref<2x100000x16xf32, #tpu.memory_space<hbm>> -> memref<1x512x16xf32, #tpu.memory_space<hbm>>
    %dma_wait3A_107 = tpu.memref_squeeze %dma_wait3A_106 : memref<1x512x16xf32, #tpu.memory_space<hbm>> -> memref<512x16xf32, #tpu.memory_space<hbm>>
    tpu.wait_dma2 semaphore(%arg18 : memref<!tpu.dma_semaphore, #tpu.memory_space<semaphore_mem>>) src(%dma_wait3A_107 : memref<512x16xf32, #tpu.memory_space<hbm>>) dst(%arg12 : memref<512x16xf32, #tpu.memory_space<vmem>>)
    %barrier3A_108 = arith.constant 0 : index
    tpu.barrier barrier_id(%barrier3A_108)
    %add3A_109 = arith.constant 0 : i32
    %add3A_110 = arith.addi %mul3A_34, %add3A_109 : i32
    "tpu.region"() ({
      %run_scoped3A = tpu.sem_alloc : memref<!tpu.dma_semaphore, #tpu.memory_space<semaphore_mem>>
      %dma_start3A_140 = arith.constant 0 : i32
      %dma_start3A_141 = arith.constant 0 : i32
      %dma_start3A_142 = tpu.memref_slice %arg12[%dma_start3A_140, %dma_start3A_141] : memref<512x16xf32, #tpu.memory_space<vmem>> -> memref<512x16xf32, #tpu.memory_space<vmem>>
      %dma_start3A_143 = arith.constant 0 : i32
      %dma_start3A_144 = tpu.memref_slice %arg13[%add3A_110, %dma_start3A_143] : memref<100000x16xf32, #tpu.memory_space<vmem_shared>> -> memref<512x16xf32, #tpu.memory_space<vmem_shared>>
      %dma_start3A_145 = arith.constant 0 : i32
      %dma_start3A_146 = arith.constant 0 : i32
      %dma_start3A_147 = tpu.memref_slice %arg12[%dma_start3A_145, %dma_start3A_146] : memref<512x16xf32, #tpu.memory_space<vmem>> -> memref<512x16xf32, #tpu.memory_space<vmem>>
      %dma_start3A_148 = arith.constant 0 : i32
      %dma_start3A_149 = tpu.memref_slice %arg13[%add3A_110, %dma_start3A_148] : memref<100000x16xf32, #tpu.memory_space<vmem_shared>> -> memref<512x16xf32, #tpu.memory_space<vmem_shared>>
      tpu.enqueue_dma source(%dma_start3A_149 : memref<512x16xf32, #tpu.memory_space<vmem_shared>>) target(%dma_start3A_147 : memref<512x16xf32, #tpu.memory_space<vmem>>) target_semaphore(%run_scoped3A : memref<!tpu.dma_semaphore, #tpu.memory_space<semaphore_mem>>)
      %dma_wait3A_150 = arith.constant 0 : i32
      %dma_wait3A_151 = arith.constant 0 : i32
      %dma_wait3A_152 = tpu.memref_slice %arg12[%dma_wait3A_150, %dma_wait3A_151] : memref<512x16xf32, #tpu.memory_space<vmem>> -> memref<512x16xf32, #tpu.memory_space<vmem>>
      %dma_wait3A_153 = arith.constant 0 : i32
      %dma_wait3A_154 = tpu.memref_slice %arg13[%add3A_110, %dma_wait3A_153] : memref<100000x16xf32, #tpu.memory_space<vmem_shared>> -> memref<512x16xf32, #tpu.memory_space<vmem_shared>>
      %dma_wait3A_155 = arith.constant 0 : i32
      %dma_wait3A_156 = arith.constant 0 : i32
      %dma_wait3A_157 = tpu.memref_slice %arg12[%dma_wait3A_155, %dma_wait3A_156] : memref<512x16xf32, #tpu.memory_space<vmem>> -> memref<512x16xf32, #tpu.memory_space<vmem>>
      %dma_wait3A_158 = arith.constant 0 : i32
      %dma_wait3A_159 = tpu.memref_slice %arg13[%add3A_110, %dma_wait3A_158] : memref<100000x16xf32, #tpu.memory_space<vmem_shared>> -> memref<512x16xf32, #tpu.memory_space<vmem_shared>>
      tpu.wait_dma2 semaphore(%run_scoped3A : memref<!tpu.dma_semaphore, #tpu.memory_space<semaphore_mem>>) src(%dma_wait3A_159 : memref<512x16xf32, #tpu.memory_space<vmem_shared>>) dst(%dma_wait3A_157 : memref<512x16xf32, #tpu.memory_space<vmem>>)
      tpu.yield
    }) : () -> ()
    "tpu.region"() ({
      %run_scoped3A = tpu.sem_alloc : memref<!tpu.dma_semaphore, #tpu.memory_space<semaphore_mem>>
      %dma_start3A_140 = arith.constant 0 : i32
      %dma_start3A_141 = arith.constant 0 : i32
      %dma_start3A_142 = tpu.memref_slice %arg12[%dma_start3A_140, %dma_start3A_141] : memref<512x16xf32, #tpu.memory_space<vmem>> -> memref<512x16xf32, #tpu.memory_space<vmem>>
      %dma_start3A_143 = arith.constant 0 : i32
      %dma_start3A_144 = tpu.memref_slice %arg5[%arg0, %add3A_110, %dma_start3A_143] : memref<2x100000x16xf32, #tpu.memory_space<hbm>> -> memref<1x512x16xf32, #tpu.memory_space<hbm>>
      %dma_start3A_145 = tpu.memref_squeeze %dma_start3A_144 : memref<1x512x16xf32, #tpu.memory_space<hbm>> -> memref<512x16xf32, #tpu.memory_space<hbm>>
      %dma_start3A_146 = arith.constant 0 : i32
      %dma_start3A_147 = tpu.memref_slice %arg5[%arg0, %add3A_110, %dma_start3A_146] : memref<2x100000x16xf32, #tpu.memory_space<hbm>> -> memref<1x512x16xf32, #tpu.memory_space<hbm>>
      %dma_start3A_148 = tpu.memref_squeeze %dma_start3A_147 : memref<1x512x16xf32, #tpu.memory_space<hbm>> -> memref<512x16xf32, #tpu.memory_space<hbm>>
      %dma_start3A_149 = arith.constant 0 : i32
      %dma_start3A_150 = arith.constant 0 : i32
      %dma_start3A_151 = tpu.memref_slice %arg12[%dma_start3A_149, %dma_start3A_150] : memref<512x16xf32, #tpu.memory_space<vmem>> -> memref<512x16xf32, #tpu.memory_space<vmem>>
      tpu.enqueue_dma source(%dma_start3A_151 : memref<512x16xf32, #tpu.memory_space<vmem>>) target(%dma_start3A_148 : memref<512x16xf32, #tpu.memory_space<hbm>>) target_semaphore(%run_scoped3A : memref<!tpu.dma_semaphore, #tpu.memory_space<semaphore_mem>>)
      %dma_wait3A_152 = arith.constant 0 : i32
      %dma_wait3A_153 = arith.constant 0 : i32
      %dma_wait3A_154 = tpu.memref_slice %arg12[%dma_wait3A_152, %dma_wait3A_153] : memref<512x16xf32, #tpu.memory_space<vmem>> -> memref<512x16xf32, #tpu.memory_space<vmem>>
      %dma_wait3A_155 = arith.constant 0 : i32
      %dma_wait3A_156 = tpu.memref_slice %arg5[%arg0, %add3A_110, %dma_wait3A_155] : memref<2x100000x16xf32, #tpu.memory_space<hbm>> -> memref<1x512x16xf32, #tpu.memory_space<hbm>>
      %dma_wait3A_157 = tpu.memref_squeeze %dma_wait3A_156 : memref<1x512x16xf32, #tpu.memory_space<hbm>> -> memref<512x16xf32, #tpu.memory_space<hbm>>
      %dma_wait3A_158 = arith.constant 0 : i32
      %dma_wait3A_159 = tpu.memref_slice %arg5[%arg0, %add3A_110, %dma_wait3A_158] : memref<2x100000x16xf32, #tpu.memory_space<hbm>> -> memref<1x512x16xf32, #tpu.memory_space<hbm>>
      %dma_wait3A_160 = tpu.memref_squeeze %dma_wait3A_159 : memref<1x512x16xf32, #tpu.memory_space<hbm>> -> memref<512x16xf32, #tpu.memory_space<hbm>>
      %dma_wait3A_161 = arith.constant 0 : i32
      %dma_wait3A_162 = arith.constant 0 : i32
      %dma_wait3A_163 = tpu.memref_slice %arg12[%dma_wait3A_161, %dma_wait3A_162] : memref<512x16xf32, #tpu.memory_space<vmem>> -> memref<512x16xf32, #tpu.memory_space<vmem>>
      tpu.wait_dma2 semaphore(%run_scoped3A : memref<!tpu.dma_semaphore, #tpu.memory_space<semaphore_mem>>) src(%dma_wait3A_163 : memref<512x16xf32, #tpu.memory_space<vmem>>) dst(%dma_wait3A_160 : memref<512x16xf32, #tpu.memory_space<hbm>>)
      tpu.yield
    }) : () -> ()
    %add3A_111 = arith.constant 512 : i32
    %add3A_112 = arith.addi %mul3A_34, %add3A_111 : i32
    "tpu.region"() ({
      %run_scoped3A = tpu.sem_alloc : memref<!tpu.dma_semaphore, #tpu.memory_space<semaphore_mem>>
      %dma_start3A_140 = arith.constant 0 : i32
      %dma_start3A_141 = arith.constant 0 : i32
      %dma_start3A_142 = tpu.memref_slice %arg12[%dma_start3A_140, %dma_start3A_141] : memref<512x16xf32, #tpu.memory_space<vmem>> -> memref<512x16xf32, #tpu.memory_space<vmem>>
      %dma_start3A_143 = arith.constant 0 : i32
      %dma_start3A_144 = tpu.memref_slice %arg13[%add3A_112, %dma_start3A_143] : memref<100000x16xf32, #tpu.memory_space<vmem_shared>> -> memref<512x16xf32, #tpu.memory_space<vmem_shared>>
      %dma_start3A_145 = arith.constant 0 : i32
      %dma_start3A_146 = arith.constant 0 : i32
      %dma_start3A_147 = tpu.memref_slice %arg12[%dma_start3A_145, %dma_start3A_146] : memref<512x16xf32, #tpu.memory_space<vmem>> -> memref<512x16xf32, #tpu.memory_space<vmem>>
      %dma_start3A_148 = arith.constant 0 : i32
      %dma_start3A_149 = tpu.memref_slice %arg13[%add3A_112, %dma_start3A_148] : memref<100000x16xf32, #tpu.memory_space<vmem_shared>> -> memref<512x16xf32, #tpu.memory_space<vmem_shared>>
      tpu.enqueue_dma source(%dma_start3A_149 : memref<512x16xf32, #tpu.memory_space<vmem_shared>>) target(%dma_start3A_147 : memref<512x16xf32, #tpu.memory_space<vmem>>) target_semaphore(%run_scoped3A : memref<!tpu.dma_semaphore, #tpu.memory_space<semaphore_mem>>)
      %dma_wait3A_150 = arith.constant 0 : i32
      %dma_wait3A_151 = arith.constant 0 : i32
      %dma_wait3A_152 = tpu.memref_slice %arg12[%dma_wait3A_150, %dma_wait3A_151] : memref<512x16xf32, #tpu.memory_space<vmem>> -> memref<512x16xf32, #tpu.memory_space<vmem>>
      %dma_wait3A_153 = arith.constant 0 : i32
      %dma_wait3A_154 = tpu.memref_slice %arg13[%add3A_112, %dma_wait3A_153] : memref<100000x16xf32, #tpu.memory_space<vmem_shared>> -> memref<512x16xf32, #tpu.memory_space<vmem_shared>>
      %dma_wait3A_155 = arith.constant 0 : i32
      %dma_wait3A_156 = arith.constant 0 : i32
      %dma_wait3A_157 = tpu.memref_slice %arg12[%dma_wait3A_155, %dma_wait3A_156] : memref<512x16xf32, #tpu.memory_space<vmem>> -> memref<512x16xf32, #tpu.memory_space<vmem>>
      %dma_wait3A_158 = arith.constant 0 : i32
      %dma_wait3A_159 = tpu.memref_slice %arg13[%add3A_112, %dma_wait3A_158] : memref<100000x16xf32, #tpu.memory_space<vmem_shared>> -> memref<512x16xf32, #tpu.memory_space<vmem_shared>>
      tpu.wait_dma2 semaphore(%run_scoped3A : memref<!tpu.dma_semaphore, #tpu.memory_space<semaphore_mem>>) src(%dma_wait3A_159 : memref<512x16xf32, #tpu.memory_space<vmem_shared>>) dst(%dma_wait3A_157 : memref<512x16xf32, #tpu.memory_space<vmem>>)
      tpu.yield
    }) : () -> ()
    "tpu.region"() ({
      %run_scoped3A = tpu.sem_alloc : memref<!tpu.dma_semaphore, #tpu.memory_space<semaphore_mem>>
      %dma_start3A_140 = arith.constant 0 : i32
      %dma_start3A_141 = arith.constant 0 : i32
      %dma_start3A_142 = tpu.memref_slice %arg12[%dma_start3A_140, %dma_start3A_141] : memref<512x16xf32, #tpu.memory_space<vmem>> -> memref<512x16xf32, #tpu.memory_space<vmem>>
      %dma_start3A_143 = arith.constant 0 : i32
      %dma_start3A_144 = tpu.memref_slice %arg5[%arg0, %add3A_112, %dma_start3A_143] : memref<2x100000x16xf32, #tpu.memory_space<hbm>> -> memref<1x512x16xf32, #tpu.memory_space<hbm>>
      %dma_start3A_145 = tpu.memref_squeeze %dma_start3A_144 : memref<1x512x16xf32, #tpu.memory_space<hbm>> -> memref<512x16xf32, #tpu.memory_space<hbm>>
      %dma_start3A_146 = arith.constant 0 : i32
      %dma_start3A_147 = tpu.memref_slice %arg5[%arg0, %add3A_112, %dma_start3A_146] : memref<2x100000x16xf32, #tpu.memory_space<hbm>> -> memref<1x512x16xf32, #tpu.memory_space<hbm>>
      %dma_start3A_148 = tpu.memref_squeeze %dma_start3A_147 : memref<1x512x16xf32, #tpu.memory_space<hbm>> -> memref<512x16xf32, #tpu.memory_space<hbm>>
      %dma_start3A_149 = arith.constant 0 : i32
      %dma_start3A_150 = arith.constant 0 : i32
      %dma_start3A_151 = tpu.memref_slice %arg12[%dma_start3A_149, %dma_start3A_150] : memref<512x16xf32, #tpu.memory_space<vmem>> -> memref<512x16xf32, #tpu.memory_space<vmem>>
      tpu.enqueue_dma source(%dma_start3A_151 : memref<512x16xf32, #tpu.memory_space<vmem>>) target(%dma_start3A_148 : memref<512x16xf32, #tpu.memory_space<hbm>>) target_semaphore(%run_scoped3A : memref<!tpu.dma_semaphore, #tpu.memory_space<semaphore_mem>>)
      %dma_wait3A_152 = arith.constant 0 : i32
      %dma_wait3A_153 = arith.constant 0 : i32
      %dma_wait3A_154 = tpu.memref_slice %arg12[%dma_wait3A_152, %dma_wait3A_153] : memref<512x16xf32, #tpu.memory_space<vmem>> -> memref<512x16xf32, #tpu.memory_space<vmem>>
      %dma_wait3A_155 = arith.constant 0 : i32
      %dma_wait3A_156 = tpu.memref_slice %arg5[%arg0, %add3A_112, %dma_wait3A_155] : memref<2x100000x16xf32, #tpu.memory_space<hbm>> -> memref<1x512x16xf32, #tpu.memory_space<hbm>>
      %dma_wait3A_157 = tpu.memref_squeeze %dma_wait3A_156 : memref<1x512x16xf32, #tpu.memory_space<hbm>> -> memref<512x16xf32, #tpu.memory_space<hbm>>
      %dma_wait3A_158 = arith.constant 0 : i32
      %dma_wait3A_159 = tpu.memref_slice %arg5[%arg0, %add3A_112, %dma_wait3A_158] : memref<2x100000x16xf32, #tpu.memory_space<hbm>> -> memref<1x512x16xf32, #tpu.memory_space<hbm>>
      %dma_wait3A_160 = tpu.memref_squeeze %dma_wait3A_159 : memref<1x512x16xf32, #tpu.memory_space<hbm>> -> memref<512x16xf32, #tpu.memory_space<hbm>>
      %dma_wait3A_161 = arith.constant 0 : i32
      %dma_wait3A_162 = arith.constant 0 : i32
      %dma_wait3A_163 = tpu.memref_slice %arg12[%dma_wait3A_161, %dma_wait3A_162] : memref<512x16xf32, #tpu.memory_space<vmem>> -> memref<512x16xf32, #tpu.memory_space<vmem>>
      tpu.wait_dma2 semaphore(%run_scoped3A : memref<!tpu.dma_semaphore, #tpu.memory_space<semaphore_mem>>) src(%dma_wait3A_163 : memref<512x16xf32, #tpu.memory_space<vmem>>) dst(%dma_wait3A_160 : memref<512x16xf32, #tpu.memory_space<hbm>>)
      tpu.yield
    }) : () -> ()
    %add3A_113 = arith.constant 1024 : i32
    %add3A_114 = arith.addi %mul3A_34, %add3A_113 : i32
    "tpu.region"() ({
      %run_scoped3A = tpu.sem_alloc : memref<!tpu.dma_semaphore, #tpu.memory_space<semaphore_mem>>
      %dma_start3A_140 = arith.constant 0 : i32
      %dma_start3A_141 = arith.constant 0 : i32
      %dma_start3A_142 = tpu.memref_slice %arg12[%dma_start3A_140, %dma_start3A_141] : memref<512x16xf32, #tpu.memory_space<vmem>> -> memref<512x16xf32, #tpu.memory_space<vmem>>
      %dma_start3A_143 = arith.constant 0 : i32
      %dma_start3A_144 = tpu.memref_slice %arg13[%add3A_114, %dma_start3A_143] : memref<100000x16xf32, #tpu.memory_space<vmem_shared>> -> memref<512x16xf32, #tpu.memory_space<vmem_shared>>
      %dma_start3A_145 = arith.constant 0 : i32
      %dma_start3A_146 = arith.constant 0 : i32
      %dma_start3A_147 = tpu.memref_slice %arg12[%dma_start3A_145, %dma_start3A_146] : memref<512x16xf32, #tpu.memory_space<vmem>> -> memref<512x16xf32, #tpu.memory_space<vmem>>
      %dma_start3A_148 = arith.constant 0 : i32
      %dma_start3A_149 = tpu.memref_slice %arg13[%add3A_114, %dma_start3A_148] : memref<100000x16xf32, #tpu.memory_space<vmem_shared>> -> memref<512x16xf32, #tpu.memory_space<vmem_shared>>
      tpu.enqueue_dma source(%dma_start3A_149 : memref<512x16xf32, #tpu.memory_space<vmem_shared>>) target(%dma_start3A_147 : memref<512x16xf32, #tpu.memory_space<vmem>>) target_semaphore(%run_scoped3A : memref<!tpu.dma_semaphore, #tpu.memory_space<semaphore_mem>>)
      %dma_wait3A_150 = arith.constant 0 : i32
      %dma_wait3A_151 = arith.constant 0 : i32
      %dma_wait3A_152 = tpu.memref_slice %arg12[%dma_wait3A_150, %dma_wait3A_151] : memref<512x16xf32, #tpu.memory_space<vmem>> -> memref<512x16xf32, #tpu.memory_space<vmem>>
      %dma_wait3A_153 = arith.constant 0 : i32
      %dma_wait3A_154 = tpu.memref_slice %arg13[%add3A_114, %dma_wait3A_153] : memref<100000x16xf32, #tpu.memory_space<vmem_shared>> -> memref<512x16xf32, #tpu.memory_space<vmem_shared>>
      %dma_wait3A_155 = arith.constant 0 : i32
      %dma_wait3A_156 = arith.constant 0 : i32
      %dma_wait3A_157 = tpu.memref_slice %arg12[%dma_wait3A_155, %dma_wait3A_156] : memref<512x16xf32, #tpu.memory_space<vmem>> -> memref<512x16xf32, #tpu.memory_space<vmem>>
      %dma_wait3A_158 = arith.constant 0 : i32
      %dma_wait3A_159 = tpu.memref_slice %arg13[%add3A_114, %dma_wait3A_158] : memref<100000x16xf32, #tpu.memory_space<vmem_shared>> -> memref<512x16xf32, #tpu.memory_space<vmem_shared>>
      tpu.wait_dma2 semaphore(%run_scoped3A : memref<!tpu.dma_semaphore, #tpu.memory_space<semaphore_mem>>) src(%dma_wait3A_159 : memref<512x16xf32, #tpu.memory_space<vmem_shared>>) dst(%dma_wait3A_157 : memref<512x16xf32, #tpu.memory_space<vmem>>)
      tpu.yield
    }) : () -> ()
    "tpu.region"() ({
      %run_scoped3A = tpu.sem_alloc : memref<!tpu.dma_semaphore, #tpu.memory_space<semaphore_mem>>
      %dma_start3A_140 = arith.constant 0 : i32
      %dma_start3A_141 = arith.constant 0 : i32
      %dma_start3A_142 = tpu.memref_slice %arg12[%dma_start3A_140, %dma_start3A_141] : memref<512x16xf32, #tpu.memory_space<vmem>> -> memref<512x16xf32, #tpu.memory_space<vmem>>
      %dma_start3A_143 = arith.constant 0 : i32
      %dma_start3A_144 = tpu.memref_slice %arg5[%arg0, %add3A_114, %dma_start3A_143] : memref<2x100000x16xf32, #tpu.memory_space<hbm>> -> memref<1x512x16xf32, #tpu.memory_space<hbm>>
      %dma_start3A_145 = tpu.memref_squeeze %dma_start3A_144 : memref<1x512x16xf32, #tpu.memory_space<hbm>> -> memref<512x16xf32, #tpu.memory_space<hbm>>
      %dma_start3A_146 = arith.constant 0 : i32
      %dma_start3A_147 = tpu.memref_slice %arg5[%arg0, %add3A_114, %dma_start3A_146] : memref<2x100000x16xf32, #tpu.memory_space<hbm>> -> memref<1x512x16xf32, #tpu.memory_space<hbm>>
      %dma_start3A_148 = tpu.memref_squeeze %dma_start3A_147 : memref<1x512x16xf32, #tpu.memory_space<hbm>> -> memref<512x16xf32, #tpu.memory_space<hbm>>
      %dma_start3A_149 = arith.constant 0 : i32
      %dma_start3A_150 = arith.constant 0 : i32
      %dma_start3A_151 = tpu.memref_slice %arg12[%dma_start3A_149, %dma_start3A_150] : memref<512x16xf32, #tpu.memory_space<vmem>> -> memref<512x16xf32, #tpu.memory_space<vmem>>
      tpu.enqueue_dma source(%dma_start3A_151 : memref<512x16xf32, #tpu.memory_space<vmem>>) target(%dma_start3A_148 : memref<512x16xf32, #tpu.memory_space<hbm>>) target_semaphore(%run_scoped3A : memref<!tpu.dma_semaphore, #tpu.memory_space<semaphore_mem>>)
      %dma_wait3A_152 = arith.constant 0 : i32
      %dma_wait3A_153 = arith.constant 0 : i32
      %dma_wait3A_154 = tpu.memref_slice %arg12[%dma_wait3A_152, %dma_wait3A_153] : memref<512x16xf32, #tpu.memory_space<vmem>> -> memref<512x16xf32, #tpu.memory_space<vmem>>
      %dma_wait3A_155 = arith.constant 0 : i32
      %dma_wait3A_156 = tpu.memref_slice %arg5[%arg0, %add3A_114, %dma_wait3A_155] : memref<2x100000x16xf32, #tpu.memory_space<hbm>> -> memref<1x512x16xf32, #tpu.memory_space<hbm>>
      %dma_wait3A_157 = tpu.memref_squeeze %dma_wait3A_156 : memref<1x512x16xf32, #tpu.memory_space<hbm>> -> memref<512x16xf32, #tpu.memory_space<hbm>>
      %dma_wait3A_158 = arith.constant 0 : i32
      %dma_wait3A_159 = tpu.memref_slice %arg5[%arg0, %add3A_114, %dma_wait3A_158] : memref<2x100000x16xf32, #tpu.memory_space<hbm>> -> memref<1x512x16xf32, #tpu.memory_space<hbm>>
      %dma_wait3A_160 = tpu.memref_squeeze %dma_wait3A_159 : memref<1x512x16xf32, #tpu.memory_space<hbm>> -> memref<512x16xf32, #tpu.memory_space<hbm>>
      %dma_wait3A_161 = arith.constant 0 : i32
      %dma_wait3A_162 = arith.constant 0 : i32
      %dma_wait3A_163 = tpu.memref_slice %arg12[%dma_wait3A_161, %dma_wait3A_162] : memref<512x16xf32, #tpu.memory_space<vmem>> -> memref<512x16xf32, #tpu.memory_space<vmem>>
      tpu.wait_dma2 semaphore(%run_scoped3A : memref<!tpu.dma_semaphore, #tpu.memory_space<semaphore_mem>>) src(%dma_wait3A_163 : memref<512x16xf32, #tpu.memory_space<vmem>>) dst(%dma_wait3A_160 : memref<512x16xf32, #tpu.memory_space<hbm>>)
      tpu.yield
    }) : () -> ()
    %add3A_115 = arith.constant 1536 : i32
    %add3A_116 = arith.addi %mul3A_34, %add3A_115 : i32
    "tpu.region"() ({
      %run_scoped3A = tpu.sem_alloc : memref<!tpu.dma_semaphore, #tpu.memory_space<semaphore_mem>>
      %dma_start3A_140 = arith.constant 0 : i32
      %dma_start3A_141 = arith.constant 0 : i32
      %dma_start3A_142 = tpu.memref_slice %arg12[%dma_start3A_140, %dma_start3A_141] : memref<512x16xf32, #tpu.memory_space<vmem>> -> memref<512x16xf32, #tpu.memory_space<vmem>>
      %dma_start3A_143 = arith.constant 0 : i32
      %dma_start3A_144 = tpu.memref_slice %arg13[%add3A_116, %dma_start3A_143] : memref<100000x16xf32, #tpu.memory_space<vmem_shared>> -> memref<512x16xf32, #tpu.memory_space<vmem_shared>>
      %dma_start3A_145 = arith.constant 0 : i32
      %dma_start3A_146 = arith.constant 0 : i32
      %dma_start3A_147 = tpu.memref_slice %arg12[%dma_start3A_145, %dma_start3A_146] : memref<512x16xf32, #tpu.memory_space<vmem>> -> memref<512x16xf32, #tpu.memory_space<vmem>>
      %dma_start3A_148 = arith.constant 0 : i32
      %dma_start3A_149 = tpu.memref_slice %arg13[%add3A_116, %dma_start3A_148] : memref<100000x16xf32, #tpu.memory_space<vmem_shared>> -> memref<512x16xf32, #tpu.memory_space<vmem_shared>>
      tpu.enqueue_dma source(%dma_start3A_149 : memref<512x16xf32, #tpu.memory_space<vmem_shared>>) target(%dma_start3A_147 : memref<512x16xf32, #tpu.memory_space<vmem>>) target_semaphore(%run_scoped3A : memref<!tpu.dma_semaphore, #tpu.memory_space<semaphore_mem>>)
      %dma_wait3A_150 = arith.constant 0 : i32
      %dma_wait3A_151 = arith.constant 0 : i32
      %dma_wait3A_152 = tpu.memref_slice %arg12[%dma_wait3A_150, %dma_wait3A_151] : memref<512x16xf32, #tpu.memory_space<vmem>> -> memref<512x16xf32, #tpu.memory_space<vmem>>
      %dma_wait3A_153 = arith.constant 0 : i32
      %dma_wait3A_154 = tpu.memref_slice %arg13[%add3A_116, %dma_wait3A_153] : memref<100000x16xf32, #tpu.memory_space<vmem_shared>> -> memref<512x16xf32, #tpu.memory_space<vmem_shared>>
      %dma_wait3A_155 = arith.constant 0 : i32
      %dma_wait3A_156 = arith.constant 0 : i32
      %dma_wait3A_157 = tpu.memref_slice %arg12[%dma_wait3A_155, %dma_wait3A_156] : memref<512x16xf32, #tpu.memory_space<vmem>> -> memref<512x16xf32, #tpu.memory_space<vmem>>
      %dma_wait3A_158 = arith.constant 0 : i32
      %dma_wait3A_159 = tpu.memref_slice %arg13[%add3A_116, %dma_wait3A_158] : memref<100000x16xf32, #tpu.memory_space<vmem_shared>> -> memref<512x16xf32, #tpu.memory_space<vmem_shared>>
      tpu.wait_dma2 semaphore(%run_scoped3A : memref<!tpu.dma_semaphore, #tpu.memory_space<semaphore_mem>>) src(%dma_wait3A_159 : memref<512x16xf32, #tpu.memory_space<vmem_shared>>) dst(%dma_wait3A_157 : memref<512x16xf32, #tpu.memory_space<vmem>>)
      tpu.yield
    }) : () -> ()
    "tpu.region"() ({
      %run_scoped3A = tpu.sem_alloc : memref<!tpu.dma_semaphore, #tpu.memory_space<semaphore_mem>>
      %dma_start3A_140 = arith.constant 0 : i32
      %dma_start3A_141 = arith.constant 0 : i32
      %dma_start3A_142 = tpu.memref_slice %arg12[%dma_start3A_140, %dma_start3A_141] : memref<512x16xf32, #tpu.memory_space<vmem>> -> memref<512x16xf32, #tpu.memory_space<vmem>>
      %dma_start3A_143 = arith.constant 0 : i32
      %dma_start3A_144 = tpu.memref_slice %arg5[%arg0, %add3A_116, %dma_start3A_143] : memref<2x100000x16xf32, #tpu.memory_space<hbm>> -> memref<1x512x16xf32, #tpu.memory_space<hbm>>
      %dma_start3A_145 = tpu.memref_squeeze %dma_start3A_144 : memref<1x512x16xf32, #tpu.memory_space<hbm>> -> memref<512x16xf32, #tpu.memory_space<hbm>>
      %dma_start3A_146 = arith.constant 0 : i32
      %dma_start3A_147 = tpu.memref_slice %arg5[%arg0, %add3A_116, %dma_start3A_146] : memref<2x100000x16xf32, #tpu.memory_space<hbm>> -> memref<1x512x16xf32, #tpu.memory_space<hbm>>
      %dma_start3A_148 = tpu.memref_squeeze %dma_start3A_147 : memref<1x512x16xf32, #tpu.memory_space<hbm>> -> memref<512x16xf32, #tpu.memory_space<hbm>>
      %dma_start3A_149 = arith.constant 0 : i32
      %dma_start3A_150 = arith.constant 0 : i32
      %dma_start3A_151 = tpu.memref_slice %arg12[%dma_start3A_149, %dma_start3A_150] : memref<512x16xf32, #tpu.memory_space<vmem>> -> memref<512x16xf32, #tpu.memory_space<vmem>>
      tpu.enqueue_dma source(%dma_start3A_151 : memref<512x16xf32, #tpu.memory_space<vmem>>) target(%dma_start3A_148 : memref<512x16xf32, #tpu.memory_space<hbm>>) target_semaphore(%run_scoped3A : memref<!tpu.dma_semaphore, #tpu.memory_space<semaphore_mem>>)
      %dma_wait3A_152 = arith.constant 0 : i32
      %dma_wait3A_153 = arith.constant 0 : i32
      %dma_wait3A_154 = tpu.memref_slice %arg12[%dma_wait3A_152, %dma_wait3A_153] : memref<512x16xf32, #tpu.memory_space<vmem>> -> memref<512x16xf32, #tpu.memory_space<vmem>>
      %dma_wait3A_155 = arith.constant 0 : i32
      %dma_wait3A_156 = tpu.memref_slice %arg5[%arg0, %add3A_116, %dma_wait3A_155] : memref<2x100000x16xf32, #tpu.memory_space<hbm>> -> memref<1x512x16xf32, #tpu.memory_space<hbm>>
      %dma_wait3A_157 = tpu.memref_squeeze %dma_wait3A_156 : memref<1x512x16xf32, #tpu.memory_space<hbm>> -> memref<512x16xf32, #tpu.memory_space<hbm>>
      %dma_wait3A_158 = arith.constant 0 : i32
      %dma_wait3A_159 = tpu.memref_slice %arg5[%arg0, %add3A_116, %dma_wait3A_158] : memref<2x100000x16xf32, #tpu.memory_space<hbm>> -> memref<1x512x16xf32, #tpu.memory_space<hbm>>
      %dma_wait3A_160 = tpu.memref_squeeze %dma_wait3A_159 : memref<1x512x16xf32, #tpu.memory_space<hbm>> -> memref<512x16xf32, #tpu.memory_space<hbm>>
      %dma_wait3A_161 = arith.constant 0 : i32
      %dma_wait3A_162 = arith.constant 0 : i32
      %dma_wait3A_163 = tpu.memref_slice %arg12[%dma_wait3A_161, %dma_wait3A_162] : memref<512x16xf32, #tpu.memory_space<vmem>> -> memref<512x16xf32, #tpu.memory_space<vmem>>
      tpu.wait_dma2 semaphore(%run_scoped3A : memref<!tpu.dma_semaphore, #tpu.memory_space<semaphore_mem>>) src(%dma_wait3A_163 : memref<512x16xf32, #tpu.memory_space<vmem>>) dst(%dma_wait3A_160 : memref<512x16xf32, #tpu.memory_space<hbm>>)
      tpu.yield
    }) : () -> ()
    %add3A_117 = arith.constant 2048 : i32
    %add3A_118 = arith.addi %mul3A_34, %add3A_117 : i32
    "tpu.region"() ({
      %run_scoped3A = tpu.sem_alloc : memref<!tpu.dma_semaphore, #tpu.memory_space<semaphore_mem>>
      %dma_start3A_140 = arith.constant 0 : i32
      %dma_start3A_141 = arith.constant 0 : i32
      %dma_start3A_142 = tpu.memref_slice %arg12[%dma_start3A_140, %dma_start3A_141] : memref<512x16xf32, #tpu.memory_space<vmem>> -> memref<512x16xf32, #tpu.memory_space<vmem>>
      %dma_start3A_143 = arith.constant 0 : i32
      %dma_start3A_144 = tpu.memref_slice %arg13[%add3A_118, %dma_start3A_143] : memref<100000x16xf32, #tpu.memory_space<vmem_shared>> -> memref<512x16xf32, #tpu.memory_space<vmem_shared>>
      %dma_start3A_145 = arith.constant 0 : i32
      %dma_start3A_146 = arith.constant 0 : i32
      %dma_start3A_147 = tpu.memref_slice %arg12[%dma_start3A_145, %dma_start3A_146] : memref<512x16xf32, #tpu.memory_space<vmem>> -> memref<512x16xf32, #tpu.memory_space<vmem>>
      %dma_start3A_148 = arith.constant 0 : i32
      %dma_start3A_149 = tpu.memref_slice %arg13[%add3A_118, %dma_start3A_148] : memref<100000x16xf32, #tpu.memory_space<vmem_shared>> -> memref<512x16xf32, #tpu.memory_space<vmem_shared>>
      tpu.enqueue_dma source(%dma_start3A_149 : memref<512x16xf32, #tpu.memory_space<vmem_shared>>) target(%dma_start3A_147 : memref<512x16xf32, #tpu.memory_space<vmem>>) target_semaphore(%run_scoped3A : memref<!tpu.dma_semaphore, #tpu.memory_space<semaphore_mem>>)
      %dma_wait3A_150 = arith.constant 0 : i32
      %dma_wait3A_151 = arith.constant 0 : i32
      %dma_wait3A_152 = tpu.memref_slice %arg12[%dma_wait3A_150, %dma_wait3A_151] : memref<512x16xf32, #tpu.memory_space<vmem>> -> memref<512x16xf32, #tpu.memory_space<vmem>>
      %dma_wait3A_153 = arith.constant 0 : i32
      %dma_wait3A_154 = tpu.memref_slice %arg13[%add3A_118, %dma_wait3A_153] : memref<100000x16xf32, #tpu.memory_space<vmem_shared>> -> memref<512x16xf32, #tpu.memory_space<vmem_shared>>
      %dma_wait3A_155 = arith.constant 0 : i32
      %dma_wait3A_156 = arith.constant 0 : i32
      %dma_wait3A_157 = tpu.memref_slice %arg12[%dma_wait3A_155, %dma_wait3A_156] : memref<512x16xf32, #tpu.memory_space<vmem>> -> memref<512x16xf32, #tpu.memory_space<vmem>>
      %dma_wait3A_158 = arith.constant 0 : i32
      %dma_wait3A_159 = tpu.memref_slice %arg13[%add3A_118, %dma_wait3A_158] : memref<100000x16xf32, #tpu.memory_space<vmem_shared>> -> memref<512x16xf32, #tpu.memory_space<vmem_shared>>
      tpu.wait_dma2 semaphore(%run_scoped3A : memref<!tpu.dma_semaphore, #tpu.memory_space<semaphore_mem>>) src(%dma_wait3A_159 : memref<512x16xf32, #tpu.memory_space<vmem_shared>>) dst(%dma_wait3A_157 : memref<512x16xf32, #tpu.memory_space<vmem>>)
      tpu.yield
    }) : () -> ()
    "tpu.region"() ({
      %run_scoped3A = tpu.sem_alloc : memref<!tpu.dma_semaphore, #tpu.memory_space<semaphore_mem>>
      %dma_start3A_140 = arith.constant 0 : i32
      %dma_start3A_141 = arith.constant 0 : i32
      %dma_start3A_142 = tpu.memref_slice %arg12[%dma_start3A_140, %dma_start3A_141] : memref<512x16xf32, #tpu.memory_space<vmem>> -> memref<512x16xf32, #tpu.memory_space<vmem>>
      %dma_start3A_143 = arith.constant 0 : i32
      %dma_start3A_144 = tpu.memref_slice %arg5[%arg0, %add3A_118, %dma_start3A_143] : memref<2x100000x16xf32, #tpu.memory_space<hbm>> -> memref<1x512x16xf32, #tpu.memory_space<hbm>>
      %dma_start3A_145 = tpu.memref_squeeze %dma_start3A_144 : memref<1x512x16xf32, #tpu.memory_space<hbm>> -> memref<512x16xf32, #tpu.memory_space<hbm>>
      %dma_start3A_146 = arith.constant 0 : i32
      %dma_start3A_147 = tpu.memref_slice %arg5[%arg0, %add3A_118, %dma_start3A_146] : memref<2x100000x16xf32, #tpu.memory_space<hbm>> -> memref<1x512x16xf32, #tpu.memory_space<hbm>>
      %dma_start3A_148 = tpu.memref_squeeze %dma_start3A_147 : memref<1x512x16xf32, #tpu.memory_space<hbm>> -> memref<512x16xf32, #tpu.memory_space<hbm>>
      %dma_start3A_149 = arith.constant 0 : i32
      %dma_start3A_150 = arith.constant 0 : i32
      %dma_start3A_151 = tpu.memref_slice %arg12[%dma_start3A_149, %dma_start3A_150] : memref<512x16xf32, #tpu.memory_space<vmem>> -> memref<512x16xf32, #tpu.memory_space<vmem>>
      tpu.enqueue_dma source(%dma_start3A_151 : memref<512x16xf32, #tpu.memory_space<vmem>>) target(%dma_start3A_148 : memref<512x16xf32, #tpu.memory_space<hbm>>) target_semaphore(%run_scoped3A : memref<!tpu.dma_semaphore, #tpu.memory_space<semaphore_mem>>)
      %dma_wait3A_152 = arith.constant 0 : i32
      %dma_wait3A_153 = arith.constant 0 : i32
      %dma_wait3A_154 = tpu.memref_slice %arg12[%dma_wait3A_152, %dma_wait3A_153] : memref<512x16xf32, #tpu.memory_space<vmem>> -> memref<512x16xf32, #tpu.memory_space<vmem>>
      %dma_wait3A_155 = arith.constant 0 : i32
      %dma_wait3A_156 = tpu.memref_slice %arg5[%arg0, %add3A_118, %dma_wait3A_155] : memref<2x100000x16xf32, #tpu.memory_space<hbm>> -> memref<1x512x16xf32, #tpu.memory_space<hbm>>
      %dma_wait3A_157 = tpu.memref_squeeze %dma_wait3A_156 : memref<1x512x16xf32, #tpu.memory_space<hbm>> -> memref<512x16xf32, #tpu.memory_space<hbm>>
      %dma_wait3A_158 = arith.constant 0 : i32
      %dma_wait3A_159 = tpu.memref_slice %arg5[%arg0, %add3A_118, %dma_wait3A_158] : memref<2x100000x16xf32, #tpu.memory_space<hbm>> -> memref<1x512x16xf32, #tpu.memory_space<hbm>>
      %dma_wait3A_160 = tpu.memref_squeeze %dma_wait3A_159 : memref<1x512x16xf32, #tpu.memory_space<hbm>> -> memref<512x16xf32, #tpu.memory_space<hbm>>
      %dma_wait3A_161 = arith.constant 0 : i32
      %dma_wait3A_162 = arith.constant 0 : i32
      %dma_wait3A_163 = tpu.memref_slice %arg12[%dma_wait3A_161, %dma_wait3A_162] : memref<512x16xf32, #tpu.memory_space<vmem>> -> memref<512x16xf32, #tpu.memory_space<vmem>>
      tpu.wait_dma2 semaphore(%run_scoped3A : memref<!tpu.dma_semaphore, #tpu.memory_space<semaphore_mem>>) src(%dma_wait3A_163 : memref<512x16xf32, #tpu.memory_space<vmem>>) dst(%dma_wait3A_160 : memref<512x16xf32, #tpu.memory_space<hbm>>)
      tpu.yield
    }) : () -> ()
    %add3A_119 = arith.constant 2560 : i32
    %add3A_120 = arith.addi %mul3A_34, %add3A_119 : i32
    "tpu.region"() ({
      %run_scoped3A = tpu.sem_alloc : memref<!tpu.dma_semaphore, #tpu.memory_space<semaphore_mem>>
      %dma_start3A_140 = arith.constant 0 : i32
      %dma_start3A_141 = arith.constant 0 : i32
      %dma_start3A_142 = tpu.memref_slice %arg12[%dma_start3A_140, %dma_start3A_141] : memref<512x16xf32, #tpu.memory_space<vmem>> -> memref<512x16xf32, #tpu.memory_space<vmem>>
      %dma_start3A_143 = arith.constant 0 : i32
      %dma_start3A_144 = tpu.memref_slice %arg13[%add3A_120, %dma_start3A_143] : memref<100000x16xf32, #tpu.memory_space<vmem_shared>> -> memref<512x16xf32, #tpu.memory_space<vmem_shared>>
      %dma_start3A_145 = arith.constant 0 : i32
      %dma_start3A_146 = arith.constant 0 : i32
      %dma_start3A_147 = tpu.memref_slice %arg12[%dma_start3A_145, %dma_start3A_146] : memref<512x16xf32, #tpu.memory_space<vmem>> -> memref<512x16xf32, #tpu.memory_space<vmem>>
      %dma_start3A_148 = arith.constant 0 : i32
      %dma_start3A_149 = tpu.memref_slice %arg13[%add3A_120, %dma_start3A_148] : memref<100000x16xf32, #tpu.memory_space<vmem_shared>> -> memref<512x16xf32, #tpu.memory_space<vmem_shared>>
      tpu.enqueue_dma source(%dma_start3A_149 : memref<512x16xf32, #tpu.memory_space<vmem_shared>>) target(%dma_start3A_147 : memref<512x16xf32, #tpu.memory_space<vmem>>) target_semaphore(%run_scoped3A : memref<!tpu.dma_semaphore, #tpu.memory_space<semaphore_mem>>)
      %dma_wait3A_150 = arith.constant 0 : i32
      %dma_wait3A_151 = arith.constant 0 : i32
      %dma_wait3A_152 = tpu.memref_slice %arg12[%dma_wait3A_150, %dma_wait3A_151] : memref<512x16xf32, #tpu.memory_space<vmem>> -> memref<512x16xf32, #tpu.memory_space<vmem>>
      %dma_wait3A_153 = arith.constant 0 : i32
      %dma_wait3A_154 = tpu.memref_slice %arg13[%add3A_120, %dma_wait3A_153] : memref<100000x16xf32, #tpu.memory_space<vmem_shared>> -> memref<512x16xf32, #tpu.memory_space<vmem_shared>>
      %dma_wait3A_155 = arith.constant 0 : i32
      %dma_wait3A_156 = arith.constant 0 : i32
      %dma_wait3A_157 = tpu.memref_slice %arg12[%dma_wait3A_155, %dma_wait3A_156] : memref<512x16xf32, #tpu.memory_space<vmem>> -> memref<512x16xf32, #tpu.memory_space<vmem>>
      %dma_wait3A_158 = arith.constant 0 : i32
      %dma_wait3A_159 = tpu.memref_slice %arg13[%add3A_120, %dma_wait3A_158] : memref<100000x16xf32, #tpu.memory_space<vmem_shared>> -> memref<512x16xf32, #tpu.memory_space<vmem_shared>>
      tpu.wait_dma2 semaphore(%run_scoped3A : memref<!tpu.dma_semaphore, #tpu.memory_space<semaphore_mem>>) src(%dma_wait3A_159 : memref<512x16xf32, #tpu.memory_space<vmem_shared>>) dst(%dma_wait3A_157 : memref<512x16xf32, #tpu.memory_space<vmem>>)
      tpu.yield
    }) : () -> ()
    "tpu.region"() ({
      %run_scoped3A = tpu.sem_alloc : memref<!tpu.dma_semaphore, #tpu.memory_space<semaphore_mem>>
      %dma_start3A_140 = arith.constant 0 : i32
      %dma_start3A_141 = arith.constant 0 : i32
      %dma_start3A_142 = tpu.memref_slice %arg12[%dma_start3A_140, %dma_start3A_141] : memref<512x16xf32, #tpu.memory_space<vmem>> -> memref<512x16xf32, #tpu.memory_space<vmem>>
      %dma_start3A_143 = arith.constant 0 : i32
      %dma_start3A_144 = tpu.memref_slice %arg5[%arg0, %add3A_120, %dma_start3A_143] : memref<2x100000x16xf32, #tpu.memory_space<hbm>> -> memref<1x512x16xf32, #tpu.memory_space<hbm>>
      %dma_start3A_145 = tpu.memref_squeeze %dma_start3A_144 : memref<1x512x16xf32, #tpu.memory_space<hbm>> -> memref<512x16xf32, #tpu.memory_space<hbm>>
      %dma_start3A_146 = arith.constant 0 : i32
      %dma_start3A_147 = tpu.memref_slice %arg5[%arg0, %add3A_120, %dma_start3A_146] : memref<2x100000x16xf32, #tpu.memory_space<hbm>> -> memref<1x512x16xf32, #tpu.memory_space<hbm>>
      %dma_start3A_148 = tpu.memref_squeeze %dma_start3A_147 : memref<1x512x16xf32, #tpu.memory_space<hbm>> -> memref<512x16xf32, #tpu.memory_space<hbm>>
      %dma_start3A_149 = arith.constant 0 : i32
      %dma_start3A_150 = arith.constant 0 : i32
      %dma_start3A_151 = tpu.memref_slice %arg12[%dma_start3A_149, %dma_start3A_150] : memref<512x16xf32, #tpu.memory_space<vmem>> -> memref<512x16xf32, #tpu.memory_space<vmem>>
      tpu.enqueue_dma source(%dma_start3A_151 : memref<512x16xf32, #tpu.memory_space<vmem>>) target(%dma_start3A_148 : memref<512x16xf32, #tpu.memory_space<hbm>>) target_semaphore(%run_scoped3A : memref<!tpu.dma_semaphore, #tpu.memory_space<semaphore_mem>>)
      %dma_wait3A_152 = arith.constant 0 : i32
      %dma_wait3A_153 = arith.constant 0 : i32
      %dma_wait3A_154 = tpu.memref_slice %arg12[%dma_wait3A_152, %dma_wait3A_153] : memref<512x16xf32, #tpu.memory_space<vmem>> -> memref<512x16xf32, #tpu.memory_space<vmem>>
      %dma_wait3A_155 = arith.constant 0 : i32
      %dma_wait3A_156 = tpu.memref_slice %arg5[%arg0, %add3A_120, %dma_wait3A_155] : memref<2x100000x16xf32, #tpu.memory_space<hbm>> -> memref<1x512x16xf32, #tpu.memory_space<hbm>>
      %dma_wait3A_157 = tpu.memref_squeeze %dma_wait3A_156 : memref<1x512x16xf32, #tpu.memory_space<hbm>> -> memref<512x16xf32, #tpu.memory_space<hbm>>
      %dma_wait3A_158 = arith.constant 0 : i32
      %dma_wait3A_159 = tpu.memref_slice %arg5[%arg0, %add3A_120, %dma_wait3A_158] : memref<2x100000x16xf32, #tpu.memory_space<hbm>> -> memref<1x512x16xf32, #tpu.memory_space<hbm>>
      %dma_wait3A_160 = tpu.memref_squeeze %dma_wait3A_159 : memref<1x512x16xf32, #tpu.memory_space<hbm>> -> memref<512x16xf32, #tpu.memory_space<hbm>>
      %dma_wait3A_161 = arith.constant 0 : i32
      %dma_wait3A_162 = arith.constant 0 : i32
      %dma_wait3A_163 = tpu.memref_slice %arg12[%dma_wait3A_161, %dma_wait3A_162] : memref<512x16xf32, #tpu.memory_space<vmem>> -> memref<512x16xf32, #tpu.memory_space<vmem>>
      tpu.wait_dma2 semaphore(%run_scoped3A : memref<!tpu.dma_semaphore, #tpu.memory_space<semaphore_mem>>) src(%dma_wait3A_163 : memref<512x16xf32, #tpu.memory_space<vmem>>) dst(%dma_wait3A_160 : memref<512x16xf32, #tpu.memory_space<hbm>>)
      tpu.yield
    }) : () -> ()
    %add3A_121 = arith.constant 3072 : i32
    %add3A_122 = arith.addi %mul3A_34, %add3A_121 : i32
    "tpu.region"() ({
      %run_scoped3A = tpu.sem_alloc : memref<!tpu.dma_semaphore, #tpu.memory_space<semaphore_mem>>
      %dma_start3A_140 = arith.constant 0 : i32
      %dma_start3A_141 = arith.constant 0 : i32
      %dma_start3A_142 = tpu.memref_slice %arg12[%dma_start3A_140, %dma_start3A_141] : memref<512x16xf32, #tpu.memory_space<vmem>> -> memref<512x16xf32, #tpu.memory_space<vmem>>
      %dma_start3A_143 = arith.constant 0 : i32
      %dma_start3A_144 = tpu.memref_slice %arg13[%add3A_122, %dma_start3A_143] : memref<100000x16xf32, #tpu.memory_space<vmem_shared>> -> memref<512x16xf32, #tpu.memory_space<vmem_shared>>
      %dma_start3A_145 = arith.constant 0 : i32
      %dma_start3A_146 = arith.constant 0 : i32
      %dma_start3A_147 = tpu.memref_slice %arg12[%dma_start3A_145, %dma_start3A_146] : memref<512x16xf32, #tpu.memory_space<vmem>> -> memref<512x16xf32, #tpu.memory_space<vmem>>
      %dma_start3A_148 = arith.constant 0 : i32
      %dma_start3A_149 = tpu.memref_slice %arg13[%add3A_122, %dma_start3A_148] : memref<100000x16xf32, #tpu.memory_space<vmem_shared>> -> memref<512x16xf32, #tpu.memory_space<vmem_shared>>
      tpu.enqueue_dma source(%dma_start3A_149 : memref<512x16xf32, #tpu.memory_space<vmem_shared>>) target(%dma_start3A_147 : memref<512x16xf32, #tpu.memory_space<vmem>>) target_semaphore(%run_scoped3A : memref<!tpu.dma_semaphore, #tpu.memory_space<semaphore_mem>>)
      %dma_wait3A_150 = arith.constant 0 : i32
      %dma_wait3A_151 = arith.constant 0 : i32
      %dma_wait3A_152 = tpu.memref_slice %arg12[%dma_wait3A_150, %dma_wait3A_151] : memref<512x16xf32, #tpu.memory_space<vmem>> -> memref<512x16xf32, #tpu.memory_space<vmem>>
      %dma_wait3A_153 = arith.constant 0 : i32
      %dma_wait3A_154 = tpu.memref_slice %arg13[%add3A_122, %dma_wait3A_153] : memref<100000x16xf32, #tpu.memory_space<vmem_shared>> -> memref<512x16xf32, #tpu.memory_space<vmem_shared>>
      %dma_wait3A_155 = arith.constant 0 : i32
      %dma_wait3A_156 = arith.constant 0 : i32
      %dma_wait3A_157 = tpu.memref_slice %arg12[%dma_wait3A_155, %dma_wait3A_156] : memref<512x16xf32, #tpu.memory_space<vmem>> -> memref<512x16xf32, #tpu.memory_space<vmem>>
      %dma_wait3A_158 = arith.constant 0 : i32
      %dma_wait3A_159 = tpu.memref_slice %arg13[%add3A_122, %dma_wait3A_158] : memref<100000x16xf32, #tpu.memory_space<vmem_shared>> -> memref<512x16xf32, #tpu.memory_space<vmem_shared>>
      tpu.wait_dma2 semaphore(%run_scoped3A : memref<!tpu.dma_semaphore, #tpu.memory_space<semaphore_mem>>) src(%dma_wait3A_159 : memref<512x16xf32, #tpu.memory_space<vmem_shared>>) dst(%dma_wait3A_157 : memref<512x16xf32, #tpu.memory_space<vmem>>)
      tpu.yield
    }) : () -> ()
    "tpu.region"() ({
      %run_scoped3A = tpu.sem_alloc : memref<!tpu.dma_semaphore, #tpu.memory_space<semaphore_mem>>
      %dma_start3A_140 = arith.constant 0 : i32
      %dma_start3A_141 = arith.constant 0 : i32
      %dma_start3A_142 = tpu.memref_slice %arg12[%dma_start3A_140, %dma_start3A_141] : memref<512x16xf32, #tpu.memory_space<vmem>> -> memref<512x16xf32, #tpu.memory_space<vmem>>
      %dma_start3A_143 = arith.constant 0 : i32
      %dma_start3A_144 = tpu.memref_slice %arg5[%arg0, %add3A_122, %dma_start3A_143] : memref<2x100000x16xf32, #tpu.memory_space<hbm>> -> memref<1x512x16xf32, #tpu.memory_space<hbm>>
      %dma_start3A_145 = tpu.memref_squeeze %dma_start3A_144 : memref<1x512x16xf32, #tpu.memory_space<hbm>> -> memref<512x16xf32, #tpu.memory_space<hbm>>
      %dma_start3A_146 = arith.constant 0 : i32
      %dma_start3A_147 = tpu.memref_slice %arg5[%arg0, %add3A_122, %dma_start3A_146] : memref<2x100000x16xf32, #tpu.memory_space<hbm>> -> memref<1x512x16xf32, #tpu.memory_space<hbm>>
      %dma_start3A_148 = tpu.memref_squeeze %dma_start3A_147 : memref<1x512x16xf32, #tpu.memory_space<hbm>> -> memref<512x16xf32, #tpu.memory_space<hbm>>
      %dma_start3A_149 = arith.constant 0 : i32
      %dma_start3A_150 = arith.constant 0 : i32
      %dma_start3A_151 = tpu.memref_slice %arg12[%dma_start3A_149, %dma_start3A_150] : memref<512x16xf32, #tpu.memory_space<vmem>> -> memref<512x16xf32, #tpu.memory_space<vmem>>
      tpu.enqueue_dma source(%dma_start3A_151 : memref<512x16xf32, #tpu.memory_space<vmem>>) target(%dma_start3A_148 : memref<512x16xf32, #tpu.memory_space<hbm>>) target_semaphore(%run_scoped3A : memref<!tpu.dma_semaphore, #tpu.memory_space<semaphore_mem>>)
      %dma_wait3A_152 = arith.constant 0 : i32
      %dma_wait3A_153 = arith.constant 0 : i32
      %dma_wait3A_154 = tpu.memref_slice %arg12[%dma_wait3A_152, %dma_wait3A_153] : memref<512x16xf32, #tpu.memory_space<vmem>> -> memref<512x16xf32, #tpu.memory_space<vmem>>
      %dma_wait3A_155 = arith.constant 0 : i32
      %dma_wait3A_156 = tpu.memref_slice %arg5[%arg0, %add3A_122, %dma_wait3A_155] : memref<2x100000x16xf32, #tpu.memory_space<hbm>> -> memref<1x512x16xf32, #tpu.memory_space<hbm>>
      %dma_wait3A_157 = tpu.memref_squeeze %dma_wait3A_156 : memref<1x512x16xf32, #tpu.memory_space<hbm>> -> memref<512x16xf32, #tpu.memory_space<hbm>>
      %dma_wait3A_158 = arith.constant 0 : i32
      %dma_wait3A_159 = tpu.memref_slice %arg5[%arg0, %add3A_122, %dma_wait3A_158] : memref<2x100000x16xf32, #tpu.memory_space<hbm>> -> memref<1x512x16xf32, #tpu.memory_space<hbm>>
      %dma_wait3A_160 = tpu.memref_squeeze %dma_wait3A_159 : memref<1x512x16xf32, #tpu.memory_space<hbm>> -> memref<512x16xf32, #tpu.memory_space<hbm>>
      %dma_wait3A_161 = arith.constant 0 : i32
      %dma_wait3A_162 = arith.constant 0 : i32
      %dma_wait3A_163 = tpu.memref_slice %arg12[%dma_wait3A_161, %dma_wait3A_162] : memref<512x16xf32, #tpu.memory_space<vmem>> -> memref<512x16xf32, #tpu.memory_space<vmem>>
      tpu.wait_dma2 semaphore(%run_scoped3A : memref<!tpu.dma_semaphore, #tpu.memory_space<semaphore_mem>>) src(%dma_wait3A_163 : memref<512x16xf32, #tpu.memory_space<vmem>>) dst(%dma_wait3A_160 : memref<512x16xf32, #tpu.memory_space<hbm>>)
      tpu.yield
    }) : () -> ()
    %add3A_123 = arith.constant 3584 : i32
    %add3A_124 = arith.addi %mul3A_34, %add3A_123 : i32
    "tpu.region"() ({
      %run_scoped3A = tpu.sem_alloc : memref<!tpu.dma_semaphore, #tpu.memory_space<semaphore_mem>>
      %dma_start3A_140 = arith.constant 0 : i32
      %dma_start3A_141 = arith.constant 0 : i32
      %dma_start3A_142 = tpu.memref_slice %arg12[%dma_start3A_140, %dma_start3A_141] : memref<512x16xf32, #tpu.memory_space<vmem>> -> memref<512x16xf32, #tpu.memory_space<vmem>>
      %dma_start3A_143 = arith.constant 0 : i32
      %dma_start3A_144 = tpu.memref_slice %arg13[%add3A_124, %dma_start3A_143] : memref<100000x16xf32, #tpu.memory_space<vmem_shared>> -> memref<512x16xf32, #tpu.memory_space<vmem_shared>>
      %dma_start3A_145 = arith.constant 0 : i32
      %dma_start3A_146 = arith.constant 0 : i32
      %dma_start3A_147 = tpu.memref_slice %arg12[%dma_start3A_145, %dma_start3A_146] : memref<512x16xf32, #tpu.memory_space<vmem>> -> memref<512x16xf32, #tpu.memory_space<vmem>>
      %dma_start3A_148 = arith.constant 0 : i32
      %dma_start3A_149 = tpu.memref_slice %arg13[%add3A_124, %dma_start3A_148] : memref<100000x16xf32, #tpu.memory_space<vmem_shared>> -> memref<512x16xf32, #tpu.memory_space<vmem_shared>>
      tpu.enqueue_dma source(%dma_start3A_149 : memref<512x16xf32, #tpu.memory_space<vmem_shared>>) target(%dma_start3A_147 : memref<512x16xf32, #tpu.memory_space<vmem>>) target_semaphore(%run_scoped3A : memref<!tpu.dma_semaphore, #tpu.memory_space<semaphore_mem>>)
      %dma_wait3A_150 = arith.constant 0 : i32
      %dma_wait3A_151 = arith.constant 0 : i32
      %dma_wait3A_152 = tpu.memref_slice %arg12[%dma_wait3A_150, %dma_wait3A_151] : memref<512x16xf32, #tpu.memory_space<vmem>> -> memref<512x16xf32, #tpu.memory_space<vmem>>
      %dma_wait3A_153 = arith.constant 0 : i32
      %dma_wait3A_154 = tpu.memref_slice %arg13[%add3A_124, %dma_wait3A_153] : memref<100000x16xf32, #tpu.memory_space<vmem_shared>> -> memref<512x16xf32, #tpu.memory_space<vmem_shared>>
      %dma_wait3A_155 = arith.constant 0 : i32
      %dma_wait3A_156 = arith.constant 0 : i32
      %dma_wait3A_157 = tpu.memref_slice %arg12[%dma_wait3A_155, %dma_wait3A_156] : memref<512x16xf32, #tpu.memory_space<vmem>> -> memref<512x16xf32, #tpu.memory_space<vmem>>
      %dma_wait3A_158 = arith.constant 0 : i32
      %dma_wait3A_159 = tpu.memref_slice %arg13[%add3A_124, %dma_wait3A_158] : memref<100000x16xf32, #tpu.memory_space<vmem_shared>> -> memref<512x16xf32, #tpu.memory_space<vmem_shared>>
      tpu.wait_dma2 semaphore(%run_scoped3A : memref<!tpu.dma_semaphore, #tpu.memory_space<semaphore_mem>>) src(%dma_wait3A_159 : memref<512x16xf32, #tpu.memory_space<vmem_shared>>) dst(%dma_wait3A_157 : memref<512x16xf32, #tpu.memory_space<vmem>>)
      tpu.yield
    }) : () -> ()
    "tpu.region"() ({
      %run_scoped3A = tpu.sem_alloc : memref<!tpu.dma_semaphore, #tpu.memory_space<semaphore_mem>>
      %dma_start3A_140 = arith.constant 0 : i32
      %dma_start3A_141 = arith.constant 0 : i32
      %dma_start3A_142 = tpu.memref_slice %arg12[%dma_start3A_140, %dma_start3A_141] : memref<512x16xf32, #tpu.memory_space<vmem>> -> memref<512x16xf32, #tpu.memory_space<vmem>>
      %dma_start3A_143 = arith.constant 0 : i32
      %dma_start3A_144 = tpu.memref_slice %arg5[%arg0, %add3A_124, %dma_start3A_143] : memref<2x100000x16xf32, #tpu.memory_space<hbm>> -> memref<1x512x16xf32, #tpu.memory_space<hbm>>
      %dma_start3A_145 = tpu.memref_squeeze %dma_start3A_144 : memref<1x512x16xf32, #tpu.memory_space<hbm>> -> memref<512x16xf32, #tpu.memory_space<hbm>>
      %dma_start3A_146 = arith.constant 0 : i32
      %dma_start3A_147 = tpu.memref_slice %arg5[%arg0, %add3A_124, %dma_start3A_146] : memref<2x100000x16xf32, #tpu.memory_space<hbm>> -> memref<1x512x16xf32, #tpu.memory_space<hbm>>
      %dma_start3A_148 = tpu.memref_squeeze %dma_start3A_147 : memref<1x512x16xf32, #tpu.memory_space<hbm>> -> memref<512x16xf32, #tpu.memory_space<hbm>>
      %dma_start3A_149 = arith.constant 0 : i32
      %dma_start3A_150 = arith.constant 0 : i32
      %dma_start3A_151 = tpu.memref_slice %arg12[%dma_start3A_149, %dma_start3A_150] : memref<512x16xf32, #tpu.memory_space<vmem>> -> memref<512x16xf32, #tpu.memory_space<vmem>>
      tpu.enqueue_dma source(%dma_start3A_151 : memref<512x16xf32, #tpu.memory_space<vmem>>) target(%dma_start3A_148 : memref<512x16xf32, #tpu.memory_space<hbm>>) target_semaphore(%run_scoped3A : memref<!tpu.dma_semaphore, #tpu.memory_space<semaphore_mem>>)
      %dma_wait3A_152 = arith.constant 0 : i32
      %dma_wait3A_153 = arith.constant 0 : i32
      %dma_wait3A_154 = tpu.memref_slice %arg12[%dma_wait3A_152, %dma_wait3A_153] : memref<512x16xf32, #tpu.memory_space<vmem>> -> memref<512x16xf32, #tpu.memory_space<vmem>>
      %dma_wait3A_155 = arith.constant 0 : i32
      %dma_wait3A_156 = tpu.memref_slice %arg5[%arg0, %add3A_124, %dma_wait3A_155] : memref<2x100000x16xf32, #tpu.memory_space<hbm>> -> memref<1x512x16xf32, #tpu.memory_space<hbm>>
      %dma_wait3A_157 = tpu.memref_squeeze %dma_wait3A_156 : memref<1x512x16xf32, #tpu.memory_space<hbm>> -> memref<512x16xf32, #tpu.memory_space<hbm>>
      %dma_wait3A_158 = arith.constant 0 : i32
      %dma_wait3A_159 = tpu.memref_slice %arg5[%arg0, %add3A_124, %dma_wait3A_158] : memref<2x100000x16xf32, #tpu.memory_space<hbm>> -> memref<1x512x16xf32, #tpu.memory_space<hbm>>
      %dma_wait3A_160 = tpu.memref_squeeze %dma_wait3A_159 : memref<1x512x16xf32, #tpu.memory_space<hbm>> -> memref<512x16xf32, #tpu.memory_space<hbm>>
      %dma_wait3A_161 = arith.constant 0 : i32
      %dma_wait3A_162 = arith.constant 0 : i32
      %dma_wait3A_163 = tpu.memref_slice %arg12[%dma_wait3A_161, %dma_wait3A_162] : memref<512x16xf32, #tpu.memory_space<vmem>> -> memref<512x16xf32, #tpu.memory_space<vmem>>
      tpu.wait_dma2 semaphore(%run_scoped3A : memref<!tpu.dma_semaphore, #tpu.memory_space<semaphore_mem>>) src(%dma_wait3A_163 : memref<512x16xf32, #tpu.memory_space<vmem>>) dst(%dma_wait3A_160 : memref<512x16xf32, #tpu.memory_space<hbm>>)
      tpu.yield
    }) : () -> ()
    %add3A_125 = arith.constant 4096 : i32
    %add3A_126 = arith.addi %mul3A_34, %add3A_125 : i32
    "tpu.region"() ({
      %run_scoped3A = tpu.sem_alloc : memref<!tpu.dma_semaphore, #tpu.memory_space<semaphore_mem>>
      %dma_start3A_140 = arith.constant 0 : i32
      %dma_start3A_141 = arith.constant 0 : i32
      %dma_start3A_142 = tpu.memref_slice %arg12[%dma_start3A_140, %dma_start3A_141] : memref<512x16xf32, #tpu.memory_space<vmem>> -> memref<512x16xf32, #tpu.memory_space<vmem>>
      %dma_start3A_143 = arith.constant 0 : i32
      %dma_start3A_144 = tpu.memref_slice %arg13[%add3A_126, %dma_start3A_143] : memref<100000x16xf32, #tpu.memory_space<vmem_shared>> -> memref<512x16xf32, #tpu.memory_space<vmem_shared>>
      %dma_start3A_145 = arith.constant 0 : i32
      %dma_start3A_146 = arith.constant 0 : i32
      %dma_start3A_147 = tpu.memref_slice %arg12[%dma_start3A_145, %dma_start3A_146] : memref<512x16xf32, #tpu.memory_space<vmem>> -> memref<512x16xf32, #tpu.memory_space<vmem>>
      %dma_start3A_148 = arith.constant 0 : i32
      %dma_start3A_149 = tpu.memref_slice %arg13[%add3A_126, %dma_start3A_148] : memref<100000x16xf32, #tpu.memory_space<vmem_shared>> -> memref<512x16xf32, #tpu.memory_space<vmem_shared>>
      tpu.enqueue_dma source(%dma_start3A_149 : memref<512x16xf32, #tpu.memory_space<vmem_shared>>) target(%dma_start3A_147 : memref<512x16xf32, #tpu.memory_space<vmem>>) target_semaphore(%run_scoped3A : memref<!tpu.dma_semaphore, #tpu.memory_space<semaphore_mem>>)
      %dma_wait3A_150 = arith.constant 0 : i32
      %dma_wait3A_151 = arith.constant 0 : i32
      %dma_wait3A_152 = tpu.memref_slice %arg12[%dma_wait3A_150, %dma_wait3A_151] : memref<512x16xf32, #tpu.memory_space<vmem>> -> memref<512x16xf32, #tpu.memory_space<vmem>>
      %dma_wait3A_153 = arith.constant 0 : i32
      %dma_wait3A_154 = tpu.memref_slice %arg13[%add3A_126, %dma_wait3A_153] : memref<100000x16xf32, #tpu.memory_space<vmem_shared>> -> memref<512x16xf32, #tpu.memory_space<vmem_shared>>
      %dma_wait3A_155 = arith.constant 0 : i32
      %dma_wait3A_156 = arith.constant 0 : i32
      %dma_wait3A_157 = tpu.memref_slice %arg12[%dma_wait3A_155, %dma_wait3A_156] : memref<512x16xf32, #tpu.memory_space<vmem>> -> memref<512x16xf32, #tpu.memory_space<vmem>>
      %dma_wait3A_158 = arith.constant 0 : i32
      %dma_wait3A_159 = tpu.memref_slice %arg13[%add3A_126, %dma_wait3A_158] : memref<100000x16xf32, #tpu.memory_space<vmem_shared>> -> memref<512x16xf32, #tpu.memory_space<vmem_shared>>
      tpu.wait_dma2 semaphore(%run_scoped3A : memref<!tpu.dma_semaphore, #tpu.memory_space<semaphore_mem>>) src(%dma_wait3A_159 : memref<512x16xf32, #tpu.memory_space<vmem_shared>>) dst(%dma_wait3A_157 : memref<512x16xf32, #tpu.memory_space<vmem>>)
      tpu.yield
    }) : () -> ()
    "tpu.region"() ({
      %run_scoped3A = tpu.sem_alloc : memref<!tpu.dma_semaphore, #tpu.memory_space<semaphore_mem>>
      %dma_start3A_140 = arith.constant 0 : i32
      %dma_start3A_141 = arith.constant 0 : i32
      %dma_start3A_142 = tpu.memref_slice %arg12[%dma_start3A_140, %dma_start3A_141] : memref<512x16xf32, #tpu.memory_space<vmem>> -> memref<512x16xf32, #tpu.memory_space<vmem>>
      %dma_start3A_143 = arith.constant 0 : i32
      %dma_start3A_144 = tpu.memref_slice %arg5[%arg0, %add3A_126, %dma_start3A_143] : memref<2x100000x16xf32, #tpu.memory_space<hbm>> -> memref<1x512x16xf32, #tpu.memory_space<hbm>>
      %dma_start3A_145 = tpu.memref_squeeze %dma_start3A_144 : memref<1x512x16xf32, #tpu.memory_space<hbm>> -> memref<512x16xf32, #tpu.memory_space<hbm>>
      %dma_start3A_146 = arith.constant 0 : i32
      %dma_start3A_147 = tpu.memref_slice %arg5[%arg0, %add3A_126, %dma_start3A_146] : memref<2x100000x16xf32, #tpu.memory_space<hbm>> -> memref<1x512x16xf32, #tpu.memory_space<hbm>>
      %dma_start3A_148 = tpu.memref_squeeze %dma_start3A_147 : memref<1x512x16xf32, #tpu.memory_space<hbm>> -> memref<512x16xf32, #tpu.memory_space<hbm>>
      %dma_start3A_149 = arith.constant 0 : i32
      %dma_start3A_150 = arith.constant 0 : i32
      %dma_start3A_151 = tpu.memref_slice %arg12[%dma_start3A_149, %dma_start3A_150] : memref<512x16xf32, #tpu.memory_space<vmem>> -> memref<512x16xf32, #tpu.memory_space<vmem>>
      tpu.enqueue_dma source(%dma_start3A_151 : memref<512x16xf32, #tpu.memory_space<vmem>>) target(%dma_start3A_148 : memref<512x16xf32, #tpu.memory_space<hbm>>) target_semaphore(%run_scoped3A : memref<!tpu.dma_semaphore, #tpu.memory_space<semaphore_mem>>)
      %dma_wait3A_152 = arith.constant 0 : i32
      %dma_wait3A_153 = arith.constant 0 : i32
      %dma_wait3A_154 = tpu.memref_slice %arg12[%dma_wait3A_152, %dma_wait3A_153] : memref<512x16xf32, #tpu.memory_space<vmem>> -> memref<512x16xf32, #tpu.memory_space<vmem>>
      %dma_wait3A_155 = arith.constant 0 : i32
      %dma_wait3A_156 = tpu.memref_slice %arg5[%arg0, %add3A_126, %dma_wait3A_155] : memref<2x100000x16xf32, #tpu.memory_space<hbm>> -> memref<1x512x16xf32, #tpu.memory_space<hbm>>
      %dma_wait3A_157 = tpu.memref_squeeze %dma_wait3A_156 : memref<1x512x16xf32, #tpu.memory_space<hbm>> -> memref<512x16xf32, #tpu.memory_space<hbm>>
      %dma_wait3A_158 = arith.constant 0 : i32
      %dma_wait3A_159 = tpu.memref_slice %arg5[%arg0, %add3A_126, %dma_wait3A_158] : memref<2x100000x16xf32, #tpu.memory_space<hbm>> -> memref<1x512x16xf32, #tpu.memory_space<hbm>>
      %dma_wait3A_160 = tpu.memref_squeeze %dma_wait3A_159 : memref<1x512x16xf32, #tpu.memory_space<hbm>> -> memref<512x16xf32, #tpu.memory_space<hbm>>
      %dma_wait3A_161 = arith.constant 0 : i32
      %dma_wait3A_162 = arith.constant 0 : i32
      %dma_wait3A_163 = tpu.memref_slice %arg12[%dma_wait3A_161, %dma_wait3A_162] : memref<512x16xf32, #tpu.memory_space<vmem>> -> memref<512x16xf32, #tpu.memory_space<vmem>>
      tpu.wait_dma2 semaphore(%run_scoped3A : memref<!tpu.dma_semaphore, #tpu.memory_space<semaphore_mem>>) src(%dma_wait3A_163 : memref<512x16xf32, #tpu.memory_space<vmem>>) dst(%dma_wait3A_160 : memref<512x16xf32, #tpu.memory_space<hbm>>)
      tpu.yield
    }) : () -> ()
    %add3A_127 = arith.constant 4608 : i32
    %add3A_128 = arith.addi %mul3A_34, %add3A_127 : i32
    "tpu.region"() ({
      %run_scoped3A = tpu.sem_alloc : memref<!tpu.dma_semaphore, #tpu.memory_space<semaphore_mem>>
      %dma_start3A_140 = arith.constant 0 : i32
      %dma_start3A_141 = arith.constant 0 : i32
      %dma_start3A_142 = tpu.memref_slice %arg12[%dma_start3A_140, %dma_start3A_141] : memref<512x16xf32, #tpu.memory_space<vmem>> -> memref<512x16xf32, #tpu.memory_space<vmem>>
      %dma_start3A_143 = arith.constant 0 : i32
      %dma_start3A_144 = tpu.memref_slice %arg13[%add3A_128, %dma_start3A_143] : memref<100000x16xf32, #tpu.memory_space<vmem_shared>> -> memref<512x16xf32, #tpu.memory_space<vmem_shared>>
      %dma_start3A_145 = arith.constant 0 : i32
      %dma_start3A_146 = arith.constant 0 : i32
      %dma_start3A_147 = tpu.memref_slice %arg12[%dma_start3A_145, %dma_start3A_146] : memref<512x16xf32, #tpu.memory_space<vmem>> -> memref<512x16xf32, #tpu.memory_space<vmem>>
      %dma_start3A_148 = arith.constant 0 : i32
      %dma_start3A_149 = tpu.memref_slice %arg13[%add3A_128, %dma_start3A_148] : memref<100000x16xf32, #tpu.memory_space<vmem_shared>> -> memref<512x16xf32, #tpu.memory_space<vmem_shared>>
      tpu.enqueue_dma source(%dma_start3A_149 : memref<512x16xf32, #tpu.memory_space<vmem_shared>>) target(%dma_start3A_147 : memref<512x16xf32, #tpu.memory_space<vmem>>) target_semaphore(%run_scoped3A : memref<!tpu.dma_semaphore, #tpu.memory_space<semaphore_mem>>)
      %dma_wait3A_150 = arith.constant 0 : i32
      %dma_wait3A_151 = arith.constant 0 : i32
      %dma_wait3A_152 = tpu.memref_slice %arg12[%dma_wait3A_150, %dma_wait3A_151] : memref<512x16xf32, #tpu.memory_space<vmem>> -> memref<512x16xf32, #tpu.memory_space<vmem>>
      %dma_wait3A_153 = arith.constant 0 : i32
      %dma_wait3A_154 = tpu.memref_slice %arg13[%add3A_128, %dma_wait3A_153] : memref<100000x16xf32, #tpu.memory_space<vmem_shared>> -> memref<512x16xf32, #tpu.memory_space<vmem_shared>>
      %dma_wait3A_155 = arith.constant 0 : i32
      %dma_wait3A_156 = arith.constant 0 : i32
      %dma_wait3A_157 = tpu.memref_slice %arg12[%dma_wait3A_155, %dma_wait3A_156] : memref<512x16xf32, #tpu.memory_space<vmem>> -> memref<512x16xf32, #tpu.memory_space<vmem>>
      %dma_wait3A_158 = arith.constant 0 : i32
      %dma_wait3A_159 = tpu.memref_slice %arg13[%add3A_128, %dma_wait3A_158] : memref<100000x16xf32, #tpu.memory_space<vmem_shared>> -> memref<512x16xf32, #tpu.memory_space<vmem_shared>>
      tpu.wait_dma2 semaphore(%run_scoped3A : memref<!tpu.dma_semaphore, #tpu.memory_space<semaphore_mem>>) src(%dma_wait3A_159 : memref<512x16xf32, #tpu.memory_space<vmem_shared>>) dst(%dma_wait3A_157 : memref<512x16xf32, #tpu.memory_space<vmem>>)
      tpu.yield
    }) : () -> ()
    "tpu.region"() ({
      %run_scoped3A = tpu.sem_alloc : memref<!tpu.dma_semaphore, #tpu.memory_space<semaphore_mem>>
      %dma_start3A_140 = arith.constant 0 : i32
      %dma_start3A_141 = arith.constant 0 : i32
      %dma_start3A_142 = tpu.memref_slice %arg12[%dma_start3A_140, %dma_start3A_141] : memref<512x16xf32, #tpu.memory_space<vmem>> -> memref<512x16xf32, #tpu.memory_space<vmem>>
      %dma_start3A_143 = arith.constant 0 : i32
      %dma_start3A_144 = tpu.memref_slice %arg5[%arg0, %add3A_128, %dma_start3A_143] : memref<2x100000x16xf32, #tpu.memory_space<hbm>> -> memref<1x512x16xf32, #tpu.memory_space<hbm>>
      %dma_start3A_145 = tpu.memref_squeeze %dma_start3A_144 : memref<1x512x16xf32, #tpu.memory_space<hbm>> -> memref<512x16xf32, #tpu.memory_space<hbm>>
      %dma_start3A_146 = arith.constant 0 : i32
      %dma_start3A_147 = tpu.memref_slice %arg5[%arg0, %add3A_128, %dma_start3A_146] : memref<2x100000x16xf32, #tpu.memory_space<hbm>> -> memref<1x512x16xf32, #tpu.memory_space<hbm>>
      %dma_start3A_148 = tpu.memref_squeeze %dma_start3A_147 : memref<1x512x16xf32, #tpu.memory_space<hbm>> -> memref<512x16xf32, #tpu.memory_space<hbm>>
      %dma_start3A_149 = arith.constant 0 : i32
      %dma_start3A_150 = arith.constant 0 : i32
      %dma_start3A_151 = tpu.memref_slice %arg12[%dma_start3A_149, %dma_start3A_150] : memref<512x16xf32, #tpu.memory_space<vmem>> -> memref<512x16xf32, #tpu.memory_space<vmem>>
      tpu.enqueue_dma source(%dma_start3A_151 : memref<512x16xf32, #tpu.memory_space<vmem>>) target(%dma_start3A_148 : memref<512x16xf32, #tpu.memory_space<hbm>>) target_semaphore(%run_scoped3A : memref<!tpu.dma_semaphore, #tpu.memory_space<semaphore_mem>>)
      %dma_wait3A_152 = arith.constant 0 : i32
      %dma_wait3A_153 = arith.constant 0 : i32
      %dma_wait3A_154 = tpu.memref_slice %arg12[%dma_wait3A_152, %dma_wait3A_153] : memref<512x16xf32, #tpu.memory_space<vmem>> -> memref<512x16xf32, #tpu.memory_space<vmem>>
      %dma_wait3A_155 = arith.constant 0 : i32
      %dma_wait3A_156 = tpu.memref_slice %arg5[%arg0, %add3A_128, %dma_wait3A_155] : memref<2x100000x16xf32, #tpu.memory_space<hbm>> -> memref<1x512x16xf32, #tpu.memory_space<hbm>>
      %dma_wait3A_157 = tpu.memref_squeeze %dma_wait3A_156 : memref<1x512x16xf32, #tpu.memory_space<hbm>> -> memref<512x16xf32, #tpu.memory_space<hbm>>
      %dma_wait3A_158 = arith.constant 0 : i32
      %dma_wait3A_159 = tpu.memref_slice %arg5[%arg0, %add3A_128, %dma_wait3A_158] : memref<2x100000x16xf32, #tpu.memory_space<hbm>> -> memref<1x512x16xf32, #tpu.memory_space<hbm>>
      %dma_wait3A_160 = tpu.memref_squeeze %dma_wait3A_159 : memref<1x512x16xf32, #tpu.memory_space<hbm>> -> memref<512x16xf32, #tpu.memory_space<hbm>>
      %dma_wait3A_161 = arith.constant 0 : i32
      %dma_wait3A_162 = arith.constant 0 : i32
      %dma_wait3A_163 = tpu.memref_slice %arg12[%dma_wait3A_161, %dma_wait3A_162] : memref<512x16xf32, #tpu.memory_space<vmem>> -> memref<512x16xf32, #tpu.memory_space<vmem>>
      tpu.wait_dma2 semaphore(%run_scoped3A : memref<!tpu.dma_semaphore, #tpu.memory_space<semaphore_mem>>) src(%dma_wait3A_163 : memref<512x16xf32, #tpu.memory_space<vmem>>) dst(%dma_wait3A_160 : memref<512x16xf32, #tpu.memory_space<hbm>>)
      tpu.yield
    }) : () -> ()
    %add3A_129 = arith.constant 5120 : i32
    %add3A_130 = arith.addi %mul3A_34, %add3A_129 : i32
    "tpu.region"() ({
      %run_scoped3A = tpu.sem_alloc : memref<!tpu.dma_semaphore, #tpu.memory_space<semaphore_mem>>
      %dma_start3A_140 = arith.constant 0 : i32
      %dma_start3A_141 = arith.constant 0 : i32
      %dma_start3A_142 = tpu.memref_slice %arg12[%dma_start3A_140, %dma_start3A_141] : memref<512x16xf32, #tpu.memory_space<vmem>> -> memref<512x16xf32, #tpu.memory_space<vmem>>
      %dma_start3A_143 = arith.constant 0 : i32
      %dma_start3A_144 = tpu.memref_slice %arg13[%add3A_130, %dma_start3A_143] : memref<100000x16xf32, #tpu.memory_space<vmem_shared>> -> memref<512x16xf32, #tpu.memory_space<vmem_shared>>
      %dma_start3A_145 = arith.constant 0 : i32
      %dma_start3A_146 = arith.constant 0 : i32
      %dma_start3A_147 = tpu.memref_slice %arg12[%dma_start3A_145, %dma_start3A_146] : memref<512x16xf32, #tpu.memory_space<vmem>> -> memref<512x16xf32, #tpu.memory_space<vmem>>
      %dma_start3A_148 = arith.constant 0 : i32
      %dma_start3A_149 = tpu.memref_slice %arg13[%add3A_130, %dma_start3A_148] : memref<100000x16xf32, #tpu.memory_space<vmem_shared>> -> memref<512x16xf32, #tpu.memory_space<vmem_shared>>
      tpu.enqueue_dma source(%dma_start3A_149 : memref<512x16xf32, #tpu.memory_space<vmem_shared>>) target(%dma_start3A_147 : memref<512x16xf32, #tpu.memory_space<vmem>>) target_semaphore(%run_scoped3A : memref<!tpu.dma_semaphore, #tpu.memory_space<semaphore_mem>>)
      %dma_wait3A_150 = arith.constant 0 : i32
      %dma_wait3A_151 = arith.constant 0 : i32
      %dma_wait3A_152 = tpu.memref_slice %arg12[%dma_wait3A_150, %dma_wait3A_151] : memref<512x16xf32, #tpu.memory_space<vmem>> -> memref<512x16xf32, #tpu.memory_space<vmem>>
      %dma_wait3A_153 = arith.constant 0 : i32
      %dma_wait3A_154 = tpu.memref_slice %arg13[%add3A_130, %dma_wait3A_153] : memref<100000x16xf32, #tpu.memory_space<vmem_shared>> -> memref<512x16xf32, #tpu.memory_space<vmem_shared>>
      %dma_wait3A_155 = arith.constant 0 : i32
      %dma_wait3A_156 = arith.constant 0 : i32
      %dma_wait3A_157 = tpu.memref_slice %arg12[%dma_wait3A_155, %dma_wait3A_156] : memref<512x16xf32, #tpu.memory_space<vmem>> -> memref<512x16xf32, #tpu.memory_space<vmem>>
      %dma_wait3A_158 = arith.constant 0 : i32
      %dma_wait3A_159 = tpu.memref_slice %arg13[%add3A_130, %dma_wait3A_158] : memref<100000x16xf32, #tpu.memory_space<vmem_shared>> -> memref<512x16xf32, #tpu.memory_space<vmem_shared>>
      tpu.wait_dma2 semaphore(%run_scoped3A : memref<!tpu.dma_semaphore, #tpu.memory_space<semaphore_mem>>) src(%dma_wait3A_159 : memref<512x16xf32, #tpu.memory_space<vmem_shared>>) dst(%dma_wait3A_157 : memref<512x16xf32, #tpu.memory_space<vmem>>)
      tpu.yield
    }) : () -> ()
    "tpu.region"() ({
      %run_scoped3A = tpu.sem_alloc : memref<!tpu.dma_semaphore, #tpu.memory_space<semaphore_mem>>
      %dma_start3A_140 = arith.constant 0 : i32
      %dma_start3A_141 = arith.constant 0 : i32
      %dma_start3A_142 = tpu.memref_slice %arg12[%dma_start3A_140, %dma_start3A_141] : memref<512x16xf32, #tpu.memory_space<vmem>> -> memref<512x16xf32, #tpu.memory_space<vmem>>
      %dma_start3A_143 = arith.constant 0 : i32
      %dma_start3A_144 = tpu.memref_slice %arg5[%arg0, %add3A_130, %dma_start3A_143] : memref<2x100000x16xf32, #tpu.memory_space<hbm>> -> memref<1x512x16xf32, #tpu.memory_space<hbm>>
      %dma_start3A_145 = tpu.memref_squeeze %dma_start3A_144 : memref<1x512x16xf32, #tpu.memory_space<hbm>> -> memref<512x16xf32, #tpu.memory_space<hbm>>
      %dma_start3A_146 = arith.constant 0 : i32
      %dma_start3A_147 = tpu.memref_slice %arg5[%arg0, %add3A_130, %dma_start3A_146] : memref<2x100000x16xf32, #tpu.memory_space<hbm>> -> memref<1x512x16xf32, #tpu.memory_space<hbm>>
      %dma_start3A_148 = tpu.memref_squeeze %dma_start3A_147 : memref<1x512x16xf32, #tpu.memory_space<hbm>> -> memref<512x16xf32, #tpu.memory_space<hbm>>
      %dma_start3A_149 = arith.constant 0 : i32
      %dma_start3A_150 = arith.constant 0 : i32
      %dma_start3A_151 = tpu.memref_slice %arg12[%dma_start3A_149, %dma_start3A_150] : memref<512x16xf32, #tpu.memory_space<vmem>> -> memref<512x16xf32, #tpu.memory_space<vmem>>
      tpu.enqueue_dma source(%dma_start3A_151 : memref<512x16xf32, #tpu.memory_space<vmem>>) target(%dma_start3A_148 : memref<512x16xf32, #tpu.memory_space<hbm>>) target_semaphore(%run_scoped3A : memref<!tpu.dma_semaphore, #tpu.memory_space<semaphore_mem>>)
      %dma_wait3A_152 = arith.constant 0 : i32
      %dma_wait3A_153 = arith.constant 0 : i32
      %dma_wait3A_154 = tpu.memref_slice %arg12[%dma_wait3A_152, %dma_wait3A_153] : memref<512x16xf32, #tpu.memory_space<vmem>> -> memref<512x16xf32, #tpu.memory_space<vmem>>
      %dma_wait3A_155 = arith.constant 0 : i32
      %dma_wait3A_156 = tpu.memref_slice %arg5[%arg0, %add3A_130, %dma_wait3A_155] : memref<2x100000x16xf32, #tpu.memory_space<hbm>> -> memref<1x512x16xf32, #tpu.memory_space<hbm>>
      %dma_wait3A_157 = tpu.memref_squeeze %dma_wait3A_156 : memref<1x512x16xf32, #tpu.memory_space<hbm>> -> memref<512x16xf32, #tpu.memory_space<hbm>>
      %dma_wait3A_158 = arith.constant 0 : i32
      %dma_wait3A_159 = tpu.memref_slice %arg5[%arg0, %add3A_130, %dma_wait3A_158] : memref<2x100000x16xf32, #tpu.memory_space<hbm>> -> memref<1x512x16xf32, #tpu.memory_space<hbm>>
      %dma_wait3A_160 = tpu.memref_squeeze %dma_wait3A_159 : memref<1x512x16xf32, #tpu.memory_space<hbm>> -> memref<512x16xf32, #tpu.memory_space<hbm>>
      %dma_wait3A_161 = arith.constant 0 : i32
      %dma_wait3A_162 = arith.constant 0 : i32
      %dma_wait3A_163 = tpu.memref_slice %arg12[%dma_wait3A_161, %dma_wait3A_162] : memref<512x16xf32, #tpu.memory_space<vmem>> -> memref<512x16xf32, #tpu.memory_space<vmem>>
      tpu.wait_dma2 semaphore(%run_scoped3A : memref<!tpu.dma_semaphore, #tpu.memory_space<semaphore_mem>>) src(%dma_wait3A_163 : memref<512x16xf32, #tpu.memory_space<vmem>>) dst(%dma_wait3A_160 : memref<512x16xf32, #tpu.memory_space<hbm>>)
      tpu.yield
    }) : () -> ()
    %add3A_131 = arith.constant 5632 : i32
    %add3A_132 = arith.addi %mul3A_34, %add3A_131 : i32
    "tpu.region"() ({
      %run_scoped3A = tpu.sem_alloc : memref<!tpu.dma_semaphore, #tpu.memory_space<semaphore_mem>>
      %dma_start3A_140 = arith.constant 0 : i32
      %dma_start3A_141 = arith.constant 0 : i32
      %dma_start3A_142 = tpu.memref_slice %arg12[%dma_start3A_140, %dma_start3A_141] : memref<512x16xf32, #tpu.memory_space<vmem>> -> memref<512x16xf32, #tpu.memory_space<vmem>>
      %dma_start3A_143 = arith.constant 0 : i32
      %dma_start3A_144 = tpu.memref_slice %arg13[%add3A_132, %dma_start3A_143] : memref<100000x16xf32, #tpu.memory_space<vmem_shared>> -> memref<512x16xf32, #tpu.memory_space<vmem_shared>>
      %dma_start3A_145 = arith.constant 0 : i32
      %dma_start3A_146 = arith.constant 0 : i32
      %dma_start3A_147 = tpu.memref_slice %arg12[%dma_start3A_145, %dma_start3A_146] : memref<512x16xf32, #tpu.memory_space<vmem>> -> memref<512x16xf32, #tpu.memory_space<vmem>>
      %dma_start3A_148 = arith.constant 0 : i32
      %dma_start3A_149 = tpu.memref_slice %arg13[%add3A_132, %dma_start3A_148] : memref<100000x16xf32, #tpu.memory_space<vmem_shared>> -> memref<512x16xf32, #tpu.memory_space<vmem_shared>>
      tpu.enqueue_dma source(%dma_start3A_149 : memref<512x16xf32, #tpu.memory_space<vmem_shared>>) target(%dma_start3A_147 : memref<512x16xf32, #tpu.memory_space<vmem>>) target_semaphore(%run_scoped3A : memref<!tpu.dma_semaphore, #tpu.memory_space<semaphore_mem>>)
      %dma_wait3A_150 = arith.constant 0 : i32
      %dma_wait3A_151 = arith.constant 0 : i32
      %dma_wait3A_152 = tpu.memref_slice %arg12[%dma_wait3A_150, %dma_wait3A_151] : memref<512x16xf32, #tpu.memory_space<vmem>> -> memref<512x16xf32, #tpu.memory_space<vmem>>
      %dma_wait3A_153 = arith.constant 0 : i32
      %dma_wait3A_154 = tpu.memref_slice %arg13[%add3A_132, %dma_wait3A_153] : memref<100000x16xf32, #tpu.memory_space<vmem_shared>> -> memref<512x16xf32, #tpu.memory_space<vmem_shared>>
      %dma_wait3A_155 = arith.constant 0 : i32
      %dma_wait3A_156 = arith.constant 0 : i32
      %dma_wait3A_157 = tpu.memref_slice %arg12[%dma_wait3A_155, %dma_wait3A_156] : memref<512x16xf32, #tpu.memory_space<vmem>> -> memref<512x16xf32, #tpu.memory_space<vmem>>
      %dma_wait3A_158 = arith.constant 0 : i32
      %dma_wait3A_159 = tpu.memref_slice %arg13[%add3A_132, %dma_wait3A_158] : memref<100000x16xf32, #tpu.memory_space<vmem_shared>> -> memref<512x16xf32, #tpu.memory_space<vmem_shared>>
      tpu.wait_dma2 semaphore(%run_scoped3A : memref<!tpu.dma_semaphore, #tpu.memory_space<semaphore_mem>>) src(%dma_wait3A_159 : memref<512x16xf32, #tpu.memory_space<vmem_shared>>) dst(%dma_wait3A_157 : memref<512x16xf32, #tpu.memory_space<vmem>>)
      tpu.yield
    }) : () -> ()
    "tpu.region"() ({
      %run_scoped3A = tpu.sem_alloc : memref<!tpu.dma_semaphore, #tpu.memory_space<semaphore_mem>>
      %dma_start3A_140 = arith.constant 0 : i32
      %dma_start3A_141 = arith.constant 0 : i32
      %dma_start3A_142 = tpu.memref_slice %arg12[%dma_start3A_140, %dma_start3A_141] : memref<512x16xf32, #tpu.memory_space<vmem>> -> memref<512x16xf32, #tpu.memory_space<vmem>>
      %dma_start3A_143 = arith.constant 0 : i32
      %dma_start3A_144 = tpu.memref_slice %arg5[%arg0, %add3A_132, %dma_start3A_143] : memref<2x100000x16xf32, #tpu.memory_space<hbm>> -> memref<1x512x16xf32, #tpu.memory_space<hbm>>
      %dma_start3A_145 = tpu.memref_squeeze %dma_start3A_144 : memref<1x512x16xf32, #tpu.memory_space<hbm>> -> memref<512x16xf32, #tpu.memory_space<hbm>>
      %dma_start3A_146 = arith.constant 0 : i32
      %dma_start3A_147 = tpu.memref_slice %arg5[%arg0, %add3A_132, %dma_start3A_146] : memref<2x100000x16xf32, #tpu.memory_space<hbm>> -> memref<1x512x16xf32, #tpu.memory_space<hbm>>
      %dma_start3A_148 = tpu.memref_squeeze %dma_start3A_147 : memref<1x512x16xf32, #tpu.memory_space<hbm>> -> memref<512x16xf32, #tpu.memory_space<hbm>>
      %dma_start3A_149 = arith.constant 0 : i32
      %dma_start3A_150 = arith.constant 0 : i32
      %dma_start3A_151 = tpu.memref_slice %arg12[%dma_start3A_149, %dma_start3A_150] : memref<512x16xf32, #tpu.memory_space<vmem>> -> memref<512x16xf32, #tpu.memory_space<vmem>>
      tpu.enqueue_dma source(%dma_start3A_151 : memref<512x16xf32, #tpu.memory_space<vmem>>) target(%dma_start3A_148 : memref<512x16xf32, #tpu.memory_space<hbm>>) target_semaphore(%run_scoped3A : memref<!tpu.dma_semaphore, #tpu.memory_space<semaphore_mem>>)
      %dma_wait3A_152 = arith.constant 0 : i32
      %dma_wait3A_153 = arith.constant 0 : i32
      %dma_wait3A_154 = tpu.memref_slice %arg12[%dma_wait3A_152, %dma_wait3A_153] : memref<512x16xf32, #tpu.memory_space<vmem>> -> memref<512x16xf32, #tpu.memory_space<vmem>>
      %dma_wait3A_155 = arith.constant 0 : i32
      %dma_wait3A_156 = tpu.memref_slice %arg5[%arg0, %add3A_132, %dma_wait3A_155] : memref<2x100000x16xf32, #tpu.memory_space<hbm>> -> memref<1x512x16xf32, #tpu.memory_space<hbm>>
      %dma_wait3A_157 = tpu.memref_squeeze %dma_wait3A_156 : memref<1x512x16xf32, #tpu.memory_space<hbm>> -> memref<512x16xf32, #tpu.memory_space<hbm>>
      %dma_wait3A_158 = arith.constant 0 : i32
      %dma_wait3A_159 = tpu.memref_slice %arg5[%arg0, %add3A_132, %dma_wait3A_158] : memref<2x100000x16xf32, #tpu.memory_space<hbm>> -> memref<1x512x16xf32, #tpu.memory_space<hbm>>
      %dma_wait3A_160 = tpu.memref_squeeze %dma_wait3A_159 : memref<1x512x16xf32, #tpu.memory_space<hbm>> -> memref<512x16xf32, #tpu.memory_space<hbm>>
      %dma_wait3A_161 = arith.constant 0 : i32
      %dma_wait3A_162 = arith.constant 0 : i32
      %dma_wait3A_163 = tpu.memref_slice %arg12[%dma_wait3A_161, %dma_wait3A_162] : memref<512x16xf32, #tpu.memory_space<vmem>> -> memref<512x16xf32, #tpu.memory_space<vmem>>
      tpu.wait_dma2 semaphore(%run_scoped3A : memref<!tpu.dma_semaphore, #tpu.memory_space<semaphore_mem>>) src(%dma_wait3A_163 : memref<512x16xf32, #tpu.memory_space<vmem>>) dst(%dma_wait3A_160 : memref<512x16xf32, #tpu.memory_space<hbm>>)
      tpu.yield
    }) : () -> ()
    %add3A_133 = arith.constant 6144 : i32
    %add3A_134 = arith.addi %mul3A_34, %add3A_133 : i32
    "tpu.region"() ({
      %run_scoped3A = tpu.sem_alloc : memref<!tpu.dma_semaphore, #tpu.memory_space<semaphore_mem>>
      %dma_start3A_140 = arith.constant 0 : i32
      %dma_start3A_141 = arith.constant 0 : i32
      %dma_start3A_142 = tpu.memref_slice %arg12[%dma_start3A_140, %dma_start3A_141] : memref<512x16xf32, #tpu.memory_space<vmem>> -> memref<104x16xf32, #tpu.memory_space<vmem>>
      %dma_start3A_143 = arith.constant 0 : i32
      %dma_start3A_144 = tpu.memref_slice %arg13[%add3A_134, %dma_start3A_143] : memref<100000x16xf32, #tpu.memory_space<vmem_shared>> -> memref<104x16xf32, #tpu.memory_space<vmem_shared>>
      %dma_start3A_145 = arith.constant 0 : i32
      %dma_start3A_146 = arith.constant 0 : i32
      %dma_start3A_147 = tpu.memref_slice %arg12[%dma_start3A_145, %dma_start3A_146] : memref<512x16xf32, #tpu.memory_space<vmem>> -> memref<104x16xf32, #tpu.memory_space<vmem>>
      %dma_start3A_148 = arith.constant 0 : i32
      %dma_start3A_149 = tpu.memref_slice %arg13[%add3A_134, %dma_start3A_148] : memref<100000x16xf32, #tpu.memory_space<vmem_shared>> -> memref<104x16xf32, #tpu.memory_space<vmem_shared>>
      tpu.enqueue_dma source(%dma_start3A_149 : memref<104x16xf32, #tpu.memory_space<vmem_shared>>) target(%dma_start3A_147 : memref<104x16xf32, #tpu.memory_space<vmem>>) target_semaphore(%run_scoped3A : memref<!tpu.dma_semaphore, #tpu.memory_space<semaphore_mem>>)
      %dma_wait3A_150 = arith.constant 0 : i32
      %dma_wait3A_151 = arith.constant 0 : i32
      %dma_wait3A_152 = tpu.memref_slice %arg12[%dma_wait3A_150, %dma_wait3A_151] : memref<512x16xf32, #tpu.memory_space<vmem>> -> memref<104x16xf32, #tpu.memory_space<vmem>>
      %dma_wait3A_153 = arith.constant 0 : i32
      %dma_wait3A_154 = tpu.memref_slice %arg13[%add3A_134, %dma_wait3A_153] : memref<100000x16xf32, #tpu.memory_space<vmem_shared>> -> memref<104x16xf32, #tpu.memory_space<vmem_shared>>
      %dma_wait3A_155 = arith.constant 0 : i32
      %dma_wait3A_156 = arith.constant 0 : i32
      %dma_wait3A_157 = tpu.memref_slice %arg12[%dma_wait3A_155, %dma_wait3A_156] : memref<512x16xf32, #tpu.memory_space<vmem>> -> memref<104x16xf32, #tpu.memory_space<vmem>>
      %dma_wait3A_158 = arith.constant 0 : i32
      %dma_wait3A_159 = tpu.memref_slice %arg13[%add3A_134, %dma_wait3A_158] : memref<100000x16xf32, #tpu.memory_space<vmem_shared>> -> memref<104x16xf32, #tpu.memory_space<vmem_shared>>
      tpu.wait_dma2 semaphore(%run_scoped3A : memref<!tpu.dma_semaphore, #tpu.memory_space<semaphore_mem>>) src(%dma_wait3A_159 : memref<104x16xf32, #tpu.memory_space<vmem_shared>>) dst(%dma_wait3A_157 : memref<104x16xf32, #tpu.memory_space<vmem>>)
      tpu.yield
    }) : () -> ()
    "tpu.region"() ({
      %run_scoped3A = tpu.sem_alloc : memref<!tpu.dma_semaphore, #tpu.memory_space<semaphore_mem>>
      %dma_start3A_140 = arith.constant 0 : i32
      %dma_start3A_141 = arith.constant 0 : i32
      %dma_start3A_142 = tpu.memref_slice %arg12[%dma_start3A_140, %dma_start3A_141] : memref<512x16xf32, #tpu.memory_space<vmem>> -> memref<104x16xf32, #tpu.memory_space<vmem>>
      %dma_start3A_143 = arith.constant 0 : i32
      %dma_start3A_144 = tpu.memref_slice %arg5[%arg0, %add3A_134, %dma_start3A_143] : memref<2x100000x16xf32, #tpu.memory_space<hbm>> -> memref<1x104x16xf32, #tpu.memory_space<hbm>>
      %dma_start3A_145 = tpu.memref_squeeze %dma_start3A_144 : memref<1x104x16xf32, #tpu.memory_space<hbm>> -> memref<104x16xf32, #tpu.memory_space<hbm>>
      %dma_start3A_146 = arith.constant 0 : i32
      %dma_start3A_147 = tpu.memref_slice %arg5[%arg0, %add3A_134, %dma_start3A_146] : memref<2x100000x16xf32, #tpu.memory_space<hbm>> -> memref<1x104x16xf32, #tpu.memory_space<hbm>>
      %dma_start3A_148 = tpu.memref_squeeze %dma_start3A_147 : memref<1x104x16xf32, #tpu.memory_space<hbm>> -> memref<104x16xf32, #tpu.memory_space<hbm>>
      %dma_start3A_149 = arith.constant 0 : i32
      %dma_start3A_150 = arith.constant 0 : i32
      %dma_start3A_151 = tpu.memref_slice %arg12[%dma_start3A_149, %dma_start3A_150] : memref<512x16xf32, #tpu.memory_space<vmem>> -> memref<104x16xf32, #tpu.memory_space<vmem>>
      tpu.enqueue_dma source(%dma_start3A_151 : memref<104x16xf32, #tpu.memory_space<vmem>>) target(%dma_start3A_148 : memref<104x16xf32, #tpu.memory_space<hbm>>) target_semaphore(%run_scoped3A : memref<!tpu.dma_semaphore, #tpu.memory_space<semaphore_mem>>)
      %dma_wait3A_152 = arith.constant 0 : i32
      %dma_wait3A_153 = arith.constant 0 : i32
      %dma_wait3A_154 = tpu.memref_slice %arg12[%dma_wait3A_152, %dma_wait3A_153] : memref<512x16xf32, #tpu.memory_space<vmem>> -> memref<104x16xf32, #tpu.memory_space<vmem>>
      %dma_wait3A_155 = arith.constant 0 : i32
      %dma_wait3A_156 = tpu.memref_slice %arg5[%arg0, %add3A_134, %dma_wait3A_155] : memref<2x100000x16xf32, #tpu.memory_space<hbm>> -> memref<1x104x16xf32, #tpu.memory_space<hbm>>
      %dma_wait3A_157 = tpu.memref_squeeze %dma_wait3A_156 : memref<1x104x16xf32, #tpu.memory_space<hbm>> -> memref<104x16xf32, #tpu.memory_space<hbm>>
      %dma_wait3A_158 = arith.constant 0 : i32
      %dma_wait3A_159 = tpu.memref_slice %arg5[%arg0, %add3A_134, %dma_wait3A_158] : memref<2x100000x16xf32, #tpu.memory_space<hbm>> -> memref<1x104x16xf32, #tpu.memory_space<hbm>>
      %dma_wait3A_160 = tpu.memref_squeeze %dma_wait3A_159 : memref<1x104x16xf32, #tpu.memory_space<hbm>> -> memref<104x16xf32, #tpu.memory_space<hbm>>
      %dma_wait3A_161 = arith.constant 0 : i32
      %dma_wait3A_162 = arith.constant 0 : i32
      %dma_wait3A_163 = tpu.memref_slice %arg12[%dma_wait3A_161, %dma_wait3A_162] : memref<512x16xf32, #tpu.memory_space<vmem>> -> memref<104x16xf32, #tpu.memory_space<vmem>>
      tpu.wait_dma2 semaphore(%run_scoped3A : memref<!tpu.dma_semaphore, #tpu.memory_space<semaphore_mem>>) src(%dma_wait3A_163 : memref<104x16xf32, #tpu.memory_space<vmem>>) dst(%dma_wait3A_160 : memref<104x16xf32, #tpu.memory_space<hbm>>)
      tpu.yield
    }) : () -> ()
    %lt3A_135 = arith.constant 4 : i32
    %lt3A_136 = arith.cmpi slt, %arg1, %lt3A_135 : i32
    %convert_element_type3A_137 = arith.extui %lt3A_136 : i1 to i32
    %cond3A_138 = arith.constant 0 : i32
    %cond3A_139 = arith.cmpi ne, %convert_element_type3A_137, %cond3A_138 : i32
    scf.if %cond3A_139 {
      %add3A_140 = arith.constant 6248 : i32
      %add3A_141 = arith.addi %mul3A_34, %add3A_140 : i32
      "tpu.region"() ({
        %run_scoped3A = tpu.sem_alloc : memref<!tpu.dma_semaphore, #tpu.memory_space<semaphore_mem>>
        %dma_start3A_142 = arith.constant 0 : i32
        %dma_start3A_143 = arith.constant 0 : i32
        %dma_start3A_144 = tpu.memref_slice %arg12[%dma_start3A_142, %dma_start3A_143] : memref<512x16xf32, #tpu.memory_space<vmem>> -> memref<8x16xf32, #tpu.memory_space<vmem>>
        %dma_start3A_145 = arith.constant 0 : i32
        %dma_start3A_146 = tpu.memref_slice %arg13[%add3A_141, %dma_start3A_145] : memref<100000x16xf32, #tpu.memory_space<vmem_shared>> -> memref<8x16xf32, #tpu.memory_space<vmem_shared>>
        %dma_start3A_147 = arith.constant 0 : i32
        %dma_start3A_148 = arith.constant 0 : i32
        %dma_start3A_149 = tpu.memref_slice %arg12[%dma_start3A_147, %dma_start3A_148] : memref<512x16xf32, #tpu.memory_space<vmem>> -> memref<8x16xf32, #tpu.memory_space<vmem>>
        %dma_start3A_150 = arith.constant 0 : i32
        %dma_start3A_151 = tpu.memref_slice %arg13[%add3A_141, %dma_start3A_150] : memref<100000x16xf32, #tpu.memory_space<vmem_shared>> -> memref<8x16xf32, #tpu.memory_space<vmem_shared>>
        tpu.enqueue_dma source(%dma_start3A_151 : memref<8x16xf32, #tpu.memory_space<vmem_shared>>) target(%dma_start3A_149 : memref<8x16xf32, #tpu.memory_space<vmem>>) target_semaphore(%run_scoped3A : memref<!tpu.dma_semaphore, #tpu.memory_space<semaphore_mem>>)
        %dma_wait3A_152 = arith.constant 0 : i32
        %dma_wait3A_153 = arith.constant 0 : i32
        %dma_wait3A_154 = tpu.memref_slice %arg12[%dma_wait3A_152, %dma_wait3A_153] : memref<512x16xf32, #tpu.memory_space<vmem>> -> memref<8x16xf32, #tpu.memory_space<vmem>>
        %dma_wait3A_155 = arith.constant 0 : i32
        %dma_wait3A_156 = tpu.memref_slice %arg13[%add3A_141, %dma_wait3A_155] : memref<100000x16xf32, #tpu.memory_space<vmem_shared>> -> memref<8x16xf32, #tpu.memory_space<vmem_shared>>
        %dma_wait3A_157 = arith.constant 0 : i32
        %dma_wait3A_158 = arith.constant 0 : i32
        %dma_wait3A_159 = tpu.memref_slice %arg12[%dma_wait3A_157, %dma_wait3A_158] : memref<512x16xf32, #tpu.memory_space<vmem>> -> memref<8x16xf32, #tpu.memory_space<vmem>>
        %dma_wait3A_160 = arith.constant 0 : i32
        %dma_wait3A_161 = tpu.memref_slice %arg13[%add3A_141, %dma_wait3A_160] : memref<100000x16xf32, #tpu.memory_space<vmem_shared>> -> memref<8x16xf32, #tpu.memory_space<vmem_shared>>
        tpu.wait_dma2 semaphore(%run_scoped3A : memref<!tpu.dma_semaphore, #tpu.memory_space<semaphore_mem>>) src(%dma_wait3A_161 : memref<8x16xf32, #tpu.memory_space<vmem_shared>>) dst(%dma_wait3A_159 : memref<8x16xf32, #tpu.memory_space<vmem>>)
        tpu.yield
      }) : () -> ()
      "tpu.region"() ({
        %run_scoped3A = tpu.sem_alloc : memref<!tpu.dma_semaphore, #tpu.memory_space<semaphore_mem>>
        %dma_start3A_142 = arith.constant 0 : i32
        %dma_start3A_143 = arith.constant 0 : i32
        %dma_start3A_144 = tpu.memref_slice %arg12[%dma_start3A_142, %dma_start3A_143] : memref<512x16xf32, #tpu.memory_space<vmem>> -> memref<8x16xf32, #tpu.memory_space<vmem>>
        %dma_start3A_145 = arith.constant 0 : i32
        %dma_start3A_146 = tpu.memref_slice %arg5[%arg0, %add3A_141, %dma_start3A_145] : memref<2x100000x16xf32, #tpu.memory_space<hbm>> -> memref<1x8x16xf32, #tpu.memory_space<hbm>>
        %dma_start3A_147 = tpu.memref_squeeze %dma_start3A_146 : memref<1x8x16xf32, #tpu.memory_space<hbm>> -> memref<8x16xf32, #tpu.memory_space<hbm>>
        %dma_start3A_148 = arith.constant 0 : i32
        %dma_start3A_149 = tpu.memref_slice %arg5[%arg0, %add3A_141, %dma_start3A_148] : memref<2x100000x16xf32, #tpu.memory_space<hbm>> -> memref<1x8x16xf32, #tpu.memory_space<hbm>>
        %dma_start3A_150 = tpu.memref_squeeze %dma_start3A_149 : memref<1x8x16xf32, #tpu.memory_space<hbm>> -> memref<8x16xf32, #tpu.memory_space<hbm>>
        %dma_start3A_151 = arith.constant 0 : i32
        %dma_start3A_152 = arith.constant 0 : i32
        %dma_start3A_153 = tpu.memref_slice %arg12[%dma_start3A_151, %dma_start3A_152] : memref<512x16xf32, #tpu.memory_space<vmem>> -> memref<8x16xf32, #tpu.memory_space<vmem>>
        tpu.enqueue_dma source(%dma_start3A_153 : memref<8x16xf32, #tpu.memory_space<vmem>>) target(%dma_start3A_150 : memref<8x16xf32, #tpu.memory_space<hbm>>) target_semaphore(%run_scoped3A : memref<!tpu.dma_semaphore, #tpu.memory_space<semaphore_mem>>)
        %dma_wait3A_154 = arith.constant 0 : i32
        %dma_wait3A_155 = arith.constant 0 : i32
        %dma_wait3A_156 = tpu.memref_slice %arg12[%dma_wait3A_154, %dma_wait3A_155] : memref<512x16xf32, #tpu.memory_space<vmem>> -> memref<8x16xf32, #tpu.memory_space<vmem>>
        %dma_wait3A_157 = arith.constant 0 : i32
        %dma_wait3A_158 = tpu.memref_slice %arg5[%arg0, %add3A_141, %dma_wait3A_157] : memref<2x100000x16xf32, #tpu.memory_space<hbm>> -> memref<1x8x16xf32, #tpu.memory_space<hbm>>
        %dma_wait3A_159 = tpu.memref_squeeze %dma_wait3A_158 : memref<1x8x16xf32, #tpu.memory_space<hbm>> -> memref<8x16xf32, #tpu.memory_space<hbm>>
        %dma_wait3A_160 = arith.constant 0 : i32
        %dma_wait3A_161 = tpu.memref_slice %arg5[%arg0, %add3A_141, %dma_wait3A_160] : memref<2x100000x16xf32, #tpu.memory_space<hbm>> -> memref<1x8x16xf32, #tpu.memory_space<hbm>>
        %dma_wait3A_162 = tpu.memref_squeeze %dma_wait3A_161 : memref<1x8x16xf32, #tpu.memory_space<hbm>> -> memref<8x16xf32, #tpu.memory_space<hbm>>
        %dma_wait3A_163 = arith.constant 0 : i32
        %dma_wait3A_164 = arith.constant 0 : i32
        %dma_wait3A_165 = tpu.memref_slice %arg12[%dma_wait3A_163, %dma_wait3A_164] : memref<512x16xf32, #tpu.memory_space<vmem>> -> memref<8x16xf32, #tpu.memory_space<vmem>>
        tpu.wait_dma2 semaphore(%run_scoped3A : memref<!tpu.dma_semaphore, #tpu.memory_space<semaphore_mem>>) src(%dma_wait3A_165 : memref<8x16xf32, #tpu.memory_space<vmem>>) dst(%dma_wait3A_162 : memref<8x16xf32, #tpu.memory_space<hbm>>)
        tpu.yield
      }) : () -> ()
    } else {
    }
    return
  }
}

#map = affine_map<(d0, d1) -> (0, 0, 0)>
#map1 = affine_map<(d0, d1) -> (0, 0)>
module attributes {stable_mosaic.version = 14 : i64} {
  func.func @_finish_body(%arg0: i32, %arg1: i32, %arg2: memref<2x100000x16xf32, #tpu.memory_space<hbm>>, %arg3: memref<100000x16xf32, #tpu.memory_space<hbm>>, %arg4: memref<640x16xf32, #tpu.memory_space<vmem>>, %arg5: memref<640x16xf32, #tpu.memory_space<vmem>>, %arg6: memref<640x16xf32, #tpu.memory_space<vmem>>) attributes {dimension_semantics = [#tpu.dimension_semantics<core_parallel>, #tpu.dimension_semantics<subcore_parallel>], iteration_bounds = array<i64: 2, 16>, scalar_prefetch = 0 : i64, scratch_operands = 3 : i64, tpu.core_type = #tpu.core_type<sc_vector_subcore>, window_params = [{transform_indices = #map}, {transform_indices = #map1}]} {
    %mul3A = arith.constant 2 : i32
    %mul3A_0 = arith.muli %arg1, %mul3A : i32
    %add3A = arith.addi %mul3A_0, %arg0 : i32
    %iota3A = tpu.iota {dimensions = array<i32: 0>} : vector<16xi32>
    %broadcast_in_dim3A = arith.constant 0 : i32
    %broadcast_in_dim3A_1 = vector.broadcast %broadcast_in_dim3A : i32 to vector<16xi32>
    %broadcast_in_dim3A_2 = arith.constant 1 : i32
    %broadcast_in_dim3A_3 = vector.broadcast %broadcast_in_dim3A_2 : i32 to vector<16xi32>
    %broadcast_in_dim3A_4 = arith.constant 2 : i32
    %broadcast_in_dim3A_5 = vector.broadcast %broadcast_in_dim3A_4 : i32 to vector<16xi32>
    %broadcast_in_dim3A_6 = arith.constant 3 : i32
    %broadcast_in_dim3A_7 = vector.broadcast %broadcast_in_dim3A_6 : i32 to vector<16xi32>
    %broadcast_in_dim3A_8 = arith.constant 4 : i32
    %broadcast_in_dim3A_9 = vector.broadcast %broadcast_in_dim3A_8 : i32 to vector<16xi32>
    %broadcast_in_dim3A_10 = arith.constant 5 : i32
    %broadcast_in_dim3A_11 = vector.broadcast %broadcast_in_dim3A_10 : i32 to vector<16xi32>
    %broadcast_in_dim3A_12 = arith.constant 6 : i32
    %broadcast_in_dim3A_13 = vector.broadcast %broadcast_in_dim3A_12 : i32 to vector<16xi32>
    %broadcast_in_dim3A_14 = arith.constant 7 : i32
    %broadcast_in_dim3A_15 = vector.broadcast %broadcast_in_dim3A_14 : i32 to vector<16xi32>
    %broadcast_in_dim3A_16 = arith.constant 8 : i32
    %broadcast_in_dim3A_17 = vector.broadcast %broadcast_in_dim3A_16 : i32 to vector<16xi32>
    %broadcast_in_dim3A_18 = arith.constant 9 : i32
    %broadcast_in_dim3A_19 = vector.broadcast %broadcast_in_dim3A_18 : i32 to vector<16xi32>
    %broadcast_in_dim3A_20 = arith.constant 10 : i32
    %broadcast_in_dim3A_21 = vector.broadcast %broadcast_in_dim3A_20 : i32 to vector<16xi32>
    %mul3A_22 = arith.constant 195 : i32
    %mul3A_23 = arith.muli %mul3A_22, %add3A : i32
    %min3A = arith.constant 10 : i32
    %min3A_24 = arith.minsi %add3A, %min3A : i32
    %add3A_25 = arith.addi %mul3A_23, %min3A_24 : i32
    %scan3A = arith.constant 0 : i32
    %scan3A_26 = arith.constant 0 : i32
    %scan3A_27 = arith.constant 4 : i32
    %scan3A_28 = arith.addi %scan3A_26, %scan3A_27 : i32
    %scan3A_29 = arith.constant 1 : i32
    scf.for %scan3A_44 = %scan3A_26 to %scan3A_28 step %scan3A_29  : i32 {
      %mul3A_45 = arith.constant 40 : i32
      %mul3A_46 = arith.muli %scan3A_44, %mul3A_45 : i32
      %add3A_47 = arith.addi %add3A_25, %mul3A_46 : i32
      %mul3A_48 = arith.constant 16 : i32
      %mul3A_49 = arith.muli %add3A_47, %mul3A_48 : i32
      %run_scoped3A_50 = arith.constant 0 : i32
      "tpu.region"() ({
        %run_scoped3A_58 = tpu.sem_alloc : memref<!tpu.dma_semaphore, #tpu.memory_space<semaphore_mem>>
        %dma_start3A = arith.constant 0 : i32
        %dma_start3A_59 = arith.constant 0 : i32
        %dma_start3A_60 = tpu.memref_slice %arg4[%dma_start3A, %dma_start3A_59] : memref<640x16xf32, #tpu.memory_space<vmem>> -> memref<640x16xf32, #tpu.memory_space<vmem>>
        %dma_start3A_61 = arith.constant 0 : i32
        %dma_start3A_62 = tpu.memref_slice %arg2[%run_scoped3A_50, %mul3A_49, %dma_start3A_61] : memref<2x100000x16xf32, #tpu.memory_space<hbm>> -> memref<1x640x16xf32, #tpu.memory_space<hbm>>
        %dma_start3A_63 = tpu.memref_squeeze %dma_start3A_62 : memref<1x640x16xf32, #tpu.memory_space<hbm>> -> memref<640x16xf32, #tpu.memory_space<hbm>>
        %dma_start3A_64 = arith.constant 0 : i32
        %dma_start3A_65 = arith.constant 0 : i32
        %dma_start3A_66 = tpu.memref_slice %arg4[%dma_start3A_64, %dma_start3A_65] : memref<640x16xf32, #tpu.memory_space<vmem>> -> memref<640x16xf32, #tpu.memory_space<vmem>>
        %dma_start3A_67 = arith.constant 0 : i32
        %dma_start3A_68 = tpu.memref_slice %arg2[%run_scoped3A_50, %mul3A_49, %dma_start3A_67] : memref<2x100000x16xf32, #tpu.memory_space<hbm>> -> memref<1x640x16xf32, #tpu.memory_space<hbm>>
        %dma_start3A_69 = tpu.memref_squeeze %dma_start3A_68 : memref<1x640x16xf32, #tpu.memory_space<hbm>> -> memref<640x16xf32, #tpu.memory_space<hbm>>
        tpu.enqueue_dma source(%dma_start3A_69 : memref<640x16xf32, #tpu.memory_space<hbm>>) target(%dma_start3A_66 : memref<640x16xf32, #tpu.memory_space<vmem>>) target_semaphore(%run_scoped3A_58 : memref<!tpu.dma_semaphore, #tpu.memory_space<semaphore_mem>>)
        %dma_wait3A = arith.constant 0 : i32
        %dma_wait3A_70 = arith.constant 0 : i32
        %dma_wait3A_71 = tpu.memref_slice %arg4[%dma_wait3A, %dma_wait3A_70] : memref<640x16xf32, #tpu.memory_space<vmem>> -> memref<640x16xf32, #tpu.memory_space<vmem>>
        %dma_wait3A_72 = arith.constant 0 : i32
        %dma_wait3A_73 = tpu.memref_slice %arg2[%run_scoped3A_50, %mul3A_49, %dma_wait3A_72] : memref<2x100000x16xf32, #tpu.memory_space<hbm>> -> memref<1x640x16xf32, #tpu.memory_space<hbm>>
        %dma_wait3A_74 = tpu.memref_squeeze %dma_wait3A_73 : memref<1x640x16xf32, #tpu.memory_space<hbm>> -> memref<640x16xf32, #tpu.memory_space<hbm>>
        %dma_wait3A_75 = arith.constant 0 : i32
        %dma_wait3A_76 = arith.constant 0 : i32
        %dma_wait3A_77 = tpu.memref_slice %arg4[%dma_wait3A_75, %dma_wait3A_76] : memref<640x16xf32, #tpu.memory_space<vmem>> -> memref<640x16xf32, #tpu.memory_space<vmem>>
        %dma_wait3A_78 = arith.constant 0 : i32
        %dma_wait3A_79 = tpu.memref_slice %arg2[%run_scoped3A_50, %mul3A_49, %dma_wait3A_78] : memref<2x100000x16xf32, #tpu.memory_space<hbm>> -> memref<1x640x16xf32, #tpu.memory_space<hbm>>
        %dma_wait3A_80 = tpu.memref_squeeze %dma_wait3A_79 : memref<1x640x16xf32, #tpu.memory_space<hbm>> -> memref<640x16xf32, #tpu.memory_space<hbm>>
        tpu.wait_dma2 semaphore(%run_scoped3A_58 : memref<!tpu.dma_semaphore, #tpu.memory_space<semaphore_mem>>) src(%dma_wait3A_80 : memref<640x16xf32, #tpu.memory_space<hbm>>) dst(%dma_wait3A_77 : memref<640x16xf32, #tpu.memory_space<vmem>>)
        tpu.yield
      }) : () -> ()
      %run_scoped3A_51 = arith.constant 1 : i32
      "tpu.region"() ({
        %run_scoped3A_58 = tpu.sem_alloc : memref<!tpu.dma_semaphore, #tpu.memory_space<semaphore_mem>>
        %dma_start3A = arith.constant 0 : i32
        %dma_start3A_59 = arith.constant 0 : i32
        %dma_start3A_60 = tpu.memref_slice %arg5[%dma_start3A, %dma_start3A_59] : memref<640x16xf32, #tpu.memory_space<vmem>> -> memref<640x16xf32, #tpu.memory_space<vmem>>
        %dma_start3A_61 = arith.constant 0 : i32
        %dma_start3A_62 = tpu.memref_slice %arg2[%run_scoped3A_51, %mul3A_49, %dma_start3A_61] : memref<2x100000x16xf32, #tpu.memory_space<hbm>> -> memref<1x640x16xf32, #tpu.memory_space<hbm>>
        %dma_start3A_63 = tpu.memref_squeeze %dma_start3A_62 : memref<1x640x16xf32, #tpu.memory_space<hbm>> -> memref<640x16xf32, #tpu.memory_space<hbm>>
        %dma_start3A_64 = arith.constant 0 : i32
        %dma_start3A_65 = arith.constant 0 : i32
        %dma_start3A_66 = tpu.memref_slice %arg5[%dma_start3A_64, %dma_start3A_65] : memref<640x16xf32, #tpu.memory_space<vmem>> -> memref<640x16xf32, #tpu.memory_space<vmem>>
        %dma_start3A_67 = arith.constant 0 : i32
        %dma_start3A_68 = tpu.memref_slice %arg2[%run_scoped3A_51, %mul3A_49, %dma_start3A_67] : memref<2x100000x16xf32, #tpu.memory_space<hbm>> -> memref<1x640x16xf32, #tpu.memory_space<hbm>>
        %dma_start3A_69 = tpu.memref_squeeze %dma_start3A_68 : memref<1x640x16xf32, #tpu.memory_space<hbm>> -> memref<640x16xf32, #tpu.memory_space<hbm>>
        tpu.enqueue_dma source(%dma_start3A_69 : memref<640x16xf32, #tpu.memory_space<hbm>>) target(%dma_start3A_66 : memref<640x16xf32, #tpu.memory_space<vmem>>) target_semaphore(%run_scoped3A_58 : memref<!tpu.dma_semaphore, #tpu.memory_space<semaphore_mem>>)
        %dma_wait3A = arith.constant 0 : i32
        %dma_wait3A_70 = arith.constant 0 : i32
        %dma_wait3A_71 = tpu.memref_slice %arg5[%dma_wait3A, %dma_wait3A_70] : memref<640x16xf32, #tpu.memory_space<vmem>> -> memref<640x16xf32, #tpu.memory_space<vmem>>
        %dma_wait3A_72 = arith.constant 0 : i32
        %dma_wait3A_73 = tpu.memref_slice %arg2[%run_scoped3A_51, %mul3A_49, %dma_wait3A_72] : memref<2x100000x16xf32, #tpu.memory_space<hbm>> -> memref<1x640x16xf32, #tpu.memory_space<hbm>>
        %dma_wait3A_74 = tpu.memref_squeeze %dma_wait3A_73 : memref<1x640x16xf32, #tpu.memory_space<hbm>> -> memref<640x16xf32, #tpu.memory_space<hbm>>
        %dma_wait3A_75 = arith.constant 0 : i32
        %dma_wait3A_76 = arith.constant 0 : i32
        %dma_wait3A_77 = tpu.memref_slice %arg5[%dma_wait3A_75, %dma_wait3A_76] : memref<640x16xf32, #tpu.memory_space<vmem>> -> memref<640x16xf32, #tpu.memory_space<vmem>>
        %dma_wait3A_78 = arith.constant 0 : i32
        %dma_wait3A_79 = tpu.memref_slice %arg2[%run_scoped3A_51, %mul3A_49, %dma_wait3A_78] : memref<2x100000x16xf32, #tpu.memory_space<hbm>> -> memref<1x640x16xf32, #tpu.memory_space<hbm>>
        %dma_wait3A_80 = tpu.memref_squeeze %dma_wait3A_79 : memref<1x640x16xf32, #tpu.memory_space<hbm>> -> memref<640x16xf32, #tpu.memory_space<hbm>>
        tpu.wait_dma2 semaphore(%run_scoped3A_58 : memref<!tpu.dma_semaphore, #tpu.memory_space<semaphore_mem>>) src(%dma_wait3A_80 : memref<640x16xf32, #tpu.memory_space<hbm>>) dst(%dma_wait3A_77 : memref<640x16xf32, #tpu.memory_space<vmem>>)
        tpu.yield
      }) : () -> ()
      %scan3A_52 = arith.constant 0 : i32
      %scan3A_53 = arith.constant 40 : i32
      %scan3A_54 = arith.addi %scan3A_52, %scan3A_53 : i32
      %scan3A_55 = arith.constant 1 : i32
      %scan3A_56 = scf.for %scan3A_58 = %scan3A_52 to %scan3A_54 step %scan3A_55 iter_args(%scan3A_59 = %iota3A) -> (vector<16xi32>)  : i32 {
        %gather3A = tpu.vector_load_idx %arg4[%scan3A_59, %broadcast_in_dim3A_21] : memref<640x16xf32, #tpu.memory_space<vmem>>[vector<16xi32>, vector<16xi32>], vector<16xf32>,
        %gather3A_60 = tpu.vector_load_idx %arg5[%scan3A_59, %broadcast_in_dim3A_21] : memref<640x16xf32, #tpu.memory_space<vmem>>[vector<16xi32>, vector<16xi32>], vector<16xf32>,
        %add3A_61 = arith.addf %gather3A, %gather3A_60 : vector<16xf32>
        %max3A = arith.constant 9.99999996E-13 : f32
        %max3A_62 = vector.broadcast %max3A : f32 to vector<16xf32>
        %max3A_63 = arith.maximumf %add3A_61, %max3A_62 : vector<16xf32>
        %gather3A_64 = tpu.vector_load_idx %arg4[%scan3A_59, %broadcast_in_dim3A_1] : memref<640x16xf32, #tpu.memory_space<vmem>>[vector<16xi32>, vector<16xi32>], vector<16xf32>,
        %gather3A_65 = tpu.vector_load_idx %arg5[%scan3A_59, %broadcast_in_dim3A_1] : memref<640x16xf32, #tpu.memory_space<vmem>>[vector<16xi32>, vector<16xi32>], vector<16xf32>,
        %add3A_66 = arith.addf %gather3A_64, %gather3A_65 : vector<16xf32>
        %div3A = arith.divf %add3A_66, %max3A_63 : vector<16xf32>
        tpu.vector_store_idx %arg6[%scan3A_59, %broadcast_in_dim3A_1], %div3A : memref<640x16xf32, #tpu.memory_space<vmem>>[vector<16xi32>, vector<16xi32>], vector<16xf32>,
        %gather3A_67 = tpu.vector_load_idx %arg4[%scan3A_59, %broadcast_in_dim3A_3] : memref<640x16xf32, #tpu.memory_space<vmem>>[vector<16xi32>, vector<16xi32>], vector<16xf32>,
        %gather3A_68 = tpu.vector_load_idx %arg5[%scan3A_59, %broadcast_in_dim3A_3] : memref<640x16xf32, #tpu.memory_space<vmem>>[vector<16xi32>, vector<16xi32>], vector<16xf32>,
        %add3A_69 = arith.addf %gather3A_67, %gather3A_68 : vector<16xf32>
        %div3A_70 = arith.divf %add3A_69, %max3A_63 : vector<16xf32>
        tpu.vector_store_idx %arg6[%scan3A_59, %broadcast_in_dim3A_3], %div3A_70 : memref<640x16xf32, #tpu.memory_space<vmem>>[vector<16xi32>, vector<16xi32>], vector<16xf32>,
        %gather3A_71 = tpu.vector_load_idx %arg4[%scan3A_59, %broadcast_in_dim3A_5] : memref<640x16xf32, #tpu.memory_space<vmem>>[vector<16xi32>, vector<16xi32>], vector<16xf32>,
        %gather3A_72 = tpu.vector_load_idx %arg5[%scan3A_59, %broadcast_in_dim3A_5] : memref<640x16xf32, #tpu.memory_space<vmem>>[vector<16xi32>, vector<16xi32>], vector<16xf32>,
        %add3A_73 = arith.addf %gather3A_71, %gather3A_72 : vector<16xf32>
        %div3A_74 = arith.divf %add3A_73, %max3A_63 : vector<16xf32>
        tpu.vector_store_idx %arg6[%scan3A_59, %broadcast_in_dim3A_5], %div3A_74 : memref<640x16xf32, #tpu.memory_space<vmem>>[vector<16xi32>, vector<16xi32>], vector<16xf32>,
        %gather3A_75 = tpu.vector_load_idx %arg4[%scan3A_59, %broadcast_in_dim3A_7] : memref<640x16xf32, #tpu.memory_space<vmem>>[vector<16xi32>, vector<16xi32>], vector<16xf32>,
        %gather3A_76 = tpu.vector_load_idx %arg5[%scan3A_59, %broadcast_in_dim3A_7] : memref<640x16xf32, #tpu.memory_space<vmem>>[vector<16xi32>, vector<16xi32>], vector<16xf32>,
        %add3A_77 = arith.addf %gather3A_75, %gather3A_76 : vector<16xf32>
        %div3A_78 = arith.divf %add3A_77, %max3A_63 : vector<16xf32>
        tpu.vector_store_idx %arg6[%scan3A_59, %broadcast_in_dim3A_7], %div3A_78 : memref<640x16xf32, #tpu.memory_space<vmem>>[vector<16xi32>, vector<16xi32>], vector<16xf32>,
        %gather3A_79 = tpu.vector_load_idx %arg4[%scan3A_59, %broadcast_in_dim3A_9] : memref<640x16xf32, #tpu.memory_space<vmem>>[vector<16xi32>, vector<16xi32>], vector<16xf32>,
        %gather3A_80 = tpu.vector_load_idx %arg5[%scan3A_59, %broadcast_in_dim3A_9] : memref<640x16xf32, #tpu.memory_space<vmem>>[vector<16xi32>, vector<16xi32>], vector<16xf32>,
        %add3A_81 = arith.addf %gather3A_79, %gather3A_80 : vector<16xf32>
        %div3A_82 = arith.divf %add3A_81, %max3A_63 : vector<16xf32>
        tpu.vector_store_idx %arg6[%scan3A_59, %broadcast_in_dim3A_9], %div3A_82 : memref<640x16xf32, #tpu.memory_space<vmem>>[vector<16xi32>, vector<16xi32>], vector<16xf32>,
        %gather3A_83 = tpu.vector_load_idx %arg4[%scan3A_59, %broadcast_in_dim3A_11] : memref<640x16xf32, #tpu.memory_space<vmem>>[vector<16xi32>, vector<16xi32>], vector<16xf32>,
        %gather3A_84 = tpu.vector_load_idx %arg5[%scan3A_59, %broadcast_in_dim3A_11] : memref<640x16xf32, #tpu.memory_space<vmem>>[vector<16xi32>, vector<16xi32>], vector<16xf32>,
        %add3A_85 = arith.addf %gather3A_83, %gather3A_84 : vector<16xf32>
        %div3A_86 = arith.divf %add3A_85, %max3A_63 : vector<16xf32>
        tpu.vector_store_idx %arg6[%scan3A_59, %broadcast_in_dim3A_11], %div3A_86 : memref<640x16xf32, #tpu.memory_space<vmem>>[vector<16xi32>, vector<16xi32>], vector<16xf32>,
        %gather3A_87 = tpu.vector_load_idx %arg4[%scan3A_59, %broadcast_in_dim3A_13] : memref<640x16xf32, #tpu.memory_space<vmem>>[vector<16xi32>, vector<16xi32>], vector<16xf32>,
        %gather3A_88 = tpu.vector_load_idx %arg5[%scan3A_59, %broadcast_in_dim3A_13] : memref<640x16xf32, #tpu.memory_space<vmem>>[vector<16xi32>, vector<16xi32>], vector<16xf32>,
        %add3A_89 = arith.addf %gather3A_87, %gather3A_88 : vector<16xf32>
        %div3A_90 = arith.divf %add3A_89, %max3A_63 : vector<16xf32>
        tpu.vector_store_idx %arg6[%scan3A_59, %broadcast_in_dim3A_13], %div3A_90 : memref<640x16xf32, #tpu.memory_space<vmem>>[vector<16xi32>, vector<16xi32>], vector<16xf32>,
        %gather3A_91 = tpu.vector_load_idx %arg4[%scan3A_59, %broadcast_in_dim3A_15] : memref<640x16xf32, #tpu.memory_space<vmem>>[vector<16xi32>, vector<16xi32>], vector<16xf32>,
        %gather3A_92 = tpu.vector_load_idx %arg5[%scan3A_59, %broadcast_in_dim3A_15] : memref<640x16xf32, #tpu.memory_space<vmem>>[vector<16xi32>, vector<16xi32>], vector<16xf32>,
        %add3A_93 = arith.addf %gather3A_91, %gather3A_92 : vector<16xf32>
        %div3A_94 = arith.divf %add3A_93, %max3A_63 : vector<16xf32>
        tpu.vector_store_idx %arg6[%scan3A_59, %broadcast_in_dim3A_15], %div3A_94 : memref<640x16xf32, #tpu.memory_space<vmem>>[vector<16xi32>, vector<16xi32>], vector<16xf32>,
        %gather3A_95 = tpu.vector_load_idx %arg4[%scan3A_59, %broadcast_in_dim3A_17] : memref<640x16xf32, #tpu.memory_space<vmem>>[vector<16xi32>, vector<16xi32>], vector<16xf32>,
        %gather3A_96 = tpu.vector_load_idx %arg5[%scan3A_59, %broadcast_in_dim3A_17] : memref<640x16xf32, #tpu.memory_space<vmem>>[vector<16xi32>, vector<16xi32>], vector<16xf32>,
        %add3A_97 = arith.addf %gather3A_95, %gather3A_96 : vector<16xf32>
        %div3A_98 = arith.divf %add3A_97, %max3A_63 : vector<16xf32>
        tpu.vector_store_idx %arg6[%scan3A_59, %broadcast_in_dim3A_17], %div3A_98 : memref<640x16xf32, #tpu.memory_space<vmem>>[vector<16xi32>, vector<16xi32>], vector<16xf32>,
        %gather3A_99 = tpu.vector_load_idx %arg4[%scan3A_59, %broadcast_in_dim3A_19] : memref<640x16xf32, #tpu.memory_space<vmem>>[vector<16xi32>, vector<16xi32>], vector<16xf32>,
        %gather3A_100 = tpu.vector_load_idx %arg5[%scan3A_59, %broadcast_in_dim3A_19] : memref<640x16xf32, #tpu.memory_space<vmem>>[vector<16xi32>, vector<16xi32>], vector<16xf32>,
        %add3A_101 = arith.addf %gather3A_99, %gather3A_100 : vector<16xf32>
        %div3A_102 = arith.divf %add3A_101, %max3A_63 : vector<16xf32>
        tpu.vector_store_idx %arg6[%scan3A_59, %broadcast_in_dim3A_19], %div3A_102 : memref<640x16xf32, #tpu.memory_space<vmem>>[vector<16xi32>, vector<16xi32>], vector<16xf32>,
        %add3A_103 = arith.constant 16 : i32
        %add3A_104 = vector.broadcast %add3A_103 : i32 to vector<16xi32>
        %add3A_105 = arith.addi %scan3A_59, %add3A_104 : vector<16xi32>
        scf.yield %add3A_105 : vector<16xi32>
      }
      %scan3A_57 = arith.constant 40 : i32
      "tpu.region"() ({
        %run_scoped3A_58 = tpu.sem_alloc : memref<!tpu.dma_semaphore, #tpu.memory_space<semaphore_mem>>
        %dma_start3A = arith.constant 0 : i32
        %dma_start3A_59 = arith.constant 0 : i32
        %dma_start3A_60 = tpu.memref_slice %arg6[%dma_start3A, %dma_start3A_59] : memref<640x16xf32, #tpu.memory_space<vmem>> -> memref<640x16xf32, #tpu.memory_space<vmem>>
        %dma_start3A_61 = arith.constant 0 : i32
        %dma_start3A_62 = tpu.memref_slice %arg3[%mul3A_49, %dma_start3A_61] : memref<100000x16xf32, #tpu.memory_space<hbm>> -> memref<640x16xf32, #tpu.memory_space<hbm>>
        %dma_start3A_63 = arith.constant 0 : i32
        %dma_start3A_64 = tpu.memref_slice %arg3[%mul3A_49, %dma_start3A_63] : memref<100000x16xf32, #tpu.memory_space<hbm>> -> memref<640x16xf32, #tpu.memory_space<hbm>>
        %dma_start3A_65 = arith.constant 0 : i32
        %dma_start3A_66 = arith.constant 0 : i32
        %dma_start3A_67 = tpu.memref_slice %arg6[%dma_start3A_65, %dma_start3A_66] : memref<640x16xf32, #tpu.memory_space<vmem>> -> memref<640x16xf32, #tpu.memory_space<vmem>>
        tpu.enqueue_dma source(%dma_start3A_67 : memref<640x16xf32, #tpu.memory_space<vmem>>) target(%dma_start3A_64 : memref<640x16xf32, #tpu.memory_space<hbm>>) target_semaphore(%run_scoped3A_58 : memref<!tpu.dma_semaphore, #tpu.memory_space<semaphore_mem>>)
        %dma_wait3A = arith.constant 0 : i32
        %dma_wait3A_68 = arith.constant 0 : i32
        %dma_wait3A_69 = tpu.memref_slice %arg6[%dma_wait3A, %dma_wait3A_68] : memref<640x16xf32, #tpu.memory_space<vmem>> -> memref<640x16xf32, #tpu.memory_space<vmem>>
        %dma_wait3A_70 = arith.constant 0 : i32
        %dma_wait3A_71 = tpu.memref_slice %arg3[%mul3A_49, %dma_wait3A_70] : memref<100000x16xf32, #tpu.memory_space<hbm>> -> memref<640x16xf32, #tpu.memory_space<hbm>>
        %dma_wait3A_72 = arith.constant 0 : i32
        %dma_wait3A_73 = tpu.memref_slice %arg3[%mul3A_49, %dma_wait3A_72] : memref<100000x16xf32, #tpu.memory_space<hbm>> -> memref<640x16xf32, #tpu.memory_space<hbm>>
        %dma_wait3A_74 = arith.constant 0 : i32
        %dma_wait3A_75 = arith.constant 0 : i32
        %dma_wait3A_76 = tpu.memref_slice %arg6[%dma_wait3A_74, %dma_wait3A_75] : memref<640x16xf32, #tpu.memory_space<vmem>> -> memref<640x16xf32, #tpu.memory_space<vmem>>
        tpu.wait_dma2 semaphore(%run_scoped3A_58 : memref<!tpu.dma_semaphore, #tpu.memory_space<semaphore_mem>>) src(%dma_wait3A_76 : memref<640x16xf32, #tpu.memory_space<vmem>>) dst(%dma_wait3A_73 : memref<640x16xf32, #tpu.memory_space<hbm>>)
        tpu.yield
      }) : () -> ()
    }
    %scan3A_30 = arith.constant 4 : i32
    %add3A_31 = arith.constant 160 : i32
    %add3A_32 = arith.addi %add3A_25, %add3A_31 : i32
    %mul3A_33 = arith.constant 16 : i32
    %mul3A_34 = arith.muli %add3A_32, %mul3A_33 : i32
    %run_scoped3A = arith.constant 0 : i32
    "tpu.region"() ({
      %run_scoped3A_44 = tpu.sem_alloc : memref<!tpu.dma_semaphore, #tpu.memory_space<semaphore_mem>>
      %dma_start3A = arith.constant 0 : i32
      %dma_start3A_45 = arith.constant 0 : i32
      %dma_start3A_46 = tpu.memref_slice %arg4[%dma_start3A, %dma_start3A_45] : memref<640x16xf32, #tpu.memory_space<vmem>> -> memref<560x16xf32, #tpu.memory_space<vmem>>
      %dma_start3A_47 = arith.constant 0 : i32
      %dma_start3A_48 = tpu.memref_slice %arg2[%run_scoped3A, %mul3A_34, %dma_start3A_47] : memref<2x100000x16xf32, #tpu.memory_space<hbm>> -> memref<1x560x16xf32, #tpu.memory_space<hbm>>
      %dma_start3A_49 = tpu.memref_squeeze %dma_start3A_48 : memref<1x560x16xf32, #tpu.memory_space<hbm>> -> memref<560x16xf32, #tpu.memory_space<hbm>>
      %dma_start3A_50 = arith.constant 0 : i32
      %dma_start3A_51 = arith.constant 0 : i32
      %dma_start3A_52 = tpu.memref_slice %arg4[%dma_start3A_50, %dma_start3A_51] : memref<640x16xf32, #tpu.memory_space<vmem>> -> memref<560x16xf32, #tpu.memory_space<vmem>>
      %dma_start3A_53 = arith.constant 0 : i32
      %dma_start3A_54 = tpu.memref_slice %arg2[%run_scoped3A, %mul3A_34, %dma_start3A_53] : memref<2x100000x16xf32, #tpu.memory_space<hbm>> -> memref<1x560x16xf32, #tpu.memory_space<hbm>>
      %dma_start3A_55 = tpu.memref_squeeze %dma_start3A_54 : memref<1x560x16xf32, #tpu.memory_space<hbm>> -> memref<560x16xf32, #tpu.memory_space<hbm>>
      tpu.enqueue_dma source(%dma_start3A_55 : memref<560x16xf32, #tpu.memory_space<hbm>>) target(%dma_start3A_52 : memref<560x16xf32, #tpu.memory_space<vmem>>) target_semaphore(%run_scoped3A_44 : memref<!tpu.dma_semaphore, #tpu.memory_space<semaphore_mem>>)
      %dma_wait3A = arith.constant 0 : i32
      %dma_wait3A_56 = arith.constant 0 : i32
      %dma_wait3A_57 = tpu.memref_slice %arg4[%dma_wait3A, %dma_wait3A_56] : memref<640x16xf32, #tpu.memory_space<vmem>> -> memref<560x16xf32, #tpu.memory_space<vmem>>
      %dma_wait3A_58 = arith.constant 0 : i32
      %dma_wait3A_59 = tpu.memref_slice %arg2[%run_scoped3A, %mul3A_34, %dma_wait3A_58] : memref<2x100000x16xf32, #tpu.memory_space<hbm>> -> memref<1x560x16xf32, #tpu.memory_space<hbm>>
      %dma_wait3A_60 = tpu.memref_squeeze %dma_wait3A_59 : memref<1x560x16xf32, #tpu.memory_space<hbm>> -> memref<560x16xf32, #tpu.memory_space<hbm>>
      %dma_wait3A_61 = arith.constant 0 : i32
      %dma_wait3A_62 = arith.constant 0 : i32
      %dma_wait3A_63 = tpu.memref_slice %arg4[%dma_wait3A_61, %dma_wait3A_62] : memref<640x16xf32, #tpu.memory_space<vmem>> -> memref<560x16xf32, #tpu.memory_space<vmem>>
      %dma_wait3A_64 = arith.constant 0 : i32
      %dma_wait3A_65 = tpu.memref_slice %arg2[%run_scoped3A, %mul3A_34, %dma_wait3A_64] : memref<2x100000x16xf32, #tpu.memory_space<hbm>> -> memref<1x560x16xf32, #tpu.memory_space<hbm>>
      %dma_wait3A_66 = tpu.memref_squeeze %dma_wait3A_65 : memref<1x560x16xf32, #tpu.memory_space<hbm>> -> memref<560x16xf32, #tpu.memory_space<hbm>>
      tpu.wait_dma2 semaphore(%run_scoped3A_44 : memref<!tpu.dma_semaphore, #tpu.memory_space<semaphore_mem>>) src(%dma_wait3A_66 : memref<560x16xf32, #tpu.memory_space<hbm>>) dst(%dma_wait3A_63 : memref<560x16xf32, #tpu.memory_space<vmem>>)
      tpu.yield
    }) : () -> ()
    %run_scoped3A_35 = arith.constant 1 : i32
    "tpu.region"() ({
      %run_scoped3A_44 = tpu.sem_alloc : memref<!tpu.dma_semaphore, #tpu.memory_space<semaphore_mem>>
      %dma_start3A = arith.constant 0 : i32
      %dma_start3A_45 = arith.constant 0 : i32
      %dma_start3A_46 = tpu.memref_slice %arg5[%dma_start3A, %dma_start3A_45] : memref<640x16xf32, #tpu.memory_space<vmem>> -> memref<560x16xf32, #tpu.memory_space<vmem>>
      %dma_start3A_47 = arith.constant 0 : i32
      %dma_start3A_48 = tpu.memref_slice %arg2[%run_scoped3A_35, %mul3A_34, %dma_start3A_47] : memref<2x100000x16xf32, #tpu.memory_space<hbm>> -> memref<1x560x16xf32, #tpu.memory_space<hbm>>
      %dma_start3A_49 = tpu.memref_squeeze %dma_start3A_48 : memref<1x560x16xf32, #tpu.memory_space<hbm>> -> memref<560x16xf32, #tpu.memory_space<hbm>>
      %dma_start3A_50 = arith.constant 0 : i32
      %dma_start3A_51 = arith.constant 0 : i32
      %dma_start3A_52 = tpu.memref_slice %arg5[%dma_start3A_50, %dma_start3A_51] : memref<640x16xf32, #tpu.memory_space<vmem>> -> memref<560x16xf32, #tpu.memory_space<vmem>>
      %dma_start3A_53 = arith.constant 0 : i32
      %dma_start3A_54 = tpu.memref_slice %arg2[%run_scoped3A_35, %mul3A_34, %dma_start3A_53] : memref<2x100000x16xf32, #tpu.memory_space<hbm>> -> memref<1x560x16xf32, #tpu.memory_space<hbm>>
      %dma_start3A_55 = tpu.memref_squeeze %dma_start3A_54 : memref<1x560x16xf32, #tpu.memory_space<hbm>> -> memref<560x16xf32, #tpu.memory_space<hbm>>
      tpu.enqueue_dma source(%dma_start3A_55 : memref<560x16xf32, #tpu.memory_space<hbm>>) target(%dma_start3A_52 : memref<560x16xf32, #tpu.memory_space<vmem>>) target_semaphore(%run_scoped3A_44 : memref<!tpu.dma_semaphore, #tpu.memory_space<semaphore_mem>>)
      %dma_wait3A = arith.constant 0 : i32
      %dma_wait3A_56 = arith.constant 0 : i32
      %dma_wait3A_57 = tpu.memref_slice %arg5[%dma_wait3A, %dma_wait3A_56] : memref<640x16xf32, #tpu.memory_space<vmem>> -> memref<560x16xf32, #tpu.memory_space<vmem>>
      %dma_wait3A_58 = arith.constant 0 : i32
      %dma_wait3A_59 = tpu.memref_slice %arg2[%run_scoped3A_35, %mul3A_34, %dma_wait3A_58] : memref<2x100000x16xf32, #tpu.memory_space<hbm>> -> memref<1x560x16xf32, #tpu.memory_space<hbm>>
      %dma_wait3A_60 = tpu.memref_squeeze %dma_wait3A_59 : memref<1x560x16xf32, #tpu.memory_space<hbm>> -> memref<560x16xf32, #tpu.memory_space<hbm>>
      %dma_wait3A_61 = arith.constant 0 : i32
      %dma_wait3A_62 = arith.constant 0 : i32
      %dma_wait3A_63 = tpu.memref_slice %arg5[%dma_wait3A_61, %dma_wait3A_62] : memref<640x16xf32, #tpu.memory_space<vmem>> -> memref<560x16xf32, #tpu.memory_space<vmem>>
      %dma_wait3A_64 = arith.constant 0 : i32
      %dma_wait3A_65 = tpu.memref_slice %arg2[%run_scoped3A_35, %mul3A_34, %dma_wait3A_64] : memref<2x100000x16xf32, #tpu.memory_space<hbm>> -> memref<1x560x16xf32, #tpu.memory_space<hbm>>
      %dma_wait3A_66 = tpu.memref_squeeze %dma_wait3A_65 : memref<1x560x16xf32, #tpu.memory_space<hbm>> -> memref<560x16xf32, #tpu.memory_space<hbm>>
      tpu.wait_dma2 semaphore(%run_scoped3A_44 : memref<!tpu.dma_semaphore, #tpu.memory_space<semaphore_mem>>) src(%dma_wait3A_66 : memref<560x16xf32, #tpu.memory_space<hbm>>) dst(%dma_wait3A_63 : memref<560x16xf32, #tpu.memory_space<vmem>>)
      tpu.yield
    }) : () -> ()
    %scan3A_36 = arith.constant 0 : i32
    %scan3A_37 = arith.constant 35 : i32
    %scan3A_38 = arith.addi %scan3A_36, %scan3A_37 : i32
    %scan3A_39 = arith.constant 1 : i32
    %scan3A_40 = scf.for %scan3A_44 = %scan3A_36 to %scan3A_38 step %scan3A_39 iter_args(%scan3A_45 = %iota3A) -> (vector<16xi32>)  : i32 {
      %gather3A = tpu.vector_load_idx %arg4[%scan3A_45, %broadcast_in_dim3A_21] : memref<640x16xf32, #tpu.memory_space<vmem>>[vector<16xi32>, vector<16xi32>], vector<16xf32>,
      %gather3A_46 = tpu.vector_load_idx %arg5[%scan3A_45, %broadcast_in_dim3A_21] : memref<640x16xf32, #tpu.memory_space<vmem>>[vector<16xi32>, vector<16xi32>], vector<16xf32>,
      %add3A_47 = arith.addf %gather3A, %gather3A_46 : vector<16xf32>
      %max3A = arith.constant 9.99999996E-13 : f32
      %max3A_48 = vector.broadcast %max3A : f32 to vector<16xf32>
      %max3A_49 = arith.maximumf %add3A_47, %max3A_48 : vector<16xf32>
      %gather3A_50 = tpu.vector_load_idx %arg4[%scan3A_45, %broadcast_in_dim3A_1] : memref<640x16xf32, #tpu.memory_space<vmem>>[vector<16xi32>, vector<16xi32>], vector<16xf32>,
      %gather3A_51 = tpu.vector_load_idx %arg5[%scan3A_45, %broadcast_in_dim3A_1] : memref<640x16xf32, #tpu.memory_space<vmem>>[vector<16xi32>, vector<16xi32>], vector<16xf32>,
      %add3A_52 = arith.addf %gather3A_50, %gather3A_51 : vector<16xf32>
      %div3A = arith.divf %add3A_52, %max3A_49 : vector<16xf32>
      tpu.vector_store_idx %arg6[%scan3A_45, %broadcast_in_dim3A_1], %div3A : memref<640x16xf32, #tpu.memory_space<vmem>>[vector<16xi32>, vector<16xi32>], vector<16xf32>,
      %gather3A_53 = tpu.vector_load_idx %arg4[%scan3A_45, %broadcast_in_dim3A_3] : memref<640x16xf32, #tpu.memory_space<vmem>>[vector<16xi32>, vector<16xi32>], vector<16xf32>,
      %gather3A_54 = tpu.vector_load_idx %arg5[%scan3A_45, %broadcast_in_dim3A_3] : memref<640x16xf32, #tpu.memory_space<vmem>>[vector<16xi32>, vector<16xi32>], vector<16xf32>,
      %add3A_55 = arith.addf %gather3A_53, %gather3A_54 : vector<16xf32>
      %div3A_56 = arith.divf %add3A_55, %max3A_49 : vector<16xf32>
      tpu.vector_store_idx %arg6[%scan3A_45, %broadcast_in_dim3A_3], %div3A_56 : memref<640x16xf32, #tpu.memory_space<vmem>>[vector<16xi32>, vector<16xi32>], vector<16xf32>,
      %gather3A_57 = tpu.vector_load_idx %arg4[%scan3A_45, %broadcast_in_dim3A_5] : memref<640x16xf32, #tpu.memory_space<vmem>>[vector<16xi32>, vector<16xi32>], vector<16xf32>,
      %gather3A_58 = tpu.vector_load_idx %arg5[%scan3A_45, %broadcast_in_dim3A_5] : memref<640x16xf32, #tpu.memory_space<vmem>>[vector<16xi32>, vector<16xi32>], vector<16xf32>,
      %add3A_59 = arith.addf %gather3A_57, %gather3A_58 : vector<16xf32>
      %div3A_60 = arith.divf %add3A_59, %max3A_49 : vector<16xf32>
      tpu.vector_store_idx %arg6[%scan3A_45, %broadcast_in_dim3A_5], %div3A_60 : memref<640x16xf32, #tpu.memory_space<vmem>>[vector<16xi32>, vector<16xi32>], vector<16xf32>,
      %gather3A_61 = tpu.vector_load_idx %arg4[%scan3A_45, %broadcast_in_dim3A_7] : memref<640x16xf32, #tpu.memory_space<vmem>>[vector<16xi32>, vector<16xi32>], vector<16xf32>,
      %gather3A_62 = tpu.vector_load_idx %arg5[%scan3A_45, %broadcast_in_dim3A_7] : memref<640x16xf32, #tpu.memory_space<vmem>>[vector<16xi32>, vector<16xi32>], vector<16xf32>,
      %add3A_63 = arith.addf %gather3A_61, %gather3A_62 : vector<16xf32>
      %div3A_64 = arith.divf %add3A_63, %max3A_49 : vector<16xf32>
      tpu.vector_store_idx %arg6[%scan3A_45, %broadcast_in_dim3A_7], %div3A_64 : memref<640x16xf32, #tpu.memory_space<vmem>>[vector<16xi32>, vector<16xi32>], vector<16xf32>,
      %gather3A_65 = tpu.vector_load_idx %arg4[%scan3A_45, %broadcast_in_dim3A_9] : memref<640x16xf32, #tpu.memory_space<vmem>>[vector<16xi32>, vector<16xi32>], vector<16xf32>,
      %gather3A_66 = tpu.vector_load_idx %arg5[%scan3A_45, %broadcast_in_dim3A_9] : memref<640x16xf32, #tpu.memory_space<vmem>>[vector<16xi32>, vector<16xi32>], vector<16xf32>,
      %add3A_67 = arith.addf %gather3A_65, %gather3A_66 : vector<16xf32>
      %div3A_68 = arith.divf %add3A_67, %max3A_49 : vector<16xf32>
      tpu.vector_store_idx %arg6[%scan3A_45, %broadcast_in_dim3A_9], %div3A_68 : memref<640x16xf32, #tpu.memory_space<vmem>>[vector<16xi32>, vector<16xi32>], vector<16xf32>,
      %gather3A_69 = tpu.vector_load_idx %arg4[%scan3A_45, %broadcast_in_dim3A_11] : memref<640x16xf32, #tpu.memory_space<vmem>>[vector<16xi32>, vector<16xi32>], vector<16xf32>,
      %gather3A_70 = tpu.vector_load_idx %arg5[%scan3A_45, %broadcast_in_dim3A_11] : memref<640x16xf32, #tpu.memory_space<vmem>>[vector<16xi32>, vector<16xi32>], vector<16xf32>,
      %add3A_71 = arith.addf %gather3A_69, %gather3A_70 : vector<16xf32>
      %div3A_72 = arith.divf %add3A_71, %max3A_49 : vector<16xf32>
      tpu.vector_store_idx %arg6[%scan3A_45, %broadcast_in_dim3A_11], %div3A_72 : memref<640x16xf32, #tpu.memory_space<vmem>>[vector<16xi32>, vector<16xi32>], vector<16xf32>,
      %gather3A_73 = tpu.vector_load_idx %arg4[%scan3A_45, %broadcast_in_dim3A_13] : memref<640x16xf32, #tpu.memory_space<vmem>>[vector<16xi32>, vector<16xi32>], vector<16xf32>,
      %gather3A_74 = tpu.vector_load_idx %arg5[%scan3A_45, %broadcast_in_dim3A_13] : memref<640x16xf32, #tpu.memory_space<vmem>>[vector<16xi32>, vector<16xi32>], vector<16xf32>,
      %add3A_75 = arith.addf %gather3A_73, %gather3A_74 : vector<16xf32>
      %div3A_76 = arith.divf %add3A_75, %max3A_49 : vector<16xf32>
      tpu.vector_store_idx %arg6[%scan3A_45, %broadcast_in_dim3A_13], %div3A_76 : memref<640x16xf32, #tpu.memory_space<vmem>>[vector<16xi32>, vector<16xi32>], vector<16xf32>,
      %gather3A_77 = tpu.vector_load_idx %arg4[%scan3A_45, %broadcast_in_dim3A_15] : memref<640x16xf32, #tpu.memory_space<vmem>>[vector<16xi32>, vector<16xi32>], vector<16xf32>,
      %gather3A_78 = tpu.vector_load_idx %arg5[%scan3A_45, %broadcast_in_dim3A_15] : memref<640x16xf32, #tpu.memory_space<vmem>>[vector<16xi32>, vector<16xi32>], vector<16xf32>,
      %add3A_79 = arith.addf %gather3A_77, %gather3A_78 : vector<16xf32>
      %div3A_80 = arith.divf %add3A_79, %max3A_49 : vector<16xf32>
      tpu.vector_store_idx %arg6[%scan3A_45, %broadcast_in_dim3A_15], %div3A_80 : memref<640x16xf32, #tpu.memory_space<vmem>>[vector<16xi32>, vector<16xi32>], vector<16xf32>,
      %gather3A_81 = tpu.vector_load_idx %arg4[%scan3A_45, %broadcast_in_dim3A_17] : memref<640x16xf32, #tpu.memory_space<vmem>>[vector<16xi32>, vector<16xi32>], vector<16xf32>,
      %gather3A_82 = tpu.vector_load_idx %arg5[%scan3A_45, %broadcast_in_dim3A_17] : memref<640x16xf32, #tpu.memory_space<vmem>>[vector<16xi32>, vector<16xi32>], vector<16xf32>,
      %add3A_83 = arith.addf %gather3A_81, %gather3A_82 : vector<16xf32>
      %div3A_84 = arith.divf %add3A_83, %max3A_49 : vector<16xf32>
      tpu.vector_store_idx %arg6[%scan3A_45, %broadcast_in_dim3A_17], %div3A_84 : memref<640x16xf32, #tpu.memory_space<vmem>>[vector<16xi32>, vector<16xi32>], vector<16xf32>,
      %gather3A_85 = tpu.vector_load_idx %arg4[%scan3A_45, %broadcast_in_dim3A_19] : memref<640x16xf32, #tpu.memory_space<vmem>>[vector<16xi32>, vector<16xi32>], vector<16xf32>,
      %gather3A_86 = tpu.vector_load_idx %arg5[%scan3A_45, %broadcast_in_dim3A_19] : memref<640x16xf32, #tpu.memory_space<vmem>>[vector<16xi32>, vector<16xi32>], vector<16xf32>,
      %add3A_87 = arith.addf %gather3A_85, %gather3A_86 : vector<16xf32>
      %div3A_88 = arith.divf %add3A_87, %max3A_49 : vector<16xf32>
      tpu.vector_store_idx %arg6[%scan3A_45, %broadcast_in_dim3A_19], %div3A_88 : memref<640x16xf32, #tpu.memory_space<vmem>>[vector<16xi32>, vector<16xi32>], vector<16xf32>,
      %add3A_89 = arith.constant 16 : i32
      %add3A_90 = vector.broadcast %add3A_89 : i32 to vector<16xi32>
      %add3A_91 = arith.addi %scan3A_45, %add3A_90 : vector<16xi32>
      scf.yield %add3A_91 : vector<16xi32>
    }
    %scan3A_41 = arith.constant 35 : i32
    "tpu.region"() ({
      %run_scoped3A_44 = tpu.sem_alloc : memref<!tpu.dma_semaphore, #tpu.memory_space<semaphore_mem>>
      %dma_start3A = arith.constant 0 : i32
      %dma_start3A_45 = arith.constant 0 : i32
      %dma_start3A_46 = tpu.memref_slice %arg6[%dma_start3A, %dma_start3A_45] : memref<640x16xf32, #tpu.memory_space<vmem>> -> memref<560x16xf32, #tpu.memory_space<vmem>>
      %dma_start3A_47 = arith.constant 0 : i32
      %dma_start3A_48 = tpu.memref_slice %arg3[%mul3A_34, %dma_start3A_47] : memref<100000x16xf32, #tpu.memory_space<hbm>> -> memref<560x16xf32, #tpu.memory_space<hbm>>
      %dma_start3A_49 = arith.constant 0 : i32
      %dma_start3A_50 = tpu.memref_slice %arg3[%mul3A_34, %dma_start3A_49] : memref<100000x16xf32, #tpu.memory_space<hbm>> -> memref<560x16xf32, #tpu.memory_space<hbm>>
      %dma_start3A_51 = arith.constant 0 : i32
      %dma_start3A_52 = arith.constant 0 : i32
      %dma_start3A_53 = tpu.memref_slice %arg6[%dma_start3A_51, %dma_start3A_52] : memref<640x16xf32, #tpu.memory_space<vmem>> -> memref<560x16xf32, #tpu.memory_space<vmem>>
      tpu.enqueue_dma source(%dma_start3A_53 : memref<560x16xf32, #tpu.memory_space<vmem>>) target(%dma_start3A_50 : memref<560x16xf32, #tpu.memory_space<hbm>>) target_semaphore(%run_scoped3A_44 : memref<!tpu.dma_semaphore, #tpu.memory_space<semaphore_mem>>)
      %dma_wait3A = arith.constant 0 : i32
      %dma_wait3A_54 = arith.constant 0 : i32
      %dma_wait3A_55 = tpu.memref_slice %arg6[%dma_wait3A, %dma_wait3A_54] : memref<640x16xf32, #tpu.memory_space<vmem>> -> memref<560x16xf32, #tpu.memory_space<vmem>>
      %dma_wait3A_56 = arith.constant 0 : i32
      %dma_wait3A_57 = tpu.memref_slice %arg3[%mul3A_34, %dma_wait3A_56] : memref<100000x16xf32, #tpu.memory_space<hbm>> -> memref<560x16xf32, #tpu.memory_space<hbm>>
      %dma_wait3A_58 = arith.constant 0 : i32
      %dma_wait3A_59 = tpu.memref_slice %arg3[%mul3A_34, %dma_wait3A_58] : memref<100000x16xf32, #tpu.memory_space<hbm>> -> memref<560x16xf32, #tpu.memory_space<hbm>>
      %dma_wait3A_60 = arith.constant 0 : i32
      %dma_wait3A_61 = arith.constant 0 : i32
      %dma_wait3A_62 = tpu.memref_slice %arg6[%dma_wait3A_60, %dma_wait3A_61] : memref<640x16xf32, #tpu.memory_space<vmem>> -> memref<560x16xf32, #tpu.memory_space<vmem>>
      tpu.wait_dma2 semaphore(%run_scoped3A_44 : memref<!tpu.dma_semaphore, #tpu.memory_space<semaphore_mem>>) src(%dma_wait3A_62 : memref<560x16xf32, #tpu.memory_space<vmem>>) dst(%dma_wait3A_59 : memref<560x16xf32, #tpu.memory_space<hbm>>)
      tpu.yield
    }) : () -> ()
    %lt3A = arith.constant 10 : i32
    %lt3A_42 = arith.cmpi slt, %add3A, %lt3A : i32
    %convert_element_type3A = arith.extui %lt3A_42 : i1 to i32
    %cond3A = arith.constant 0 : i32
    %cond3A_43 = arith.cmpi ne, %convert_element_type3A, %cond3A : i32
    scf.if %cond3A_43 {
      %add3A_44 = arith.constant 195 : i32
      %add3A_45 = arith.addi %add3A_25, %add3A_44 : i32
      %mul3A_46 = arith.constant 16 : i32
      %mul3A_47 = arith.muli %add3A_45, %mul3A_46 : i32
      %run_scoped3A_48 = arith.constant 0 : i32
      "tpu.region"() ({
        %run_scoped3A_98 = tpu.sem_alloc : memref<!tpu.dma_semaphore, #tpu.memory_space<semaphore_mem>>
        %dma_start3A = arith.constant 0 : i32
        %dma_start3A_99 = arith.constant 0 : i32
        %dma_start3A_100 = tpu.memref_slice %arg4[%dma_start3A, %dma_start3A_99] : memref<640x16xf32, #tpu.memory_space<vmem>> -> memref<16x16xf32, #tpu.memory_space<vmem>>
        %dma_start3A_101 = arith.constant 0 : i32
        %dma_start3A_102 = tpu.memref_slice %arg2[%run_scoped3A_48, %mul3A_47, %dma_start3A_101] : memref<2x100000x16xf32, #tpu.memory_space<hbm>> -> memref<1x16x16xf32, #tpu.memory_space<hbm>>
        %dma_start3A_103 = tpu.memref_squeeze %dma_start3A_102 : memref<1x16x16xf32, #tpu.memory_space<hbm>> -> memref<16x16xf32, #tpu.memory_space<hbm>>
        %dma_start3A_104 = arith.constant 0 : i32
        %dma_start3A_105 = arith.constant 0 : i32
        %dma_start3A_106 = tpu.memref_slice %arg4[%dma_start3A_104, %dma_start3A_105] : memref<640x16xf32, #tpu.memory_space<vmem>> -> memref<16x16xf32, #tpu.memory_space<vmem>>
        %dma_start3A_107 = arith.constant 0 : i32
        %dma_start3A_108 = tpu.memref_slice %arg2[%run_scoped3A_48, %mul3A_47, %dma_start3A_107] : memref<2x100000x16xf32, #tpu.memory_space<hbm>> -> memref<1x16x16xf32, #tpu.memory_space<hbm>>
        %dma_start3A_109 = tpu.memref_squeeze %dma_start3A_108 : memref<1x16x16xf32, #tpu.memory_space<hbm>> -> memref<16x16xf32, #tpu.memory_space<hbm>>
        tpu.enqueue_dma source(%dma_start3A_109 : memref<16x16xf32, #tpu.memory_space<hbm>>) target(%dma_start3A_106 : memref<16x16xf32, #tpu.memory_space<vmem>>) target_semaphore(%run_scoped3A_98 : memref<!tpu.dma_semaphore, #tpu.memory_space<semaphore_mem>>)
        %dma_wait3A = arith.constant 0 : i32
        %dma_wait3A_110 = arith.constant 0 : i32
        %dma_wait3A_111 = tpu.memref_slice %arg4[%dma_wait3A, %dma_wait3A_110] : memref<640x16xf32, #tpu.memory_space<vmem>> -> memref<16x16xf32, #tpu.memory_space<vmem>>
        %dma_wait3A_112 = arith.constant 0 : i32
        %dma_wait3A_113 = tpu.memref_slice %arg2[%run_scoped3A_48, %mul3A_47, %dma_wait3A_112] : memref<2x100000x16xf32, #tpu.memory_space<hbm>> -> memref<1x16x16xf32, #tpu.memory_space<hbm>>
        %dma_wait3A_114 = tpu.memref_squeeze %dma_wait3A_113 : memref<1x16x16xf32, #tpu.memory_space<hbm>> -> memref<16x16xf32, #tpu.memory_space<hbm>>
        %dma_wait3A_115 = arith.constant 0 : i32
        %dma_wait3A_116 = arith.constant 0 : i32
        %dma_wait3A_117 = tpu.memref_slice %arg4[%dma_wait3A_115, %dma_wait3A_116] : memref<640x16xf32, #tpu.memory_space<vmem>> -> memref<16x16xf32, #tpu.memory_space<vmem>>
        %dma_wait3A_118 = arith.constant 0 : i32
        %dma_wait3A_119 = tpu.memref_slice %arg2[%run_scoped3A_48, %mul3A_47, %dma_wait3A_118] : memref<2x100000x16xf32, #tpu.memory_space<hbm>> -> memref<1x16x16xf32, #tpu.memory_space<hbm>>
        %dma_wait3A_120 = tpu.memref_squeeze %dma_wait3A_119 : memref<1x16x16xf32, #tpu.memory_space<hbm>> -> memref<16x16xf32, #tpu.memory_space<hbm>>
        tpu.wait_dma2 semaphore(%run_scoped3A_98 : memref<!tpu.dma_semaphore, #tpu.memory_space<semaphore_mem>>) src(%dma_wait3A_120 : memref<16x16xf32, #tpu.memory_space<hbm>>) dst(%dma_wait3A_117 : memref<16x16xf32, #tpu.memory_space<vmem>>)
        tpu.yield
      }) : () -> ()
      %run_scoped3A_49 = arith.constant 1 : i32
      "tpu.region"() ({
        %run_scoped3A_98 = tpu.sem_alloc : memref<!tpu.dma_semaphore, #tpu.memory_space<semaphore_mem>>
        %dma_start3A = arith.constant 0 : i32
        %dma_start3A_99 = arith.constant 0 : i32
        %dma_start3A_100 = tpu.memref_slice %arg5[%dma_start3A, %dma_start3A_99] : memref<640x16xf32, #tpu.memory_space<vmem>> -> memref<16x16xf32, #tpu.memory_space<vmem>>
        %dma_start3A_101 = arith.constant 0 : i32
        %dma_start3A_102 = tpu.memref_slice %arg2[%run_scoped3A_49, %mul3A_47, %dma_start3A_101] : memref<2x100000x16xf32, #tpu.memory_space<hbm>> -> memref<1x16x16xf32, #tpu.memory_space<hbm>>
        %dma_start3A_103 = tpu.memref_squeeze %dma_start3A_102 : memref<1x16x16xf32, #tpu.memory_space<hbm>> -> memref<16x16xf32, #tpu.memory_space<hbm>>
        %dma_start3A_104 = arith.constant 0 : i32
        %dma_start3A_105 = arith.constant 0 : i32
        %dma_start3A_106 = tpu.memref_slice %arg5[%dma_start3A_104, %dma_start3A_105] : memref<640x16xf32, #tpu.memory_space<vmem>> -> memref<16x16xf32, #tpu.memory_space<vmem>>
        %dma_start3A_107 = arith.constant 0 : i32
        %dma_start3A_108 = tpu.memref_slice %arg2[%run_scoped3A_49, %mul3A_47, %dma_start3A_107] : memref<2x100000x16xf32, #tpu.memory_space<hbm>> -> memref<1x16x16xf32, #tpu.memory_space<hbm>>
        %dma_start3A_109 = tpu.memref_squeeze %dma_start3A_108 : memref<1x16x16xf32, #tpu.memory_space<hbm>> -> memref<16x16xf32, #tpu.memory_space<hbm>>
        tpu.enqueue_dma source(%dma_start3A_109 : memref<16x16xf32, #tpu.memory_space<hbm>>) target(%dma_start3A_106 : memref<16x16xf32, #tpu.memory_space<vmem>>) target_semaphore(%run_scoped3A_98 : memref<!tpu.dma_semaphore, #tpu.memory_space<semaphore_mem>>)
        %dma_wait3A = arith.constant 0 : i32
        %dma_wait3A_110 = arith.constant 0 : i32
        %dma_wait3A_111 = tpu.memref_slice %arg5[%dma_wait3A, %dma_wait3A_110] : memref<640x16xf32, #tpu.memory_space<vmem>> -> memref<16x16xf32, #tpu.memory_space<vmem>>
        %dma_wait3A_112 = arith.constant 0 : i32
        %dma_wait3A_113 = tpu.memref_slice %arg2[%run_scoped3A_49, %mul3A_47, %dma_wait3A_112] : memref<2x100000x16xf32, #tpu.memory_space<hbm>> -> memref<1x16x16xf32, #tpu.memory_space<hbm>>
        %dma_wait3A_114 = tpu.memref_squeeze %dma_wait3A_113 : memref<1x16x16xf32, #tpu.memory_space<hbm>> -> memref<16x16xf32, #tpu.memory_space<hbm>>
        %dma_wait3A_115 = arith.constant 0 : i32
        %dma_wait3A_116 = arith.constant 0 : i32
        %dma_wait3A_117 = tpu.memref_slice %arg5[%dma_wait3A_115, %dma_wait3A_116] : memref<640x16xf32, #tpu.memory_space<vmem>> -> memref<16x16xf32, #tpu.memory_space<vmem>>
        %dma_wait3A_118 = arith.constant 0 : i32
        %dma_wait3A_119 = tpu.memref_slice %arg2[%run_scoped3A_49, %mul3A_47, %dma_wait3A_118] : memref<2x100000x16xf32, #tpu.memory_space<hbm>> -> memref<1x16x16xf32, #tpu.memory_space<hbm>>
        %dma_wait3A_120 = tpu.memref_squeeze %dma_wait3A_119 : memref<1x16x16xf32, #tpu.memory_space<hbm>> -> memref<16x16xf32, #tpu.memory_space<hbm>>
        tpu.wait_dma2 semaphore(%run_scoped3A_98 : memref<!tpu.dma_semaphore, #tpu.memory_space<semaphore_mem>>) src(%dma_wait3A_120 : memref<16x16xf32, #tpu.memory_space<hbm>>) dst(%dma_wait3A_117 : memref<16x16xf32, #tpu.memory_space<vmem>>)
        tpu.yield
      }) : () -> ()
      %scan3A_50 = arith.constant 0 : i32
      %gather3A = tpu.vector_load_idx %arg4[%iota3A, %broadcast_in_dim3A_21] : memref<640x16xf32, #tpu.memory_space<vmem>>[vector<16xi32>, vector<16xi32>], vector<16xf32>,
      %gather3A_51 = tpu.vector_load_idx %arg5[%iota3A, %broadcast_in_dim3A_21] : memref<640x16xf32, #tpu.memory_space<vmem>>[vector<16xi32>, vector<16xi32>], vector<16xf32>,
      %add3A_52 = arith.addf %gather3A, %gather3A_51 : vector<16xf32>
      %max3A = arith.constant 9.99999996E-13 : f32
      %max3A_53 = vector.broadcast %max3A : f32 to vector<16xf32>
      %max3A_54 = arith.maximumf %add3A_52, %max3A_53 : vector<16xf32>
      %gather3A_55 = tpu.vector_load_idx %arg4[%iota3A, %broadcast_in_dim3A_1] : memref<640x16xf32, #tpu.memory_space<vmem>>[vector<16xi32>, vector<16xi32>], vector<16xf32>,
      %gather3A_56 = tpu.vector_load_idx %arg5[%iota3A, %broadcast_in_dim3A_1] : memref<640x16xf32, #tpu.memory_space<vmem>>[vector<16xi32>, vector<16xi32>], vector<16xf32>,
      %add3A_57 = arith.addf %gather3A_55, %gather3A_56 : vector<16xf32>
      %div3A = arith.divf %add3A_57, %max3A_54 : vector<16xf32>
      tpu.vector_store_idx %arg6[%iota3A, %broadcast_in_dim3A_1], %div3A : memref<640x16xf32, #tpu.memory_space<vmem>>[vector<16xi32>, vector<16xi32>], vector<16xf32>,
      %gather3A_58 = tpu.vector_load_idx %arg4[%iota3A, %broadcast_in_dim3A_3] : memref<640x16xf32, #tpu.memory_space<vmem>>[vector<16xi32>, vector<16xi32>], vector<16xf32>,
      %gather3A_59 = tpu.vector_load_idx %arg5[%iota3A, %broadcast_in_dim3A_3] : memref<640x16xf32, #tpu.memory_space<vmem>>[vector<16xi32>, vector<16xi32>], vector<16xf32>,
      %add3A_60 = arith.addf %gather3A_58, %gather3A_59 : vector<16xf32>
      %div3A_61 = arith.divf %add3A_60, %max3A_54 : vector<16xf32>
      tpu.vector_store_idx %arg6[%iota3A, %broadcast_in_dim3A_3], %div3A_61 : memref<640x16xf32, #tpu.memory_space<vmem>>[vector<16xi32>, vector<16xi32>], vector<16xf32>,
      %gather3A_62 = tpu.vector_load_idx %arg4[%iota3A, %broadcast_in_dim3A_5] : memref<640x16xf32, #tpu.memory_space<vmem>>[vector<16xi32>, vector<16xi32>], vector<16xf32>,
      %gather3A_63 = tpu.vector_load_idx %arg5[%iota3A, %broadcast_in_dim3A_5] : memref<640x16xf32, #tpu.memory_space<vmem>>[vector<16xi32>, vector<16xi32>], vector<16xf32>,
      %add3A_64 = arith.addf %gather3A_62, %gather3A_63 : vector<16xf32>
      %div3A_65 = arith.divf %add3A_64, %max3A_54 : vector<16xf32>
      tpu.vector_store_idx %arg6[%iota3A, %broadcast_in_dim3A_5], %div3A_65 : memref<640x16xf32, #tpu.memory_space<vmem>>[vector<16xi32>, vector<16xi32>], vector<16xf32>,
      %gather3A_66 = tpu.vector_load_idx %arg4[%iota3A, %broadcast_in_dim3A_7] : memref<640x16xf32, #tpu.memory_space<vmem>>[vector<16xi32>, vector<16xi32>], vector<16xf32>,
      %gather3A_67 = tpu.vector_load_idx %arg5[%iota3A, %broadcast_in_dim3A_7] : memref<640x16xf32, #tpu.memory_space<vmem>>[vector<16xi32>, vector<16xi32>], vector<16xf32>,
      %add3A_68 = arith.addf %gather3A_66, %gather3A_67 : vector<16xf32>
      %div3A_69 = arith.divf %add3A_68, %max3A_54 : vector<16xf32>
      tpu.vector_store_idx %arg6[%iota3A, %broadcast_in_dim3A_7], %div3A_69 : memref<640x16xf32, #tpu.memory_space<vmem>>[vector<16xi32>, vector<16xi32>], vector<16xf32>,
      %gather3A_70 = tpu.vector_load_idx %arg4[%iota3A, %broadcast_in_dim3A_9] : memref<640x16xf32, #tpu.memory_space<vmem>>[vector<16xi32>, vector<16xi32>], vector<16xf32>,
      %gather3A_71 = tpu.vector_load_idx %arg5[%iota3A, %broadcast_in_dim3A_9] : memref<640x16xf32, #tpu.memory_space<vmem>>[vector<16xi32>, vector<16xi32>], vector<16xf32>,
      %add3A_72 = arith.addf %gather3A_70, %gather3A_71 : vector<16xf32>
      %div3A_73 = arith.divf %add3A_72, %max3A_54 : vector<16xf32>
      tpu.vector_store_idx %arg6[%iota3A, %broadcast_in_dim3A_9], %div3A_73 : memref<640x16xf32, #tpu.memory_space<vmem>>[vector<16xi32>, vector<16xi32>], vector<16xf32>,
      %gather3A_74 = tpu.vector_load_idx %arg4[%iota3A, %broadcast_in_dim3A_11] : memref<640x16xf32, #tpu.memory_space<vmem>>[vector<16xi32>, vector<16xi32>], vector<16xf32>,
      %gather3A_75 = tpu.vector_load_idx %arg5[%iota3A, %broadcast_in_dim3A_11] : memref<640x16xf32, #tpu.memory_space<vmem>>[vector<16xi32>, vector<16xi32>], vector<16xf32>,
      %add3A_76 = arith.addf %gather3A_74, %gather3A_75 : vector<16xf32>
      %div3A_77 = arith.divf %add3A_76, %max3A_54 : vector<16xf32>
      tpu.vector_store_idx %arg6[%iota3A, %broadcast_in_dim3A_11], %div3A_77 : memref<640x16xf32, #tpu.memory_space<vmem>>[vector<16xi32>, vector<16xi32>], vector<16xf32>,
      %gather3A_78 = tpu.vector_load_idx %arg4[%iota3A, %broadcast_in_dim3A_13] : memref<640x16xf32, #tpu.memory_space<vmem>>[vector<16xi32>, vector<16xi32>], vector<16xf32>,
      %gather3A_79 = tpu.vector_load_idx %arg5[%iota3A, %broadcast_in_dim3A_13] : memref<640x16xf32, #tpu.memory_space<vmem>>[vector<16xi32>, vector<16xi32>], vector<16xf32>,
      %add3A_80 = arith.addf %gather3A_78, %gather3A_79 : vector<16xf32>
      %div3A_81 = arith.divf %add3A_80, %max3A_54 : vector<16xf32>
      tpu.vector_store_idx %arg6[%iota3A, %broadcast_in_dim3A_13], %div3A_81 : memref<640x16xf32, #tpu.memory_space<vmem>>[vector<16xi32>, vector<16xi32>], vector<16xf32>,
      %gather3A_82 = tpu.vector_load_idx %arg4[%iota3A, %broadcast_in_dim3A_15] : memref<640x16xf32, #tpu.memory_space<vmem>>[vector<16xi32>, vector<16xi32>], vector<16xf32>,
      %gather3A_83 = tpu.vector_load_idx %arg5[%iota3A, %broadcast_in_dim3A_15] : memref<640x16xf32, #tpu.memory_space<vmem>>[vector<16xi32>, vector<16xi32>], vector<16xf32>,
      %add3A_84 = arith.addf %gather3A_82, %gather3A_83 : vector<16xf32>
      %div3A_85 = arith.divf %add3A_84, %max3A_54 : vector<16xf32>
      tpu.vector_store_idx %arg6[%iota3A, %broadcast_in_dim3A_15], %div3A_85 : memref<640x16xf32, #tpu.memory_space<vmem>>[vector<16xi32>, vector<16xi32>], vector<16xf32>,
      %gather3A_86 = tpu.vector_load_idx %arg4[%iota3A, %broadcast_in_dim3A_17] : memref<640x16xf32, #tpu.memory_space<vmem>>[vector<16xi32>, vector<16xi32>], vector<16xf32>,
      %gather3A_87 = tpu.vector_load_idx %arg5[%iota3A, %broadcast_in_dim3A_17] : memref<640x16xf32, #tpu.memory_space<vmem>>[vector<16xi32>, vector<16xi32>], vector<16xf32>,
      %add3A_88 = arith.addf %gather3A_86, %gather3A_87 : vector<16xf32>
      %div3A_89 = arith.divf %add3A_88, %max3A_54 : vector<16xf32>
      tpu.vector_store_idx %arg6[%iota3A, %broadcast_in_dim3A_17], %div3A_89 : memref<640x16xf32, #tpu.memory_space<vmem>>[vector<16xi32>, vector<16xi32>], vector<16xf32>,
      %gather3A_90 = tpu.vector_load_idx %arg4[%iota3A, %broadcast_in_dim3A_19] : memref<640x16xf32, #tpu.memory_space<vmem>>[vector<16xi32>, vector<16xi32>], vector<16xf32>,
      %gather3A_91 = tpu.vector_load_idx %arg5[%iota3A, %broadcast_in_dim3A_19] : memref<640x16xf32, #tpu.memory_space<vmem>>[vector<16xi32>, vector<16xi32>], vector<16xf32>,
      %add3A_92 = arith.addf %gather3A_90, %gather3A_91 : vector<16xf32>
      %div3A_93 = arith.divf %add3A_92, %max3A_54 : vector<16xf32>
      tpu.vector_store_idx %arg6[%iota3A, %broadcast_in_dim3A_19], %div3A_93 : memref<640x16xf32, #tpu.memory_space<vmem>>[vector<16xi32>, vector<16xi32>], vector<16xf32>,
      %add3A_94 = arith.constant 16 : i32
      %add3A_95 = vector.broadcast %add3A_94 : i32 to vector<16xi32>
      %add3A_96 = arith.addi %iota3A, %add3A_95 : vector<16xi32>
      %scan3A_97 = arith.constant 1 : i32
      "tpu.region"() ({
        %run_scoped3A_98 = tpu.sem_alloc : memref<!tpu.dma_semaphore, #tpu.memory_space<semaphore_mem>>
        %dma_start3A = arith.constant 0 : i32
        %dma_start3A_99 = arith.constant 0 : i32
        %dma_start3A_100 = tpu.memref_slice %arg6[%dma_start3A, %dma_start3A_99] : memref<640x16xf32, #tpu.memory_space<vmem>> -> memref<16x16xf32, #tpu.memory_space<vmem>>
        %dma_start3A_101 = arith.constant 0 : i32
        %dma_start3A_102 = tpu.memref_slice %arg3[%mul3A_47, %dma_start3A_101] : memref<100000x16xf32, #tpu.memory_space<hbm>> -> memref<16x16xf32, #tpu.memory_space<hbm>>
        %dma_start3A_103 = arith.constant 0 : i32
        %dma_start3A_104 = tpu.memref_slice %arg3[%mul3A_47, %dma_start3A_103] : memref<100000x16xf32, #tpu.memory_space<hbm>> -> memref<16x16xf32, #tpu.memory_space<hbm>>
        %dma_start3A_105 = arith.constant 0 : i32
        %dma_start3A_106 = arith.constant 0 : i32
        %dma_start3A_107 = tpu.memref_slice %arg6[%dma_start3A_105, %dma_start3A_106] : memref<640x16xf32, #tpu.memory_space<vmem>> -> memref<16x16xf32, #tpu.memory_space<vmem>>
        tpu.enqueue_dma source(%dma_start3A_107 : memref<16x16xf32, #tpu.memory_space<vmem>>) target(%dma_start3A_104 : memref<16x16xf32, #tpu.memory_space<hbm>>) target_semaphore(%run_scoped3A_98 : memref<!tpu.dma_semaphore, #tpu.memory_space<semaphore_mem>>)
        %dma_wait3A = arith.constant 0 : i32
        %dma_wait3A_108 = arith.constant 0 : i32
        %dma_wait3A_109 = tpu.memref_slice %arg6[%dma_wait3A, %dma_wait3A_108] : memref<640x16xf32, #tpu.memory_space<vmem>> -> memref<16x16xf32, #tpu.memory_space<vmem>>
        %dma_wait3A_110 = arith.constant 0 : i32
        %dma_wait3A_111 = tpu.memref_slice %arg3[%mul3A_47, %dma_wait3A_110] : memref<100000x16xf32, #tpu.memory_space<hbm>> -> memref<16x16xf32, #tpu.memory_space<hbm>>
        %dma_wait3A_112 = arith.constant 0 : i32
        %dma_wait3A_113 = tpu.memref_slice %arg3[%mul3A_47, %dma_wait3A_112] : memref<100000x16xf32, #tpu.memory_space<hbm>> -> memref<16x16xf32, #tpu.memory_space<hbm>>
        %dma_wait3A_114 = arith.constant 0 : i32
        %dma_wait3A_115 = arith.constant 0 : i32
        %dma_wait3A_116 = tpu.memref_slice %arg6[%dma_wait3A_114, %dma_wait3A_115] : memref<640x16xf32, #tpu.memory_space<vmem>> -> memref<16x16xf32, #tpu.memory_space<vmem>>
        tpu.wait_dma2 semaphore(%run_scoped3A_98 : memref<!tpu.dma_semaphore, #tpu.memory_space<semaphore_mem>>) src(%dma_wait3A_116 : memref<16x16xf32, #tpu.memory_space<vmem>>) dst(%dma_wait3A_113 : memref<16x16xf32, #tpu.memory_space<hbm>>)
        tpu.yield
      }) : () -> ()
    } else {
    }
    return
  }
}

</mosaic_0001>

<sc_bundles>
// kernel: kernel.4.cloned.1.call-start
scs
__scs_entry_jumppad:
0x0: {  	(pc) =	sbr.rel $0x88, $3  }
0x1: {  	(tag) =	ssettag $0x0;
	lr =	simm.s32 $0x1  }
0x2: {  	[smem:$0x3F9E] =	sst lr;
	_ =	strace $0xD0000000  }
0x3: {  	_ = 	snop  }
0x4: {  	_ = 	snop  }
0x5: {  	_ = 	snop  }
0x6: {  	_ = 	snop  }
0x7: {  	_ = 	snop  }
__scs_overlays_trampoline_lowered:
0x8: {  	[smem:$0x3FAD] =	sst s0  }
0x9: {  	[smem:$0x3FAE] =	sst s1  }
0xa: {  	[smem:$0x3FAF] =	sst s2  }
0xb: {  	[smem:$0x3FB0] =	sst s3  }
0xc: {  	[smem:$0x3FB1] =	sst s4  }
0xd: {  	[smem:$0x3FB2] =	sst s5  }
0xe: {  	[smem:$0x3FB3] =	sst s6  }
0xf: {  	[smem:$0x3FB4] =	sst s7  }
0x10: {  	[smem:$0x3FB5] =	sst s8  }
0x11: {  	[smem:$0x3FB6] =	sst s9;
	s0 =	simm.s32 @!p0 $0x0  }
0x12: {  	s1 =	sld [smem:$0x3F9C];
	s0 =	simm.s32 @p0 $0x1  }
0x13: {  	[smem:$0x3FB7] =	sst s0;
	s0 =	simm.s32 @!p1 $0x0  }
0x14: {  	s2 =	sld [smem:$0x3F9B];
	s0 =	simm.s32 @p1 $0x1  }
0x15: {  	[smem:$0x3FB8] =	sst s0;
	s0 =	simm.s32 @!p2 $0x0  }
0x16: {  	s3 =	sld [smem:$0x3FDB];
	s0 =	simm.s32 @p2 $0x1  }
0x17: {  	s4 =	simm.s32 $0x1BF5;
	[smem:$0x3FBA] =	sst s0  }
0x18: {  	s0 =	sld [smem:$0x3F9D];
	_ =	swait.ge [sflag:s4], $0x0  }
0x19: {  	s7 =	sld [smem:$0x3F9E]  }
0x1a: {  	s8 =	sadd.s32 $0xFFFFE003, lr  }
0x1b: {  	s9 =	sadd.s32 $0xFFFFFEF7, lr;
	s5 =	simm.s32 $0xFFFFFFFF;
	p2 =	slt.u32 s8, $0xFFFFF086  }
0x1c: {  	p1 =	slt.u32 s9, $0xF7A;
	s5 =	simm.s32 @!p2 $0x0  }
0x1d: {  	s5 =	simm.s32 @p1 $0x1;
	p0 =	seq.s32 s7, s2  }
0x1e: {  	s7 =	smul.u32 @!p0 $0xF7A, s2;
	p2 =	seq.s32 @!p0 s5, $0x0  }
0x1f: {  	s9 =	smul.u32 $0xF7A, s1;
	s8 =	simm.s32 @!p0 $0x1BF5;
	p2 =	por !p2, p0  }
0x20: {  	[sflag:s8] =	ssyncset.s32 @!p0 $0xFFFFF086;
	s6 =	sadd.s32 @!p0 s3, s7;
	s7 =	simm.s32 @!p0 $0x108  }
0x21: {  	s3 =	sadd.s32 s3, s9;
	s6 =	sadd.s32 @!p0 $0x88, s6;
	s7 =	simm.s32 @p2 $0x1082  }
0x22: {  	[simem:s7], [sflag:s8] =	dma.local @!p0 [hbm:s6], $0xF7A  }
0x23: {  	s9 =	sor.u32 $0xD0000000, s2;
	s6 =	simm.s32 $0x108;
	_ =	swait.ge @!p0 [sflag:s8], $0x0  }
0x24: {  	s3 =	sadd.s32 $0x88, s3;
	s6 =	simm.s32 @!p1 $0x1082;
	[sflag:s4] =	ssyncset.s32 $0xFFFFF086  }
0x25: {  	[simem:s6], [sflag:s4] =	dma.local [hbm:s3], $0xF7A  }
0x26: {  	[smem:$0x3F9E] =	sst s1;
	(tag) =	ssettag s2;
	_ =	strace s9  }
0x27: {  	s1 =	sld [smem:$0x3FAE]  }
0x28: {  	s2 =	sld [smem:$0x3FAF]  }
0x29: {  	s4 =	sld [smem:$0x3FB1]  }
0x2a: {  	p0 =	seq.s32 s5, $0x0;
	s5 =	sld [smem:$0x3FB2]  }
0x2b: {  	s6 =	sld [smem:$0x3FB3]  }
0x2c: {  	s7 =	sld [smem:$0x3FB4]  }
0x2d: {  	s3 =	simm.s32 $0x108;
	s8 =	sld [smem:$0x3FB5]  }
0x2e: {  	s3 =	simm.s32 @!p0 $0x1082;
	s9 =	sld [smem:$0x3FB6]  }
0x2f: {  	lr =	sadd.s32 s0, s3;
	s0 =	sld [smem:$0x3FAD]  }
0x30: {  	s3 =	sld [smem:$0x3FB0]  }
0x31: {  	[smem:$0x3FB9] =	sst s10  }
0x32: {  	s10 =	sld [smem:$0x3FB7];
	_ =	sdelay $0x3  }
0x33: {  	p0 =	seq.s32 s10, $0x1;
	s10 =	sld [smem:$0x3FB9];
	_ =	sdelay $0x3  }
0x34: {  	[smem:$0x3FB9] =	sst s10  }
0x35: {  	s10 =	sld [smem:$0x3FB8];
	_ =	sdelay $0x3  }
0x36: {  	p1 =	seq.s32 s10, $0x1;
	s10 =	sld [smem:$0x3FB9];
	_ =	sdelay $0x3  }
0x37: {  	[smem:$0x3FB9] =	sst s10  }
0x38: {  	s10 =	sld [smem:$0x3FBA]  }
0x39: {  	_ = 	snop;
	(pc) =	sbr.ind lr, $3  }
0x3a: {  	_ = 	snop  }
0x3b: {  	_ = 	snop  }
0x3c: {  	p2 =	seq.s32 s10, $0x1;
	s10 =	sld [smem:$0x3FB9]  }
0x3d: {  	_ =	shalt  }
0x3e: {  	_ =	shalt  }
0x3f: {  	_ =	shalt  }
0x40: {  	_ =	shalt  }
0x41: {  	_ =	shalt  }
0x42: {  	_ =	shalt  }
0x43: {  	_ =	shalt  }
0x44: {  	_ =	shalt  }
0x45: {  	_ =	shalt  }
0x46: {  	_ =	shalt  }
0x47: {  	_ =	shalt  }
0x48: {  	_ =	shalt  }
0x49: {  	_ =	shalt  }
0x4a: {  	_ =	shalt  }
0x4b: {  	_ =	shalt  }
0x4c: {  	_ =	shalt  }
0x4d: {  	_ =	shalt  }
0x4e: {  	_ =	shalt  }
0x4f: {  	_ =	shalt  }
0x50: {  	_ =	shalt  }
0x51: {  	_ =	shalt  }
0x52: {  	_ =	shalt  }
0x53: {  	_ =	shalt  }
0x54: {  	_ =	shalt  }
0x55: {  	_ =	shalt  }
0x56: {  	_ =	shalt  }
0x57: {  	_ =	shalt  }
0x58: {  	_ =	shalt  }
0x59: {  	_ =	shalt  }
0x5a: {  	_ =	shalt  }
0x5b: {  	_ =	shalt  }
0x5c: {  	_ =	shalt  }
0x5d: {  	_ =	shalt  }
0x5e: {  	_ =	shalt  }
0x5f: {  	_ =	shalt  }
0x60: {  	_ =	shalt  }
0x61: {  	_ =	shalt  }
0x62: {  	_ =	shalt  }
0x63: {  	_ =	shalt  }
0x64: {  	_ =	shalt  }
0x65: {  	_ =	shalt  }
0x66: {  	_ =	shalt  }
0x67: {  	_ =	shalt  }
0x68: {  	_ =	shalt  }
0x69: {  	_ =	shalt  }
0x6a: {  	_ =	shalt  }
0x6b: {  	_ =	shalt  }
0x6c: {  	_ =	shalt  }
0x6d: {  	_ =	shalt  }
0x6e: {  	_ =	shalt  }
0x6f: {  	_ =	shalt  }
0x70: {  	_ =	shalt  }
0x71: {  	_ =	shalt  }
0x72: {  	_ =	shalt  }
0x73: {  	_ =	shalt  }
0x74: {  	_ =	shalt  }
0x75: {  	_ =	shalt  }
0x76: {  	_ =	shalt  }
0x77: {  	_ =	shalt  }
0x78: {  	_ =	shalt  }
0x79: {  	_ =	shalt  }
0x7a: {  	_ =	shalt  }
0x7b: {  	_ =	shalt  }
0x7c: {  	_ =	shalt  }
0x7d: {  	_ =	shalt  }
0x7e: {  	_ =	shalt  }
0x7f: {  	_ =	shalt  }
0x80: {  	_ =	shalt  }
0x81: {  	_ =	shalt  }
0x82: {  	_ =	shalt  }
0x83: {  	_ =	shalt  }
0x84: {  	_ =	shalt  }
0x85: {  	_ =	shalt  }
0x86: {  	_ =	shalt  }
0x87: {  	_ =	shalt  }
.Lfunc_end0:
.L_simem_size_0:
called_computation_lowered:
.L_overlay_start_0:
0x88: {  	s2 =	sld [smem:$0x3FD9]  }
0x89: {  	s3 =	sld [smem:$0x3FFE];
	_ =	sdelay $0x1  }
0x8a: {  	s1 =	srdreg.scid  }
0x8b: {  	s0 =	sand.u32 $0x1, s1  }
0x8c: {  	s14 =	sshll.u32 s0, $0xA;
	s2 =	sadd.s32 s3, s2  }
0x8d: {  	s2 =	sadd.s32 s2, s14  }
0x8e: {  	[smem:$0x3FC5] =	sst s2  }
0x8f: {  	_ = 	snop  }
0x90: {  	s2 =	sld [smem:$0x3FD0];
	_ =	sdelay $0x2  }
0x91: {  	s4 =	simm.s32 $0xA;
	s5 =	simm.s32 $0x10;
	s15 =	sld [smem:$0x3FC8]  }
0x92: {  	[smem:s5], [sflag:s4] =	dma.local [hbm:s2], $0x1  }
0x93: {  	_ =	swait.eq [sflag:s4], $0x1  }
0x94: {  	[sflag:s4] =	ssyncset.done $0x0  }
0x95: {  	[sflag:s4] =	ssyncadd.s32 $0xFFFFFFFF  }
0x96: {  	s16 =	sld [smem:$0x11];
	(tm) =	ssettm $0x1  }
0x97: {  	s17 =	sld [smem:$0x3FFB];
	_ =	sdelay $0x3  }
0x98: {  	_ =	strace s17  }
0x99: {  	s4 =	sld [smem:$0x3FFC];
	_ =	sdelay $0x3  }
0x9a: {  	_ =	strace s4  }
0x9b: {  	s4 =	sld [smem:$0x3FFD];
	_ =	sdelay $0x3  }
0x9c: {  	_ =	strace s4  }
0x9d: {  	_ =	strace $0x8FFFFFFF  }
0x9e: {  	s18 =	sld [smem:$0x3FDB];
	_ =	sdelay $0x1  }
0x9f: {  	s19 =	simm.s32 $_scs_section_size  }
0xa0: {  	s6 =	simm.s32 $_size__tile_overlayer_lowered;
	s7 =	simm.s32 $_tile_overlayer_lowered  }
0xa1: {  	s22 =	simm.s32 $0x1BFF;
	s21 =	sshll.u32 s7, $0x1;
	s4 =	sadd.s32 s19, s18  }
0xa2: {  	s8 =	simm.s32 $0x0;
	s20 =	sshll.u32 s6, $0x1;
	s6 =	sadd.s32 s21, s4  }
0xa3: {  	[timem:s8], [sflag:s22] =	dma.local [hbm:s6], s20  }
0xa4: {  	_ =	swait.ge [sflag:s22], s20  }
0xa5: {  	s5 =	ssub.s32 $0x0, s20;
	[sflag:s22] =	ssyncset.done $0x0  }
0xa6: {  	[sflag:s22] =	ssyncadd.s32 s5;
	_ =	sdelay $0x1  }
0xa7: {  	s23 =	simm.s32 $0x1B8B  }
0xa8: {  	_ =	swait.ge [sflag:s23], $0x1  }
0xa9: {  	[sflag:s23] =	ssyncset.done $0x0  }
0xaa: {  	s25 =	simm.s32 $0x1B8E;
	s24 =	sld [smem:$0x3FFE];
	[sflag:s23] =	ssyncadd.s32 $0xFFFFFFFF  }
0xab: {  	s26 =	simm.s32 $execute0_lowered;
	[smem:$0x3FD2] =	sst s25  }
0xac: {  	s6 =	sshll.u32 s26, $0x1;
	_ =	strace $0x80000046;
	[dreg:$0x1] =	wrdreg $0xFFFFFFFF  }
0xad: {  	s28 =	simm.s32 $_size_execute0_lowered;
	s4 =	sadd.s32 s4, s6;
	[dreg:$0x0] =	wrdreg $0x0  }
0xae: {  	s6 =	sshll.u32 s28, $0x1;
	[dreg:$0x2] =	wrdreg s4  }
0xaf: {  	[dreg:$0x3] =	wrdreg s6  }
0xb0: {  	[dreg:$0x4] =	wrdreg $0xC0  }
0xb1: {  	_ =	task [dreg:s8], $0x5FFFF  }
0xb2: {  	[dreg:$0x1] =	wrdreg $0xFFFFFFFF  }
0xb3: {  	[dreg:$0x0] =	wrdreg $0x60  }
0xb4: {  	[dreg:$0x2] =	wrdreg s16  }
0xb5: {  	[dreg:$0x3] =	wrdreg s15  }
0xb6: {  	[dreg:$0x4] =	wrdreg s24  }
0xb7: {  	[dreg:$0x5] =	wrdreg $0x54000  }
0xb8: {  	[dreg:$0x6] =	wrdreg $0x9  }
0xb9: {  	_ =	task.clear_ibuf [dreg:s8], $0x7FFFF;
	_ =	strace $0x90000046  }
0xba: {  	s29 =	simm.s32 $0x9;
	_ =	strace $0x80000048  }
0xbb: {  	_ =	swait.ge [sflag:s29], $0x1  }
0xbc: {  	[sflag:s29] =	ssyncadd.s32 $0xFFFFFFFF  }
0xbd: {  	_ =	strace $0x90000048  }
0xbe: {  	_ =	sfence  }
0xbf: {  	s30 =	sld [smem:$0x0];
	_ =	sdelay $0x2  }
0xc0: {  	s31 =	sshll.u32 s1, $0xD;
	s1 =	sshrl.u32 s1, $0x2  }
0xc1: {  	s3 =	sand.u32 $0x4000, s31;
	s1 =	sadd.s32 s1, s30  }
0xc2: {  	s0 =	sor.u32 s3, s0;
	s1 =	sshll.u32 s1, $0x11  }
0xc3: {  	s0 =	sor.u32 s1, s0  }
0xc4: {  	s0 =	sadd.s32 $0x8F2B, s0  }
0xc5: {  	[sflag:s0] =	ssyncadd.remote.s32 $0x1  }
0xc6: {  	_ =	sfence.sel $0xFFFF  }
0xc7: {  	[dreg:$0x0] =	wrdreg $0xFFFFFFFF;
	(pc) =	sbr.abs _section_cstart, $3  }
0xc8: {  	[dreg:$0x1] =	wrdreg $0xFFFFFFFF  }
0xc9: {  	_ =	task.clear_ibuf [dreg:s8], $0x2FFFF;
	_ =	strace $0x9FFFFFFF  }
0xca: {  	(tm) =	ssettm $0x7FFFFFFF  }
0xcb: {  	_ =	shalt  }
tec
execute0_lowered:
.L_overlay_start_1:
0x0: {  	(tag) =	ssettag $0x1  }
0x1: {  	s2 =	rddreg [dreg:$0x2];
	s24 =	stileid.u32  }
0x2: {  	s1 =	simm.s32 $0x0;
	s0 =	srdreg.scid;
	s4 =	smul.u32 $0x30D, s24  }
0x3: {  	[smem:$0x7FF] =	sst s1;
	s5 =	sand.u32 $0x1, s0;
	s19 =	smin.u32 s24, $0x4  }
0x4: {  	s3 =	sadd.s32 $0x62200, s2;
	s8 =	sshll.u32 s24, $0x1;
	s6 =	ssub.s32 $0x2, s5  }
0x5: {  	s14 =	sor.u32 s5, s8;
	s17 =	smul.u32 $0x186A00, s5;
	s0 =	sadd.s32 s19, s4  }
0x6: {  	s7 =	sshrl.u32 s6, $0x1;
	s16 =	smul.u32 $0x61, s14;
	p0 =	slt.u32 s14, $0x15  }
0x7: {  	s20 =	smin.u32 s14, $0x15;
	s4 =	sshll.u32 s0, $0x7;
	s0 =	ssub.s32 s6, s7  }
0x8: {  	s6 =	sadd.s32 $0x2000, s4;
	s7 =	sadd.s32 $0x4000, s4;
	s8 =	sadd.s32 $0x6000, s4  }
0x9: {  	s9 =	sadd.s32 $0x8000, s4;
	s10 =	sadd.s32 $0xA000, s4;
	s11 =	sadd.s32 $0xC000, s4  }
0xa: {  	s12 =	sadd.s32 $0xE000, s4;
	s13 =	sadd.s32 $0x10000, s4;
	s15 =	sadd.s32 $0x12000, s4  }
0xb: {  	s5 =	sadd.s32 s20, s16;
	s21 =	sadd.s32 s17, s4;
	s22 =	sadd.s32 s17, s6  }
0xc: {  	s14 =	sshrl.u32 s21, $0x3;
	s18 =	sadd.s32 s17, s7;
	s26 =	sadd.s32 s17, s8  }
0xd: {  	s29 =	sadd.s32 s17, s9;
	s30 =	sadd.s32 s17, s10;
	s19 =	sadd.s32 s17, s12  }
0xe: {  	s20 =	sadd.s32 s17, s13;
	s16 =	sshrl.u32 s22, $0x3;
	s14 =	sadd.s32 s3, s14  }
0xf: {  	s25 =	sshrl.u32 s18, $0x3;
	[dreg:$0x5] =	wrdreg s14;
	s23 =	sadd.s32 s3, s16  }
0x10: {  	s18 =	sadd.s32 s17, s11;
	s14 =	sadd.s32 s3, s25;
	[dreg:$0x6] =	wrdreg s23  }
0x11: {  	s22 =	sshrl.u32 s20, $0x3;
	s16 =	sshrl.u32 s29, $0x3;
	[dreg:$0x7] =	wrdreg s14  }
0x12: {  	s14 =	sshrl.u32 s26, $0x3;
	s31 =	sadd.s32 s3, s16;
	s16 =	sshrl.u32 s30, $0x3  }
0x13: {  	s23 =	sadd.s32 s17, s15;
	s14 =	sadd.s32 s3, s14;
	[dreg:$0x9] =	wrdreg s31  }
0x14: {  	[dreg:$0x8] =	wrdreg s14;
	s14 =	sadd.s32 s3, s16;
	s16 =	sshrl.u32 s19, $0x3  }
0x15: {  	s19 =	sadd.s32 $0x16000, s4;
	[dreg:$0xa] =	wrdreg s14;
	s14 =	sshrl.u32 s18, $0x3  }
0x16: {  	s21 =	sadd.s32 s3, s16;
	s18 =	sadd.s32 $0x14000, s4;
	s20 =	sadd.s32 s17, s19  }
0x17: {  	s14 =	sadd.s32 s3, s14;
	[dreg:$0xc] =	wrdreg s21;
	s25 =	sadd.s32 s17, s18  }
0x18: {  	s20 =	sshrl.u32 s20, $0x3;
	[dreg:$0xb] =	wrdreg s14;
	s14 =	sadd.s32 s3, s22  }
0x19: {  	s21 =	sadd.s32 $0x18000, s4;
	s29 =	sadd.s32 s3, s20;
	[dreg:$0xd] =	wrdreg s14  }
0x1a: {  	s16 =	sshrl.u32 s25, $0x3;
	s22 =	sadd.s32 $0x18680, s4;
	[dreg:$0x10] =	wrdreg s29  }
0x1b: {  	s30 =	sadd.s32 s17, s21;
	s26 =	sadd.s32 s3, s16;
	s16 =	rddreg [dreg:$0x1]  }
0x1c: {  	s14 =	sshrl.u32 s23, $0x3;
	s17 =	sadd.s32 s17, s22;
	[dreg:$0xf] =	wrdreg s26  }
0x1d: {  	s14 =	sadd.s32 s3, s14;
	s23 =	sshrl.u32 s17, $0x3;
	s17 =	rddreg [dreg:$0x3]  }
0x1e: {  	s20 =	sshrl.u32 s30, $0x3;
	[dreg:$0xe] =	wrdreg s14  }
0x1f: {  	s20 =	sadd.s32 s3, s20;
	s14 =	rddreg [dreg:$0x0]  }
0x20: {  	[dreg:$0x11] =	wrdreg s20;
	s3 =	sadd.s32 s3, s23  }
0x21: {  	s6 =	sadd.s32 s6, s17;
	[dreg:$0x12] =	wrdreg s3  }
0x22: {  	s7 =	sadd.s32 s7, s17;
	_ =	strace $0x80000047;
	[dreg:$0x14] =	wrdreg s6  }
0x23: {  	s8 =	sadd.s32 s8, s17;
	[dreg:$0x15] =	wrdreg s7  }
0x24: {  	s9 =	sadd.s32 s9, s17;
	[dreg:$0x16] =	wrdreg s8  }
0x25: {  	s10 =	sadd.s32 s10, s17;
	[dreg:$0x17] =	wrdreg s9  }
0x26: {  	s11 =	sadd.s32 s11, s17;
	[dreg:$0x18] =	wrdreg s10  }
0x27: {  	s28 =	simm.s32 $0x5;
	s12 =	sadd.s32 s12, s17;
	[dreg:$0x19] =	wrdreg s11  }
0x28: {  	s0 =	smax.u32 s0, $0x1;
	s13 =	sadd.s32 s13, s17;
	[dreg:$0x1a] =	wrdreg s12  }
0x29: {  	s25 =	sshll.u32 s5, $0x7;
	s15 =	sadd.s32 s15, s17;
	[dreg:$0x1b] =	wrdreg s13  }
0x2a: {  	s20 =	sadd.s32 $0x600, s2;
	s18 =	sadd.s32 s18, s17;
	[dreg:$0x1c] =	wrdreg s15  }
0x2b: {  	s31 =	sadd.s32 s4, s17;
	s19 =	sadd.s32 s19, s17;
	[dreg:$0x1d] =	wrdreg s18  }
0x2c: {  	s2 =	simm.s32 $0xC4;
	s21 =	sadd.s32 s21, s17;
	[dreg:$0x1e] =	wrdreg s19  }
0x2d: {  	s4 =	sshll.u32 s5, $0x1;
	s26 =	sadd.s32 s20, s25;
	[dreg:$0x1f] =	wrdreg s21  }
0x2e: {  	s5 =	sshll.u32 s5, $0x3;
	s29 =	sadd.s32 s14, s25;
	[smem:$0x7F8] =	sst s26  }
0x2f: {  	s30 =	sadd.s32 s22, s17;
	s3 =	sadd.s32 s16, s25;
	[smem:$0x7F9] =	sst s29  }
0x30: {  	s22 =	simm.s32 $0x3C00;
	s2 =	simm.s32 @!p0 $0xC2;
	[smem:$0x7FA] =	sst s3  }
0x31: {  	p0 =	sgt.u32 s24, $0x3;
	s24 =	simm.s32 $0x4400;
	[smem:$0x7FB] =	sst s30  }
0x32: {  	s8 =	sadd.s32 $0x8, s5;
	s9 =	sadd.s32 $0x10, s5;
	[smem:$0x7FC] =	sst s0  }
.Ltmp0:
0x33: {  	[dreg:$0x13] =	wrdreg s31;
	s31 =	sadd.s32 $0x18680, s31;
	(pc) =	sbr.rel .LBB2_1-.Ltmp0, $4  }
0x34: {  	s13 =	sadd.s32 $0xFFFFFFFF, s2;
	s18 =	sadd.s32 $0xFFFFFFFE, s2;
	s19 =	sadd.s32 $0xFFFFFFFD, s2  }
0x35: {  	s5 =	simm.s32 $0x3400;
	s6 =	simm.s32 $0x6;
	s10 =	simm.s32 $0x1  }
0x36: {  	s11 =	simm.s32 $0x3;
	s12 =	simm.s32 $0x80;
	s26 =	simm.s32 $0x4C00  }
0x37: {  	v0 =	vimm.f32 $0.0e+00;
	s15 =	simm.s32 $0x2;
	s7 =	simm.s32 $0x0;
	[smem:$0x7FD] =	sst s31  }
.LBB2_21:
0x38: {  	_ =	swait.ge [sflag:s28], $0x2000  }
0x39: {  	[sflag:s28] =	ssyncset.done $0x0  }
0x3a: {  	[sflag:s28] =	ssyncadd.s32 $0xFFFFE000  }
0x3b: {  	[bflag:$0x0] =	sbarrier.arrive $0xFFFF  }
0x3c: {  	s0 =	rddreg [dreg:$0x13]  }
0x3d: {  	[tilespmem:s5], [sflag:$0x6] =	stream.linear.gather [spmem:s0], $0x2000, $0x38;
	[tilespmem:$0x1DAA0] =	vst v63  }
0x3e: {  	_ =	swait.ge [sflag:s6], $0x2000  }
0x3f: {  	[sflag:s6] =	ssyncset.done $0x0  }
0x40: {  	s29 =	rddreg [dreg:$0x5];
	[sflag:s6] =	ssyncadd.s32 $0xFFFFE000  }
0x41: {  	[hbm4b:s29+s1] =	stream.linear.scatter [tilespmem:s5], [sflag:$0x6], $0x2000, $0x38;
	[tilespmem:$0x1DAA0] =	vst v63  }
0x42: {  	_ =	swait.ge [sflag:s6], $0x2000  }
0x43: {  	[sflag:s6] =	ssyncset.done $0x0  }
0x44: {  	s30 =	rddreg [dreg:$0x14];
	[sflag:s6] =	ssyncadd.s32 $0xFFFFE000  }
0x45: {  	[tilespmem:s5], [sflag:$0x6] =	stream.linear.gather [spmem:s30], $0x2000, $0x38;
	[tilespmem:$0x1DAA0] =	vst v63  }
0x46: {  	_ =	swait.ge [sflag:s6], $0x2000  }
0x47: {  	[sflag:s6] =	ssyncset.done $0x0  }
0x48: {  	s31 =	rddreg [dreg:$0x6];
	[sflag:s6] =	ssyncadd.s32 $0xFFFFE000  }
0x49: {  	[hbm4b:s31+s1] =	stream.linear.scatter [tilespmem:s5], [sflag:$0x6], $0x2000, $0x38;
	[tilespmem:$0x1DAA0] =	vst v63  }
0x4a: {  	_ =	swait.ge [sflag:s6], $0x2000  }
0x4b: {  	[sflag:s6] =	ssyncset.done $0x0  }
0x4c: {  	s3 =	rddreg [dreg:$0x15];
	[sflag:s6] =	ssyncadd.s32 $0xFFFFE000  }
0x4d: {  	[tilespmem:s5], [sflag:$0x6] =	stream.linear.gather [spmem:s3], $0x2000, $0x38;
	[tilespmem:$0x1DAA0] =	vst v63  }
0x4e: {  	_ =	swait.ge [sflag:s6], $0x2000  }
0x4f: {  	[sflag:s6] =	ssyncset.done $0x0  }
0x50: {  	s7 =	rddreg [dreg:$0x7];
	[sflag:s6] =	ssyncadd.s32 $0xFFFFE000  }
0x51: {  	[hbm4b:s7+s1] =	stream.linear.scatter [tilespmem:s5], [sflag:$0x6], $0x2000, $0x38;
	[tilespmem:$0x1DAA0] =	vst v63  }
0x52: {  	_ =	swait.ge [sflag:s6], $0x2000  }
0x53: {  	[sflag:s6] =	ssyncset.done $0x0  }
0x54: {  	s21 =	rddreg [dreg:$0x16];
	[sflag:s6] =	ssyncadd.s32 $0xFFFFE000  }
0x55: {  	[tilespmem:s5], [sflag:$0x6] =	stream.linear.gather [spmem:s21], $0x2000, $0x38;
	[tilespmem:$0x1DAA0] =	vst v63  }
0x56: {  	_ =	swait.ge [sflag:s6], $0x2000  }
0x57: {  	[sflag:s6] =	ssyncset.done $0x0  }
0x58: {  	s23 =	rddreg [dreg:$0x8];
	[sflag:s6] =	ssyncadd.s32 $0xFFFFE000  }
0x59: {  	[hbm4b:s23+s1] =	stream.linear.scatter [tilespmem:s5], [sflag:$0x6], $0x2000, $0x38;
	[tilespmem:$0x1DAA0] =	vst v63  }
0x5a: {  	_ =	swait.ge [sflag:s6], $0x2000  }
0x5b: {  	[sflag:s6] =	ssyncset.done $0x0  }
0x5c: {  	s25 =	rddreg [dreg:$0x17];
	[sflag:s6] =	ssyncadd.s32 $0xFFFFE000  }
0x5d: {  	[tilespmem:s5], [sflag:$0x6] =	stream.linear.gather [spmem:s25], $0x2000, $0x38;
	[tilespmem:$0x1DAA0] =	vst v63  }
0x5e: {  	_ =	swait.ge [sflag:s6], $0x2000  }
0x5f: {  	[sflag:s6] =	ssyncset.done $0x0  }
0x60: {  	s29 =	rddreg [dreg:$0x9];
	[sflag:s6] =	ssyncadd.s32 $0xFFFFE000  }
0x61: {  	[hbm4b:s29+s1] =	stream.linear.scatter [tilespmem:s5], [sflag:$0x6], $0x2000, $0x38;
	[tilespmem:$0x1DAA0] =	vst v63  }
0x62: {  	_ =	swait.ge [sflag:s6], $0x2000  }
0x63: {  	[sflag:s6] =	ssyncset.done $0x0  }
0x64: {  	s30 =	rddreg [dreg:$0x18];
	[sflag:s6] =	ssyncadd.s32 $0xFFFFE000  }
0x65: {  	[tilespmem:s5], [sflag:$0x6] =	stream.linear.gather [spmem:s30], $0x2000, $0x38;
	[tilespmem:$0x1DAA0] =	vst v63  }
0x66: {  	_ =	swait.ge [sflag:s6], $0x2000  }
0x67: {  	[sflag:s6] =	ssyncset.done $0x0  }
0x68: {  	s31 =	rddreg [dreg:$0xa];
	[sflag:s6] =	ssyncadd.s32 $0xFFFFE000  }
0x69: {  	[hbm4b:s31+s1] =	stream.linear.scatter [tilespmem:s5], [sflag:$0x6], $0x2000, $0x38;
	[tilespmem:$0x1DAA0] =	vst v63  }
0x6a: {  	_ =	swait.ge [sflag:s6], $0x2000  }
0x6b: {  	[sflag:s6] =	ssyncset.done $0x0  }
0x6c: {  	s3 =	rddreg [dreg:$0x19];
	[sflag:s6] =	ssyncadd.s32 $0xFFFFE000  }
0x6d: {  	[tilespmem:s5], [sflag:$0x6] =	stream.linear.gather [spmem:s3], $0x2000, $0x38;
	[tilespmem:$0x1DAA0] =	vst v63  }
0x6e: {  	_ =	swait.ge [sflag:s6], $0x2000  }
0x6f: {  	[sflag:s6] =	ssyncset.done $0x0  }
0x70: {  	s7 =	rddreg [dreg:$0xb];
	[sflag:s6] =	ssyncadd.s32 $0xFFFFE000  }
0x71: {  	[hbm4b:s7+s1] =	stream.linear.scatter [tilespmem:s5], [sflag:$0x6], $0x2000, $0x38;
	[tilespmem:$0x1DAA0] =	vst v63  }
0x72: {  	_ =	swait.ge [sflag:s6], $0x2000  }
0x73: {  	[sflag:s6] =	ssyncset.done $0x0  }
0x74: {  	s21 =	rddreg [dreg:$0x1a];
	[sflag:s6] =	ssyncadd.s32 $0xFFFFE000  }
0x75: {  	[tilespmem:s5], [sflag:$0x6] =	stream.linear.gather [spmem:s21], $0x2000, $0x38;
	[tilespmem:$0x1DAA0] =	vst v63  }
0x76: {  	_ =	swait.ge [sflag:s6], $0x2000  }
0x77: {  	[sflag:s6] =	ssyncset.done $0x0  }
0x78: {  	s23 =	rddreg [dreg:$0xc];
	[sflag:s6] =	ssyncadd.s32 $0xFFFFE000  }
0x79: {  	[hbm4b:s23+s1] =	stream.linear.scatter [tilespmem:s5], [sflag:$0x6], $0x2000, $0x38;
	[tilespmem:$0x1DAA0] =	vst v63  }
0x7a: {  	_ =	swait.ge [sflag:s6], $0x2000  }
0x7b: {  	[sflag:s6] =	ssyncset.done $0x0  }
0x7c: {  	s25 =	rddreg [dreg:$0x1b];
	[sflag:s6] =	ssyncadd.s32 $0xFFFFE000  }
0x7d: {  	[tilespmem:s5], [sflag:$0x6] =	stream.linear.gather [spmem:s25], $0x2000, $0x38;
	[tilespmem:$0x1DAA0] =	vst v63  }
0x7e: {  	_ =	swait.ge [sflag:s6], $0x2000  }
0x7f: {  	[sflag:s6] =	ssyncset.done $0x0  }
0x80: {  	s29 =	rddreg [dreg:$0xd];
	[sflag:s6] =	ssyncadd.s32 $0xFFFFE000  }
0x81: {  	[hbm4b:s29+s1] =	stream.linear.scatter [tilespmem:s5], [sflag:$0x6], $0x2000, $0x38;
	[tilespmem:$0x1DAA0] =	vst v63  }
0x82: {  	_ =	swait.ge [sflag:s6], $0x2000  }
0x83: {  	[sflag:s6] =	ssyncset.done $0x0  }
0x84: {  	s30 =	rddreg [dreg:$0x1c];
	[sflag:s6] =	ssyncadd.s32 $0xFFFFE000  }
0x85: {  	[tilespmem:s5], [sflag:$0x6] =	stream.linear.gather [spmem:s30], $0x2000, $0x38;
	[tilespmem:$0x1DAA0] =	vst v63  }
0x86: {  	_ =	swait.ge [sflag:s6], $0x2000  }
0x87: {  	[sflag:s6] =	ssyncset.done $0x0  }
0x88: {  	s31 =	rddreg [dreg:$0xe];
	[sflag:s6] =	ssyncadd.s32 $0xFFFFE000  }
0x89: {  	[hbm4b:s31+s1] =	stream.linear.scatter [tilespmem:s5], [sflag:$0x6], $0x2000, $0x38;
	[tilespmem:$0x1DAA0] =	vst v63  }
0x8a: {  	_ =	swait.ge [sflag:s6], $0x2000  }
0x8b: {  	[sflag:s6] =	ssyncset.done $0x0  }
0x8c: {  	s3 =	rddreg [dreg:$0x1d];
	[sflag:s6] =	ssyncadd.s32 $0xFFFFE000  }
0x8d: {  	[tilespmem:s5], [sflag:$0x6] =	stream.linear.gather [spmem:s3], $0x2000, $0x38;
	[tilespmem:$0x1DAA0] =	vst v63  }
0x8e: {  	_ =	swait.ge [sflag:s6], $0x2000  }
0x8f: {  	[sflag:s6] =	ssyncset.done $0x0  }
0x90: {  	s7 =	rddreg [dreg:$0xf];
	[sflag:s6] =	ssyncadd.s32 $0xFFFFE000  }
0x91: {  	[hbm4b:s7+s1] =	stream.linear.scatter [tilespmem:s5], [sflag:$0x6], $0x2000, $0x38;
	[tilespmem:$0x1DAA0] =	vst v63  }
0x92: {  	_ =	swait.ge [sflag:s6], $0x2000  }
0x93: {  	[sflag:s6] =	ssyncset.done $0x0  }
0x94: {  	s21 =	rddreg [dreg:$0x1e];
	[sflag:s6] =	ssyncadd.s32 $0xFFFFE000  }
0x95: {  	[tilespmem:s5], [sflag:$0x6] =	stream.linear.gather [spmem:s21], $0x2000, $0x38;
	[tilespmem:$0x1DAA0] =	vst v63  }
0x96: {  	_ =	swait.ge [sflag:s6], $0x2000  }
0x97: {  	[sflag:s6] =	ssyncset.done $0x0  }
0x98: {  	s23 =	rddreg [dreg:$0x10];
	[sflag:s6] =	ssyncadd.s32 $0xFFFFE000  }
0x99: {  	[hbm4b:s23+s1] =	stream.linear.scatter [tilespmem:s5], [sflag:$0x6], $0x2000, $0x38;
	[tilespmem:$0x1DAA0] =	vst v63  }
0x9a: {  	_ =	swait.ge [sflag:s6], $0x2000  }
0x9b: {  	[sflag:s6] =	ssyncset.done $0x0  }
0x9c: {  	s25 =	rddreg [dreg:$0x1f];
	[sflag:s6] =	ssyncadd.s32 $0xFFFFE000  }
0x9d: {  	[tilespmem:s5], [sflag:$0x6] =	stream.linear.gather [spmem:s25], $0x680, $0x38;
	[tilespmem:$0x1DAA0] =	vst v63  }
0x9e: {  	_ =	swait.ge [sflag:s6], $0x680  }
0x9f: {  	[sflag:s6] =	ssyncset.done $0x0  }
0xa0: {  	s29 =	rddreg [dreg:$0x11];
	[sflag:s6] =	ssyncadd.s32 $0xFFFFF980  }
0xa1: {  	[hbm4b:s29+s1] =	stream.linear.scatter [tilespmem:s5], [sflag:$0x6], $0x680, $0x38;
	[tilespmem:$0x1DAA0] =	vst v63  }
0xa2: {  	_ =	swait.ge [sflag:s6], $0x680  }
0xa3: {  	s3 =	sld [smem:$0x7FB]  }
0xa4: {  	[sflag:s6] =	ssyncset.done $0x0  }
0xa5: {  	s0 =	simm.s32 @!p0 $0x3400;
	[sflag:s6] =	ssyncadd.s32 $0xFFFFF980  }
0xa6: {  	[tilespmem:s0], [sflag:$0x6] =	stream.linear.gather @!p0 [spmem:s3], $0x80, $0x38;
	[tilespmem:$0x1DAA0] =	vst v63  }
0xa7: {  	s3 =	simm.s32 @!p0 $0x6  }
0xa8: {  	_ =	swait.ge @!p0 [sflag:s3], $0x80  }
0xa9: {  	[sflag:s3] =	ssyncset.done @!p0 $0x0  }
0xaa: {  	s7 =	simm.s32 @!p0 $0x0;
	s21 =	rddreg [dreg:$0x12];
	[sflag:s3] =	ssyncadd.s32 @!p0 $0xFFFFFF80  }
0xab: {  	[hbm4b:s21+s7] =	stream.linear.scatter @!p0 [tilespmem:s0], [sflag:$0x6], $0x80, $0x38;
	[tilespmem:$0x1DAA0] =	vst v63  }
0xac: {  	_ =	swait.ge @!p0 [sflag:s3], $0x80  }
0xad: {  	s30 =	sld [smem:$0x7F7]  }
0xae: {  	s31 =	sld [smem:$0x7FC];
	_ =	sdelay $0x1  }
0xaf: {  	s7 =	sadd.s32 $0x1, s30  }
0xb0: {  	p1 =	sne.s32 s7, s31  }
.Ltmp1:
0xb1: {  	_ = 	snop;
	(pc) =	sbr.rel @!p1 .LBB2_22-.Ltmp1, $3  }
0xb2: {  	_ =	sdelay $0x1  }
0xb3: {  	[sflag:s3] =	ssyncset.done @!p0 $0x0  }
0xb4: {  	[sflag:s3] =	ssyncadd.s32 @!p0 $0xFFFFFF80  }
.LBB2_1:
0xb5: {  	[smem:$0x7F7] =	sst s7;
	s0 =	simm.s32 $0x40;
	s3 =	simm.s32 $0x0  }
.LBB2_2:
0xb6: {  	p1 =	sne.s32 s0, $0x7FC0;
	[tilespmem:s3+$0x3400] =	vst v0;
	s3 =	smov.u32 s0;
	s0 =	sadd.s32 $0x40, s0  }
.Ltmp2:
0xb7: {  	(pc) =	sbr.rel @p1 .LBB2_2-.Ltmp2, $2  }
0xb8: {  	_ =	sdelay $0x2  }
0xb9: {  	s3 =	sshra.s32 s3, $0x2  }
0xba: {  	[tilespmem:s3+$0x3400] =	vst v0;
	s0 =	rddreg [dreg:$0x13]  }
0xbb: {  	[spmem:s0] =	stream.linear.scatter [tilespmem:s5], [sflag:$0x6], $0x2000, $0x38;
	[tilespmem:$0x1DAA0] =	vst v63  }
0xbc: {  	_ =	swait.ge [sflag:s6], $0x2000  }
0xbd: {  	[sflag:s6] =	ssyncset.done $0x0  }
0xbe: {  	s3 =	rddreg [dreg:$0x14];
	[sflag:s6] =	ssyncadd.s32 $0xFFFFE000  }
0xbf: {  	[spmem:s3] =	stream.linear.scatter [tilespmem:s5], [sflag:$0x6], $0x2000, $0x38;
	[tilespmem:$0x1DAA0] =	vst v63  }
0xc0: {  	_ =	swait.ge [sflag:s6], $0x2000  }
0xc1: {  	[sflag:s6] =	ssyncset.done $0x0  }
0xc2: {  	s7 =	rddreg [dreg:$0x15];
	[sflag:s6] =	ssyncadd.s32 $0xFFFFE000  }
0xc3: {  	[spmem:s7] =	stream.linear.scatter [tilespmem:s5], [sflag:$0x6], $0x2000, $0x38;
	[tilespmem:$0x1DAA0] =	vst v63  }
0xc4: {  	_ =	swait.ge [sflag:s6], $0x2000  }
0xc5: {  	[sflag:s6] =	ssyncset.done $0x0  }
0xc6: {  	s21 =	rddreg [dreg:$0x16];
	[sflag:s6] =	ssyncadd.s32 $0xFFFFE000  }
0xc7: {  	[spmem:s21] =	stream.linear.scatter [tilespmem:s5], [sflag:$0x6], $0x2000, $0x38;
	[tilespmem:$0x1DAA0] =	vst v63  }
0xc8: {  	_ =	swait.ge [sflag:s6], $0x2000  }
0xc9: {  	[sflag:s6] =	ssyncset.done $0x0  }
0xca: {  	s23 =	rddreg [dreg:$0x17];
	[sflag:s6] =	ssyncadd.s32 $0xFFFFE000  }
0xcb: {  	[spmem:s23] =	stream.linear.scatter [tilespmem:s5], [sflag:$0x6], $0x2000, $0x38;
	[tilespmem:$0x1DAA0] =	vst v63  }
0xcc: {  	_ =	swait.ge [sflag:s6], $0x2000  }
0xcd: {  	[sflag:s6] =	ssyncset.done $0x0  }
0xce: {  	s25 =	rddreg [dreg:$0x18];
	[sflag:s6] =	ssyncadd.s32 $0xFFFFE000  }
0xcf: {  	[spmem:s25] =	stream.linear.scatter [tilespmem:s5], [sflag:$0x6], $0x2000, $0x38;
	[tilespmem:$0x1DAA0] =	vst v63  }
0xd0: {  	_ =	swait.ge [sflag:s6], $0x2000  }
0xd1: {  	[sflag:s6] =	ssyncset.done $0x0  }
0xd2: {  	s29 =	rddreg [dreg:$0x19];
	[sflag:s6] =	ssyncadd.s32 $0xFFFFE000  }
0xd3: {  	[spmem:s29] =	stream.linear.scatter [tilespmem:s5], [sflag:$0x6], $0x2000, $0x38;
	[tilespmem:$0x1DAA0] =	vst v63  }
0xd4: {  	_ =	swait.ge [sflag:s6], $0x2000  }
0xd5: {  	[sflag:s6] =	ssyncset.done $0x0  }
0xd6: {  	s30 =	rddreg [dreg:$0x1a];
	[sflag:s6] =	ssyncadd.s32 $0xFFFFE000  }
0xd7: {  	[spmem:s30] =	stream.linear.scatter [tilespmem:s5], [sflag:$0x6], $0x2000, $0x38;
	[tilespmem:$0x1DAA0] =	vst v63  }
0xd8: {  	_ =	swait.ge [sflag:s6], $0x2000  }
0xd9: {  	[sflag:s6] =	ssyncset.done $0x0  }
0xda: {  	s31 =	rddreg [dreg:$0x1b];
	[sflag:s6] =	ssyncadd.s32 $0xFFFFE000  }
0xdb: {  	[spmem:s31] =	stream.linear.scatter [tilespmem:s5], [sflag:$0x6], $0x2000, $0x38;
	[tilespmem:$0x1DAA0] =	vst v63  }
0xdc: {  	_ =	swait.ge [sflag:s6], $0x2000  }
0xdd: {  	[sflag:s6] =	ssyncset.done $0x0  }
0xde: {  	s3 =	rddreg [dreg:$0x1c];
	[sflag:s6] =	ssyncadd.s32 $0xFFFFE000  }
0xdf: {  	[spmem:s3] =	stream.linear.scatter [tilespmem:s5], [sflag:$0x6], $0x2000, $0x38;
	[tilespmem:$0x1DAA0] =	vst v63  }
0xe0: {  	_ =	swait.ge [sflag:s6], $0x2000  }
0xe1: {  	[sflag:s6] =	ssyncset.done $0x0  }
0xe2: {  	s7 =	rddreg [dreg:$0x1d];
	[sflag:s6] =	ssyncadd.s32 $0xFFFFE000  }
0xe3: {  	[spmem:s7] =	stream.linear.scatter [tilespmem:s5], [sflag:$0x6], $0x2000, $0x38;
	[tilespmem:$0x1DAA0] =	vst v63  }
0xe4: {  	_ =	swait.ge [sflag:s6], $0x2000  }
0xe5: {  	[sflag:s6] =	ssyncset.done $0x0  }
0xe6: {  	s21 =	rddreg [dreg:$0x1e];
	[sflag:s6] =	ssyncadd.s32 $0xFFFFE000  }
0xe7: {  	[spmem:s21] =	stream.linear.scatter [tilespmem:s5], [sflag:$0x6], $0x2000, $0x38;
	[tilespmem:$0x1DAA0] =	vst v63  }
0xe8: {  	_ =	swait.ge [sflag:s6], $0x2000  }
0xe9: {  	[sflag:s6] =	ssyncset.done $0x0  }
0xea: {  	s23 =	rddreg [dreg:$0x1f];
	[sflag:s6] =	ssyncadd.s32 $0xFFFFE000  }
0xeb: {  	[spmem:s23] =	stream.linear.scatter [tilespmem:s5], [sflag:$0x6], $0x680, $0x38;
	[tilespmem:$0x1DAA0] =	vst v63  }
0xec: {  	_ =	swait.ge [sflag:s6], $0x680  }
0xed: {  	s3 =	sld [smem:$0x7FD]  }
0xee: {  	[sflag:s6] =	ssyncset.done $0x0  }
0xef: {  	s0 =	simm.s32 @!p0 $0x3400;
	[sflag:s6] =	ssyncadd.s32 $0xFFFFF980  }
0xf0: {  	[spmem:s3] =	stream.linear.scatter @!p0 [tilespmem:s0], [sflag:$0x6], $0x80, $0x38;
	[tilespmem:$0x1DAA0] =	vst v63  }
0xf1: {  	s0 =	simm.s32 @!p0 $0x6  }
0xf2: {  	_ =	swait.ge @!p0 [sflag:s0], $0x80  }
0xf3: {  	[sflag:s0] =	ssyncset.done @!p0 $0x0  }
0xf4: {  	[sflag:s0] =	ssyncadd.s32 @!p0 $0xFFFFFF80  }
0xf5: {  	[bflag:$0x0] =	sbarrier.arrive $0xFFFF  }
0xf6: {  	s25 =	sld [smem:$0x7F8];
	_ =	sdelay $0x1  }
0xf7: {  	s0 =	simm.s32 $0x0;
	s29 =	sld [smem:$0x7F9]  }
0xf8: {  	[tilespmem:s0], [sflag:$0x1] =	stream.linear.gather [hbm4b:s25+s0], $0x400, $0x38;
	[tilespmem:$0x1DAA0] =	vst v63  }
.Ltmp3:
0xf9: {  	s7 =	simm.s32 $0x200;
	(pc) =	sbr.rel .LBB2_4-.Ltmp3, $4  }
0xfa: {  	s21 =	simm.s32 $0x30D400;
	s23 =	simm.s32 $0x800;
	s30 =	sld [smem:$0x7FA]  }
0xfb: {  	[tilespmem:s23], [sflag:$0x3] =	stream.strided.gather [hbm4b:s29+s7], $0x1400, s21, s7, $0x38;
	[tilespmem:$0x1DAA0] =	vst v63  }
0xfc: {  	s31 =	simm.s32 $0x3000  }
0xfd: {  	[tilespmem:s31], [sflag:$0x3] =	stream.linear.gather [hbm4b:s30+s0], $0x200, $0x38;
	[tilespmem:$0x1DAA0] =	vst v63  }
.LBB2_20:
0xfe: {  	s0 =	sadd.s32 $0x1, s0  }
0xff: {  	p1 =	sne.s32 s0, $0x31  }
.Ltmp4:
0x100: {  	_ = 	snop;
	(pc) =	sbr.rel @!p1 .LBB2_21-.Ltmp4, $1  }
0x101: {  	_ =	sdelay $0x3  }
.LBB2_4:
0x102: {  	s3 =	sshll.u32 s0, $0x2  }
0x103: {  	p1 =	sge.u32 s3, s2  }
.Ltmp5:
0x104: {  	_ = 	snop;
	(pc) =	sbr.rel @p1 .LBB2_8-.Ltmp5, $1  }
0x105: {  	_ =	sdelay $0x3  }
0x106: {  	_ =	swait.ge [sflag:s10], $0x400  }
0x107: {  	[sflag:s10] =	ssyncset.done $0x0  }
0x108: {  	[sflag:s10] =	ssyncadd.s32 $0xFFFFFC00  }
0x109: {  	s21 =	sor.u32 $0x1, s3;
	_ =	swait.ge [sflag:s11], $0x1400  }
0x10a: {  	p1 =	sge.u32 s21, s2;
	[sflag:s11] =	ssyncset.done $0x0  }
0x10b: {  	s21 =	sadd.s32 @!p1 s4, s21;
	[sflag:s11] =	ssyncadd.s32 $0xFFFFEC00  }
0x10c: {  	s25 =	simm.s32 @!p1 $0x200;
	s21 =	sshll.u32 @!p1 s21, $0x6;
	_ =	swait.ge [sflag:s11], $0x200  }
0x10d: {  	s29 =	simm.s32 @!p1 $0x30D400;
	s21 =	sand.u32 @!p1 $0x1FFFFFC0, s21;
	[sflag:s11] =	ssyncset.done $0x0  }
0x10e: {  	s30 =	simm.s32 @!p1 $0x1C00;
	s23 =	sadd.s32 @!p1 s14, s21;
	[sflag:s11] =	ssyncadd.s32 $0xFFFFFE00  }
0x10f: {  	[tilespmem:s30], [sflag:$0x4] =	stream.strided.gather @!p1 [hbm4b:s23+s25], $0x1400, s29, s25, $0x38;
	[tilespmem:$0x1DAA0] =	vst v63  }
0x110: {  	s21 =	sadd.s32 @!p1 s16, s21;
	s23 =	simm.s32 @!p1 $0x0;
	s25 =	simm.s32 @!p1 $0x3200  }
0x111: {  	[tilespmem:s25], [sflag:$0x4] =	stream.linear.gather @!p1 [hbm4b:s21+s23], $0x200, $0x38;
	[tilespmem:$0x1DAA0] =	vst v63  }
0x112: {  	p1 =	seq.s32 s0, $0x0  }
0x113: {  	s21 =	simm.s32 @!p1 $0x5  }
0x114: {  	_ =	swait.ge @!p1 [sflag:s21], $0x2000  }
0x115: {  	[sflag:s21] =	ssyncset.done @!p1 $0x0  }
0x116: {  	s31 =	simm.s32 $0x0;
	[sflag:s21] =	ssyncadd.s32 @!p1 $0xFFFFE000  }
0x117: {  	v1 =	vld [tilespmem:s31+$0x3000]  }
0x118: {  	v3 =	vld [tilespmem:s31+$0x800]  }
0x119: {  	v2 =	vlaneseq.u32  }
0x11a: {  	v5 =	vshll.u32 v2, $0x4;
	_ =	sdelay $0x2  }
0x11b: {  	v3 =	vmul.f32 v3, v1;
	_ =	sdelay $0x1  }
0x11c: {  	[tilespmem:v5+s5+$0x0] =	vst.idx.msk $0xffff, v3  }
0x11d: {  	v3 =	vld [tilespmem:s31+$0xA00];
	_ =	sdelay $0x1  }
0x11e: {  	v4 =	vor.u32 $0x1, v5;
	_ =	sdelay $0x2  }
0x11f: {  	v3 =	vmul.f32 v3, v1;
	_ =	sdelay $0x1  }
0x120: {  	[tilespmem:v4+s5+$0x0] =	vst.idx.msk $0xffff, v3  }
0x121: {  	v3 =	vld [tilespmem:s31+$0xC00];
	_ =	sdelay $0x1  }
0x122: {  	v4 =	vor.u32 $0x2, v5;
	_ =	sdelay $0x2  }
0x123: {  	v3 =	vmul.f32 v3, v1;
	_ =	sdelay $0x1  }
0x124: {  	[tilespmem:v4+s5+$0x0] =	vst.idx.msk $0xffff, v3  }
0x125: {  	v3 =	vld [tilespmem:s31+$0xE00];
	_ =	sdelay $0x1  }
0x126: {  	v4 =	vor.u32 $0x3, v5;
	_ =	sdelay $0x2  }
0x127: {  	v3 =	vmul.f32 v3, v1;
	_ =	sdelay $0x1  }
0x128: {  	[tilespmem:v4+s5+$0x0] =	vst.idx.msk $0xffff, v3  }
0x129: {  	v3 =	vld [tilespmem:s31+$0x1000];
	_ =	sdelay $0x1  }
0x12a: {  	v4 =	vor.u32 $0x4, v5;
	_ =	sdelay $0x2  }
0x12b: {  	v3 =	vmul.f32 v3, v1;
	_ =	sdelay $0x1  }
0x12c: {  	[tilespmem:v4+s5+$0x0] =	vst.idx.msk $0xffff, v3  }
0x12d: {  	v3 =	vld [tilespmem:s31+$0x1200];
	_ =	sdelay $0x1  }
0x12e: {  	v4 =	vor.u32 $0x5, v5;
	_ =	sdelay $0x2  }
0x12f: {  	v3 =	vmul.f32 v3, v1;
	_ =	sdelay $0x1  }
0x130: {  	[tilespmem:v4+s5+$0x0] =	vst.idx.msk $0xffff, v3  }
0x131: {  	v3 =	vld [tilespmem:s31+$0x1400];
	_ =	sdelay $0x1  }
0x132: {  	v4 =	vor.u32 $0x6, v5;
	_ =	sdelay $0x2  }
0x133: {  	v3 =	vmul.f32 v3, v1;
	_ =	sdelay $0x1  }
0x134: {  	[tilespmem:v4+s5+$0x0] =	vst.idx.msk $0xffff, v3  }
0x135: {  	v3 =	vld [tilespmem:s31+$0x1600];
	_ =	sdelay $0x1  }
0x136: {  	v4 =	vor.u32 $0x7, v5;
	_ =	sdelay $0x2  }
0x137: {  	v3 =	vmul.f32 v3, v1;
	_ =	sdelay $0x1  }
0x138: {  	[tilespmem:v4+s5+$0x0] =	vst.idx.msk $0xffff, v3  }
0x139: {  	v3 =	vld [tilespmem:s31+$0x1800];
	_ =	sdelay $0x1  }
0x13a: {  	v4 =	vor.u32 $0x8, v5;
	_ =	sdelay $0x2  }
0x13b: {  	v3 =	vmul.f32 v3, v1;
	_ =	sdelay $0x1  }
0x13c: {  	[tilespmem:v4+s5+$0x0] =	vst.idx.msk $0xffff, v3  }
0x13d: {  	v6 =	vld [tilespmem:s31+$0x1A00];
	_ =	sdelay $0x1  }
0x13e: {  	v4 =	vor.u32 $0x9, v5  }
0x13f: {  	v3 =	vor.u32 $0xA, v5;
	_ =	sdelay $0x1  }
0x140: {  	s21 =	simm.s32 $0x40;
	v5 =	vmul.f32 v6, v1  }
.LBB2_6:
0x141: {  	_ = 	snop  }
0x142: {  	p1 =	sne.s32 s21, $0x7C0;
	v2 =	vadd.s32 $0x10, v2;
	s23 =	smov.u32 s21;
	s21 =	sadd.s32 $0x40, s21;
	[tilespmem:v4+s5+$0x0] =	vst.idx.msk $0xffff, v5  }
0x143: {  	s23 =	sshra.s32 s23, $0x2;
	[tilespmem:v3+s5+$0x0] =	vst.idx.msk $0xffff, v1  }
0x144: {  	v1 =	vld [tilespmem:s23+$0x3000]  }
0x145: {  	v3 =	vld [tilespmem:s23+$0x800]  }
0x146: {  	v5 =	vshll.u32 v2, $0x4;
	_ =	sdelay $0x3  }
0x147: {  	v3 =	vmul.f32 v3, v1;
	_ =	sdelay $0x1  }
0x148: {  	[tilespmem:v5+s5+$0x0] =	vst.idx.msk $0xffff, v3  }
0x149: {  	v3 =	vld [tilespmem:s23+$0xA00]  }
0x14a: {  	v4 =	vor.u32 $0x1, v5;
	_ =	sdelay $0x3  }
0x14b: {  	v3 =	vmul.f32 v3, v1;
	_ =	sdelay $0x1  }
0x14c: {  	[tilespmem:v4+s5+$0x0] =	vst.idx.msk $0xffff, v3  }
0x14d: {  	v3 =	vld [tilespmem:s23+$0xC00]  }
0x14e: {  	v4 =	vor.u32 $0x2, v5;
	_ =	sdelay $0x3  }
0x14f: {  	v3 =	vmul.f32 v3, v1;
	_ =	sdelay $0x1  }
0x150: {  	[tilespmem:v4+s5+$0x0] =	vst.idx.msk $0xffff, v3  }
0x151: {  	v3 =	vld [tilespmem:s23+$0xE00]  }
0x152: {  	v4 =	vor.u32 $0x3, v5;
	_ =	sdelay $0x3  }
0x153: {  	v3 =	vmul.f32 v3, v1;
	_ =	sdelay $0x1  }
0x154: {  	[tilespmem:v4+s5+$0x0] =	vst.idx.msk $0xffff, v3  }
0x155: {  	v3 =	vld [tilespmem:s23+$0x1000]  }
0x156: {  	v4 =	vor.u32 $0x4, v5;
	_ =	sdelay $0x3  }
0x157: {  	v3 =	vmul.f32 v3, v1;
	_ =	sdelay $0x1  }
0x158: {  	[tilespmem:v4+s5+$0x0] =	vst.idx.msk $0xffff, v3  }
0x159: {  	v3 =	vld [tilespmem:s23+$0x1200]  }
0x15a: {  	v4 =	vor.u32 $0x5, v5;
	_ =	sdelay $0x3  }
0x15b: {  	v3 =	vmul.f32 v3, v1;
	_ =	sdelay $0x1  }
0x15c: {  	[tilespmem:v4+s5+$0x0] =	vst.idx.msk $0xffff, v3  }
0x15d: {  	v3 =	vld [tilespmem:s23+$0x1400]  }
0x15e: {  	v4 =	vor.u32 $0x6, v5;
	_ =	sdelay $0x3  }
0x15f: {  	v3 =	vmul.f32 v3, v1;
	_ =	sdelay $0x1  }
0x160: {  	[tilespmem:v4+s5+$0x0] =	vst.idx.msk $0xffff, v3  }
0x161: {  	v3 =	vld [tilespmem:s23+$0x1600]  }
0x162: {  	v4 =	vor.u32 $0x7, v5;
	_ =	sdelay $0x3  }
0x163: {  	v3 =	vmul.f32 v3, v1;
	_ =	sdelay $0x1  }
0x164: {  	[tilespmem:v4+s5+$0x0] =	vst.idx.msk $0xffff, v3  }
0x165: {  	v3 =	vld [tilespmem:s23+$0x1800]  }
0x166: {  	v4 =	vor.u32 $0x8, v5;
	_ =	sdelay $0x3  }
0x167: {  	v3 =	vmul.f32 v3, v1;
	_ =	sdelay $0x1  }
0x168: {  	[tilespmem:v4+s5+$0x0] =	vst.idx.msk $0xffff, v3  }
0x169: {  	v6 =	vld [tilespmem:s23+$0x1A00]  }
.Ltmp6:
0x16a: {  	v4 =	vor.u32 $0x9, v5;
	(pc) =	sbr.rel @p1 .LBB2_6-.Ltmp6, $2  }
0x16b: {  	v3 =	vor.u32 $0xA, v5;
	_ =	sdelay $0x2  }
0x16c: {  	v5 =	vmul.f32 v6, v1  }
0x16d: {  	_ =	sdelay $0x3  }
0x16e: {  	[tilespmem:v4+s5+$0x0] =	vst.idx.msk $0xffff, v5  }
0x16f: {  	[tilespmem:v3+s5+$0x0] =	vst.idx.msk $0xffff, v1  }
0x170: {  	[spmem:s17] =	stream.indirect.scatter.add.f32 [tilespmem:s5], [sflag:$0x5], $0x10, s1, s12, $0xb8;
	[tilespmem:$0x1DAA0] =	vst v63  }
0x171: {  	_ = 	snop  }
0x172: {  	[spmem:s17] =	stream.indirect.scatter.add.f32 [tilespmem:s22], [sflag:$0x5], $0x10, s12, s12, $0xb8;
	[tilespmem:$0x1DAA0] =	vst v63  }
0x173: {  	s7 =	simm.s32 $0x100  }
0x174: {  	[spmem:s17] =	stream.indirect.scatter.add.f32 [tilespmem:s24], [sflag:$0x5], $0x10, s7, s12, $0xb8;
	[tilespmem:$0x1DAA0] =	vst v63  }
0x175: {  	s31 =	simm.s32 $0x180  }
0x176: {  	[spmem:s17] =	stream.indirect.scatter.add.f32 [tilespmem:s26], [sflag:$0x5], $0x10, s31, s12, $0xb8;
	[tilespmem:$0x1DAA0] =	vst v63  }
.LBB2_8:
0x177: {  	p1 =	sge.u32 s3, s13  }
.Ltmp7:
0x178: {  	_ = 	snop;
	(pc) =	sbr.rel @p1 .LBB2_12-.Ltmp7, $2  }
0x179: {  	_ =	sdelay $0x2  }
0x17a: {  	s21 =	sshll.u32 s0, $0x4  }
0x17b: {  	s23 =	sor.u32 $0x2, s3  }
0x17c: {  	p1 =	sge.u32 s23, s2  }
0x17d: {  	s25 =	simm.s32 @p1 $0x4  }
0x17e: {  	_ =	swait.ge @p1 [sflag:s25], $0x1400  }
0x17f: {  	[sflag:s25] =	ssyncset.done @p1 $0x0  }
0x180: {  	[sflag:s25] =	ssyncadd.s32 @p1 $0xFFFFEC00  }
0x181: {  	s29 =	sadd.s32 @!p1 s21, s8;
	_ =	swait.ge @p1 [sflag:s25], $0x200  }
0x182: {  	s29 =	sshll.u32 @!p1 s29, $0x4;
	[sflag:s25] =	ssyncset.done @p1 $0x0  }
0x183: {  	[sflag:s25] =	ssyncadd.s32 @p1 $0xFFFFFE00;
	s25 =	sand.u32 @!p1 $0x1FFFFF80, s29  }
0x184: {  	s30 =	simm.s32 @!p1 $0x400;
	s29 =	simm.s32 @!p1 $0x0;
	s25 =	sadd.s32 @!p1 s20, s25  }
0x185: {  	[tilespmem:s30], [sflag:$0x2] =	stream.linear.gather @!p1 [hbm4b:s25+s29], $0x400, $0x38;
	[tilespmem:$0x1DAA0] =	vst v63  }
0x186: {  	s25 =	simm.s32 @!p1 $0x4  }
0x187: {  	_ =	swait.ge @!p1 [sflag:s25], $0x1400  }
0x188: {  	[sflag:s25] =	ssyncset.done @!p1 $0x0  }
0x189: {  	s23 =	sadd.s32 @!p1 s4, s23;
	[sflag:s25] =	ssyncadd.s32 @!p1 $0xFFFFEC00  }
0x18a: {  	s31 =	simm.s32 @!p1 $0x30D400;
	s23 =	sshll.u32 @!p1 s23, $0x6;
	_ =	swait.ge @!p1 [sflag:s25], $0x200  }
0x18b: {  	s7 =	simm.s32 @!p1 $0x800;
	s23 =	sand.u32 @!p1 $0x1FFFFF80, s23;
	[sflag:s25] =	ssyncset.done @!p1 $0x0  }
0x18c: {  	s30 =	simm.s32 @!p1 $0x200;
	[sflag:s25] =	ssyncadd.s32 @!p1 $0xFFFFFE00;
	s25 =	sadd.s32 @!p1 s14, s23  }
0x18d: {  	[tilespmem:s7], [sflag:$0x3] =	stream.strided.gather @!p1 [hbm4b:s25+s30], $0x1400, s31, s30, $0x38;
	[tilespmem:$0x1DAA0] =	vst v63  }
0x18e: {  	s7 =	sadd.s32 @!p1 s16, s23;
	s23 =	simm.s32 @!p1 $0x3000  }
0x18f: {  	[tilespmem:s23], [sflag:$0x3] =	stream.linear.gather @!p1 [hbm4b:s7+s29], $0x200, $0x38;
	[tilespmem:$0x1DAA0] =	vst v63  }
0x190: {  	_ =	swait.ge [sflag:s28], $0x2000  }
0x191: {  	[sflag:s28] =	ssyncset.done $0x0  }
0x192: {  	s31 =	simm.s32 $0x0;
	[sflag:s28] =	ssyncadd.s32 $0xFFFFE000  }
0x193: {  	v1 =	vld [tilespmem:s31+$0x3200]  }
0x194: {  	v3 =	vld [tilespmem:s31+$0x1C00]  }
0x195: {  	v2 =	vlaneseq.u32  }
0x196: {  	v5 =	vshll.u32 v2, $0x4;
	_ =	sdelay $0x2  }
0x197: {  	v3 =	vmul.f32 v3, v1;
	_ =	sdelay $0x1  }
0x198: {  	[tilespmem:v5+s5+$0x0] =	vst.idx.msk $0xffff, v3  }
0x199: {  	v3 =	vld [tilespmem:s31+$0x1E00];
	_ =	sdelay $0x1  }
0x19a: {  	v4 =	vor.u32 $0x1, v5;
	_ =	sdelay $0x2  }
0x19b: {  	v3 =	vmul.f32 v3, v1;
	_ =	sdelay $0x1  }
0x19c: {  	[tilespmem:v4+s5+$0x0] =	vst.idx.msk $0xffff, v3  }
0x19d: {  	v3 =	vld [tilespmem:s31+$0x2000];
	_ =	sdelay $0x1  }
0x19e: {  	v4 =	vor.u32 $0x2, v5;
	_ =	sdelay $0x2  }
0x19f: {  	v3 =	vmul.f32 v3, v1;
	_ =	sdelay $0x1  }
0x1a0: {  	[tilespmem:v4+s5+$0x0] =	vst.idx.msk $0xffff, v3  }
0x1a1: {  	v3 =	vld [tilespmem:s31+$0x2200];
	_ =	sdelay $0x1  }
0x1a2: {  	v4 =	vor.u32 $0x3, v5;
	_ =	sdelay $0x2  }
0x1a3: {  	v3 =	vmul.f32 v3, v1;
	_ =	sdelay $0x1  }
0x1a4: {  	[tilespmem:v4+s5+$0x0] =	vst.idx.msk $0xffff, v3  }
0x1a5: {  	v3 =	vld [tilespmem:s31+$0x2400];
	_ =	sdelay $0x1  }
0x1a6: {  	v4 =	vor.u32 $0x4, v5;
	_ =	sdelay $0x2  }
0x1a7: {  	v3 =	vmul.f32 v3, v1;
	_ =	sdelay $0x1  }
0x1a8: {  	[tilespmem:v4+s5+$0x0] =	vst.idx.msk $0xffff, v3  }
0x1a9: {  	v3 =	vld [tilespmem:s31+$0x2600];
	_ =	sdelay $0x1  }
0x1aa: {  	v4 =	vor.u32 $0x5, v5;
	_ =	sdelay $0x2  }
0x1ab: {  	v3 =	vmul.f32 v3, v1;
	_ =	sdelay $0x1  }
0x1ac: {  	[tilespmem:v4+s5+$0x0] =	vst.idx.msk $0xffff, v3  }
0x1ad: {  	v3 =	vld [tilespmem:s31+$0x2800];
	_ =	sdelay $0x1  }
0x1ae: {  	v4 =	vor.u32 $0x6, v5;
	_ =	sdelay $0x2  }
0x1af: {  	v3 =	vmul.f32 v3, v1;
	_ =	sdelay $0x1  }
0x1b0: {  	[tilespmem:v4+s5+$0x0] =	vst.idx.msk $0xffff, v3  }
0x1b1: {  	v3 =	vld [tilespmem:s31+$0x2A00];
	_ =	sdelay $0x1  }
0x1b2: {  	v4 =	vor.u32 $0x7, v5;
	_ =	sdelay $0x2  }
0x1b3: {  	v3 =	vmul.f32 v3, v1;
	_ =	sdelay $0x1  }
0x1b4: {  	[tilespmem:v4+s5+$0x0] =	vst.idx.msk $0xffff, v3  }
0x1b5: {  	v3 =	vld [tilespmem:s31+$0x2C00];
	_ =	sdelay $0x1  }
0x1b6: {  	v4 =	vor.u32 $0x8, v5;
	_ =	sdelay $0x2  }
0x1b7: {  	v3 =	vmul.f32 v3, v1;
	_ =	sdelay $0x1  }
0x1b8: {  	[tilespmem:v4+s5+$0x0] =	vst.idx.msk $0xffff, v3  }
0x1b9: {  	v6 =	vld [tilespmem:s31+$0x2E00];
	_ =	sdelay $0x1  }
0x1ba: {  	v4 =	vor.u32 $0x9, v5  }
0x1bb: {  	v3 =	vor.u32 $0xA, v5;
	_ =	sdelay $0x1  }
0x1bc: {  	s23 =	simm.s32 $0x40;
	v5 =	vmul.f32 v6, v1  }
.LBB2_10:
0x1bd: {  	_ = 	snop  }
0x1be: {  	p1 =	sne.s32 s23, $0x7C0;
	v2 =	vadd.s32 $0x10, v2;
	s7 =	smov.u32 s23;
	s23 =	sadd.s32 $0x40, s23;
	[tilespmem:v4+s5+$0x0] =	vst.idx.msk $0xffff, v5  }
0x1bf: {  	s25 =	sshra.s32 s7, $0x2;
	[tilespmem:v3+s5+$0x0] =	vst.idx.msk $0xffff, v1  }
0x1c0: {  	v1 =	vld [tilespmem:s25+$0x3200]  }
0x1c1: {  	v3 =	vld [tilespmem:s25+$0x1C00]  }
0x1c2: {  	v5 =	vshll.u32 v2, $0x4;
	_ =	sdelay $0x3  }
0x1c3: {  	v3 =	vmul.f32 v3, v1;
	_ =	sdelay $0x1  }
0x1c4: {  	[tilespmem:v5+s5+$0x0] =	vst.idx.msk $0xffff, v3  }
0x1c5: {  	v3 =	vld [tilespmem:s25+$0x1E00]  }
0x1c6: {  	v4 =	vor.u32 $0x1, v5;
	_ =	sdelay $0x3  }
0x1c7: {  	v3 =	vmul.f32 v3, v1;
	_ =	sdelay $0x1  }
0x1c8: {  	[tilespmem:v4+s5+$0x0] =	vst.idx.msk $0xffff, v3  }
0x1c9: {  	v3 =	vld [tilespmem:s25+$0x2000]  }
0x1ca: {  	v4 =	vor.u32 $0x2, v5;
	_ =	sdelay $0x3  }
0x1cb: {  	v3 =	vmul.f32 v3, v1;
	_ =	sdelay $0x1  }
0x1cc: {  	[tilespmem:v4+s5+$0x0] =	vst.idx.msk $0xffff, v3  }
0x1cd: {  	v3 =	vld [tilespmem:s25+$0x2200]  }
0x1ce: {  	v4 =	vor.u32 $0x3, v5;
	_ =	sdelay $0x3  }
0x1cf: {  	v3 =	vmul.f32 v3, v1;
	_ =	sdelay $0x1  }
0x1d0: {  	[tilespmem:v4+s5+$0x0] =	vst.idx.msk $0xffff, v3  }
0x1d1: {  	v3 =	vld [tilespmem:s25+$0x2400]  }
0x1d2: {  	v4 =	vor.u32 $0x4, v5;
	_ =	sdelay $0x3  }
0x1d3: {  	v3 =	vmul.f32 v3, v1;
	_ =	sdelay $0x1  }
0x1d4: {  	[tilespmem:v4+s5+$0x0] =	vst.idx.msk $0xffff, v3  }
0x1d5: {  	v3 =	vld [tilespmem:s25+$0x2600]  }
0x1d6: {  	v4 =	vor.u32 $0x5, v5;
	_ =	sdelay $0x3  }
0x1d7: {  	v3 =	vmul.f32 v3, v1;
	_ =	sdelay $0x1  }
0x1d8: {  	[tilespmem:v4+s5+$0x0] =	vst.idx.msk $0xffff, v3  }
0x1d9: {  	v3 =	vld [tilespmem:s25+$0x2800]  }
0x1da: {  	v4 =	vor.u32 $0x6, v5;
	_ =	sdelay $0x3  }
0x1db: {  	v3 =	vmul.f32 v3, v1;
	_ =	sdelay $0x1  }
0x1dc: {  	[tilespmem:v4+s5+$0x0] =	vst.idx.msk $0xffff, v3  }
0x1dd: {  	v3 =	vld [tilespmem:s25+$0x2A00]  }
0x1de: {  	v4 =	vor.u32 $0x7, v5;
	_ =	sdelay $0x3  }
0x1df: {  	v3 =	vmul.f32 v3, v1;
	_ =	sdelay $0x1  }
0x1e0: {  	[tilespmem:v4+s5+$0x0] =	vst.idx.msk $0xffff, v3  }
0x1e1: {  	v3 =	vld [tilespmem:s25+$0x2C00]  }
0x1e2: {  	v4 =	vor.u32 $0x8, v5;
	_ =	sdelay $0x3  }
0x1e3: {  	v3 =	vmul.f32 v3, v1;
	_ =	sdelay $0x1  }
0x1e4: {  	[tilespmem:v4+s5+$0x0] =	vst.idx.msk $0xffff, v3  }
0x1e5: {  	v6 =	vld [tilespmem:s25+$0x2E00]  }
.Ltmp8:
0x1e6: {  	v4 =	vor.u32 $0x9, v5;
	(pc) =	sbr.rel @p1 .LBB2_10-.Ltmp8, $2  }
0x1e7: {  	v3 =	vor.u32 $0xA, v5;
	_ =	sdelay $0x2  }
0x1e8: {  	v5 =	vmul.f32 v6, v1  }
0x1e9: {  	_ =	sdelay $0x3  }
0x1ea: {  	[tilespmem:v4+s5+$0x0] =	vst.idx.msk $0xffff, v5  }
0x1eb: {  	s7 =	simm.s32 $0x200;
	[tilespmem:v3+s5+$0x0] =	vst.idx.msk $0xffff, v1  }
0x1ec: {  	[spmem:s17] =	stream.indirect.scatter.add.f32 [tilespmem:s5], [sflag:$0x5], $0x10, s7, s12, $0xb8;
	[tilespmem:$0x1DAA0] =	vst v63  }
0x1ed: {  	s29 =	simm.s32 $0x280  }
0x1ee: {  	[spmem:s17] =	stream.indirect.scatter.add.f32 [tilespmem:s22], [sflag:$0x5], $0x10, s29, s12, $0xb8;
	[tilespmem:$0x1DAA0] =	vst v63  }
0x1ef: {  	s30 =	simm.s32 $0x300  }
0x1f0: {  	[spmem:s17] =	stream.indirect.scatter.add.f32 [tilespmem:s24], [sflag:$0x5], $0x10, s30, s12, $0xb8;
	[tilespmem:$0x1DAA0] =	vst v63  }
0x1f1: {  	s31 =	simm.s32 $0x380  }
0x1f2: {  	[spmem:s17] =	stream.indirect.scatter.add.f32 [tilespmem:s26], [sflag:$0x5], $0x10, s31, s12, $0xb8;
	[tilespmem:$0x1DAA0] =	vst v63  }
.LBB2_12:
0x1f3: {  	p1 =	sge.u32 s3, s18  }
.Ltmp9:
0x1f4: {  	_ = 	snop;
	(pc) =	sbr.rel @p1 .LBB2_16-.Ltmp9, $1  }
0x1f5: {  	_ =	sdelay $0x3  }
0x1f6: {  	_ =	swait.ge [sflag:s15], $0x400  }
0x1f7: {  	[sflag:s15] =	ssyncset.done $0x0  }
0x1f8: {  	[sflag:s15] =	ssyncadd.s32 $0xFFFFFC00  }
0x1f9: {  	s7 =	sor.u32 $0x3, s3;
	_ =	swait.ge [sflag:s11], $0x1400  }
0x1fa: {  	p1 =	sge.u32 s7, s2;
	[sflag:s11] =	ssyncset.done $0x0  }
0x1fb: {  	s7 =	sadd.s32 @!p1 s4, s7;
	[sflag:s11] =	ssyncadd.s32 $0xFFFFEC00  }
0x1fc: {  	s25 =	simm.s32 @!p1 $0x200;
	s7 =	sshll.u32 @!p1 s7, $0x6;
	_ =	swait.ge [sflag:s11], $0x200  }
0x1fd: {  	s29 =	simm.s32 @!p1 $0x30D400;
	s7 =	sand.u32 @!p1 $0x1FFFFFC0, s7;
	[sflag:s11] =	ssyncset.done $0x0  }
0x1fe: {  	s30 =	simm.s32 @!p1 $0x1C00;
	s23 =	sadd.s32 @!p1 s14, s7;
	[sflag:s11] =	ssyncadd.s32 $0xFFFFFE00  }
0x1ff: {  	[tilespmem:s30], [sflag:$0x4] =	stream.strided.gather @!p1 [hbm4b:s23+s25], $0x1400, s29, s25, $0x38;
	[tilespmem:$0x1DAA0] =	vst v63  }
0x200: {  	s7 =	sadd.s32 @!p1 s16, s7;
	s23 =	simm.s32 @!p1 $0x0;
	s25 =	simm.s32 @!p1 $0x3200  }
0x201: {  	[tilespmem:s25], [sflag:$0x4] =	stream.linear.gather @!p1 [hbm4b:s7+s23], $0x200, $0x38;
	[tilespmem:$0x1DAA0] =	vst v63  }
0x202: {  	_ =	swait.ge [sflag:s28], $0x2000  }
0x203: {  	[sflag:s28] =	ssyncset.done $0x0  }
0x204: {  	s31 =	simm.s32 $0x0;
	[sflag:s28] =	ssyncadd.s32 $0xFFFFE000  }
0x205: {  	v1 =	vld [tilespmem:s31+$0x3000]  }
0x206: {  	v3 =	vld [tilespmem:s31+$0x800]  }
0x207: {  	v2 =	vlaneseq.u32  }
0x208: {  	v5 =	vshll.u32 v2, $0x4;
	_ =	sdelay $0x2  }
0x209: {  	v3 =	vmul.f32 v3, v1;
	_ =	sdelay $0x1  }
0x20a: {  	[tilespmem:v5+s5+$0x0] =	vst.idx.msk $0xffff, v3  }
0x20b: {  	v3 =	vld [tilespmem:s31+$0xA00];
	_ =	sdelay $0x1  }
0x20c: {  	v4 =	vor.u32 $0x1, v5;
	_ =	sdelay $0x2  }
0x20d: {  	v3 =	vmul.f32 v3, v1;
	_ =	sdelay $0x1  }
0x20e: {  	[tilespmem:v4+s5+$0x0] =	vst.idx.msk $0xffff, v3  }
0x20f: {  	v3 =	vld [tilespmem:s31+$0xC00];
	_ =	sdelay $0x1  }
0x210: {  	v4 =	vor.u32 $0x2, v5;
	_ =	sdelay $0x2  }
0x211: {  	v3 =	vmul.f32 v3, v1;
	_ =	sdelay $0x1  }
0x212: {  	[tilespmem:v4+s5+$0x0] =	vst.idx.msk $0xffff, v3  }
0x213: {  	v3 =	vld [tilespmem:s31+$0xE00];
	_ =	sdelay $0x1  }
0x214: {  	v4 =	vor.u32 $0x3, v5;
	_ =	sdelay $0x2  }
0x215: {  	v3 =	vmul.f32 v3, v1;
	_ =	sdelay $0x1  }
0x216: {  	[tilespmem:v4+s5+$0x0] =	vst.idx.msk $0xffff, v3  }
0x217: {  	v3 =	vld [tilespmem:s31+$0x1000];
	_ =	sdelay $0x1  }
0x218: {  	v4 =	vor.u32 $0x4, v5;
	_ =	sdelay $0x2  }
0x219: {  	v3 =	vmul.f32 v3, v1;
	_ =	sdelay $0x1  }
0x21a: {  	[tilespmem:v4+s5+$0x0] =	vst.idx.msk $0xffff, v3  }
0x21b: {  	v3 =	vld [tilespmem:s31+$0x1200];
	_ =	sdelay $0x1  }
0x21c: {  	v4 =	vor.u32 $0x5, v5;
	_ =	sdelay $0x2  }
0x21d: {  	v3 =	vmul.f32 v3, v1;
	_ =	sdelay $0x1  }
0x21e: {  	[tilespmem:v4+s5+$0x0] =	vst.idx.msk $0xffff, v3  }
0x21f: {  	v3 =	vld [tilespmem:s31+$0x1400];
	_ =	sdelay $0x1  }
0x220: {  	v4 =	vor.u32 $0x6, v5;
	_ =	sdelay $0x2  }
0x221: {  	v3 =	vmul.f32 v3, v1;
	_ =	sdelay $0x1  }
0x222: {  	[tilespmem:v4+s5+$0x0] =	vst.idx.msk $0xffff, v3  }
0x223: {  	v3 =	vld [tilespmem:s31+$0x1600];
	_ =	sdelay $0x1  }
0x224: {  	v4 =	vor.u32 $0x7, v5;
	_ =	sdelay $0x2  }
0x225: {  	v3 =	vmul.f32 v3, v1;
	_ =	sdelay $0x1  }
0x226: {  	[tilespmem:v4+s5+$0x0] =	vst.idx.msk $0xffff, v3  }
0x227: {  	v3 =	vld [tilespmem:s31+$0x1800];
	_ =	sdelay $0x1  }
0x228: {  	v4 =	vor.u32 $0x8, v5;
	_ =	sdelay $0x2  }
0x229: {  	v3 =	vmul.f32 v3, v1;
	_ =	sdelay $0x1  }
0x22a: {  	[tilespmem:v4+s5+$0x0] =	vst.idx.msk $0xffff, v3  }
0x22b: {  	v6 =	vld [tilespmem:s31+$0x1A00];
	_ =	sdelay $0x1  }
0x22c: {  	v4 =	vor.u32 $0x9, v5  }
0x22d: {  	v3 =	vor.u32 $0xA, v5;
	_ =	sdelay $0x1  }
0x22e: {  	s23 =	simm.s32 $0x40;
	v5 =	vmul.f32 v6, v1  }
.LBB2_14:
0x22f: {  	_ = 	snop  }
0x230: {  	p1 =	sne.s32 s23, $0x7C0;
	v2 =	vadd.s32 $0x10, v2;
	s7 =	smov.u32 s23;
	s23 =	sadd.s32 $0x40, s23;
	[tilespmem:v4+s5+$0x0] =	vst.idx.msk $0xffff, v5  }
0x231: {  	s25 =	sshra.s32 s7, $0x2;
	[tilespmem:v3+s5+$0x0] =	vst.idx.msk $0xffff, v1  }
0x232: {  	v1 =	vld [tilespmem:s25+$0x3000]  }
0x233: {  	v3 =	vld [tilespmem:s25+$0x800]  }
0x234: {  	v5 =	vshll.u32 v2, $0x4;
	_ =	sdelay $0x3  }
0x235: {  	v3 =	vmul.f32 v3, v1;
	_ =	sdelay $0x1  }
0x236: {  	[tilespmem:v5+s5+$0x0] =	vst.idx.msk $0xffff, v3  }
0x237: {  	v3 =	vld [tilespmem:s25+$0xA00]  }
0x238: {  	v4 =	vor.u32 $0x1, v5;
	_ =	sdelay $0x3  }
0x239: {  	v3 =	vmul.f32 v3, v1;
	_ =	sdelay $0x1  }
0x23a: {  	[tilespmem:v4+s5+$0x0] =	vst.idx.msk $0xffff, v3  }
0x23b: {  	v3 =	vld [tilespmem:s25+$0xC00]  }
0x23c: {  	v4 =	vor.u32 $0x2, v5;
	_ =	sdelay $0x3  }
0x23d: {  	v3 =	vmul.f32 v3, v1;
	_ =	sdelay $0x1  }
0x23e: {  	[tilespmem:v4+s5+$0x0] =	vst.idx.msk $0xffff, v3  }
0x23f: {  	v3 =	vld [tilespmem:s25+$0xE00]  }
0x240: {  	v4 =	vor.u32 $0x3, v5;
	_ =	sdelay $0x3  }
0x241: {  	v3 =	vmul.f32 v3, v1;
	_ =	sdelay $0x1  }
0x242: {  	[tilespmem:v4+s5+$0x0] =	vst.idx.msk $0xffff, v3  }
0x243: {  	v3 =	vld [tilespmem:s25+$0x1000]  }
0x244: {  	v4 =	vor.u32 $0x4, v5;
	_ =	sdelay $0x3  }
0x245: {  	v3 =	vmul.f32 v3, v1;
	_ =	sdelay $0x1  }
0x246: {  	[tilespmem:v4+s5+$0x0] =	vst.idx.msk $0xffff, v3  }
0x247: {  	v3 =	vld [tilespmem:s25+$0x1200]  }
0x248: {  	v4 =	vor.u32 $0x5, v5;
	_ =	sdelay $0x3  }
0x249: {  	v3 =	vmul.f32 v3, v1;
	_ =	sdelay $0x1  }
0x24a: {  	[tilespmem:v4+s5+$0x0] =	vst.idx.msk $0xffff, v3  }
0x24b: {  	v3 =	vld [tilespmem:s25+$0x1400]  }
0x24c: {  	v4 =	vor.u32 $0x6, v5;
	_ =	sdelay $0x3  }
0x24d: {  	v3 =	vmul.f32 v3, v1;
	_ =	sdelay $0x1  }
0x24e: {  	[tilespmem:v4+s5+$0x0] =	vst.idx.msk $0xffff, v3  }
0x24f: {  	v3 =	vld [tilespmem:s25+$0x1600]  }
0x250: {  	v4 =	vor.u32 $0x7, v5;
	_ =	sdelay $0x3  }
0x251: {  	v3 =	vmul.f32 v3, v1;
	_ =	sdelay $0x1  }
0x252: {  	[tilespmem:v4+s5+$0x0] =	vst.idx.msk $0xffff, v3  }
0x253: {  	v3 =	vld [tilespmem:s25+$0x1800]  }
0x254: {  	v4 =	vor.u32 $0x8, v5;
	_ =	sdelay $0x3  }
0x255: {  	v3 =	vmul.f32 v3, v1;
	_ =	sdelay $0x1  }
0x256: {  	[tilespmem:v4+s5+$0x0] =	vst.idx.msk $0xffff, v3  }
0x257: {  	v6 =	vld [tilespmem:s25+$0x1A00]  }
.Ltmp10:
0x258: {  	v4 =	vor.u32 $0x9, v5;
	(pc) =	sbr.rel @p1 .LBB2_14-.Ltmp10, $2  }
0x259: {  	v3 =	vor.u32 $0xA, v5;
	_ =	sdelay $0x2  }
0x25a: {  	v5 =	vmul.f32 v6, v1  }
0x25b: {  	_ =	sdelay $0x3  }
0x25c: {  	[tilespmem:v4+s5+$0x0] =	vst.idx.msk $0xffff, v5  }
0x25d: {  	s7 =	simm.s32 $0x400;
	[tilespmem:v3+s5+$0x0] =	vst.idx.msk $0xffff, v1  }
0x25e: {  	[spmem:s17] =	stream.indirect.scatter.add.f32 [tilespmem:s5], [sflag:$0x5], $0x10, s7, s12, $0xb8;
	[tilespmem:$0x1DAA0] =	vst v63  }
0x25f: {  	s29 =	simm.s32 $0x480  }
0x260: {  	[spmem:s17] =	stream.indirect.scatter.add.f32 [tilespmem:s22], [sflag:$0x5], $0x10, s29, s12, $0xb8;
	[tilespmem:$0x1DAA0] =	vst v63  }
0x261: {  	s30 =	simm.s32 $0x500  }
0x262: {  	[spmem:s17] =	stream.indirect.scatter.add.f32 [tilespmem:s24], [sflag:$0x5], $0x10, s30, s12, $0xb8;
	[tilespmem:$0x1DAA0] =	vst v63  }
0x263: {  	s31 =	simm.s32 $0x580  }
0x264: {  	[spmem:s17] =	stream.indirect.scatter.add.f32 [tilespmem:s26], [sflag:$0x5], $0x10, s31, s12, $0xb8;
	[tilespmem:$0x1DAA0] =	vst v63  }
.LBB2_16:
0x265: {  	p1 =	sge.u32 s3, s19  }
.Ltmp11:
0x266: {  	_ = 	snop;
	(pc) =	sbr.rel @p1 .LBB2_20-.Ltmp11, $1  }
0x267: {  	_ =	sdelay $0x3  }
0x268: {  	s3 =	sadd.s32 $0x4, s3  }
0x269: {  	p1 =	sge.u32 s3, s2  }
0x26a: {  	s7 =	simm.s32 @p1 $0x4  }
0x26b: {  	_ =	swait.ge @p1 [sflag:s7], $0x1400  }
0x26c: {  	[sflag:s7] =	ssyncset.done @p1 $0x0  }
0x26d: {  	s21 =	sadd.s32 @!p1 s21, s9;
	[sflag:s7] =	ssyncadd.s32 @p1 $0xFFFFEC00  }
0x26e: {  	s21 =	sshll.u32 @!p1 s21, $0x4;
	_ =	swait.ge @p1 [sflag:s7], $0x200  }
0x26f: {  	s21 =	sand.u32 @!p1 $0x1FFFFF80, s21;
	[sflag:s7] =	ssyncset.done @p1 $0x0  }
0x270: {  	[sflag:s7] =	ssyncadd.s32 @p1 $0xFFFFFE00;
	s7 =	sadd.s32 @!p1 s20, s21;
	s21 =	simm.s32 @!p1 $0x0  }
0x271: {  	[tilespmem:s21], [sflag:$0x1] =	stream.linear.gather @!p1 [hbm4b:s7+s21], $0x400, $0x38;
	[tilespmem:$0x1DAA0] =	vst v63  }
0x272: {  	s7 =	simm.s32 @!p1 $0x4  }
0x273: {  	_ =	swait.ge @!p1 [sflag:s7], $0x1400  }
0x274: {  	[sflag:s7] =	ssyncset.done @!p1 $0x0  }
0x275: {  	s3 =	sadd.s32 @!p1 s4, s3;
	[sflag:s7] =	ssyncadd.s32 @!p1 $0xFFFFEC00  }
0x276: {  	s23 =	simm.s32 @!p1 $0x200;
	s3 =	sshll.u32 @!p1 s3, $0x6;
	_ =	swait.ge @!p1 [sflag:s7], $0x200  }
0x277: {  	s25 =	simm.s32 @!p1 $0x30D400;
	s3 =	sand.u32 @!p1 $0x1FFFFF80, s3;
	[sflag:s7] =	ssyncset.done @!p1 $0x0  }
0x278: {  	s29 =	simm.s32 @!p1 $0x800;
	[sflag:s7] =	ssyncadd.s32 @!p1 $0xFFFFFE00;
	s7 =	sadd.s32 @!p1 s14, s3  }
0x279: {  	[tilespmem:s29], [sflag:$0x3] =	stream.strided.gather @!p1 [hbm4b:s7+s23], $0x1400, s25, s23, $0x38;
	[tilespmem:$0x1DAA0] =	vst v63  }
0x27a: {  	s3 =	sadd.s32 @!p1 s16, s3;
	s7 =	simm.s32 @!p1 $0x3000  }
0x27b: {  	[tilespmem:s7], [sflag:$0x3] =	stream.linear.gather @!p1 [hbm4b:s3+s21], $0x200, $0x38;
	[tilespmem:$0x1DAA0] =	vst v63  }
0x27c: {  	_ =	swait.ge [sflag:s28], $0x2000  }
0x27d: {  	[sflag:s28] =	ssyncset.done $0x0  }
0x27e: {  	s31 =	simm.s32 $0x0;
	[sflag:s28] =	ssyncadd.s32 $0xFFFFE000  }
0x27f: {  	v1 =	vld [tilespmem:s31+$0x3200]  }
0x280: {  	v3 =	vld [tilespmem:s31+$0x1C00]  }
0x281: {  	v2 =	vlaneseq.u32  }
0x282: {  	v5 =	vshll.u32 v2, $0x4;
	_ =	sdelay $0x2  }
0x283: {  	v3 =	vmul.f32 v3, v1;
	_ =	sdelay $0x1  }
0x284: {  	[tilespmem:v5+s5+$0x0] =	vst.idx.msk $0xffff, v3  }
0x285: {  	v3 =	vld [tilespmem:s31+$0x1E00];
	_ =	sdelay $0x1  }
0x286: {  	v4 =	vor.u32 $0x1, v5;
	_ =	sdelay $0x2  }
0x287: {  	v3 =	vmul.f32 v3, v1;
	_ =	sdelay $0x1  }
0x288: {  	[tilespmem:v4+s5+$0x0] =	vst.idx.msk $0xffff, v3  }
0x289: {  	v3 =	vld [tilespmem:s31+$0x2000];
	_ =	sdelay $0x1  }
0x28a: {  	v4 =	vor.u32 $0x2, v5;
	_ =	sdelay $0x2  }
0x28b: {  	v3 =	vmul.f32 v3, v1;
	_ =	sdelay $0x1  }
0x28c: {  	[tilespmem:v4+s5+$0x0] =	vst.idx.msk $0xffff, v3  }
0x28d: {  	v3 =	vld [tilespmem:s31+$0x2200];
	_ =	sdelay $0x1  }
0x28e: {  	v4 =	vor.u32 $0x3, v5;
	_ =	sdelay $0x2  }
0x28f: {  	v3 =	vmul.f32 v3, v1;
	_ =	sdelay $0x1  }
0x290: {  	[tilespmem:v4+s5+$0x0] =	vst.idx.msk $0xffff, v3  }
0x291: {  	v3 =	vld [tilespmem:s31+$0x2400];
	_ =	sdelay $0x1  }
0x292: {  	v4 =	vor.u32 $0x4, v5;
	_ =	sdelay $0x2  }
0x293: {  	v3 =	vmul.f32 v3, v1;
	_ =	sdelay $0x1  }
0x294: {  	[tilespmem:v4+s5+$0x0] =	vst.idx.msk $0xffff, v3  }
0x295: {  	v3 =	vld [tilespmem:s31+$0x2600];
	_ =	sdelay $0x1  }
0x296: {  	v4 =	vor.u32 $0x5, v5;
	_ =	sdelay $0x2  }
0x297: {  	v3 =	vmul.f32 v3, v1;
	_ =	sdelay $0x1  }
0x298: {  	[tilespmem:v4+s5+$0x0] =	vst.idx.msk $0xffff, v3  }
0x299: {  	v3 =	vld [tilespmem:s31+$0x2800];
	_ =	sdelay $0x1  }
0x29a: {  	v4 =	vor.u32 $0x6, v5;
	_ =	sdelay $0x2  }
0x29b: {  	v3 =	vmul.f32 v3, v1;
	_ =	sdelay $0x1  }
0x29c: {  	[tilespmem:v4+s5+$0x0] =	vst.idx.msk $0xffff, v3  }
0x29d: {  	v3 =	vld [tilespmem:s31+$0x2A00];
	_ =	sdelay $0x1  }
0x29e: {  	v4 =	vor.u32 $0x7, v5;
	_ =	sdelay $0x2  }
0x29f: {  	v3 =	vmul.f32 v3, v1;
	_ =	sdelay $0x1  }
0x2a0: {  	[tilespmem:v4+s5+$0x0] =	vst.idx.msk $0xffff, v3  }
0x2a1: {  	v3 =	vld [tilespmem:s31+$0x2C00];
	_ =	sdelay $0x1  }
0x2a2: {  	v4 =	vor.u32 $0x8, v5;
	_ =	sdelay $0x2  }
0x2a3: {  	v3 =	vmul.f32 v3, v1;
	_ =	sdelay $0x1  }
0x2a4: {  	[tilespmem:v4+s5+$0x0] =	vst.idx.msk $0xffff, v3  }
0x2a5: {  	v6 =	vld [tilespmem:s31+$0x2E00];
	_ =	sdelay $0x1  }
0x2a6: {  	v4 =	vor.u32 $0x9, v5  }
0x2a7: {  	v3 =	vor.u32 $0xA, v5;
	_ =	sdelay $0x1  }
0x2a8: {  	s3 =	simm.s32 $0x40;
	v5 =	vmul.f32 v6, v1  }
.LBB2_18:
0x2a9: {  	_ = 	snop  }
0x2aa: {  	p1 =	sne.s32 s3, $0x7C0;
	v2 =	vadd.s32 $0x10, v2;
	s7 =	smov.u32 s3;
	s3 =	sadd.s32 $0x40, s3;
	[tilespmem:v4+s5+$0x0] =	vst.idx.msk $0xffff, v5  }
0x2ab: {  	s21 =	sshra.s32 s7, $0x2;
	[tilespmem:v3+s5+$0x0] =	vst.idx.msk $0xffff, v1  }
0x2ac: {  	v1 =	vld [tilespmem:s21+$0x3200]  }
0x2ad: {  	v3 =	vld [tilespmem:s21+$0x1C00]  }
0x2ae: {  	v5 =	vshll.u32 v2, $0x4;
	_ =	sdelay $0x3  }
0x2af: {  	v3 =	vmul.f32 v3, v1;
	_ =	sdelay $0x1  }
0x2b0: {  	[tilespmem:v5+s5+$0x0] =	vst.idx.msk $0xffff, v3  }
0x2b1: {  	v3 =	vld [tilespmem:s21+$0x1E00]  }
0x2b2: {  	v4 =	vor.u32 $0x1, v5;
	_ =	sdelay $0x3  }
0x2b3: {  	v3 =	vmul.f32 v3, v1;
	_ =	sdelay $0x1  }
0x2b4: {  	[tilespmem:v4+s5+$0x0] =	vst.idx.msk $0xffff, v3  }
0x2b5: {  	v3 =	vld [tilespmem:s21+$0x2000]  }
0x2b6: {  	v4 =	vor.u32 $0x2, v5;
	_ =	sdelay $0x3  }
0x2b7: {  	v3 =	vmul.f32 v3, v1;
	_ =	sdelay $0x1  }
0x2b8: {  	[tilespmem:v4+s5+$0x0] =	vst.idx.msk $0xffff, v3  }
0x2b9: {  	v3 =	vld [tilespmem:s21+$0x2200]  }
0x2ba: {  	v4 =	vor.u32 $0x3, v5;
	_ =	sdelay $0x3  }
0x2bb: {  	v3 =	vmul.f32 v3, v1;
	_ =	sdelay $0x1  }
0x2bc: {  	[tilespmem:v4+s5+$0x0] =	vst.idx.msk $0xffff, v3  }
0x2bd: {  	v3 =	vld [tilespmem:s21+$0x2400]  }
0x2be: {  	v4 =	vor.u32 $0x4, v5;
	_ =	sdelay $0x3  }
0x2bf: {  	v3 =	vmul.f32 v3, v1;
	_ =	sdelay $0x1  }
0x2c0: {  	[tilespmem:v4+s5+$0x0] =	vst.idx.msk $0xffff, v3  }
0x2c1: {  	v3 =	vld [tilespmem:s21+$0x2600]  }
0x2c2: {  	v4 =	vor.u32 $0x5, v5;
	_ =	sdelay $0x3  }
0x2c3: {  	v3 =	vmul.f32 v3, v1;
	_ =	sdelay $0x1  }
0x2c4: {  	[tilespmem:v4+s5+$0x0] =	vst.idx.msk $0xffff, v3  }
0x2c5: {  	v3 =	vld [tilespmem:s21+$0x2800]  }
0x2c6: {  	v4 =	vor.u32 $0x6, v5;
	_ =	sdelay $0x3  }
0x2c7: {  	v3 =	vmul.f32 v3, v1;
	_ =	sdelay $0x1  }
0x2c8: {  	[tilespmem:v4+s5+$0x0] =	vst.idx.msk $0xffff, v3  }
0x2c9: {  	v3 =	vld [tilespmem:s21+$0x2A00]  }
0x2ca: {  	v4 =	vor.u32 $0x7, v5;
	_ =	sdelay $0x3  }
0x2cb: {  	v3 =	vmul.f32 v3, v1;
	_ =	sdelay $0x1  }
0x2cc: {  	[tilespmem:v4+s5+$0x0] =	vst.idx.msk $0xffff, v3  }
0x2cd: {  	v3 =	vld [tilespmem:s21+$0x2C00]  }
0x2ce: {  	v4 =	vor.u32 $0x8, v5;
	_ =	sdelay $0x3  }
0x2cf: {  	v3 =	vmul.f32 v3, v1;
	_ =	sdelay $0x1  }
0x2d0: {  	[tilespmem:v4+s5+$0x0] =	vst.idx.msk $0xffff, v3  }
0x2d1: {  	v6 =	vld [tilespmem:s21+$0x2E00]  }
.Ltmp12:
0x2d2: {  	v4 =	vor.u32 $0x9, v5;
	(pc) =	sbr.rel @p1 .LBB2_18-.Ltmp12, $2  }
0x2d3: {  	v3 =	vor.u32 $0xA, v5;
	_ =	sdelay $0x2  }
0x2d4: {  	v5 =	vmul.f32 v6, v1  }
0x2d5: {  	_ =	sdelay $0x3  }
0x2d6: {  	[tilespmem:v4+s5+$0x0] =	vst.idx.msk $0xffff, v5  }
0x2d7: {  	s3 =	simm.s32 $0x600;
	[tilespmem:v3+s5+$0x0] =	vst.idx.msk $0xffff, v1  }
0x2d8: {  	[spmem:s17] =	stream.indirect.scatter.add.f32 [tilespmem:s5], [sflag:$0x5], $0x10, s3, s12, $0xb8;
	[tilespmem:$0x1DAA0] =	vst v63  }
0x2d9: {  	s29 =	simm.s32 $0x680  }
0x2da: {  	[spmem:s17] =	stream.indirect.scatter.add.f32 [tilespmem:s22], [sflag:$0x5], $0x10, s29, s12, $0xb8;
	[tilespmem:$0x1DAA0] =	vst v63  }
.Ltmp13:
0x2db: {  	_ = 	snop;
	(pc) =	sbr.rel .LBB2_20-.Ltmp13, $4  }
0x2dc: {  	s30 =	simm.s32 $0x700  }
0x2dd: {  	[spmem:s17] =	stream.indirect.scatter.add.f32 [tilespmem:s24], [sflag:$0x5], $0x10, s30, s12, $0xb8;
	[tilespmem:$0x1DAA0] =	vst v63  }
0x2de: {  	s31 =	simm.s32 $0x780  }
0x2df: {  	[spmem:s17] =	stream.indirect.scatter.add.f32 [tilespmem:s26], [sflag:$0x5], $0x10, s31, s12, $0xb8;
	[tilespmem:$0x1DAA0] =	vst v63  }
.LBB2_22:
0x2e0: {  	_ =	sfence.sel $0x180000  }
0x2e1: {  	[bflag:$0x0] =	sbarrier.arrive $0xFFFF  }
0x2e2: {  	_ =	strace $0x90000047  }
0x2e3: {  	s0 =	stileid.u32;
	[bflag:$0x2] =	sbarrier.arrive $0xFFFF  }
0x2e4: {  	p0 =	sne.s32 s0, $0x0;
	s0 =	rddreg [dreg:$0x4]  }
0x2e5: {  	s0 =	sadd.s32 @!p0 $0x100000, s0  }
0x2e6: {  	[sflag:s0] =	ssyncadd.tile.s32 @!p0 $0x1;
	_ =	shalt  }
.Lfunc_end2:
_tile_overlayer_lowered:
.L_overlay_start_2:
0x2e7: {  	(tag) =	ssettag $0x2  }
0x2e8: {  	s0 =	rddreg [dreg:$0x0];
	s2 =	stileid.u32  }
0x2e9: {  	s1 =	rddreg [dreg:$0x1];
	p0 =	sne.s32 s2, $0x0  }
0x2ea: {  	s3 =	rddreg [dreg:$0x2];
	[bflag:$0x3] =	sbarrier.arrive $0xFFFF;
	s2 =	simm.s32 @!p0 $0x1C06  }
0x2eb: {  	[timem:s3], [sflag:s2] =	dma.local @!p0 [hbm:s0], s1  }
0x2ec: {  	s0 =	simm.s32 @!p0 $0x6  }
0x2ed: {  	_ =	swait.ge @!p0 [sflag:s0], s1  }
0x2ee: {  	s1 =	ssub.s32 @!p0 $0x0, s1;
	[sflag:s0] =	ssyncset.done @!p0 $0x0  }
0x2ef: {  	[sflag:s0] =	ssyncadd.s32 @!p0 s1  }
0x2f0: {  	[bflag:$0x3] =	sbarrier.arrive $0xFFFF  }
0x2f1: {  	_ =	shalt  }

// kernel: kernel.7.cloned.1.call-start
scs
__scs_entry_jumppad:
0x0: {  	(pc) =	sbr.rel $0x88, $3  }
0x1: {  	(tag) =	ssettag $0x0;
	lr =	simm.s32 $0x1  }
0x2: {  	[smem:$0x3F9E] =	sst lr;
	_ =	strace $0xD0000000  }
0x3: {  	_ = 	snop  }
0x4: {  	_ = 	snop  }
0x5: {  	_ = 	snop  }
0x6: {  	_ = 	snop  }
0x7: {  	_ = 	snop  }
__scs_overlays_trampoline_lowered:
0x8: {  	[smem:$0x3FAD] =	sst s0  }
0x9: {  	[smem:$0x3FAE] =	sst s1  }
0xa: {  	[smem:$0x3FAF] =	sst s2  }
0xb: {  	[smem:$0x3FB0] =	sst s3  }
0xc: {  	[smem:$0x3FB1] =	sst s4  }
0xd: {  	[smem:$0x3FB2] =	sst s5  }
0xe: {  	[smem:$0x3FB3] =	sst s6  }
0xf: {  	[smem:$0x3FB4] =	sst s7  }
0x10: {  	[smem:$0x3FB5] =	sst s8  }
0x11: {  	[smem:$0x3FB6] =	sst s9;
	s0 =	simm.s32 @!p0 $0x0  }
0x12: {  	s1 =	sld [smem:$0x3F9C];
	s0 =	simm.s32 @p0 $0x1  }
0x13: {  	[smem:$0x3FB7] =	sst s0;
	s0 =	simm.s32 @!p1 $0x0  }
0x14: {  	s2 =	sld [smem:$0x3F9B];
	s0 =	simm.s32 @p1 $0x1  }
0x15: {  	[smem:$0x3FB8] =	sst s0;
	s0 =	simm.s32 @!p2 $0x0  }
0x16: {  	s3 =	sld [smem:$0x3FDB];
	s0 =	simm.s32 @p2 $0x1  }
0x17: {  	s4 =	simm.s32 $0x1BF5;
	[smem:$0x3FBA] =	sst s0  }
0x18: {  	s0 =	sld [smem:$0x3F9D];
	_ =	swait.ge [sflag:s4], $0x0  }
0x19: {  	s7 =	sld [smem:$0x3F9E]  }
0x1a: {  	s8 =	sadd.s32 $0xFFFFE003, lr  }
0x1b: {  	s9 =	sadd.s32 $0xFFFFFEF7, lr;
	s5 =	simm.s32 $0xFFFFFFFF;
	p2 =	slt.u32 s8, $0xFFFFF086  }
0x1c: {  	p1 =	slt.u32 s9, $0xF7A;
	s5 =	simm.s32 @!p2 $0x0  }
0x1d: {  	s5 =	simm.s32 @p1 $0x1;
	p0 =	seq.s32 s7, s2  }
0x1e: {  	s7 =	smul.u32 @!p0 $0xF7A, s2;
	p2 =	seq.s32 @!p0 s5, $0x0  }
0x1f: {  	s9 =	smul.u32 $0xF7A, s1;
	s8 =	simm.s32 @!p0 $0x1BF5;
	p2 =	por !p2, p0  }
0x20: {  	[sflag:s8] =	ssyncset.s32 @!p0 $0xFFFFF086;
	s6 =	sadd.s32 @!p0 s3, s7;
	s7 =	simm.s32 @!p0 $0x108  }
0x21: {  	s3 =	sadd.s32 s3, s9;
	s6 =	sadd.s32 @!p0 $0x88, s6;
	s7 =	simm.s32 @p2 $0x1082  }
0x22: {  	[simem:s7], [sflag:s8] =	dma.local @!p0 [hbm:s6], $0xF7A  }
0x23: {  	s9 =	sor.u32 $0xD0000000, s2;
	s6 =	simm.s32 $0x108;
	_ =	swait.ge @!p0 [sflag:s8], $0x0  }
0x24: {  	s3 =	sadd.s32 $0x88, s3;
	s6 =	simm.s32 @!p1 $0x1082;
	[sflag:s4] =	ssyncset.s32 $0xFFFFF086  }
0x25: {  	[simem:s6], [sflag:s4] =	dma.local [hbm:s3], $0xF7A  }
0x26: {  	[smem:$0x3F9E] =	sst s1;
	(tag) =	ssettag s2;
	_ =	strace s9  }
0x27: {  	s1 =	sld [smem:$0x3FAE]  }
0x28: {  	s2 =	sld [smem:$0x3FAF]  }
0x29: {  	s4 =	sld [smem:$0x3FB1]  }
0x2a: {  	p0 =	seq.s32 s5, $0x0;
	s5 =	sld [smem:$0x3FB2]  }
0x2b: {  	s6 =	sld [smem:$0x3FB3]  }
0x2c: {  	s7 =	sld [smem:$0x3FB4]  }
0x2d: {  	s3 =	simm.s32 $0x108;
	s8 =	sld [smem:$0x3FB5]  }
0x2e: {  	s3 =	simm.s32 @!p0 $0x1082;
	s9 =	sld [smem:$0x3FB6]  }
0x2f: {  	lr =	sadd.s32 s0, s3;
	s0 =	sld [smem:$0x3FAD]  }
0x30: {  	s3 =	sld [smem:$0x3FB0]  }
0x31: {  	[smem:$0x3FB9] =	sst s10  }
0x32: {  	s10 =	sld [smem:$0x3FB7];
	_ =	sdelay $0x3  }
0x33: {  	p0 =	seq.s32 s10, $0x1;
	s10 =	sld [smem:$0x3FB9];
	_ =	sdelay $0x3  }
0x34: {  	[smem:$0x3FB9] =	sst s10  }
0x35: {  	s10 =	sld [smem:$0x3FB8];
	_ =	sdelay $0x3  }
0x36: {  	p1 =	seq.s32 s10, $0x1;
	s10 =	sld [smem:$0x3FB9];
	_ =	sdelay $0x3  }
0x37: {  	[smem:$0x3FB9] =	sst s10  }
0x38: {  	s10 =	sld [smem:$0x3FBA]  }
0x39: {  	_ = 	snop;
	(pc) =	sbr.ind lr, $3  }
0x3a: {  	_ = 	snop  }
0x3b: {  	_ = 	snop  }
0x3c: {  	p2 =	seq.s32 s10, $0x1;
	s10 =	sld [smem:$0x3FB9]  }
0x3d: {  	_ =	shalt  }
0x3e: {  	_ =	shalt  }
0x3f: {  	_ =	shalt  }
0x40: {  	_ =	shalt  }
0x41: {  	_ =	shalt  }
0x42: {  	_ =	shalt  }
0x43: {  	_ =	shalt  }
0x44: {  	_ =	shalt  }
0x45: {  	_ =	shalt  }
0x46: {  	_ =	shalt  }
0x47: {  	_ =	shalt  }
0x48: {  	_ =	shalt  }
0x49: {  	_ =	shalt  }
0x4a: {  	_ =	shalt  }
0x4b: {  	_ =	shalt  }
0x4c: {  	_ =	shalt  }
0x4d: {  	_ =	shalt  }
0x4e: {  	_ =	shalt  }
0x4f: {  	_ =	shalt  }
0x50: {  	_ =	shalt  }
0x51: {  	_ =	shalt  }
0x52: {  	_ =	shalt  }
0x53: {  	_ =	shalt  }
0x54: {  	_ =	shalt  }
0x55: {  	_ =	shalt  }
0x56: {  	_ =	shalt  }
0x57: {  	_ =	shalt  }
0x58: {  	_ =	shalt  }
0x59: {  	_ =	shalt  }
0x5a: {  	_ =	shalt  }
0x5b: {  	_ =	shalt  }
0x5c: {  	_ =	shalt  }
0x5d: {  	_ =	shalt  }
0x5e: {  	_ =	shalt  }
0x5f: {  	_ =	shalt  }
0x60: {  	_ =	shalt  }
0x61: {  	_ =	shalt  }
0x62: {  	_ =	shalt  }
0x63: {  	_ =	shalt  }
0x64: {  	_ =	shalt  }
0x65: {  	_ =	shalt  }
0x66: {  	_ =	shalt  }
0x67: {  	_ =	shalt  }
0x68: {  	_ =	shalt  }
0x69: {  	_ =	shalt  }
0x6a: {  	_ =	shalt  }
0x6b: {  	_ =	shalt  }
0x6c: {  	_ =	shalt  }
0x6d: {  	_ =	shalt  }
0x6e: {  	_ =	shalt  }
0x6f: {  	_ =	shalt  }
0x70: {  	_ =	shalt  }
0x71: {  	_ =	shalt  }
0x72: {  	_ =	shalt  }
0x73: {  	_ =	shalt  }
0x74: {  	_ =	shalt  }
0x75: {  	_ =	shalt  }
0x76: {  	_ =	shalt  }
0x77: {  	_ =	shalt  }
0x78: {  	_ =	shalt  }
0x79: {  	_ =	shalt  }
0x7a: {  	_ =	shalt  }
0x7b: {  	_ =	shalt  }
0x7c: {  	_ =	shalt  }
0x7d: {  	_ =	shalt  }
0x7e: {  	_ =	shalt  }
0x7f: {  	_ =	shalt  }
0x80: {  	_ =	shalt  }
0x81: {  	_ =	shalt  }
0x82: {  	_ =	shalt  }
0x83: {  	_ =	shalt  }
0x84: {  	_ =	shalt  }
0x85: {  	_ =	shalt  }
0x86: {  	_ =	shalt  }
0x87: {  	_ =	shalt  }
.Lfunc_end0:
.L_simem_size_0:
called_computation.1_lowered:
.L_overlay_start_0:
0x88: {  	s2 =	sld [smem:$0x3FD9]  }
0x89: {  	s3 =	sld [smem:$0x3FFE];
	_ =	sdelay $0x1  }
0x8a: {  	s1 =	srdreg.scid  }
0x8b: {  	s0 =	sand.u32 $0x1, s1  }
0x8c: {  	s14 =	sshll.u32 s0, $0xA;
	s2 =	sadd.s32 s3, s2  }
0x8d: {  	s2 =	sadd.s32 s2, s14  }
0x8e: {  	[smem:$0x3FC5] =	sst s2  }
0x8f: {  	_ = 	snop  }
0x90: {  	s2 =	sld [smem:$0x3FD0];
	_ =	sdelay $0x2  }
0x91: {  	s15 =	simm.s32 $0xA;
	s4 =	simm.s32 $0x10  }
0x92: {  	[smem:s4], [sflag:s15] =	dma.local [hbm:s2], $0x1  }
0x93: {  	_ =	swait.eq [sflag:s15], $0x1  }
0x94: {  	[sflag:s15] =	ssyncset.done $0x0  }
0x95: {  	[sflag:s15] =	ssyncadd.s32 $0xFFFFFFFF  }
0x96: {  	s16 =	sld [smem:$0x10];
	(tm) =	ssettm $0x1  }
0x97: {  	s17 =	sld [smem:$0x3FFB];
	_ =	sdelay $0x3  }
0x98: {  	_ =	strace s17  }
0x99: {  	s3 =	sld [smem:$0x3FFC];
	_ =	sdelay $0x3  }
0x9a: {  	_ =	strace s3  }
0x9b: {  	s3 =	sld [smem:$0x3FFD];
	_ =	sdelay $0x3  }
0x9c: {  	_ =	strace s3  }
0x9d: {  	_ =	strace $0x8FFFFFFF  }
0x9e: {  	s18 =	sld [smem:$0x3FDB];
	_ =	sdelay $0x1  }
0x9f: {  	s19 =	simm.s32 $_scs_section_size  }
0xa0: {  	s5 =	simm.s32 $_size__tile_overlayer_lowered;
	s6 =	simm.s32 $_tile_overlayer_lowered  }
0xa1: {  	s22 =	simm.s32 $0x1BFF;
	s21 =	sshll.u32 s6, $0x1;
	s3 =	sadd.s32 s19, s18  }
0xa2: {  	s7 =	simm.s32 $0x0;
	s20 =	sshll.u32 s5, $0x1;
	s5 =	sadd.s32 s21, s3  }
0xa3: {  	[timem:s7], [sflag:s22] =	dma.local [hbm:s5], s20  }
0xa4: {  	_ =	swait.ge [sflag:s22], s20  }
0xa5: {  	s4 =	ssub.s32 $0x0, s20;
	[sflag:s22] =	ssyncset.done $0x0  }
0xa6: {  	[sflag:s22] =	ssyncadd.s32 s4;
	_ =	sdelay $0x1  }
0xa7: {  	s23 =	simm.s32 $0x1B8B  }
0xa8: {  	_ =	swait.ge [sflag:s23], $0x1  }
0xa9: {  	[sflag:s23] =	ssyncset.done $0x0  }
0xaa: {  	s25 =	simm.s32 $0x1B8E;
	s24 =	sld [smem:$0x3FFE];
	[sflag:s23] =	ssyncadd.s32 $0xFFFFFFFF  }
0xab: {  	s26 =	simm.s32 $execute0_lowered;
	[smem:$0x3FD2] =	sst s25  }
0xac: {  	s5 =	sshll.u32 s26, $0x1;
	_ =	strace $0x80000049;
	[dreg:$0x1] =	wrdreg $0xFFFFFFFF  }
0xad: {  	s28 =	simm.s32 $_size_execute0_lowered;
	s3 =	sadd.s32 s3, s5;
	[dreg:$0x0] =	wrdreg $0x0  }
0xae: {  	s5 =	sshll.u32 s28, $0x1;
	[dreg:$0x2] =	wrdreg s3  }
0xaf: {  	[dreg:$0x3] =	wrdreg s5  }
0xb0: {  	[dreg:$0x4] =	wrdreg $0xC0  }
0xb1: {  	_ =	task [dreg:s7], $0x5FFFF  }
0xb2: {  	[dreg:$0x1] =	wrdreg $0xFFFFFFFF  }
0xb3: {  	[dreg:$0x0] =	wrdreg $0x60  }
0xb4: {  	[dreg:$0x2] =	wrdreg s24  }
0xb5: {  	[dreg:$0x3] =	wrdreg s16  }
0xb6: {  	[dreg:$0x4] =	wrdreg $0x9  }
0xb7: {  	_ =	task.clear_ibuf [dreg:s7], $0x5FFFF;
	_ =	strace $0x90000049  }
0xb8: {  	s29 =	simm.s32 $0x9;
	_ =	strace $0x8000004B  }
0xb9: {  	_ =	swait.ge [sflag:s29], $0x1  }
0xba: {  	[sflag:s29] =	ssyncadd.s32 $0xFFFFFFFF  }
0xbb: {  	_ =	strace $0x9000004B  }
0xbc: {  	_ =	sfence  }
0xbd: {  	s30 =	sld [smem:$0x0];
	_ =	sdelay $0x2  }
0xbe: {  	s31 =	sshll.u32 s1, $0xD;
	s1 =	sshrl.u32 s1, $0x2  }
0xbf: {  	s3 =	sand.u32 $0x4000, s31;
	s1 =	sadd.s32 s1, s30  }
0xc0: {  	s0 =	sor.u32 s3, s0;
	s1 =	sshll.u32 s1, $0x11  }
0xc1: {  	s0 =	sor.u32 s1, s0  }
0xc2: {  	s0 =	sadd.s32 $0x8F2B, s0  }
0xc3: {  	[sflag:s0] =	ssyncadd.remote.s32 $0x1  }
0xc4: {  	_ =	sfence.sel $0xFFFF  }
0xc5: {  	[dreg:$0x0] =	wrdreg $0xFFFFFFFF;
	(pc) =	sbr.abs _section_cstart, $3  }
0xc6: {  	[dreg:$0x1] =	wrdreg $0xFFFFFFFF  }
0xc7: {  	_ =	task.clear_ibuf [dreg:s7], $0x2FFFF;
	_ =	strace $0x9FFFFFFF  }
0xc8: {  	(tm) =	ssettm $0x7FFFFFFF  }
0xc9: {  	_ =	shalt  }
tec
execute0_lowered:
.L_overlay_start_1:
0x0: {  	(tag) =	ssettag $0x1  }
0x1: {  	s1 =	srdreg.scid  }
0x2: {  	s0 =	stileid.u32;
	s6 =	rddreg [dreg:$0x0]  }
0x3: {  	s2 =	rddreg [dreg:$0x1];
	s3 =	simm.s32 $0x0;
	s14 =	simm.s32 $0x1  }
0x4: {  	s15 =	simm.s32 $0x2800;
	s16 =	simm.s32 $0x5000;
	s17 =	simm.s32 $0x0  }
0x5: {  	s4 =	sand.u32 $0x1, s1;
	s30 =	sshll.u32 s0, $0x1;
	s1 =	rddreg [dreg:$0x2]  }
0x6: {  	[smem:$0x7FF] =	sst s3;
	s5 =	sor.u32 s4, s30;
	s8 =	ssub.s32 $0x2, s4  }
0x7: {  	v0 =	vlaneseq.u32;
	p0 =	sgt.u32 s0, $0x4;
	s7 =	smul.u32 $0xC3, s5;
	s31 =	sshrl.u32 s8, $0x1  }
0x8: {  	v0 =	vmul.u32 $0x10, v0;
	_ =	strace $0x8000004A;
	s5 =	smin.u32 s5, $0xA;
	s13 =	ssub.s32 s8, s31  }
.Ltmp0:
0x9: {  	s4 =	sadd.s32 s5, s7;
	s5 =	sadd.s32 $0x62200, s6;
	(pc) =	sbr.rel .LBB2_1-.Ltmp0, $4  }
0xa: {  	v1 =	vor.u32 $0xA, v0;
	s6 =	sadd.s32 $0x92F40, s6;
	s13 =	smax.u32 s13, $0x1;
	s10 =	sshll.u32 s4, $0x5  }
0xb: {  	v2 =	vor.u32 $0x1, v0;
	v3 =	vor.u32 $0x2, v0;
	v4 =	vor.u32 $0x3, v0;
	s9 =	sadd.s32 $0x1400, s10;
	s11 =	sadd.s32 s5, s10;
	s12 =	sadd.s32 $0x1860, s10  }
0xc: {  	v5 =	vor.u32 $0x4, v0;
	v6 =	vor.u32 $0x5, v0;
	v7 =	vor.u32 $0x6, v0;
	s7 =	sadd.s32 s5, s9;
	s8 =	sadd.s32 $0x32140, s11;
	s9 =	sadd.s32 s2, s9  }
0xd: {  	v8 =	vor.u32 $0x7, v0;
	v9 =	vor.u32 $0x8, v0;
	v10 =	vor.u32 $0x9, v0;
	s10 =	sadd.s32 s5, s12;
	s11 =	sadd.s32 $0x325A0, s11;
	s12 =	sadd.s32 s2, s12  }
.LBB2_9:
0xe: {  	s17 =	sadd.s32 $0x1, s17  }
0xf: {  	p1 =	sne.s32 s17, s13  }
.Ltmp1:
0x10: {  	_ = 	snop;
	(pc) =	sbr.rel @!p1 .LBB2_10-.Ltmp1, $1  }
0x11: {  	_ =	sdelay $0x3  }
.LBB2_1:
0x12: {  	s18 =	simm.s32 $0x0  }
.LBB2_2:
0x13: {  	s19 =	smul.u32 $0x28, s18;
	_ =	sdelay $0x1  }
0x14: {  	s19 =	sadd.s32 s4, s19  }
0x15: {  	s19 =	sshll.u32 s19, $0x5  }
0x16: {  	s20 =	sadd.s32 s5, s19  }
0x17: {  	[tilespmem:s3], [sflag:$0x1] =	stream.linear.gather [hbm4b:s20+s3], $0x2800, $0x38;
	[tilespmem:$0x7800] =	vst v63  }
0x18: {  	v11 =	vlaneseq.u32;
	_ =	swait.ge [sflag:s14], $0x2800  }
0x19: {  	v13 =	vshll.u32 v11, $0x4;
	[sflag:s14] =	ssyncset.done $0x0  }
0x1a: {  	v12 =	vor.u32 $0xA, v13;
	s31 =	sadd.s32 s19, s6;
	[sflag:s14] =	ssyncadd.s32 $0xFFFFD800  }
0x1b: {  	[tilespmem:s15], [sflag:$0x1] =	stream.linear.gather [hbm4b:s31+s3], $0x2800, $0x38;
	[tilespmem:$0x7800] =	vst v63  }
0x1c: {  	_ =	swait.ge [sflag:s14], $0x2800  }
0x1d: {  	[sflag:s14] =	ssyncset.done $0x0  }
0x1e: {  	[sflag:s14] =	ssyncadd.s32 $0xFFFFD800  }
0x1f: {  	v14 =	vld.idx.msk [tilespmem:v12+s3+$0x0], $0xffff  }
0x20: {  	v12 =	vld.idx.msk [tilespmem:v12+s15+$0x0], $0xffff;
	_ =	sdelay $0x4  }
0x21: {  	v12 =	vadd.f32 v12, v14;
	_ =	sdelay $0x1  }
0x22: {  	v12 =	vmax.f32 v12, $9.999999960e-13  }
0x23: {  	(erf) = vrcp.f32 v12;
	_ =	sdelay $0x1  }
0x24: {  	v14 =	vld.idx.msk [tilespmem:v13+s3+$0x0], $0xffff  }
0x25: {  	v12 =	vld.idx.msk [tilespmem:v13+s15+$0x0], $0xffff;
	_ =	sdelay $0x4  }
0x26: {  	v15 =	vor.u32 $0x1, v13;
	v14 =	vadd.f32 v12, v14  }
0x27: {  	v12 =	vpop (erf)  }
0x28: {  	v14 =	vmul.f32 v12, v14;
	_ =	sdelay $0x1  }
0x29: {  	[tilespmem:v13+s16+$0x0] =	vst.idx.msk $0xffff, v14  }
0x2a: {  	v14 =	vld.idx.msk [tilespmem:v15+s3+$0x0], $0xffff  }
0x2b: {  	v16 =	vld.idx.msk [tilespmem:v15+s15+$0x0], $0xffff;
	_ =	sdelay $0x4  }
0x2c: {  	v14 =	vadd.f32 v16, v14;
	v16 =	vor.u32 $0x2, v13;
	_ =	sdelay $0x1  }
0x2d: {  	v14 =	vmul.f32 v14, v12;
	_ =	sdelay $0x1  }
0x2e: {  	[tilespmem:v15+s16+$0x0] =	vst.idx.msk $0xffff, v14  }
0x2f: {  	v14 =	vld.idx.msk [tilespmem:v16+s3+$0x0], $0xffff  }
0x30: {  	v15 =	vld.idx.msk [tilespmem:v16+s15+$0x0], $0xffff;
	_ =	sdelay $0x4  }
0x31: {  	v14 =	vadd.f32 v15, v14;
	v15 =	vor.u32 $0x3, v13;
	_ =	sdelay $0x1  }
0x32: {  	v14 =	vmul.f32 v14, v12;
	_ =	sdelay $0x1  }
0x33: {  	[tilespmem:v16+s16+$0x0] =	vst.idx.msk $0xffff, v14  }
0x34: {  	v14 =	vld.idx.msk [tilespmem:v15+s3+$0x0], $0xffff  }
0x35: {  	v16 =	vld.idx.msk [tilespmem:v15+s15+$0x0], $0xffff;
	_ =	sdelay $0x4  }
0x36: {  	v14 =	vadd.f32 v16, v14;
	v16 =	vor.u32 $0x4, v13;
	_ =	sdelay $0x1  }
0x37: {  	v14 =	vmul.f32 v14, v12;
	_ =	sdelay $0x1  }
0x38: {  	[tilespmem:v15+s16+$0x0] =	vst.idx.msk $0xffff, v14  }
0x39: {  	v14 =	vld.idx.msk [tilespmem:v16+s3+$0x0], $0xffff  }
0x3a: {  	v15 =	vld.idx.msk [tilespmem:v16+s15+$0x0], $0xffff;
	_ =	sdelay $0x4  }
0x3b: {  	v14 =	vadd.f32 v15, v14;
	v15 =	vor.u32 $0x5, v13;
	_ =	sdelay $0x1  }
0x3c: {  	v14 =	vmul.f32 v14, v12;
	_ =	sdelay $0x1  }
0x3d: {  	[tilespmem:v16+s16+$0x0] =	vst.idx.msk $0xffff, v14  }
0x3e: {  	v14 =	vld.idx.msk [tilespmem:v15+s3+$0x0], $0xffff  }
0x3f: {  	v16 =	vld.idx.msk [tilespmem:v15+s15+$0x0], $0xffff;
	_ =	sdelay $0x4  }
0x40: {  	v14 =	vadd.f32 v16, v14;
	v16 =	vor.u32 $0x6, v13;
	_ =	sdelay $0x1  }
0x41: {  	v14 =	vmul.f32 v14, v12;
	_ =	sdelay $0x1  }
0x42: {  	[tilespmem:v15+s16+$0x0] =	vst.idx.msk $0xffff, v14  }
0x43: {  	v14 =	vld.idx.msk [tilespmem:v16+s3+$0x0], $0xffff  }
0x44: {  	v15 =	vld.idx.msk [tilespmem:v16+s15+$0x0], $0xffff;
	_ =	sdelay $0x4  }
0x45: {  	v14 =	vadd.f32 v15, v14;
	v15 =	vor.u32 $0x7, v13;
	_ =	sdelay $0x1  }
0x46: {  	v14 =	vmul.f32 v14, v12;
	_ =	sdelay $0x1  }
0x47: {  	[tilespmem:v16+s16+$0x0] =	vst.idx.msk $0xffff, v14  }
0x48: {  	v14 =	vld.idx.msk [tilespmem:v15+s3+$0x0], $0xffff  }
0x49: {  	v16 =	vld.idx.msk [tilespmem:v15+s15+$0x0], $0xffff;
	_ =	sdelay $0x4  }
0x4a: {  	v17 =	vor.u32 $0x8, v13;
	v14 =	vadd.f32 v16, v14;
	_ =	sdelay $0x1  }
0x4b: {  	v14 =	vmul.f32 v14, v12;
	_ =	sdelay $0x1  }
0x4c: {  	[tilespmem:v15+s16+$0x0] =	vst.idx.msk $0xffff, v14  }
0x4d: {  	v14 =	vld.idx.msk [tilespmem:v17+s3+$0x0], $0xffff  }
0x4e: {  	v15 =	vld.idx.msk [tilespmem:v17+s15+$0x0], $0xffff;
	_ =	sdelay $0x4  }
0x4f: {  	v15 =	vadd.f32 v15, v14;
	v14 =	vor.u32 $0x9, v13;
	_ =	sdelay $0x1  }
0x50: {  	v13 =	vmul.f32 v15, v12;
	_ =	sdelay $0x1  }
0x51: {  	[tilespmem:v17+s16+$0x0] =	vst.idx.msk $0xffff, v13  }
0x52: {  	s20 =	simm.s32 $0x27;
	v15 =	vld.idx.msk [tilespmem:v14+s3+$0x0], $0xffff  }
.LBB2_3:
0x53: {  	p1 =	sne.s32 s20, $0x1;
	s20 =	sadd.s32 $0xFFFFFFFF, s20;
	v16 =	vld.idx.msk [tilespmem:v14+s15+$0x0], $0xffff;
	v11 =	vadd.s32 $0x10, v11;
	_ =	sdelay $0x4  }
0x54: {  	v13 =	vshll.u32 v11, $0x4  }
0x55: {  	v17 =	vor.u32 $0xA, v13;
	v15 =	vadd.f32 v16, v15;
	_ =	sdelay $0x1  }
0x56: {  	v12 =	vmul.f32 v15, v12;
	_ =	sdelay $0x1  }
0x57: {  	[tilespmem:v14+s16+$0x0] =	vst.idx.msk $0xffff, v12  }
0x58: {  	v12 =	vld.idx.msk [tilespmem:v17+s3+$0x0], $0xffff  }
0x59: {  	v14 =	vld.idx.msk [tilespmem:v17+s15+$0x0], $0xffff;
	_ =	sdelay $0x5  }
0x5a: {  	v12 =	vadd.f32 v14, v12;
	_ =	sdelay $0x1  }
0x5b: {  	v12 =	vmax.f32 v12, $9.999999960e-13  }
0x5c: {  	v14 =	vld.idx.msk [tilespmem:v13+s15+$0x0], $0xffff;
	(erf) = vrcp.f32 v12  }
0x5d: {  	v12 =	vld.idx.msk [tilespmem:v13+s3+$0x0], $0xffff;
	_ =	sdelay $0x5  }
0x5e: {  	v14 =	vadd.f32 v14, v12  }
0x5f: {  	v15 =	vor.u32 $0x1, v13  }
0x60: {  	v12 =	vpop (erf)  }
0x61: {  	v14 =	vmul.f32 v12, v14;
	_ =	sdelay $0x1  }
0x62: {  	[tilespmem:v13+s16+$0x0] =	vst.idx.msk $0xffff, v14  }
0x63: {  	v14 =	vld.idx.msk [tilespmem:v15+s3+$0x0], $0xffff  }
0x64: {  	v16 =	vld.idx.msk [tilespmem:v15+s15+$0x0], $0xffff;
	_ =	sdelay $0x5  }
0x65: {  	v14 =	vadd.f32 v16, v14;
	v16 =	vor.u32 $0x2, v13;
	_ =	sdelay $0x1  }
0x66: {  	v14 =	vmul.f32 v14, v12;
	_ =	sdelay $0x1  }
0x67: {  	[tilespmem:v15+s16+$0x0] =	vst.idx.msk $0xffff, v14  }
0x68: {  	v14 =	vld.idx.msk [tilespmem:v16+s3+$0x0], $0xffff  }
0x69: {  	v15 =	vld.idx.msk [tilespmem:v16+s15+$0x0], $0xffff;
	_ =	sdelay $0x5  }
0x6a: {  	v14 =	vadd.f32 v15, v14;
	v15 =	vor.u32 $0x3, v13;
	_ =	sdelay $0x1  }
0x6b: {  	v14 =	vmul.f32 v14, v12;
	_ =	sdelay $0x1  }
0x6c: {  	[tilespmem:v16+s16+$0x0] =	vst.idx.msk $0xffff, v14  }
0x6d: {  	v14 =	vld.idx.msk [tilespmem:v15+s3+$0x0], $0xffff  }
0x6e: {  	v16 =	vld.idx.msk [tilespmem:v15+s15+$0x0], $0xffff;
	_ =	sdelay $0x5  }
0x6f: {  	v14 =	vadd.f32 v16, v14;
	v16 =	vor.u32 $0x4, v13;
	_ =	sdelay $0x1  }
0x70: {  	v14 =	vmul.f32 v14, v12;
	_ =	sdelay $0x1  }
0x71: {  	[tilespmem:v15+s16+$0x0] =	vst.idx.msk $0xffff, v14  }
0x72: {  	v14 =	vld.idx.msk [tilespmem:v16+s3+$0x0], $0xffff  }
0x73: {  	v15 =	vld.idx.msk [tilespmem:v16+s15+$0x0], $0xffff;
	_ =	sdelay $0x5  }
0x74: {  	v14 =	vadd.f32 v15, v14;
	v15 =	vor.u32 $0x5, v13;
	_ =	sdelay $0x1  }
0x75: {  	v14 =	vmul.f32 v14, v12;
	_ =	sdelay $0x1  }
0x76: {  	[tilespmem:v16+s16+$0x0] =	vst.idx.msk $0xffff, v14  }
0x77: {  	v14 =	vld.idx.msk [tilespmem:v15+s3+$0x0], $0xffff  }
0x78: {  	v16 =	vld.idx.msk [tilespmem:v15+s15+$0x0], $0xffff;
	_ =	sdelay $0x5  }
0x79: {  	v14 =	vadd.f32 v16, v14;
	v16 =	vor.u32 $0x6, v13;
	_ =	sdelay $0x1  }
0x7a: {  	v14 =	vmul.f32 v14, v12;
	_ =	sdelay $0x1  }
0x7b: {  	[tilespmem:v15+s16+$0x0] =	vst.idx.msk $0xffff, v14  }
0x7c: {  	v14 =	vld.idx.msk [tilespmem:v16+s3+$0x0], $0xffff  }
0x7d: {  	v15 =	vld.idx.msk [tilespmem:v16+s15+$0x0], $0xffff;
	_ =	sdelay $0x5  }
0x7e: {  	v14 =	vadd.f32 v15, v14;
	v15 =	vor.u32 $0x7, v13;
	_ =	sdelay $0x1  }
0x7f: {  	v14 =	vmul.f32 v14, v12;
	_ =	sdelay $0x1  }
0x80: {  	[tilespmem:v16+s16+$0x0] =	vst.idx.msk $0xffff, v14  }
0x81: {  	v14 =	vld.idx.msk [tilespmem:v15+s3+$0x0], $0xffff  }
0x82: {  	v16 =	vld.idx.msk [tilespmem:v15+s15+$0x0], $0xffff;
	_ =	sdelay $0x5  }
0x83: {  	v17 =	vor.u32 $0x8, v13;
	v14 =	vadd.f32 v16, v14;
	_ =	sdelay $0x1  }
0x84: {  	v14 =	vmul.f32 v14, v12;
	_ =	sdelay $0x1  }
0x85: {  	[tilespmem:v15+s16+$0x0] =	vst.idx.msk $0xffff, v14  }
0x86: {  	v14 =	vld.idx.msk [tilespmem:v17+s3+$0x0], $0xffff  }
0x87: {  	v15 =	vld.idx.msk [tilespmem:v17+s15+$0x0], $0xffff;
	_ =	sdelay $0x5  }
0x88: {  	v15 =	vadd.f32 v15, v14;
	v14 =	vor.u32 $0x9, v13  }
.Ltmp2:
0x89: {  	(pc) =	sbr.rel @p1 .LBB2_3-.Ltmp2, $3  }
0x8a: {  	v13 =	vmul.f32 v15, v12;
	_ =	sdelay $0x1  }
0x8b: {  	[tilespmem:v17+s16+$0x0] =	vst.idx.msk $0xffff, v13  }
0x8c: {  	v15 =	vld.idx.msk [tilespmem:v14+s3+$0x0], $0xffff  }
0x8d: {  	_ =	sdelay $0x3  }
0x8e: {  	v11 =	vld.idx.msk [tilespmem:v14+s15+$0x0], $0xffff;
	_ =	sdelay $0x4  }
0x8f: {  	v11 =	vadd.f32 v11, v15;
	_ =	sdelay $0x1  }
0x90: {  	s18 =	sadd.s32 $0x1, s18;
	v11 =	vmul.f32 v11, v12  }
0x91: {  	p1 =	sne.s32 s18, $0x4  }
.Ltmp3:
0x92: {  	s19 =	sadd.s32 s2, s19;
	[tilespmem:v14+s16+$0x0] =	vst.idx.msk $0xffff, v11;
	(pc) =	sbr.rel @p1 .LBB2_2-.Ltmp3, $4  }
0x93: {  	[hbm4b:s19+s3] =	stream.linear.scatter [tilespmem:s16], [sflag:$0x1], $0x2800, $0x38;
	[tilespmem:$0x7800] =	vst v63  }
0x94: {  	_ =	swait.ge [sflag:s14], $0x2800  }
0x95: {  	[sflag:s14] =	ssyncset.done $0x0  }
0x96: {  	[sflag:s14] =	ssyncadd.s32 $0xFFFFD800  }
0x97: {  	[tilespmem:s3], [sflag:$0x1] =	stream.linear.gather [hbm4b:s7+s3], $0x2300, $0x38;
	[tilespmem:$0x7800] =	vst v63  }
0x98: {  	v11 =	vlaneseq.u32;
	_ =	swait.ge [sflag:s14], $0x2300  }
0x99: {  	v13 =	vshll.u32 v11, $0x4;
	[sflag:s14] =	ssyncset.done $0x0  }
0x9a: {  	v12 =	vor.u32 $0xA, v13;
	[sflag:s14] =	ssyncadd.s32 $0xFFFFDD00  }
0x9b: {  	[tilespmem:s15], [sflag:$0x1] =	stream.linear.gather [hbm4b:s8+s3], $0x2300, $0x38;
	[tilespmem:$0x7800] =	vst v63  }
0x9c: {  	_ =	swait.ge [sflag:s14], $0x2300  }
0x9d: {  	[sflag:s14] =	ssyncset.done $0x0  }
0x9e: {  	[sflag:s14] =	ssyncadd.s32 $0xFFFFDD00  }
0x9f: {  	v14 =	vld.idx.msk [tilespmem:v12+s3+$0x0], $0xffff  }
0xa0: {  	v12 =	vld.idx.msk [tilespmem:v12+s15+$0x0], $0xffff;
	_ =	sdelay $0x4  }
0xa1: {  	v12 =	vadd.f32 v12, v14;
	_ =	sdelay $0x1  }
0xa2: {  	v12 =	vmax.f32 v12, $9.999999960e-13  }
0xa3: {  	(erf) = vrcp.f32 v12;
	_ =	sdelay $0x1  }
0xa4: {  	v14 =	vld.idx.msk [tilespmem:v13+s3+$0x0], $0xffff  }
0xa5: {  	v12 =	vld.idx.msk [tilespmem:v13+s15+$0x0], $0xffff;
	_ =	sdelay $0x4  }
0xa6: {  	v15 =	vor.u32 $0x1, v13;
	v14 =	vadd.f32 v12, v14  }
0xa7: {  	v12 =	vpop (erf)  }
0xa8: {  	v14 =	vmul.f32 v12, v14;
	_ =	sdelay $0x1  }
0xa9: {  	[tilespmem:v13+s16+$0x0] =	vst.idx.msk $0xffff, v14  }
0xaa: {  	v14 =	vld.idx.msk [tilespmem:v15+s3+$0x0], $0xffff  }
0xab: {  	v16 =	vld.idx.msk [tilespmem:v15+s15+$0x0], $0xffff;
	_ =	sdelay $0x4  }
0xac: {  	v14 =	vadd.f32 v16, v14;
	v16 =	vor.u32 $0x2, v13;
	_ =	sdelay $0x1  }
0xad: {  	v14 =	vmul.f32 v14, v12;
	_ =	sdelay $0x1  }
0xae: {  	[tilespmem:v15+s16+$0x0] =	vst.idx.msk $0xffff, v14  }
0xaf: {  	v14 =	vld.idx.msk [tilespmem:v16+s3+$0x0], $0xffff  }
0xb0: {  	v15 =	vld.idx.msk [tilespmem:v16+s15+$0x0], $0xffff;
	_ =	sdelay $0x4  }
0xb1: {  	v14 =	vadd.f32 v15, v14;
	v15 =	vor.u32 $0x3, v13;
	_ =	sdelay $0x1  }
0xb2: {  	v14 =	vmul.f32 v14, v12;
	_ =	sdelay $0x1  }
0xb3: {  	[tilespmem:v16+s16+$0x0] =	vst.idx.msk $0xffff, v14  }
0xb4: {  	v14 =	vld.idx.msk [tilespmem:v15+s3+$0x0], $0xffff  }
0xb5: {  	v16 =	vld.idx.msk [tilespmem:v15+s15+$0x0], $0xffff;
	_ =	sdelay $0x4  }
0xb6: {  	v14 =	vadd.f32 v16, v14;
	v16 =	vor.u32 $0x4, v13;
	_ =	sdelay $0x1  }
0xb7: {  	v14 =	vmul.f32 v14, v12;
	_ =	sdelay $0x1  }
0xb8: {  	[tilespmem:v15+s16+$0x0] =	vst.idx.msk $0xffff, v14  }
0xb9: {  	v14 =	vld.idx.msk [tilespmem:v16+s3+$0x0], $0xffff  }
0xba: {  	v15 =	vld.idx.msk [tilespmem:v16+s15+$0x0], $0xffff;
	_ =	sdelay $0x4  }
0xbb: {  	v14 =	vadd.f32 v15, v14;
	v15 =	vor.u32 $0x5, v13;
	_ =	sdelay $0x1  }
0xbc: {  	v14 =	vmul.f32 v14, v12;
	_ =	sdelay $0x1  }
0xbd: {  	[tilespmem:v16+s16+$0x0] =	vst.idx.msk $0xffff, v14  }
0xbe: {  	v14 =	vld.idx.msk [tilespmem:v15+s3+$0x0], $0xffff  }
0xbf: {  	v16 =	vld.idx.msk [tilespmem:v15+s15+$0x0], $0xffff;
	_ =	sdelay $0x4  }
0xc0: {  	v14 =	vadd.f32 v16, v14;
	v16 =	vor.u32 $0x6, v13;
	_ =	sdelay $0x1  }
0xc1: {  	v14 =	vmul.f32 v14, v12;
	_ =	sdelay $0x1  }
0xc2: {  	[tilespmem:v15+s16+$0x0] =	vst.idx.msk $0xffff, v14  }
0xc3: {  	v14 =	vld.idx.msk [tilespmem:v16+s3+$0x0], $0xffff  }
0xc4: {  	v15 =	vld.idx.msk [tilespmem:v16+s15+$0x0], $0xffff;
	_ =	sdelay $0x4  }
0xc5: {  	v14 =	vadd.f32 v15, v14;
	v15 =	vor.u32 $0x7, v13;
	_ =	sdelay $0x1  }
0xc6: {  	v14 =	vmul.f32 v14, v12;
	_ =	sdelay $0x1  }
0xc7: {  	[tilespmem:v16+s16+$0x0] =	vst.idx.msk $0xffff, v14  }
0xc8: {  	v14 =	vld.idx.msk [tilespmem:v15+s3+$0x0], $0xffff  }
0xc9: {  	v16 =	vld.idx.msk [tilespmem:v15+s15+$0x0], $0xffff;
	_ =	sdelay $0x4  }
0xca: {  	v17 =	vor.u32 $0x8, v13;
	v14 =	vadd.f32 v16, v14;
	_ =	sdelay $0x1  }
0xcb: {  	v14 =	vmul.f32 v14, v12;
	_ =	sdelay $0x1  }
0xcc: {  	[tilespmem:v15+s16+$0x0] =	vst.idx.msk $0xffff, v14  }
0xcd: {  	v14 =	vld.idx.msk [tilespmem:v17+s3+$0x0], $0xffff  }
0xce: {  	v15 =	vld.idx.msk [tilespmem:v17+s15+$0x0], $0xffff;
	_ =	sdelay $0x4  }
0xcf: {  	v15 =	vadd.f32 v15, v14;
	v14 =	vor.u32 $0x9, v13;
	_ =	sdelay $0x1  }
0xd0: {  	v13 =	vmul.f32 v15, v12;
	_ =	sdelay $0x1  }
0xd1: {  	[tilespmem:v17+s16+$0x0] =	vst.idx.msk $0xffff, v13  }
0xd2: {  	s18 =	simm.s32 $0x22;
	v15 =	vld.idx.msk [tilespmem:v14+s3+$0x0], $0xffff  }
.LBB2_6:
0xd3: {  	p1 =	sne.s32 s18, $0x1;
	s18 =	sadd.s32 $0xFFFFFFFF, s18;
	v16 =	vld.idx.msk [tilespmem:v14+s15+$0x0], $0xffff;
	v11 =	vadd.s32 $0x10, v11;
	_ =	sdelay $0x4  }
0xd4: {  	v13 =	vshll.u32 v11, $0x4  }
0xd5: {  	v17 =	vor.u32 $0xA, v13;
	v15 =	vadd.f32 v16, v15;
	_ =	sdelay $0x1  }
0xd6: {  	v12 =	vmul.f32 v15, v12;
	_ =	sdelay $0x1  }
0xd7: {  	[tilespmem:v14+s16+$0x0] =	vst.idx.msk $0xffff, v12  }
0xd8: {  	v12 =	vld.idx.msk [tilespmem:v17+s3+$0x0], $0xffff  }
0xd9: {  	v14 =	vld.idx.msk [tilespmem:v17+s15+$0x0], $0xffff;
	_ =	sdelay $0x5  }
0xda: {  	v12 =	vadd.f32 v14, v12;
	_ =	sdelay $0x1  }
0xdb: {  	v12 =	vmax.f32 v12, $9.999999960e-13  }
0xdc: {  	v14 =	vld.idx.msk [tilespmem:v13+s15+$0x0], $0xffff;
	(erf) = vrcp.f32 v12  }
0xdd: {  	v12 =	vld.idx.msk [tilespmem:v13+s3+$0x0], $0xffff;
	_ =	sdelay $0x5  }
0xde: {  	v14 =	vadd.f32 v14, v12  }
0xdf: {  	v15 =	vor.u32 $0x1, v13  }
0xe0: {  	v12 =	vpop (erf)  }
0xe1: {  	v14 =	vmul.f32 v12, v14;
	_ =	sdelay $0x1  }
0xe2: {  	[tilespmem:v13+s16+$0x0] =	vst.idx.msk $0xffff, v14  }
0xe3: {  	v14 =	vld.idx.msk [tilespmem:v15+s3+$0x0], $0xffff  }
0xe4: {  	v16 =	vld.idx.msk [tilespmem:v15+s15+$0x0], $0xffff;
	_ =	sdelay $0x5  }
0xe5: {  	v14 =	vadd.f32 v16, v14;
	v16 =	vor.u32 $0x2, v13;
	_ =	sdelay $0x1  }
0xe6: {  	v14 =	vmul.f32 v14, v12;
	_ =	sdelay $0x1  }
0xe7: {  	[tilespmem:v15+s16+$0x0] =	vst.idx.msk $0xffff, v14  }
0xe8: {  	v14 =	vld.idx.msk [tilespmem:v16+s3+$0x0], $0xffff  }
0xe9: {  	v15 =	vld.idx.msk [tilespmem:v16+s15+$0x0], $0xffff;
	_ =	sdelay $0x5  }
0xea: {  	v14 =	vadd.f32 v15, v14;
	v15 =	vor.u32 $0x3, v13;
	_ =	sdelay $0x1  }
0xeb: {  	v14 =	vmul.f32 v14, v12;
	_ =	sdelay $0x1  }
0xec: {  	[tilespmem:v16+s16+$0x0] =	vst.idx.msk $0xffff, v14  }
0xed: {  	v14 =	vld.idx.msk [tilespmem:v15+s3+$0x0], $0xffff  }
0xee: {  	v16 =	vld.idx.msk [tilespmem:v15+s15+$0x0], $0xffff;
	_ =	sdelay $0x5  }
0xef: {  	v14 =	vadd.f32 v16, v14;
	v16 =	vor.u32 $0x4, v13;
	_ =	sdelay $0x1  }
0xf0: {  	v14 =	vmul.f32 v14, v12;
	_ =	sdelay $0x1  }
0xf1: {  	[tilespmem:v15+s16+$0x0] =	vst.idx.msk $0xffff, v14  }
0xf2: {  	v14 =	vld.idx.msk [tilespmem:v16+s3+$0x0], $0xffff  }
0xf3: {  	v15 =	vld.idx.msk [tilespmem:v16+s15+$0x0], $0xffff;
	_ =	sdelay $0x5  }
0xf4: {  	v14 =	vadd.f32 v15, v14;
	v15 =	vor.u32 $0x5, v13;
	_ =	sdelay $0x1  }
0xf5: {  	v14 =	vmul.f32 v14, v12;
	_ =	sdelay $0x1  }
0xf6: {  	[tilespmem:v16+s16+$0x0] =	vst.idx.msk $0xffff, v14  }
0xf7: {  	v14 =	vld.idx.msk [tilespmem:v15+s3+$0x0], $0xffff  }
0xf8: {  	v16 =	vld.idx.msk [tilespmem:v15+s15+$0x0], $0xffff;
	_ =	sdelay $0x5  }
0xf9: {  	v14 =	vadd.f32 v16, v14;
	v16 =	vor.u32 $0x6, v13;
	_ =	sdelay $0x1  }
0xfa: {  	v14 =	vmul.f32 v14, v12;
	_ =	sdelay $0x1  }
0xfb: {  	[tilespmem:v15+s16+$0x0] =	vst.idx.msk $0xffff, v14  }
0xfc: {  	v14 =	vld.idx.msk [tilespmem:v16+s3+$0x0], $0xffff  }
0xfd: {  	v15 =	vld.idx.msk [tilespmem:v16+s15+$0x0], $0xffff;
	_ =	sdelay $0x5  }
0xfe: {  	v14 =	vadd.f32 v15, v14;
	v15 =	vor.u32 $0x7, v13;
	_ =	sdelay $0x1  }
0xff: {  	v14 =	vmul.f32 v14, v12;
	_ =	sdelay $0x1  }
0x100: {  	[tilespmem:v16+s16+$0x0] =	vst.idx.msk $0xffff, v14  }
0x101: {  	v14 =	vld.idx.msk [tilespmem:v15+s3+$0x0], $0xffff  }
0x102: {  	v16 =	vld.idx.msk [tilespmem:v15+s15+$0x0], $0xffff;
	_ =	sdelay $0x5  }
0x103: {  	v17 =	vor.u32 $0x8, v13;
	v14 =	vadd.f32 v16, v14;
	_ =	sdelay $0x1  }
0x104: {  	v14 =	vmul.f32 v14, v12;
	_ =	sdelay $0x1  }
0x105: {  	[tilespmem:v15+s16+$0x0] =	vst.idx.msk $0xffff, v14  }
0x106: {  	v14 =	vld.idx.msk [tilespmem:v17+s3+$0x0], $0xffff  }
0x107: {  	v15 =	vld.idx.msk [tilespmem:v17+s15+$0x0], $0xffff;
	_ =	sdelay $0x5  }
0x108: {  	v15 =	vadd.f32 v15, v14;
	v14 =	vor.u32 $0x9, v13  }
.Ltmp4:
0x109: {  	(pc) =	sbr.rel @p1 .LBB2_6-.Ltmp4, $3  }
0x10a: {  	v13 =	vmul.f32 v15, v12;
	_ =	sdelay $0x1  }
0x10b: {  	[tilespmem:v17+s16+$0x0] =	vst.idx.msk $0xffff, v13  }
0x10c: {  	v15 =	vld.idx.msk [tilespmem:v14+s3+$0x0], $0xffff  }
0x10d: {  	_ =	sdelay $0x3  }
0x10e: {  	v11 =	vld.idx.msk [tilespmem:v14+s15+$0x0], $0xffff;
	_ =	sdelay $0x4  }
0x10f: {  	v11 =	vadd.f32 v11, v15;
	_ =	sdelay $0x1  }
0x110: {  	v11 =	vmul.f32 v11, v12;
	_ =	sdelay $0x1  }
.Ltmp5:
0x111: {  	[tilespmem:v14+s16+$0x0] =	vst.idx.msk $0xffff, v11;
	(pc) =	sbr.rel @p0 .LBB2_9-.Ltmp5, $4  }
0x112: {  	[hbm4b:s9+s3] =	stream.linear.scatter [tilespmem:s16], [sflag:$0x1], $0x2300, $0x38;
	[tilespmem:$0x7800] =	vst v63  }
0x113: {  	_ =	swait.ge [sflag:s14], $0x2300  }
0x114: {  	[sflag:s14] =	ssyncset.done $0x0  }
0x115: {  	[sflag:s14] =	ssyncadd.s32 $0xFFFFDD00  }
0x116: {  	[tilespmem:s3], [sflag:$0x1] =	stream.linear.gather [hbm4b:s10+s3], $0x100, $0x38;
	[tilespmem:$0x7800] =	vst v63  }
0x117: {  	_ =	swait.ge [sflag:s14], $0x100  }
0x118: {  	[sflag:s14] =	ssyncset.done $0x0  }
0x119: {  	[sflag:s14] =	ssyncadd.s32 $0xFFFFFF00  }
0x11a: {  	[tilespmem:s15], [sflag:$0x1] =	stream.linear.gather [hbm4b:s11+s3], $0x100, $0x38;
	[tilespmem:$0x7800] =	vst v63  }
0x11b: {  	_ =	swait.ge [sflag:s14], $0x100  }
0x11c: {  	[sflag:s14] =	ssyncset.done $0x0  }
0x11d: {  	[sflag:s14] =	ssyncadd.s32 $0xFFFFFF00  }
0x11e: {  	v11 =	vld.idx.msk [tilespmem:v1+s3+$0x0], $0xffff  }
0x11f: {  	v12 =	vld.idx.msk [tilespmem:v1+s15+$0x0], $0xffff;
	_ =	sdelay $0x4  }
0x120: {  	v11 =	vadd.f32 v12, v11;
	_ =	sdelay $0x1  }
0x121: {  	v11 =	vmax.f32 v11, $9.999999960e-13  }
0x122: {  	(erf) = vrcp.f32 v11;
	_ =	sdelay $0x1  }
0x123: {  	v54 =	vld.idx.msk [tilespmem:v0+s15+$0x0], $0xffff  }
0x124: {  	v11 =	vld.idx.msk [tilespmem:v0+s3+$0x0], $0xffff;
	_ =	sdelay $0x4  }
0x125: {  	v11 =	vadd.f32 v54, v11  }
0x126: {  	v55 =	vpop (erf)  }
0x127: {  	v11 =	vmul.f32 v55, v11;
	_ =	sdelay $0x1  }
0x128: {  	[tilespmem:v0+s16+$0x0] =	vst.idx.msk $0xffff, v11  }
0x129: {  	v11 =	vld.idx.msk [tilespmem:v2+s3+$0x0], $0xffff  }
0x12a: {  	v13 =	vld.idx.msk [tilespmem:v2+s15+$0x0], $0xffff;
	_ =	sdelay $0x4  }
0x12b: {  	v11 =	vadd.f32 v13, v11;
	_ =	sdelay $0x1  }
0x12c: {  	v11 =	vmul.f32 v11, v55;
	_ =	sdelay $0x1  }
0x12d: {  	[tilespmem:v2+s16+$0x0] =	vst.idx.msk $0xffff, v11  }
0x12e: {  	v11 =	vld.idx.msk [tilespmem:v3+s3+$0x0], $0xffff  }
0x12f: {  	v56 =	vld.idx.msk [tilespmem:v3+s15+$0x0], $0xffff;
	_ =	sdelay $0x4  }
0x130: {  	v11 =	vadd.f32 v56, v11;
	_ =	sdelay $0x1  }
0x131: {  	v11 =	vmul.f32 v11, v55;
	_ =	sdelay $0x1  }
0x132: {  	[tilespmem:v3+s16+$0x0] =	vst.idx.msk $0xffff, v11  }
0x133: {  	v11 =	vld.idx.msk [tilespmem:v4+s3+$0x0], $0xffff  }
0x134: {  	v57 =	vld.idx.msk [tilespmem:v4+s15+$0x0], $0xffff;
	_ =	sdelay $0x4  }
0x135: {  	v11 =	vadd.f32 v57, v11;
	_ =	sdelay $0x1  }
0x136: {  	v11 =	vmul.f32 v11, v55;
	_ =	sdelay $0x1  }
0x137: {  	[tilespmem:v4+s16+$0x0] =	vst.idx.msk $0xffff, v11  }
0x138: {  	v11 =	vld.idx.msk [tilespmem:v5+s3+$0x0], $0xffff  }
0x139: {  	v58 =	vld.idx.msk [tilespmem:v5+s15+$0x0], $0xffff;
	_ =	sdelay $0x4  }
0x13a: {  	v11 =	vadd.f32 v58, v11;
	_ =	sdelay $0x1  }
0x13b: {  	v11 =	vmul.f32 v11, v55;
	_ =	sdelay $0x1  }
0x13c: {  	[tilespmem:v5+s16+$0x0] =	vst.idx.msk $0xffff, v11  }
0x13d: {  	v11 =	vld.idx.msk [tilespmem:v6+s3+$0x0], $0xffff  }
0x13e: {  	v59 =	vld.idx.msk [tilespmem:v6+s15+$0x0], $0xffff;
	_ =	sdelay $0x4  }
0x13f: {  	v11 =	vadd.f32 v59, v11;
	_ =	sdelay $0x1  }
0x140: {  	v11 =	vmul.f32 v11, v55;
	_ =	sdelay $0x1  }
0x141: {  	[tilespmem:v6+s16+$0x0] =	vst.idx.msk $0xffff, v11  }
0x142: {  	v11 =	vld.idx.msk [tilespmem:v7+s3+$0x0], $0xffff  }
0x143: {  	v60 =	vld.idx.msk [tilespmem:v7+s15+$0x0], $0xffff;
	_ =	sdelay $0x4  }
0x144: {  	v11 =	vadd.f32 v60, v11;
	_ =	sdelay $0x1  }
0x145: {  	v11 =	vmul.f32 v11, v55;
	_ =	sdelay $0x1  }
0x146: {  	[tilespmem:v7+s16+$0x0] =	vst.idx.msk $0xffff, v11  }
0x147: {  	v11 =	vld.idx.msk [tilespmem:v8+s3+$0x0], $0xffff  }
0x148: {  	v61 =	vld.idx.msk [tilespmem:v8+s15+$0x0], $0xffff;
	_ =	sdelay $0x4  }
0x149: {  	v11 =	vadd.f32 v61, v11;
	_ =	sdelay $0x1  }
0x14a: {  	v11 =	vmul.f32 v11, v55;
	_ =	sdelay $0x1  }
0x14b: {  	[tilespmem:v8+s16+$0x0] =	vst.idx.msk $0xffff, v11  }
0x14c: {  	v11 =	vld.idx.msk [tilespmem:v9+s3+$0x0], $0xffff  }
0x14d: {  	v62 =	vld.idx.msk [tilespmem:v9+s15+$0x0], $0xffff;
	_ =	sdelay $0x4  }
0x14e: {  	v11 =	vadd.f32 v62, v11;
	_ =	sdelay $0x1  }
0x14f: {  	v11 =	vmul.f32 v11, v55;
	_ =	sdelay $0x1  }
0x150: {  	[tilespmem:v9+s16+$0x0] =	vst.idx.msk $0xffff, v11  }
0x151: {  	v11 =	vld.idx.msk [tilespmem:v10+s3+$0x0], $0xffff  }
0x152: {  	v63 =	vld.idx.msk [tilespmem:v10+s15+$0x0], $0xffff;
	_ =	sdelay $0x4  }
0x153: {  	v11 =	vadd.f32 v63, v11;
	_ =	sdelay $0x1  }
0x154: {  	v11 =	vmul.f32 v11, v55;
	_ =	sdelay $0x1  }
.Ltmp6:
0x155: {  	[tilespmem:v10+s16+$0x0] =	vst.idx.msk $0xffff, v11;
	(pc) =	sbr.rel .LBB2_9-.Ltmp6, $4  }
0x156: {  	[hbm4b:s12+s3] =	stream.linear.scatter [tilespmem:s16], [sflag:$0x1], $0x100, $0x38;
	[tilespmem:$0x7800] =	vst v63  }
0x157: {  	_ =	swait.ge [sflag:s14], $0x100  }
0x158: {  	[sflag:s14] =	ssyncset.done $0x0  }
0x159: {  	[sflag:s14] =	ssyncadd.s32 $0xFFFFFF00  }
.LBB2_10:
0x15a: {  	_ =	sfence.sel $0x180000  }
0x15b: {  	[bflag:$0x0] =	sbarrier.arrive $0xFFFF  }
0x15c: {  	p0 =	sne.s32 s0, $0x0;
	_ =	strace $0x9000004A  }
0x15d: {  	s0 =	sadd.s32 @!p0 $0x100000, s1;
	[bflag:$0x2] =	sbarrier.arrive $0xFFFF  }
0x15e: {  	[sflag:s0] =	ssyncadd.tile.s32 @!p0 $0x1;
	_ =	shalt  }
.Lfunc_end2:
_tile_overlayer_lowered:
.L_overlay_start_2:
0x15f: {  	(tag) =	ssettag $0x2  }
0x160: {  	s0 =	rddreg [dreg:$0x0];
	s2 =	stileid.u32  }
0x161: {  	s1 =	rddreg [dreg:$0x1];
	p0 =	sne.s32 s2, $0x0  }
0x162: {  	s3 =	rddreg [dreg:$0x2];
	[bflag:$0x3] =	sbarrier.arrive $0xFFFF;
	s2 =	simm.s32 @!p0 $0x1C01  }
0x163: {  	[timem:s3], [sflag:s2] =	dma.local @!p0 [hbm:s0], s1  }
0x164: {  	s0 =	simm.s32 @!p0 $0x1  }
0x165: {  	_ =	swait.ge @!p0 [sflag:s0], s1  }
0x166: {  	s1 =	ssub.s32 @!p0 $0x0, s1;
	[sflag:s0] =	ssyncset.done @!p0 $0x0  }
0x167: {  	[sflag:s0] =	ssyncadd.s32 @!p0 s1  }
0x168: {  	[bflag:$0x3] =	sbarrier.arrive $0xFFFF  }
0x169: {  	_ =	shalt  }

</sc_bundles>
